<compile_context>
chip_gen: v7x
topology: tpu7x:2x2x1
jax: 0.10.2.dev20260603
libtpu: 0.0.44.dev20260713+nightly
codegen_flags: <defaults>
</compile_context>

<pallas_src>
import functools

import jax
import jax.numpy as jnp
from jax import lax
from jax.experimental import pallas as pl
from jax.experimental.pallas import tpu as pltpu
from jax.experimental.pallas import tpu_sc as plsc

N = 10000
E = 320000
D = 128
ED = 16

NP = 10240
EP = 327680
NC = 2
NS = 16
CW = EP // (NC * NS * 128)
STRIPE = NP // NS


def _leaky(x):
    return jnp.where(x >= 0, x, 0.01 * x)


def _sc_counts(src2d, dst2d):
    mesh = plsc.VectorSubcoreMesh(core_axis_name="c", subcore_axis_name="s")

    @functools.partial(
        pl.kernel,
        out_type=[jax.ShapeDtypeStruct((NC * NP,), jnp.float32),
                  jax.ShapeDtypeStruct((NC * NP,), jnp.float32)],
        mesh=mesh,
        compiler_params=pltpu.CompilerParams(needs_layout_passes=False, use_tc_tiling_on_sc=False),
        scratch_types=[pltpu.VMEM((CW, 128), jnp.int32),
                       pltpu.VMEM((CW, 128), jnp.int32),
                       pltpu.VMEM((128,), jnp.float32),
                       pltpu.VMEM((STRIPE,), jnp.float32),
                       pltpu.VMEM_SHARED((NP,), jnp.float32),
                       pltpu.VMEM_SHARED((NP,), jnp.float32)],
    )
    def body(src_hbm, dst_hbm, out_s, out_d, src_v, dst_v, ones_v, zero_v,
             cs_sp, cd_sp):
        c = lax.axis_index("c")
        s = lax.axis_index("s")
        wid = c * NS + s
        for k in range(8):
            ones_v[pl.ds(k * 16, 16)] = jnp.full((16,), 1.0, jnp.float32)

        def zloop(i, _):
            zero_v[pl.ds(i * 16, 16)] = jnp.zeros((16,), jnp.float32)
            return 0
        lax.fori_loop(0, STRIPE // 16, zloop, 0)
        pltpu.sync_copy(src_hbm.at[pl.ds(wid * CW, CW)], src_v)
        pltpu.sync_copy(dst_hbm.at[pl.ds(wid * CW, CW)], dst_v)
        pltpu.sync_copy(zero_v, cs_sp.at[pl.ds(s * STRIPE, STRIPE)])
        pltpu.sync_copy(zero_v, cd_sp.at[pl.ds(s * STRIPE, STRIPE)])
        plsc.subcore_barrier()

        def chunk(j, _):
            pltpu.sync_copy(ones_v, cs_sp.at[src_v.at[j]], add=True)
            pltpu.sync_copy(ones_v, cd_sp.at[dst_v.at[j]], add=True)
            return 0
        lax.fori_loop(0, CW, chunk, 0)
        plsc.subcore_barrier()
        base = c * NP + s * STRIPE
        pltpu.sync_copy(cs_sp.at[pl.ds(s * STRIPE, STRIPE)],
                        out_s.at[pl.ds(base, STRIPE)])
        pltpu.sync_copy(cd_sp.at[pl.ds(s * STRIPE, STRIPE)],
                        out_d.at[pl.ds(base, STRIPE)])

    return body(src2d, dst2d)


def _tc_project(h_pad, W_fc, U2, counts2):
    R = 1024
    grid = NP // R

    def body(h_ref, w_ref, u2_ref, cnt_ref, z_ref, pq_ref, s_ref):
        z = lax.dot_general(h_ref[...], w_ref[...], (((1,), (1,)), ((), ())),
                            preferred_element_type=jnp.float32)
        z_ref[...] = z
        pq_ref[...] = lax.dot_general(u2_ref[...], z, (((1,), (1,)), ((), ())),
                                      preferred_element_type=jnp.float32)
        cnt = cnt_ref[...]
        z2 = z * z
        z3 = z2 * z
        s1 = lax.dot_general(cnt, z, (((1,), (0,)), ((), ())),
                             preferred_element_type=jnp.float32)
        s2 = lax.dot_general(cnt, z2, (((1,), (0,)), ((), ())),
                             preferred_element_type=jnp.float32)
        s3 = lax.dot_general(cnt, z3, (((1,), (0,)), ((), ())),
                             preferred_element_type=jnp.float32)
        scat = jnp.concatenate([s1, s2, s3, jnp.zeros((2, 128), jnp.float32)], 0)

        @pl.when(pl.program_id(0) == 0)
        def _():
            s_ref[...] = scat

        @pl.when(pl.program_id(0) != 0)
        def _():
            s_ref[...] = s_ref[...] + scat

    return pl.pallas_call(
        body,
        grid=(grid,),
        in_specs=[pl.BlockSpec((R, D), lambda i: (i, 0)),
                  pl.BlockSpec((D, D), lambda i: (0, 0)),
                  pl.BlockSpec((2, D), lambda i: (0, 0)),
                  pl.BlockSpec((2, R), lambda i: (0, i))],
        out_specs=[pl.BlockSpec((R, D), lambda i: (i, 0)),
                   pl.BlockSpec((2, R), lambda i: (0, i)),
                   pl.BlockSpec((8, D), lambda i: (0, 0))],
        out_shape=[jax.ShapeDtypeStruct((NP, D), jnp.float32),
                   jax.ShapeDtypeStruct((2, NP), jnp.float32),
                   jax.ShapeDtypeStruct((8, D), jnp.float32)],
        compiler_params=pltpu.CompilerParams(
            dimension_semantics=("arbitrary",)),
    )(h_pad, W_fc, U2, counts2)


def _tc_logit_const(pq, S, A4, Wm1, Wm2):
    def body(pq_ref, s_ref, a4_ref, wm1_ref, wm2_ref, out_ref):
        Ef = jnp.float32(E)
        sall = s_ref[...]

        def cpart(s1, s2, s3, a2, a3, wm1, wm2):
            mu = s1 / Ef
            m2 = s2 / Ef - mu * mu
            m3 = s3 / Ef - 3.0 * mu * (s2 / Ef) + 2.0 * mu * mu * mu
            r2 = jnp.sign(m2) * jnp.sqrt(jnp.abs(m2))
            r3 = jnp.sign(m3) * jnp.exp(jnp.log(jnp.abs(m3)) * (1.0 / 3.0))
            t2 = lax.dot_general(r2, wm1, (((1,), (1,)), ((), ())),
                                 preferred_element_type=jnp.float32)
            t3 = lax.dot_general(r3, wm2, (((1,), (1,)), ((), ())),
                                 preferred_element_type=jnp.float32)
            return jnp.sum(t2 * a2) + jnp.sum(t3 * a3)

        a4 = a4_ref[...]
        wm1 = wm1_ref[...]
        wm2 = wm2_ref[...]
        cs = cpart(sall[0:1], sall[2:3], sall[4:5], a4[0:1], a4[1:2], wm1, wm2)
        cd = cpart(sall[1:2], sall[3:4], sall[5:6], a4[2:3], a4[3:4], wm1, wm2)
        C = cs + cd
        pqv = pq_ref[...]
        out_ref[...] = jnp.concatenate([pqv[0:1] + C, pqv[1:2]], 0)

    return pl.pallas_call(
        body,
        out_shape=jax.ShapeDtypeStruct((2, NP), jnp.float32),
    )(pq, S, A4, Wm1, Wm2)


def _tc_edge_logit(e_pad, W_edge, ae):
    R = 2048
    grid = EP // R

    def body(e_ref, we_ref, ae_ref, r_ref):
        wv = lax.dot_general(ae_ref[...], we_ref[...], (((1,), (0,)), ((), ())),
                             preferred_element_type=jnp.float32)
        r_ref[...] = lax.dot_general(wv, e_ref[...], (((1,), (1,)), ((), ())),
                                     preferred_element_type=jnp.float32)

    return pl.pallas_call(
        body,
        grid=(grid,),
        in_specs=[pl.BlockSpec((R, ED), lambda i: (i, 0)),
                  pl.BlockSpec((ED, ED), lambda i: (0, 0)),
                  pl.BlockSpec((1, ED), lambda i: (0, 0))],
        out_specs=pl.BlockSpec((1, R), lambda i: (0, i)),
        out_shape=jax.ShapeDtypeStruct((1, EP), jnp.float32),
    )(e_pad, W_edge, ae)


def _sc_softmax_num(src2d, dst2d, r2d, pq2):
    mesh = plsc.VectorSubcoreMesh(core_axis_name="c", subcore_axis_name="s")

    @functools.partial(
        pl.kernel,
        out_type=[jax.ShapeDtypeStruct((EP // 128, 128), jnp.float32),
                  jax.ShapeDtypeStruct((NC * NP,), jnp.float32)],
        mesh=mesh,
        compiler_params=pltpu.CompilerParams(needs_layout_passes=False, use_tc_tiling_on_sc=False),
        scratch_types=[pltpu.VMEM((NP,), jnp.float32),
                       pltpu.VMEM((NP,), jnp.float32),
                       pltpu.VMEM((CW, 128), jnp.int32),
                       pltpu.VMEM((CW, 128), jnp.int32),
                       pltpu.VMEM((CW, 128), jnp.float32),
                       pltpu.VMEM((CW, 128), jnp.float32),
                       pltpu.VMEM((STRIPE,), jnp.float32),
                       pltpu.VMEM_SHARED((NP,), jnp.float32)],
    )
    def body(src_hbm, dst_hbm, r_hbm, pq_hbm, w_out, den_out,
             p_v, q_v, src_v, dst_v, r_v, w_v, zero_v, den_sp):
        c = lax.axis_index("c")
        s = lax.axis_index("s")
        wid = c * NS + s
        pltpu.sync_copy(pq_hbm.at[0], p_v)
        pltpu.sync_copy(pq_hbm.at[1], q_v)
        pltpu.sync_copy(src_hbm.at[pl.ds(wid * CW, CW)], src_v)
        pltpu.sync_copy(dst_hbm.at[pl.ds(wid * CW, CW)], dst_v)
        pltpu.sync_copy(r_hbm.at[pl.ds(wid * CW, CW)], r_v)

        def zloop(i, _):
            zero_v[pl.ds(i * 16, 16)] = jnp.zeros((16,), jnp.float32)
            return 0
        lax.fori_loop(0, STRIPE // 16, zloop, 0)
        pltpu.sync_copy(zero_v, den_sp.at[pl.ds(s * STRIPE, STRIPE)])
        plsc.subcore_barrier()

        def row(j, _):
            for k in range(8):
                sl = pl.ds(k * 16, 16)
                ps = plsc.load_gather(p_v, [src_v[j, sl]])
                qs = plsc.load_gather(q_v, [dst_v[j, sl]])
                logit = _leaky(ps + qs + r_v[j, sl])
                w_v[j, sl] = jnp.exp(logit)
            return 0
        lax.fori_loop(0, CW, row, 0)

        def chunk(j, _):
            pltpu.sync_copy(w_v.at[j], den_sp.at[dst_v.at[j]], add=True)
            return 0
        lax.fori_loop(0, CW, chunk, 0)
        pltpu.sync_copy(w_v, w_out.at[pl.ds(wid * CW, CW)])
        plsc.subcore_barrier()
        base = c * NP + s * STRIPE
        pltpu.sync_copy(den_sp.at[pl.ds(s * STRIPE, STRIPE)],
                        den_out.at[pl.ds(base, STRIPE)])

    return body(src2d, dst2d, r2d, pq2)


def _tc_scale_e(e_pad, w1):
    R = 2048
    grid = EP // R

    def body(e_ref, w_ref, ew_ref):
        eye = jnp.eye(ED, dtype=jnp.float32)
        et = lax.dot_general(eye, e_ref[...], (((1,), (1,)), ((), ())),
                             preferred_element_type=jnp.float32)
        ew_ref[...] = et * w_ref[...]

    return pl.pallas_call(
        body,
        grid=(grid,),
        in_specs=[pl.BlockSpec((R, ED), lambda i: (i, 0)),
                  pl.BlockSpec((1, R), lambda i: (0, i))],
        out_specs=pl.BlockSpec((ED, R), lambda i: (0, i)),
        out_shape=jax.ShapeDtypeStruct((ED, EP), jnp.float32),
    )(e_pad, w1)


HD = D // 2
HE = ED // 2
CWF = EP // (NS * 128)


def _sc_weighted_scatter(src2d, dst2d, w2d, zz, ew):
    mesh = plsc.VectorSubcoreMesh(core_axis_name="c", subcore_axis_name="s")

    @functools.partial(
        pl.kernel,
        out_type=[jax.ShapeDtypeStruct((NC * NP, HD), jnp.float32)]
                 + [jax.ShapeDtypeStruct((NC * NP,), jnp.float32)
                    for _ in range(HE)],
        mesh=mesh,
        compiler_params=pltpu.CompilerParams(needs_layout_passes=False, use_tc_tiling_on_sc=False),
        scratch_types=[pltpu.VMEM((CWF, 128), jnp.int32),
                       pltpu.VMEM((CWF, 128), jnp.int32),
                       pltpu.VMEM((CWF, 128), jnp.float32),
                       pltpu.VMEM((128, HD), jnp.float32),
                       pltpu.VMEM((HE, 128), jnp.float32),
                       pltpu.VMEM((STRIPE,), jnp.float32),
                       pltpu.VMEM_SHARED((NP, HD), jnp.float32)]
                      + [pltpu.VMEM_SHARED((NP,), jnp.float32)
                         for _ in range(HE)],
    )
    def body(src_hbm, dst_hbm, w_hbm, zz_hbm, ew_hbm, *rest):
        acc_out = rest[0]
        f_outs = rest[1:1 + HE]
        src_v, dst_v, w_v, zbuf, ewbuf, zero1 = rest[1 + HE:7 + HE]
        acc_sp = rest[7 + HE]
        f_sps = rest[8 + HE:8 + HE + HE]
        c = lax.axis_index("c")
        s = lax.axis_index("s")
        pltpu.sync_copy(src_hbm.at[pl.ds(s * CWF, CWF)], src_v)
        pltpu.sync_copy(dst_hbm.at[pl.ds(s * CWF, CWF)], dst_v)
        pltpu.sync_copy(w_hbm.at[pl.ds(s * CWF, CWF)], w_v)
        roff = jnp.full((16,), c * NP, jnp.int32)

        def offs(j, _):
            for g in range(8):
                sl = pl.ds(g * 16, 16)
                src_v[j, sl] = src_v[j, sl] + roff
            return 0
        lax.fori_loop(0, CWF, offs, 0)

        def zb(i, _):
            for k in range(HD // 16):
                zbuf[i, pl.ds(k * 16, 16)] = jnp.zeros((16,), jnp.float32)
            return 0
        lax.fori_loop(0, 128, zb, 0)

        def z1(i, _):
            zero1[pl.ds(i * 16, 16)] = jnp.zeros((16,), jnp.float32)
            return 0
        lax.fori_loop(0, STRIPE // 16, z1, 0)
        for t in range(STRIPE // 128):
            pltpu.sync_copy(zbuf, acc_sp.at[pl.ds(s * STRIPE + t * 128, 128)])
        for k in range(HE):
            pltpu.sync_copy(zero1, f_sps[k].at[pl.ds(s * STRIPE, STRIPE)])
        plsc.subcore_barrier()

        fro = c * HE

        def chunk(j, _):
            pltpu.sync_copy(zz_hbm.at[src_v.at[j]], zbuf)
            pltpu.sync_copy(
                ew_hbm.at[pl.ds(fro, HE), pl.ds((s * CWF + j) * 128, 128)],
                ewbuf)

            def groupscale(g, _):
                wg = w_v[j, pl.ds(g * 16, 16)]
                for l in range(16):
                    i = g * 16 + l
                    wb = jnp.full((16,), wg[l], jnp.float32)
                    for k in range(HD // 16):
                        sl = pl.ds(k * 16, 16)
                        zbuf[i, sl] = zbuf[i, sl] * wb
                return 0
            lax.fori_loop(0, 8, groupscale, 0)
            pltpu.sync_copy(zbuf, acc_sp.at[dst_v.at[j]], add=True)
            for k in range(HE):
                pltpu.sync_copy(ewbuf.at[k], f_sps[k].at[dst_v.at[j]],
                                add=True)
            return 0
        lax.fori_loop(0, CWF, chunk, 0)
        plsc.subcore_barrier()
        base = c * NP + s * STRIPE
        pltpu.sync_copy(acc_sp.at[pl.ds(s * STRIPE, STRIPE)],
                        acc_out.at[pl.ds(base, STRIPE)])
        for k in range(HE):
            pltpu.sync_copy(f_sps[k].at[pl.ds(s * STRIPE, STRIPE)],
                            f_outs[k].at[pl.ds(base, STRIPE)])

    return body(src2d, dst2d, w2d, zz, ew)


def _tc_combine(acc_parts, acc16_parts, den_col, W_ez, W_edge):
    R = 1024
    grid = NP // R

    def body(a_ref, a16_ref, d_ref, wez_ref, wedge_ref, out_ref):
        A = a_ref[...]
        B16 = a16_ref[...]
        WW = lax.dot_general(wez_ref[...], wedge_ref[...],
                             (((1,), (0,)), ((), ())),
                             preferred_element_type=jnp.float32)
        contrib = lax.dot_general(B16, WW, (((1,), (1,)), ((), ())),
                                  preferred_element_type=jnp.float32)
        d = d_ref[...]
        d = jnp.where(d > 0, d, 1.0)
        out_ref[...] = (A + contrib) / d

    return pl.pallas_call(
        body,
        grid=(grid,),
        in_specs=[pl.BlockSpec((R, D), lambda i: (i, 0)),
                  pl.BlockSpec((R, ED), lambda i: (i, 0)),
                  pl.BlockSpec((R, 1), lambda i: (i, 0)),
                  pl.BlockSpec((D, ED), lambda i: (0, 0)),
                  pl.BlockSpec((ED, ED), lambda i: (0, 0))],
        out_specs=pl.BlockSpec((R, D), lambda i: (i, 0)),
        out_shape=jax.ShapeDtypeStruct((NP, D), jnp.float32),
    )(acc_parts, acc16_parts, den_col, W_ez, W_edge)


def kernel(h, edge_index, e, W_fc, W_attn, W_edge, W_ez, Wm1, Wm2):
    f32 = jnp.float32
    h_pad = jnp.zeros((NP, D), f32).at[:N].set(h)
    src = edge_index[0]
    dst = edge_index[1]
    pad = jnp.full((EP - E,), N, jnp.int32)
    src_p = jnp.concatenate([src, pad]).reshape(EP // 128, 128)
    dst_p = jnp.concatenate([dst, pad]).reshape(EP // 128, 128)
    e_pad = jnp.zeros((EP, ED), f32).at[:E].set(e)

    a = W_attn[0]
    U2 = jnp.stack([a[0:D], a[3 * D:4 * D]])
    A4 = jnp.stack([a[D:2 * D], a[2 * D:3 * D],
                    a[4 * D:5 * D], a[5 * D:6 * D]])
    ae = a[6 * D:6 * D + ED][None, :]

    cnt_s, cnt_d = _sc_counts(src_p, dst_p)
    counts2 = jnp.stack([cnt_s[:NP] + cnt_s[NP:], cnt_d[:NP] + cnt_d[NP:]])

    z, pq, S = _tc_project(h_pad, W_fc, U2, counts2)

    pq2 = _tc_logit_const(pq, S, A4, Wm1, Wm2)

    r = _tc_edge_logit(e_pad, W_edge, ae).reshape(EP // 128, 128)

    w2d, den = _sc_softmax_num(src_p, dst_p, r, pq2)

    ew = _tc_scale_e(e_pad, w2d.reshape(1, EP))

    zz = jnp.concatenate([z[:, :HD], z[:, HD:]], axis=0)
    outs = _sc_weighted_scatter(src_p, dst_p, w2d, zz, ew)
    acc = jnp.concatenate([outs[0][:NP], outs[0][NP:]], axis=1)
    acc16 = jnp.stack(
        [outs[1 + (f % HE)][(f // HE) * NP:(f // HE + 1) * NP]
         for f in range(ED)], axis=1)
    den_col = (den[:NP] + den[NP:])[:, None]

    out = _tc_combine(acc, acc16, den_col, W_ez, W_edge)
    return out[:N]

# --- scband reference (transcript-rebuilt; emitter-appended) ---
"""Pipeline reference for scband-gnnlayer-41171556499662 (READ-ONLY COPY).

The authoritative reference and input builder live on the scoring server;
editing this copy changes nothing except your own understanding.
"""

import jax, jax.numpy as jnp
import numpy as np

N = 10000
E = 320000
D_IN = 128
D_OUT = 128
EDGE_DIM = 16
K = 3


def setup_inputs(seed: int = 0) -> dict:
    key = jax.random.key(seed)
    ks = jax.random.split(key, 9)
    h = jax.random.normal(ks[0], (N, D_IN), dtype=jnp.float32)
    edge_index = jax.random.randint(ks[1], (2, E), 0, N, dtype=jnp.int32)
    e = jax.random.normal(ks[2], (E, EDGE_DIM), dtype=jnp.float32)
    # learned parameters (xavier-ish scale)
    W_fc = jax.random.normal(ks[3], (D_OUT, D_IN), dtype=jnp.float32) * (1.0 / np.sqrt(D_IN))
    W_attn = jax.random.normal(ks[4], (1, 2 * D_OUT * K + EDGE_DIM), dtype=jnp.float32) * (1.0 / np.sqrt(2 * D_OUT * K + EDGE_DIM))
    W_edge = jax.random.normal(ks[5], (EDGE_DIM, EDGE_DIM), dtype=jnp.float32) * (1.0 / np.sqrt(EDGE_DIM))
    W_ez = jax.random.normal(ks[6], (D_OUT, EDGE_DIM), dtype=jnp.float32) * (1.0 / np.sqrt(EDGE_DIM))
    Wm1 = jax.random.normal(ks[7], (D_OUT, D_IN), dtype=jnp.float32) * (1.0 / np.sqrt(D_IN))
    Wm2 = jax.random.normal(ks[8], (D_OUT, D_IN), dtype=jnp.float32) * (1.0 / np.sqrt(D_IN))
    return {"h": h, "edge_index": edge_index, "e": e, "W_fc": W_fc, "W_attn": W_attn,
            "W_edge": W_edge, "W_ez": W_ez, "Wm1": Wm1, "Wm2": Wm2}


def _calc_moments(z, Wms):
    # z: (E, D_OUT); moments computed over the edge-gathered endpoint features (dim 0)
    moments = [z]
    mu = jnp.mean(z, axis=0, keepdims=True)
    for k in range(2, K + 1):
        centered = z - mu
        mk = jnp.mean(jnp.power(centered, k), axis=0)
        sign = jnp.sign(mk)
        mk = sign * jnp.power(jnp.abs(mk), 1.0 / k)
        mk = jnp.broadcast_to(mk[None, :], (z.shape[0], mk.shape[0]))
        mk = mk @ Wms[k - 2].T
        moments.append(mk)
    return moments


def reference(h, edge_index, e, W_fc, W_attn, W_edge, W_ez, Wm1, Wm2):
    src = edge_index[0]
    dst = edge_index[1]
    z = h @ W_fc.T                      # (N, D_OUT)
    ex = e @ W_edge.T                   # (E, EDGE_DIM)  fc_edge_for_att_calc
    z_src = jnp.take(z, src, axis=0)    # (E, D_OUT)  edges.src['z']
    z_dst = jnp.take(z, dst, axis=0)    # (E, D_OUT)  edges.dst['z']
    src_moments = _calc_moments(z_src, (Wm1, Wm2))
    dst_moments = _calc_moments(z_dst, (Wm1, Wm2))
    z2 = jnp.concatenate(src_moments + dst_moments + [ex], axis=1)  # (E, 2*D_OUT*K + EDGE_DIM)
    a = z2 @ W_attn.T                   # (E, 1)
    e_logit = jax.nn.leaky_relu(a, negative_slope=0.01)[:, 0]       # (E,)
    ez = ex @ W_ez.T                    # (E, D_OUT)
    # per-destination softmax over incoming edges (DGL reduce_func softmax over mailbox)
    m = jax.ops.segment_max(jax.lax.stop_gradient(e_logit), dst, num_segments=N)
    m = jnp.where(jnp.isfinite(m), m, 0.0)
    w = jnp.exp(e_logit - jnp.take(m, dst, axis=0))
    denom = jax.ops.segment_sum(w, dst, num_segments=N)
    denom = jnp.where(denom > 0, denom, 1.0)
    attn = (w / jnp.take(denom, dst, axis=0))[:, None]              # (E, 1)
    h_out = jax.ops.segment_sum(attn * z_src, dst, num_segments=N)
    h_out = h_out + jax.ops.segment_sum(attn * ez, dst, num_segments=N)
    return h_out

if __name__ == "__main__":
    import jax
    _d = setup_inputs()
    print(jax.jit(kernel)(*tuple(_d.values())))

</pallas_src>

<mosaic_0001>
#map = affine_map<(d0, d1) -> (0, 0)>
#map1 = affine_map<(d0, d1) -> (0)>
module attributes {stable_mosaic.version = 14 : i64} {
  func.func @body(%arg0: i32, %arg1: i32, %arg2: memref<2560x128xi32, #tpu.memory_space<hbm>>, %arg3: memref<2560x128xi32, #tpu.memory_space<hbm>>, %arg4: memref<2560x128xf32, #tpu.memory_space<hbm>>, %arg5: memref<2x10240xf32, #tpu.memory_space<hbm>>, %arg6: memref<2560x128xf32, #tpu.memory_space<hbm>>, %arg7: memref<20480xf32, #tpu.memory_space<hbm>>, %arg8: memref<10240xf32, #tpu.memory_space<vmem>>, %arg9: memref<10240xf32, #tpu.memory_space<vmem>>, %arg10: memref<80x128xi32, #tpu.memory_space<vmem>>, %arg11: memref<80x128xi32, #tpu.memory_space<vmem>>, %arg12: memref<80x128xf32, #tpu.memory_space<vmem>>, %arg13: memref<80x128xf32, #tpu.memory_space<vmem>>, %arg14: memref<640xf32, #tpu.memory_space<vmem>>, %arg15: memref<10240xf32, #tpu.memory_space<vmem_shared>>) attributes {dimension_semantics = [#tpu.dimension_semantics<core_parallel>, #tpu.dimension_semantics<subcore_parallel>], iteration_bounds = array<i64: 2, 16>, scalar_prefetch = 0 : i64, scratch_operands = 8 : i64, tpu.core_type = #tpu.core_type<sc_vector_subcore>, window_params = [{transform_indices = #map}, {transform_indices = #map}, {transform_indices = #map}, {transform_indices = #map}, {transform_indices = #map}, {transform_indices = #map1}]} {
    %mul3A = arith.constant 16 : i32
    %mul3A_0 = arith.muli %arg0, %mul3A : i32
    %add3A = arith.addi %mul3A_0, %arg1 : i32
    %run_scoped3A = arith.constant 0 : i32
    "tpu.region"() ({
      %run_scoped3A_40 = tpu.sem_alloc : memref<!tpu.dma_semaphore, #tpu.memory_space<semaphore_mem>>
      %dma_start3A = arith.constant 0 : i32
      %dma_start3A_41 = tpu.memref_slice %arg5[%run_scoped3A, %dma_start3A] : memref<2x10240xf32, #tpu.memory_space<hbm>> -> memref<1x10240xf32, #tpu.memory_space<hbm>>
      %dma_start3A_42 = tpu.memref_squeeze %dma_start3A_41 : memref<1x10240xf32, #tpu.memory_space<hbm>> -> memref<10240xf32, #tpu.memory_space<hbm>>
      %dma_start3A_43 = arith.constant 0 : i32
      %dma_start3A_44 = tpu.memref_slice %arg5[%run_scoped3A, %dma_start3A_43] : memref<2x10240xf32, #tpu.memory_space<hbm>> -> memref<1x10240xf32, #tpu.memory_space<hbm>>
      %dma_start3A_45 = tpu.memref_squeeze %dma_start3A_44 : memref<1x10240xf32, #tpu.memory_space<hbm>> -> memref<10240xf32, #tpu.memory_space<hbm>>
      tpu.enqueue_dma source(%dma_start3A_45 : memref<10240xf32, #tpu.memory_space<hbm>>) target(%arg8 : memref<10240xf32, #tpu.memory_space<vmem>>) target_semaphore(%run_scoped3A_40 : memref<!tpu.dma_semaphore, #tpu.memory_space<semaphore_mem>>)
      %dma_wait3A = arith.constant 0 : i32
      %dma_wait3A_46 = tpu.memref_slice %arg5[%run_scoped3A, %dma_wait3A] : memref<2x10240xf32, #tpu.memory_space<hbm>> -> memref<1x10240xf32, #tpu.memory_space<hbm>>
      %dma_wait3A_47 = tpu.memref_squeeze %dma_wait3A_46 : memref<1x10240xf32, #tpu.memory_space<hbm>> -> memref<10240xf32, #tpu.memory_space<hbm>>
      %dma_wait3A_48 = arith.constant 0 : i32
      %dma_wait3A_49 = tpu.memref_slice %arg5[%run_scoped3A, %dma_wait3A_48] : memref<2x10240xf32, #tpu.memory_space<hbm>> -> memref<1x10240xf32, #tpu.memory_space<hbm>>
      %dma_wait3A_50 = tpu.memref_squeeze %dma_wait3A_49 : memref<1x10240xf32, #tpu.memory_space<hbm>> -> memref<10240xf32, #tpu.memory_space<hbm>>
      tpu.wait_dma2 semaphore(%run_scoped3A_40 : memref<!tpu.dma_semaphore, #tpu.memory_space<semaphore_mem>>) src(%dma_wait3A_50 : memref<10240xf32, #tpu.memory_space<hbm>>) dst(%arg8 : memref<10240xf32, #tpu.memory_space<vmem>>)
      tpu.yield
    }) : () -> ()
    %run_scoped3A_1 = arith.constant 1 : i32
    "tpu.region"() ({
      %run_scoped3A_40 = tpu.sem_alloc : memref<!tpu.dma_semaphore, #tpu.memory_space<semaphore_mem>>
      %dma_start3A = arith.constant 0 : i32
      %dma_start3A_41 = tpu.memref_slice %arg5[%run_scoped3A_1, %dma_start3A] : memref<2x10240xf32, #tpu.memory_space<hbm>> -> memref<1x10240xf32, #tpu.memory_space<hbm>>
      %dma_start3A_42 = tpu.memref_squeeze %dma_start3A_41 : memref<1x10240xf32, #tpu.memory_space<hbm>> -> memref<10240xf32, #tpu.memory_space<hbm>>
      %dma_start3A_43 = arith.constant 0 : i32
      %dma_start3A_44 = tpu.memref_slice %arg5[%run_scoped3A_1, %dma_start3A_43] : memref<2x10240xf32, #tpu.memory_space<hbm>> -> memref<1x10240xf32, #tpu.memory_space<hbm>>
      %dma_start3A_45 = tpu.memref_squeeze %dma_start3A_44 : memref<1x10240xf32, #tpu.memory_space<hbm>> -> memref<10240xf32, #tpu.memory_space<hbm>>
      tpu.enqueue_dma source(%dma_start3A_45 : memref<10240xf32, #tpu.memory_space<hbm>>) target(%arg9 : memref<10240xf32, #tpu.memory_space<vmem>>) target_semaphore(%run_scoped3A_40 : memref<!tpu.dma_semaphore, #tpu.memory_space<semaphore_mem>>)
      %dma_wait3A = arith.constant 0 : i32
      %dma_wait3A_46 = tpu.memref_slice %arg5[%run_scoped3A_1, %dma_wait3A] : memref<2x10240xf32, #tpu.memory_space<hbm>> -> memref<1x10240xf32, #tpu.memory_space<hbm>>
      %dma_wait3A_47 = tpu.memref_squeeze %dma_wait3A_46 : memref<1x10240xf32, #tpu.memory_space<hbm>> -> memref<10240xf32, #tpu.memory_space<hbm>>
      %dma_wait3A_48 = arith.constant 0 : i32
      %dma_wait3A_49 = tpu.memref_slice %arg5[%run_scoped3A_1, %dma_wait3A_48] : memref<2x10240xf32, #tpu.memory_space<hbm>> -> memref<1x10240xf32, #tpu.memory_space<hbm>>
      %dma_wait3A_50 = tpu.memref_squeeze %dma_wait3A_49 : memref<1x10240xf32, #tpu.memory_space<hbm>> -> memref<10240xf32, #tpu.memory_space<hbm>>
      tpu.wait_dma2 semaphore(%run_scoped3A_40 : memref<!tpu.dma_semaphore, #tpu.memory_space<semaphore_mem>>) src(%dma_wait3A_50 : memref<10240xf32, #tpu.memory_space<hbm>>) dst(%arg9 : memref<10240xf32, #tpu.memory_space<vmem>>)
      tpu.yield
    }) : () -> ()
    %mul3A_2 = arith.constant 80 : i32
    %mul3A_3 = arith.muli %add3A, %mul3A_2 : i32
    "tpu.region"() ({
      %run_scoped3A_40 = tpu.sem_alloc : memref<!tpu.dma_semaphore, #tpu.memory_space<semaphore_mem>>
      %dma_start3A = arith.constant 0 : i32
      %dma_start3A_41 = tpu.memref_slice %arg2[%mul3A_3, %dma_start3A] : memref<2560x128xi32, #tpu.memory_space<hbm>> -> memref<80x128xi32, #tpu.memory_space<hbm>>
      %dma_start3A_42 = arith.constant 0 : i32
      %dma_start3A_43 = tpu.memref_slice %arg2[%mul3A_3, %dma_start3A_42] : memref<2560x128xi32, #tpu.memory_space<hbm>> -> memref<80x128xi32, #tpu.memory_space<hbm>>
      tpu.enqueue_dma source(%dma_start3A_43 : memref<80x128xi32, #tpu.memory_space<hbm>>) target(%arg10 : memref<80x128xi32, #tpu.memory_space<vmem>>) target_semaphore(%run_scoped3A_40 : memref<!tpu.dma_semaphore, #tpu.memory_space<semaphore_mem>>)
      %dma_wait3A = arith.constant 0 : i32
      %dma_wait3A_44 = tpu.memref_slice %arg2[%mul3A_3, %dma_wait3A] : memref<2560x128xi32, #tpu.memory_space<hbm>> -> memref<80x128xi32, #tpu.memory_space<hbm>>
      %dma_wait3A_45 = arith.constant 0 : i32
      %dma_wait3A_46 = tpu.memref_slice %arg2[%mul3A_3, %dma_wait3A_45] : memref<2560x128xi32, #tpu.memory_space<hbm>> -> memref<80x128xi32, #tpu.memory_space<hbm>>
      tpu.wait_dma2 semaphore(%run_scoped3A_40 : memref<!tpu.dma_semaphore, #tpu.memory_space<semaphore_mem>>) src(%dma_wait3A_46 : memref<80x128xi32, #tpu.memory_space<hbm>>) dst(%arg10 : memref<80x128xi32, #tpu.memory_space<vmem>>)
      tpu.yield
    }) : () -> ()
    %mul3A_4 = arith.constant 80 : i32
    %mul3A_5 = arith.muli %add3A, %mul3A_4 : i32
    "tpu.region"() ({
      %run_scoped3A_40 = tpu.sem_alloc : memref<!tpu.dma_semaphore, #tpu.memory_space<semaphore_mem>>
      %dma_start3A = arith.constant 0 : i32
      %dma_start3A_41 = tpu.memref_slice %arg3[%mul3A_5, %dma_start3A] : memref<2560x128xi32, #tpu.memory_space<hbm>> -> memref<80x128xi32, #tpu.memory_space<hbm>>
      %dma_start3A_42 = arith.constant 0 : i32
      %dma_start3A_43 = tpu.memref_slice %arg3[%mul3A_5, %dma_start3A_42] : memref<2560x128xi32, #tpu.memory_space<hbm>> -> memref<80x128xi32, #tpu.memory_space<hbm>>
      tpu.enqueue_dma source(%dma_start3A_43 : memref<80x128xi32, #tpu.memory_space<hbm>>) target(%arg11 : memref<80x128xi32, #tpu.memory_space<vmem>>) target_semaphore(%run_scoped3A_40 : memref<!tpu.dma_semaphore, #tpu.memory_space<semaphore_mem>>)
      %dma_wait3A = arith.constant 0 : i32
      %dma_wait3A_44 = tpu.memref_slice %arg3[%mul3A_5, %dma_wait3A] : memref<2560x128xi32, #tpu.memory_space<hbm>> -> memref<80x128xi32, #tpu.memory_space<hbm>>
      %dma_wait3A_45 = arith.constant 0 : i32
      %dma_wait3A_46 = tpu.memref_slice %arg3[%mul3A_5, %dma_wait3A_45] : memref<2560x128xi32, #tpu.memory_space<hbm>> -> memref<80x128xi32, #tpu.memory_space<hbm>>
      tpu.wait_dma2 semaphore(%run_scoped3A_40 : memref<!tpu.dma_semaphore, #tpu.memory_space<semaphore_mem>>) src(%dma_wait3A_46 : memref<80x128xi32, #tpu.memory_space<hbm>>) dst(%arg11 : memref<80x128xi32, #tpu.memory_space<vmem>>)
      tpu.yield
    }) : () -> ()
    %mul3A_6 = arith.constant 80 : i32
    %mul3A_7 = arith.muli %add3A, %mul3A_6 : i32
    "tpu.region"() ({
      %run_scoped3A_40 = tpu.sem_alloc : memref<!tpu.dma_semaphore, #tpu.memory_space<semaphore_mem>>
      %dma_start3A = arith.constant 0 : i32
      %dma_start3A_41 = tpu.memref_slice %arg4[%mul3A_7, %dma_start3A] : memref<2560x128xf32, #tpu.memory_space<hbm>> -> memref<80x128xf32, #tpu.memory_space<hbm>>
      %dma_start3A_42 = arith.constant 0 : i32
      %dma_start3A_43 = tpu.memref_slice %arg4[%mul3A_7, %dma_start3A_42] : memref<2560x128xf32, #tpu.memory_space<hbm>> -> memref<80x128xf32, #tpu.memory_space<hbm>>
      tpu.enqueue_dma source(%dma_start3A_43 : memref<80x128xf32, #tpu.memory_space<hbm>>) target(%arg12 : memref<80x128xf32, #tpu.memory_space<vmem>>) target_semaphore(%run_scoped3A_40 : memref<!tpu.dma_semaphore, #tpu.memory_space<semaphore_mem>>)
      %dma_wait3A = arith.constant 0 : i32
      %dma_wait3A_44 = tpu.memref_slice %arg4[%mul3A_7, %dma_wait3A] : memref<2560x128xf32, #tpu.memory_space<hbm>> -> memref<80x128xf32, #tpu.memory_space<hbm>>
      %dma_wait3A_45 = arith.constant 0 : i32
      %dma_wait3A_46 = tpu.memref_slice %arg4[%mul3A_7, %dma_wait3A_45] : memref<2560x128xf32, #tpu.memory_space<hbm>> -> memref<80x128xf32, #tpu.memory_space<hbm>>
      tpu.wait_dma2 semaphore(%run_scoped3A_40 : memref<!tpu.dma_semaphore, #tpu.memory_space<semaphore_mem>>) src(%dma_wait3A_46 : memref<80x128xf32, #tpu.memory_space<hbm>>) dst(%arg12 : memref<80x128xf32, #tpu.memory_space<vmem>>)
      tpu.yield
    }) : () -> ()
    %scan3A = arith.constant 0 : i32
    %scan3A_8 = arith.constant 0 : i32
    %scan3A_9 = arith.constant 40 : i32
    %scan3A_10 = arith.addi %scan3A_8, %scan3A_9 : i32
    %scan3A_11 = arith.constant 1 : i32
    %scan3A_12 = scf.for %scan3A_40 = %scan3A_8 to %scan3A_10 step %scan3A_11 iter_args(%scan3A_41 = %scan3A) -> (i32)  : i32 {
      %broadcast_in_dim3A = arith.constant 0.000000e+00 : f32
      %broadcast_in_dim3A_42 = vector.broadcast %broadcast_in_dim3A : f32 to vector<16xf32>
      %mul3A_43 = arith.constant 16 : i32
      %mul3A_44 = arith.muli %scan3A_40, %mul3A_43 : i32
      %swap3A = arith.index_cast %mul3A_44 : i32 to index
      %swap3A_45 = tpu.vector_load %arg14[%swap3A] {strides = array<i32>} : memref<640xf32, #tpu.memory_space<vmem>>, vector<16xf32>,
      tpu.vector_store %arg14[%swap3A], %broadcast_in_dim3A_42 {strides = array<i32>} : memref<640xf32, #tpu.memory_space<vmem>>, vector<16xf32>,
      %scan3A_46 = arith.constant 0 : i32
      scf.yield %scan3A_46 : i32
    }
    %scan3A_13 = arith.constant 40 : i32
    %mul3A_14 = arith.constant 640 : i32
    %mul3A_15 = arith.muli %arg1, %mul3A_14 : i32
    "tpu.region"() ({
      %run_scoped3A_40 = tpu.sem_alloc : memref<!tpu.dma_semaphore, #tpu.memory_space<semaphore_mem>>
      %dma_start3A = tpu.memref_slice %arg15[%mul3A_15] : memref<10240xf32, #tpu.memory_space<vmem_shared>> -> memref<640xf32, #tpu.memory_space<vmem_shared>>
      %dma_start3A_41 = tpu.memref_slice %arg15[%mul3A_15] : memref<10240xf32, #tpu.memory_space<vmem_shared>> -> memref<640xf32, #tpu.memory_space<vmem_shared>>
      tpu.enqueue_dma source(%arg14 : memref<640xf32, #tpu.memory_space<vmem>>) target(%dma_start3A_41 : memref<640xf32, #tpu.memory_space<vmem_shared>>) target_semaphore(%run_scoped3A_40 : memref<!tpu.dma_semaphore, #tpu.memory_space<semaphore_mem>>)
      %dma_wait3A = tpu.memref_slice %arg15[%mul3A_15] : memref<10240xf32, #tpu.memory_space<vmem_shared>> -> memref<640xf32, #tpu.memory_space<vmem_shared>>
      %dma_wait3A_42 = tpu.memref_slice %arg15[%mul3A_15] : memref<10240xf32, #tpu.memory_space<vmem_shared>> -> memref<640xf32, #tpu.memory_space<vmem_shared>>
      tpu.wait_dma2 semaphore(%run_scoped3A_40 : memref<!tpu.dma_semaphore, #tpu.memory_space<semaphore_mem>>) src(%arg14 : memref<640xf32, #tpu.memory_space<vmem>>) dst(%dma_wait3A_42 : memref<640xf32, #tpu.memory_space<vmem_shared>>)
      tpu.yield
    }) : () -> ()
    %barrier3A = arith.constant 0 : index
    tpu.barrier barrier_id(%barrier3A)
    %scan3A_16 = arith.constant 0 : i32
    %scan3A_17 = arith.constant 0 : i32
    %scan3A_18 = arith.constant 80 : i32
    %scan3A_19 = arith.addi %scan3A_17, %scan3A_18 : i32
    %scan3A_20 = arith.constant 1 : i32
    %scan3A_21 = scf.for %scan3A_40 = %scan3A_17 to %scan3A_19 step %scan3A_20 iter_args(%scan3A_41 = %scan3A_16) -> (i32)  : i32 {
      %get3A = arith.index_cast %scan3A_40 : i32 to index
      %get3A_42 = arith.constant 0 : index
      %get3A_43 = tpu.vector_load %arg10[%get3A, %get3A_42] {strides = array<i32>} : memref<80x128xi32, #tpu.memory_space<vmem>>, vector<16xi32>,
      %gather3A = tpu.vector_load_idx %arg8[%get3A_43] : memref<10240xf32, #tpu.memory_space<vmem>>[vector<16xi32>], vector<16xf32>,
      %get3A_44 = arith.index_cast %scan3A_40 : i32 to index
      %get3A_45 = arith.constant 0 : index
      %get3A_46 = tpu.vector_load %arg11[%get3A_44, %get3A_45] {strides = array<i32>} : memref<80x128xi32, #tpu.memory_space<vmem>>, vector<16xi32>,
      %gather3A_47 = tpu.vector_load_idx %arg9[%get3A_46] : memref<10240xf32, #tpu.memory_space<vmem>>[vector<16xi32>], vector<16xf32>,
      %add3A_48 = arith.addf %gather3A, %gather3A_47 : vector<16xf32>
      %get3A_49 = arith.index_cast %scan3A_40 : i32 to index
      %get3A_50 = arith.constant 0 : index
      %get3A_51 = tpu.vector_load %arg12[%get3A_49, %get3A_50] {strides = array<i32>} : memref<80x128xf32, #tpu.memory_space<vmem>>, vector<16xf32>,
      %add3A_52 = arith.addf %add3A_48, %get3A_51 : vector<16xf32>
      %ge3A = arith.constant 0.000000e+00 : f32
      %ge3A_53 = vector.broadcast %ge3A : f32 to vector<16xf32>
      %ge3A_54 = arith.cmpf oge, %add3A_52, %ge3A_53 : vector<16xf32>
      %mul3A_55 = arith.constant 0.00999999977 : f32
      %mul3A_56 = vector.broadcast %mul3A_55 : f32 to vector<16xf32>
      %mul3A_57 = arith.mulf %mul3A_56, %add3A_52 : vector<16xf32>
      %select_n3A = arith.select %ge3A_54, %add3A_52, %mul3A_57 : vector<16xi1>, vector<16xf32>
      %exp3A = math.exp %select_n3A : vector<16xf32>
      %swap3A = arith.index_cast %scan3A_40 : i32 to index
      %swap3A_58 = arith.constant 0 : index
      %swap3A_59 = tpu.vector_load %arg13[%swap3A, %swap3A_58] {strides = array<i32>} : memref<80x128xf32, #tpu.memory_space<vmem>>, vector<16xf32>,
      tpu.vector_store %arg13[%swap3A, %swap3A_58], %exp3A {strides = array<i32>} : memref<80x128xf32, #tpu.memory_space<vmem>>, vector<16xf32>,
      %get3A_60 = arith.index_cast %scan3A_40 : i32 to index
      %get3A_61 = arith.constant 16 : index
      %get3A_62 = tpu.vector_load %arg10[%get3A_60, %get3A_61] {strides = array<i32>} : memref<80x128xi32, #tpu.memory_space<vmem>>, vector<16xi32>,
      %gather3A_63 = tpu.vector_load_idx %arg8[%get3A_62] : memref<10240xf32, #tpu.memory_space<vmem>>[vector<16xi32>], vector<16xf32>,
      %get3A_64 = arith.index_cast %scan3A_40 : i32 to index
      %get3A_65 = arith.constant 16 : index
      %get3A_66 = tpu.vector_load %arg11[%get3A_64, %get3A_65] {strides = array<i32>} : memref<80x128xi32, #tpu.memory_space<vmem>>, vector<16xi32>,
      %gather3A_67 = tpu.vector_load_idx %arg9[%get3A_66] : memref<10240xf32, #tpu.memory_space<vmem>>[vector<16xi32>], vector<16xf32>,
      %add3A_68 = arith.addf %gather3A_63, %gather3A_67 : vector<16xf32>
      %get3A_69 = arith.index_cast %scan3A_40 : i32 to index
      %get3A_70 = arith.constant 16 : index
      %get3A_71 = tpu.vector_load %arg12[%get3A_69, %get3A_70] {strides = array<i32>} : memref<80x128xf32, #tpu.memory_space<vmem>>, vector<16xf32>,
      %add3A_72 = arith.addf %add3A_68, %get3A_71 : vector<16xf32>
      %ge3A_73 = arith.constant 0.000000e+00 : f32
      %ge3A_74 = vector.broadcast %ge3A_73 : f32 to vector<16xf32>
      %ge3A_75 = arith.cmpf oge, %add3A_72, %ge3A_74 : vector<16xf32>
      %mul3A_76 = arith.constant 0.00999999977 : f32
      %mul3A_77 = vector.broadcast %mul3A_76 : f32 to vector<16xf32>
      %mul3A_78 = arith.mulf %mul3A_77, %add3A_72 : vector<16xf32>
      %select_n3A_79 = arith.select %ge3A_75, %add3A_72, %mul3A_78 : vector<16xi1>, vector<16xf32>
      %exp3A_80 = math.exp %select_n3A_79 : vector<16xf32>
      %swap3A_81 = arith.index_cast %scan3A_40 : i32 to index
      %swap3A_82 = arith.constant 16 : index
      %swap3A_83 = tpu.vector_load %arg13[%swap3A_81, %swap3A_82] {strides = array<i32>} : memref<80x128xf32, #tpu.memory_space<vmem>>, vector<16xf32>,
      tpu.vector_store %arg13[%swap3A_81, %swap3A_82], %exp3A_80 {strides = array<i32>} : memref<80x128xf32, #tpu.memory_space<vmem>>, vector<16xf32>,
      %get3A_84 = arith.index_cast %scan3A_40 : i32 to index
      %get3A_85 = arith.constant 32 : index
      %get3A_86 = tpu.vector_load %arg10[%get3A_84, %get3A_85] {strides = array<i32>} : memref<80x128xi32, #tpu.memory_space<vmem>>, vector<16xi32>,
      %gather3A_87 = tpu.vector_load_idx %arg8[%get3A_86] : memref<10240xf32, #tpu.memory_space<vmem>>[vector<16xi32>], vector<16xf32>,
      %get3A_88 = arith.index_cast %scan3A_40 : i32 to index
      %get3A_89 = arith.constant 32 : index
      %get3A_90 = tpu.vector_load %arg11[%get3A_88, %get3A_89] {strides = array<i32>} : memref<80x128xi32, #tpu.memory_space<vmem>>, vector<16xi32>,
      %gather3A_91 = tpu.vector_load_idx %arg9[%get3A_90] : memref<10240xf32, #tpu.memory_space<vmem>>[vector<16xi32>], vector<16xf32>,
      %add3A_92 = arith.addf %gather3A_87, %gather3A_91 : vector<16xf32>
      %get3A_93 = arith.index_cast %scan3A_40 : i32 to index
      %get3A_94 = arith.constant 32 : index
      %get3A_95 = tpu.vector_load %arg12[%get3A_93, %get3A_94] {strides = array<i32>} : memref<80x128xf32, #tpu.memory_space<vmem>>, vector<16xf32>,
      %add3A_96 = arith.addf %add3A_92, %get3A_95 : vector<16xf32>
      %ge3A_97 = arith.constant 0.000000e+00 : f32
      %ge3A_98 = vector.broadcast %ge3A_97 : f32 to vector<16xf32>
      %ge3A_99 = arith.cmpf oge, %add3A_96, %ge3A_98 : vector<16xf32>
      %mul3A_100 = arith.constant 0.00999999977 : f32
      %mul3A_101 = vector.broadcast %mul3A_100 : f32 to vector<16xf32>
      %mul3A_102 = arith.mulf %mul3A_101, %add3A_96 : vector<16xf32>
      %select_n3A_103 = arith.select %ge3A_99, %add3A_96, %mul3A_102 : vector<16xi1>, vector<16xf32>
      %exp3A_104 = math.exp %select_n3A_103 : vector<16xf32>
      %swap3A_105 = arith.index_cast %scan3A_40 : i32 to index
      %swap3A_106 = arith.constant 32 : index
      %swap3A_107 = tpu.vector_load %arg13[%swap3A_105, %swap3A_106] {strides = array<i32>} : memref<80x128xf32, #tpu.memory_space<vmem>>, vector<16xf32>,
      tpu.vector_store %arg13[%swap3A_105, %swap3A_106], %exp3A_104 {strides = array<i32>} : memref<80x128xf32, #tpu.memory_space<vmem>>, vector<16xf32>,
      %get3A_108 = arith.index_cast %scan3A_40 : i32 to index
      %get3A_109 = arith.constant 48 : index
      %get3A_110 = tpu.vector_load %arg10[%get3A_108, %get3A_109] {strides = array<i32>} : memref<80x128xi32, #tpu.memory_space<vmem>>, vector<16xi32>,
      %gather3A_111 = tpu.vector_load_idx %arg8[%get3A_110] : memref<10240xf32, #tpu.memory_space<vmem>>[vector<16xi32>], vector<16xf32>,
      %get3A_112 = arith.index_cast %scan3A_40 : i32 to index
      %get3A_113 = arith.constant 48 : index
      %get3A_114 = tpu.vector_load %arg11[%get3A_112, %get3A_113] {strides = array<i32>} : memref<80x128xi32, #tpu.memory_space<vmem>>, vector<16xi32>,
      %gather3A_115 = tpu.vector_load_idx %arg9[%get3A_114] : memref<10240xf32, #tpu.memory_space<vmem>>[vector<16xi32>], vector<16xf32>,
      %add3A_116 = arith.addf %gather3A_111, %gather3A_115 : vector<16xf32>
      %get3A_117 = arith.index_cast %scan3A_40 : i32 to index
      %get3A_118 = arith.constant 48 : index
      %get3A_119 = tpu.vector_load %arg12[%get3A_117, %get3A_118] {strides = array<i32>} : memref<80x128xf32, #tpu.memory_space<vmem>>, vector<16xf32>,
      %add3A_120 = arith.addf %add3A_116, %get3A_119 : vector<16xf32>
      %ge3A_121 = arith.constant 0.000000e+00 : f32
      %ge3A_122 = vector.broadcast %ge3A_121 : f32 to vector<16xf32>
      %ge3A_123 = arith.cmpf oge, %add3A_120, %ge3A_122 : vector<16xf32>
      %mul3A_124 = arith.constant 0.00999999977 : f32
      %mul3A_125 = vector.broadcast %mul3A_124 : f32 to vector<16xf32>
      %mul3A_126 = arith.mulf %mul3A_125, %add3A_120 : vector<16xf32>
      %select_n3A_127 = arith.select %ge3A_123, %add3A_120, %mul3A_126 : vector<16xi1>, vector<16xf32>
      %exp3A_128 = math.exp %select_n3A_127 : vector<16xf32>
      %swap3A_129 = arith.index_cast %scan3A_40 : i32 to index
      %swap3A_130 = arith.constant 48 : index
      %swap3A_131 = tpu.vector_load %arg13[%swap3A_129, %swap3A_130] {strides = array<i32>} : memref<80x128xf32, #tpu.memory_space<vmem>>, vector<16xf32>,
      tpu.vector_store %arg13[%swap3A_129, %swap3A_130], %exp3A_128 {strides = array<i32>} : memref<80x128xf32, #tpu.memory_space<vmem>>, vector<16xf32>,
      %get3A_132 = arith.index_cast %scan3A_40 : i32 to index
      %get3A_133 = arith.constant 64 : index
      %get3A_134 = tpu.vector_load %arg10[%get3A_132, %get3A_133] {strides = array<i32>} : memref<80x128xi32, #tpu.memory_space<vmem>>, vector<16xi32>,
      %gather3A_135 = tpu.vector_load_idx %arg8[%get3A_134] : memref<10240xf32, #tpu.memory_space<vmem>>[vector<16xi32>], vector<16xf32>,
      %get3A_136 = arith.index_cast %scan3A_40 : i32 to index
      %get3A_137 = arith.constant 64 : index
      %get3A_138 = tpu.vector_load %arg11[%get3A_136, %get3A_137] {strides = array<i32>} : memref<80x128xi32, #tpu.memory_space<vmem>>, vector<16xi32>,
      %gather3A_139 = tpu.vector_load_idx %arg9[%get3A_138] : memref<10240xf32, #tpu.memory_space<vmem>>[vector<16xi32>], vector<16xf32>,
      %add3A_140 = arith.addf %gather3A_135, %gather3A_139 : vector<16xf32>
      %get3A_141 = arith.index_cast %scan3A_40 : i32 to index
      %get3A_142 = arith.constant 64 : index
      %get3A_143 = tpu.vector_load %arg12[%get3A_141, %get3A_142] {strides = array<i32>} : memref<80x128xf32, #tpu.memory_space<vmem>>, vector<16xf32>,
      %add3A_144 = arith.addf %add3A_140, %get3A_143 : vector<16xf32>
      %ge3A_145 = arith.constant 0.000000e+00 : f32
      %ge3A_146 = vector.broadcast %ge3A_145 : f32 to vector<16xf32>
      %ge3A_147 = arith.cmpf oge, %add3A_144, %ge3A_146 : vector<16xf32>
      %mul3A_148 = arith.constant 0.00999999977 : f32
      %mul3A_149 = vector.broadcast %mul3A_148 : f32 to vector<16xf32>
      %mul3A_150 = arith.mulf %mul3A_149, %add3A_144 : vector<16xf32>
      %select_n3A_151 = arith.select %ge3A_147, %add3A_144, %mul3A_150 : vector<16xi1>, vector<16xf32>
      %exp3A_152 = math.exp %select_n3A_151 : vector<16xf32>
      %swap3A_153 = arith.index_cast %scan3A_40 : i32 to index
      %swap3A_154 = arith.constant 64 : index
      %swap3A_155 = tpu.vector_load %arg13[%swap3A_153, %swap3A_154] {strides = array<i32>} : memref<80x128xf32, #tpu.memory_space<vmem>>, vector<16xf32>,
      tpu.vector_store %arg13[%swap3A_153, %swap3A_154], %exp3A_152 {strides = array<i32>} : memref<80x128xf32, #tpu.memory_space<vmem>>, vector<16xf32>,
      %get3A_156 = arith.index_cast %scan3A_40 : i32 to index
      %get3A_157 = arith.constant 80 : index
      %get3A_158 = tpu.vector_load %arg10[%get3A_156, %get3A_157] {strides = array<i32>} : memref<80x128xi32, #tpu.memory_space<vmem>>, vector<16xi32>,
      %gather3A_159 = tpu.vector_load_idx %arg8[%get3A_158] : memref<10240xf32, #tpu.memory_space<vmem>>[vector<16xi32>], vector<16xf32>,
      %get3A_160 = arith.index_cast %scan3A_40 : i32 to index
      %get3A_161 = arith.constant 80 : index
      %get3A_162 = tpu.vector_load %arg11[%get3A_160, %get3A_161] {strides = array<i32>} : memref<80x128xi32, #tpu.memory_space<vmem>>, vector<16xi32>,
      %gather3A_163 = tpu.vector_load_idx %arg9[%get3A_162] : memref<10240xf32, #tpu.memory_space<vmem>>[vector<16xi32>], vector<16xf32>,
      %add3A_164 = arith.addf %gather3A_159, %gather3A_163 : vector<16xf32>
      %get3A_165 = arith.index_cast %scan3A_40 : i32 to index
      %get3A_166 = arith.constant 80 : index
      %get3A_167 = tpu.vector_load %arg12[%get3A_165, %get3A_166] {strides = array<i32>} : memref<80x128xf32, #tpu.memory_space<vmem>>, vector<16xf32>,
      %add3A_168 = arith.addf %add3A_164, %get3A_167 : vector<16xf32>
      %ge3A_169 = arith.constant 0.000000e+00 : f32
      %ge3A_170 = vector.broadcast %ge3A_169 : f32 to vector<16xf32>
      %ge3A_171 = arith.cmpf oge, %add3A_168, %ge3A_170 : vector<16xf32>
      %mul3A_172 = arith.constant 0.00999999977 : f32
      %mul3A_173 = vector.broadcast %mul3A_172 : f32 to vector<16xf32>
      %mul3A_174 = arith.mulf %mul3A_173, %add3A_168 : vector<16xf32>
      %select_n3A_175 = arith.select %ge3A_171, %add3A_168, %mul3A_174 : vector<16xi1>, vector<16xf32>
      %exp3A_176 = math.exp %select_n3A_175 : vector<16xf32>
      %swap3A_177 = arith.index_cast %scan3A_40 : i32 to index
      %swap3A_178 = arith.constant 80 : index
      %swap3A_179 = tpu.vector_load %arg13[%swap3A_177, %swap3A_178] {strides = array<i32>} : memref<80x128xf32, #tpu.memory_space<vmem>>, vector<16xf32>,
      tpu.vector_store %arg13[%swap3A_177, %swap3A_178], %exp3A_176 {strides = array<i32>} : memref<80x128xf32, #tpu.memory_space<vmem>>, vector<16xf32>,
      %get3A_180 = arith.index_cast %scan3A_40 : i32 to index
      %get3A_181 = arith.constant 96 : index
      %get3A_182 = tpu.vector_load %arg10[%get3A_180, %get3A_181] {strides = array<i32>} : memref<80x128xi32, #tpu.memory_space<vmem>>, vector<16xi32>,
      %gather3A_183 = tpu.vector_load_idx %arg8[%get3A_182] : memref<10240xf32, #tpu.memory_space<vmem>>[vector<16xi32>], vector<16xf32>,
      %get3A_184 = arith.index_cast %scan3A_40 : i32 to index
      %get3A_185 = arith.constant 96 : index
      %get3A_186 = tpu.vector_load %arg11[%get3A_184, %get3A_185] {strides = array<i32>} : memref<80x128xi32, #tpu.memory_space<vmem>>, vector<16xi32>,
      %gather3A_187 = tpu.vector_load_idx %arg9[%get3A_186] : memref<10240xf32, #tpu.memory_space<vmem>>[vector<16xi32>], vector<16xf32>,
      %add3A_188 = arith.addf %gather3A_183, %gather3A_187 : vector<16xf32>
      %get3A_189 = arith.index_cast %scan3A_40 : i32 to index
      %get3A_190 = arith.constant 96 : index
      %get3A_191 = tpu.vector_load %arg12[%get3A_189, %get3A_190] {strides = array<i32>} : memref<80x128xf32, #tpu.memory_space<vmem>>, vector<16xf32>,
      %add3A_192 = arith.addf %add3A_188, %get3A_191 : vector<16xf32>
      %ge3A_193 = arith.constant 0.000000e+00 : f32
      %ge3A_194 = vector.broadcast %ge3A_193 : f32 to vector<16xf32>
      %ge3A_195 = arith.cmpf oge, %add3A_192, %ge3A_194 : vector<16xf32>
      %mul3A_196 = arith.constant 0.00999999977 : f32
      %mul3A_197 = vector.broadcast %mul3A_196 : f32 to vector<16xf32>
      %mul3A_198 = arith.mulf %mul3A_197, %add3A_192 : vector<16xf32>
      %select_n3A_199 = arith.select %ge3A_195, %add3A_192, %mul3A_198 : vector<16xi1>, vector<16xf32>
      %exp3A_200 = math.exp %select_n3A_199 : vector<16xf32>
      %swap3A_201 = arith.index_cast %scan3A_40 : i32 to index
      %swap3A_202 = arith.constant 96 : index
      %swap3A_203 = tpu.vector_load %arg13[%swap3A_201, %swap3A_202] {strides = array<i32>} : memref<80x128xf32, #tpu.memory_space<vmem>>, vector<16xf32>,
      tpu.vector_store %arg13[%swap3A_201, %swap3A_202], %exp3A_200 {strides = array<i32>} : memref<80x128xf32, #tpu.memory_space<vmem>>, vector<16xf32>,
      %get3A_204 = arith.index_cast %scan3A_40 : i32 to index
      %get3A_205 = arith.constant 112 : index
      %get3A_206 = tpu.vector_load %arg10[%get3A_204, %get3A_205] {strides = array<i32>} : memref<80x128xi32, #tpu.memory_space<vmem>>, vector<16xi32>,
      %gather3A_207 = tpu.vector_load_idx %arg8[%get3A_206] : memref<10240xf32, #tpu.memory_space<vmem>>[vector<16xi32>], vector<16xf32>,
      %get3A_208 = arith.index_cast %scan3A_40 : i32 to index
      %get3A_209 = arith.constant 112 : index
      %get3A_210 = tpu.vector_load %arg11[%get3A_208, %get3A_209] {strides = array<i32>} : memref<80x128xi32, #tpu.memory_space<vmem>>, vector<16xi32>,
      %gather3A_211 = tpu.vector_load_idx %arg9[%get3A_210] : memref<10240xf32, #tpu.memory_space<vmem>>[vector<16xi32>], vector<16xf32>,
      %add3A_212 = arith.addf %gather3A_207, %gather3A_211 : vector<16xf32>
      %get3A_213 = arith.index_cast %scan3A_40 : i32 to index
      %get3A_214 = arith.constant 112 : index
      %get3A_215 = tpu.vector_load %arg12[%get3A_213, %get3A_214] {strides = array<i32>} : memref<80x128xf32, #tpu.memory_space<vmem>>, vector<16xf32>,
      %add3A_216 = arith.addf %add3A_212, %get3A_215 : vector<16xf32>
      %ge3A_217 = arith.constant 0.000000e+00 : f32
      %ge3A_218 = vector.broadcast %ge3A_217 : f32 to vector<16xf32>
      %ge3A_219 = arith.cmpf oge, %add3A_216, %ge3A_218 : vector<16xf32>
      %mul3A_220 = arith.constant 0.00999999977 : f32
      %mul3A_221 = vector.broadcast %mul3A_220 : f32 to vector<16xf32>
      %mul3A_222 = arith.mulf %mul3A_221, %add3A_216 : vector<16xf32>
      %select_n3A_223 = arith.select %ge3A_219, %add3A_216, %mul3A_222 : vector<16xi1>, vector<16xf32>
      %exp3A_224 = math.exp %select_n3A_223 : vector<16xf32>
      %swap3A_225 = arith.index_cast %scan3A_40 : i32 to index
      %swap3A_226 = arith.constant 112 : index
      %swap3A_227 = tpu.vector_load %arg13[%swap3A_225, %swap3A_226] {strides = array<i32>} : memref<80x128xf32, #tpu.memory_space<vmem>>, vector<16xf32>,
      tpu.vector_store %arg13[%swap3A_225, %swap3A_226], %exp3A_224 {strides = array<i32>} : memref<80x128xf32, #tpu.memory_space<vmem>>, vector<16xf32>,
      %scan3A_228 = arith.constant 0 : i32
      scf.yield %scan3A_228 : i32
    }
    %scan3A_22 = arith.constant 80 : i32
    %scan3A_23 = arith.constant 0 : i32
    %scan3A_24 = arith.constant 0 : i32
    %scan3A_25 = arith.constant 80 : i32
    %scan3A_26 = arith.addi %scan3A_24, %scan3A_25 : i32
    %scan3A_27 = arith.constant 1 : i32
    %scan3A_28 = scf.for %scan3A_40 = %scan3A_24 to %scan3A_26 step %scan3A_27 iter_args(%scan3A_41 = %scan3A_23) -> (i32)  : i32 {
      "tpu.region"() ({
        %run_scoped3A_43 = tpu.sem_alloc : memref<!tpu.dma_semaphore, #tpu.memory_space<semaphore_mem>>
        %dma_start3A = arith.constant 0 : i32
        %dma_start3A_44 = tpu.memref_slice %arg13[%scan3A_40, %dma_start3A] : memref<80x128xf32, #tpu.memory_space<vmem>> -> memref<1x128xf32, #tpu.memory_space<vmem>>
        %dma_start3A_45 = tpu.memref_squeeze %dma_start3A_44 : memref<1x128xf32, #tpu.memory_space<vmem>> -> memref<128xf32, #tpu.memory_space<vmem>>
        %dma_start3A_46 = arith.constant 0 : i32
        %dma_start3A_47 = tpu.memref_slice %arg11[%scan3A_40, %dma_start3A_46] : memref<80x128xi32, #tpu.memory_space<vmem>> -> memref<1x128xi32, #tpu.memory_space<vmem>>
        %dma_start3A_48 = tpu.memref_squeeze %dma_start3A_47 : memref<1x128xi32, #tpu.memory_space<vmem>> -> memref<128xi32, #tpu.memory_space<vmem>>
        %dma_start3A_49 = arith.constant 0 : i32
        %dma_start3A_50 = tpu.memref_slice %arg15[%dma_start3A_49] : memref<10240xf32, #tpu.memory_space<vmem_shared>> -> memref<10240xf32, #tpu.memory_space<vmem_shared>>
        tpu.enqueue_indirect_dma source(%dma_start3A_45 : memref<128xf32, #tpu.memory_space<vmem>>) target(%dma_start3A_50 : memref<10240xf32, #tpu.memory_space<vmem_shared>>) offsets(%dma_start3A_48 : memref<128xi32, #tpu.memory_space<vmem>>) semaphore(%run_scoped3A_43 : memref<!tpu.dma_semaphore, #tpu.memory_space<semaphore_mem>>) {add = true}
        %dma_wait3A = arith.constant 0 : i32
        %dma_wait3A_51 = tpu.memref_slice %arg13[%scan3A_40, %dma_wait3A] : memref<80x128xf32, #tpu.memory_space<vmem>> -> memref<1x128xf32, #tpu.memory_space<vmem>>
        %dma_wait3A_52 = tpu.memref_squeeze %dma_wait3A_51 : memref<1x128xf32, #tpu.memory_space<vmem>> -> memref<128xf32, #tpu.memory_space<vmem>>
        %dma_wait3A_53 = arith.constant 0 : i32
        %dma_wait3A_54 = tpu.memref_slice %arg11[%scan3A_40, %dma_wait3A_53] : memref<80x128xi32, #tpu.memory_space<vmem>> -> memref<1x128xi32, #tpu.memory_space<vmem>>
        %dma_wait3A_55 = tpu.memref_squeeze %dma_wait3A_54 : memref<1x128xi32, #tpu.memory_space<vmem>> -> memref<128xi32, #tpu.memory_space<vmem>>
        %dma_wait3A_56 = arith.constant 0 : i32
        %dma_wait3A_57 = tpu.memref_slice %arg15[%dma_wait3A_56] : memref<10240xf32, #tpu.memory_space<vmem_shared>> -> memref<10240xf32, #tpu.memory_space<vmem_shared>>
        tpu.wait_indirect_dma semaphore(%run_scoped3A_43 : memref<!tpu.dma_semaphore, #tpu.memory_space<semaphore_mem>>) src(%dma_wait3A_52 : memref<128xf32, #tpu.memory_space<vmem>>) dst(%dma_wait3A_57 : memref<10240xf32, #tpu.memory_space<vmem_shared>>)
        tpu.yield
      }) : () -> ()
      %scan3A_42 = arith.constant 0 : i32
      scf.yield %scan3A_42 : i32
    }
    %scan3A_29 = arith.constant 80 : i32
    %mul3A_30 = arith.constant 80 : i32
    %mul3A_31 = arith.muli %add3A, %mul3A_30 : i32
    "tpu.region"() ({
      %run_scoped3A_40 = tpu.sem_alloc : memref<!tpu.dma_semaphore, #tpu.memory_space<semaphore_mem>>
      %dma_start3A = arith.constant 0 : i32
      %dma_start3A_41 = tpu.memref_slice %arg6[%mul3A_31, %dma_start3A] : memref<2560x128xf32, #tpu.memory_space<hbm>> -> memref<80x128xf32, #tpu.memory_space<hbm>>
      %dma_start3A_42 = arith.constant 0 : i32
      %dma_start3A_43 = tpu.memref_slice %arg6[%mul3A_31, %dma_start3A_42] : memref<2560x128xf32, #tpu.memory_space<hbm>> -> memref<80x128xf32, #tpu.memory_space<hbm>>
      tpu.enqueue_dma source(%arg13 : memref<80x128xf32, #tpu.memory_space<vmem>>) target(%dma_start3A_43 : memref<80x128xf32, #tpu.memory_space<hbm>>) target_semaphore(%run_scoped3A_40 : memref<!tpu.dma_semaphore, #tpu.memory_space<semaphore_mem>>)
      %dma_wait3A = arith.constant 0 : i32
      %dma_wait3A_44 = tpu.memref_slice %arg6[%mul3A_31, %dma_wait3A] : memref<2560x128xf32, #tpu.memory_space<hbm>> -> memref<80x128xf32, #tpu.memory_space<hbm>>
      %dma_wait3A_45 = arith.constant 0 : i32
      %dma_wait3A_46 = tpu.memref_slice %arg6[%mul3A_31, %dma_wait3A_45] : memref<2560x128xf32, #tpu.memory_space<hbm>> -> memref<80x128xf32, #tpu.memory_space<hbm>>
      tpu.wait_dma2 semaphore(%run_scoped3A_40 : memref<!tpu.dma_semaphore, #tpu.memory_space<semaphore_mem>>) src(%arg13 : memref<80x128xf32, #tpu.memory_space<vmem>>) dst(%dma_wait3A_46 : memref<80x128xf32, #tpu.memory_space<hbm>>)
      tpu.yield
    }) : () -> ()
    %barrier3A_32 = arith.constant 0 : index
    tpu.barrier barrier_id(%barrier3A_32)
    %mul3A_33 = arith.constant 10240 : i32
    %mul3A_34 = arith.muli %arg0, %mul3A_33 : i32
    %mul3A_35 = arith.constant 640 : i32
    %mul3A_36 = arith.muli %arg1, %mul3A_35 : i32
    %add3A_37 = arith.addi %mul3A_34, %mul3A_36 : i32
    %mul3A_38 = arith.constant 640 : i32
    %mul3A_39 = arith.muli %arg1, %mul3A_38 : i32
    "tpu.region"() ({
      %run_scoped3A_40 = tpu.sem_alloc : memref<!tpu.dma_semaphore, #tpu.memory_space<semaphore_mem>>
      %dma_start3A = tpu.memref_slice %arg7[%add3A_37] : memref<20480xf32, #tpu.memory_space<hbm>> -> memref<640xf32, #tpu.memory_space<hbm>>
      %dma_start3A_41 = tpu.memref_slice %arg15[%mul3A_39] : memref<10240xf32, #tpu.memory_space<vmem_shared>> -> memref<640xf32, #tpu.memory_space<vmem_shared>>
      tpu.enqueue_dma source(%dma_start3A_41 : memref<640xf32, #tpu.memory_space<vmem_shared>>) target(%dma_start3A : memref<640xf32, #tpu.memory_space<hbm>>) target_semaphore(%run_scoped3A_40 : memref<!tpu.dma_semaphore, #tpu.memory_space<semaphore_mem>>)
      %dma_wait3A = tpu.memref_slice %arg7[%add3A_37] : memref<20480xf32, #tpu.memory_space<hbm>> -> memref<640xf32, #tpu.memory_space<hbm>>
      %dma_wait3A_42 = tpu.memref_slice %arg15[%mul3A_39] : memref<10240xf32, #tpu.memory_space<vmem_shared>> -> memref<640xf32, #tpu.memory_space<vmem_shared>>
      tpu.wait_dma2 semaphore(%run_scoped3A_40 : memref<!tpu.dma_semaphore, #tpu.memory_space<semaphore_mem>>) src(%dma_wait3A_42 : memref<640xf32, #tpu.memory_space<vmem_shared>>) dst(%dma_wait3A : memref<640xf32, #tpu.memory_space<hbm>>)
      tpu.yield
    }) : () -> ()
    return
  }
}

#map = affine_map<(d0, d1) -> (0, 0)>
#map1 = affine_map<(d0, d1) -> (0)>
module attributes {stable_mosaic.version = 14 : i64} {
  func.func @body(%arg0: i32, %arg1: i32, %arg2: memref<2560x128xi32, #tpu.memory_space<hbm>>, %arg3: memref<2560x128xi32, #tpu.memory_space<hbm>>, %arg4: memref<20480xf32, #tpu.memory_space<hbm>>, %arg5: memref<20480xf32, #tpu.memory_space<hbm>>, %arg6: memref<80x128xi32, #tpu.memory_space<vmem>>, %arg7: memref<80x128xi32, #tpu.memory_space<vmem>>, %arg8: memref<128xf32, #tpu.memory_space<vmem>>, %arg9: memref<640xf32, #tpu.memory_space<vmem>>, %arg10: memref<10240xf32, #tpu.memory_space<vmem_shared>>, %arg11: memref<10240xf32, #tpu.memory_space<vmem_shared>>) attributes {dimension_semantics = [#tpu.dimension_semantics<core_parallel>, #tpu.dimension_semantics<subcore_parallel>], iteration_bounds = array<i64: 2, 16>, scalar_prefetch = 0 : i64, scratch_operands = 6 : i64, tpu.core_type = #tpu.core_type<sc_vector_subcore>, window_params = [{transform_indices = #map}, {transform_indices = #map}, {transform_indices = #map1}, {transform_indices = #map1}]} {
    %mul3A = arith.constant 16 : i32
    %mul3A_0 = arith.muli %arg0, %mul3A : i32
    %add3A = arith.addi %mul3A_0, %arg1 : i32
    %broadcast_in_dim3A = arith.constant 1.000000e+00 : f32
    %broadcast_in_dim3A_1 = vector.broadcast %broadcast_in_dim3A : f32 to vector<16xf32>
    %swap3A = arith.constant 0 : index
    %swap3A_2 = tpu.vector_load %arg8[%swap3A] {strides = array<i32>} : memref<128xf32, #tpu.memory_space<vmem>>, vector<16xf32>,
    tpu.vector_store %arg8[%swap3A], %broadcast_in_dim3A_1 {strides = array<i32>} : memref<128xf32, #tpu.memory_space<vmem>>, vector<16xf32>,
    %broadcast_in_dim3A_3 = arith.constant 1.000000e+00 : f32
    %broadcast_in_dim3A_4 = vector.broadcast %broadcast_in_dim3A_3 : f32 to vector<16xf32>
    %swap3A_5 = arith.constant 16 : index
    %swap3A_6 = tpu.vector_load %arg8[%swap3A_5] {strides = array<i32>} : memref<128xf32, #tpu.memory_space<vmem>>, vector<16xf32>,
    tpu.vector_store %arg8[%swap3A_5], %broadcast_in_dim3A_4 {strides = array<i32>} : memref<128xf32, #tpu.memory_space<vmem>>, vector<16xf32>,
    %broadcast_in_dim3A_7 = arith.constant 1.000000e+00 : f32
    %broadcast_in_dim3A_8 = vector.broadcast %broadcast_in_dim3A_7 : f32 to vector<16xf32>
    %swap3A_9 = arith.constant 32 : index
    %swap3A_10 = tpu.vector_load %arg8[%swap3A_9] {strides = array<i32>} : memref<128xf32, #tpu.memory_space<vmem>>, vector<16xf32>,
    tpu.vector_store %arg8[%swap3A_9], %broadcast_in_dim3A_8 {strides = array<i32>} : memref<128xf32, #tpu.memory_space<vmem>>, vector<16xf32>,
    %broadcast_in_dim3A_11 = arith.constant 1.000000e+00 : f32
    %broadcast_in_dim3A_12 = vector.broadcast %broadcast_in_dim3A_11 : f32 to vector<16xf32>
    %swap3A_13 = arith.constant 48 : index
    %swap3A_14 = tpu.vector_load %arg8[%swap3A_13] {strides = array<i32>} : memref<128xf32, #tpu.memory_space<vmem>>, vector<16xf32>,
    tpu.vector_store %arg8[%swap3A_13], %broadcast_in_dim3A_12 {strides = array<i32>} : memref<128xf32, #tpu.memory_space<vmem>>, vector<16xf32>,
    %broadcast_in_dim3A_15 = arith.constant 1.000000e+00 : f32
    %broadcast_in_dim3A_16 = vector.broadcast %broadcast_in_dim3A_15 : f32 to vector<16xf32>
    %swap3A_17 = arith.constant 64 : index
    %swap3A_18 = tpu.vector_load %arg8[%swap3A_17] {strides = array<i32>} : memref<128xf32, #tpu.memory_space<vmem>>, vector<16xf32>,
    tpu.vector_store %arg8[%swap3A_17], %broadcast_in_dim3A_16 {strides = array<i32>} : memref<128xf32, #tpu.memory_space<vmem>>, vector<16xf32>,
    %broadcast_in_dim3A_19 = arith.constant 1.000000e+00 : f32
    %broadcast_in_dim3A_20 = vector.broadcast %broadcast_in_dim3A_19 : f32 to vector<16xf32>
    %swap3A_21 = arith.constant 80 : index
    %swap3A_22 = tpu.vector_load %arg8[%swap3A_21] {strides = array<i32>} : memref<128xf32, #tpu.memory_space<vmem>>, vector<16xf32>,
    tpu.vector_store %arg8[%swap3A_21], %broadcast_in_dim3A_20 {strides = array<i32>} : memref<128xf32, #tpu.memory_space<vmem>>, vector<16xf32>,
    %broadcast_in_dim3A_23 = arith.constant 1.000000e+00 : f32
    %broadcast_in_dim3A_24 = vector.broadcast %broadcast_in_dim3A_23 : f32 to vector<16xf32>
    %swap3A_25 = arith.constant 96 : index
    %swap3A_26 = tpu.vector_load %arg8[%swap3A_25] {strides = array<i32>} : memref<128xf32, #tpu.memory_space<vmem>>, vector<16xf32>,
    tpu.vector_store %arg8[%swap3A_25], %broadcast_in_dim3A_24 {strides = array<i32>} : memref<128xf32, #tpu.memory_space<vmem>>, vector<16xf32>,
    %broadcast_in_dim3A_27 = arith.constant 1.000000e+00 : f32
    %broadcast_in_dim3A_28 = vector.broadcast %broadcast_in_dim3A_27 : f32 to vector<16xf32>
    %swap3A_29 = arith.constant 112 : index
    %swap3A_30 = tpu.vector_load %arg8[%swap3A_29] {strides = array<i32>} : memref<128xf32, #tpu.memory_space<vmem>>, vector<16xf32>,
    tpu.vector_store %arg8[%swap3A_29], %broadcast_in_dim3A_28 {strides = array<i32>} : memref<128xf32, #tpu.memory_space<vmem>>, vector<16xf32>,
    %scan3A = arith.constant 0 : i32
    %scan3A_31 = arith.constant 0 : i32
    %scan3A_32 = arith.constant 40 : i32
    %scan3A_33 = arith.addi %scan3A_31, %scan3A_32 : i32
    %scan3A_34 = arith.constant 1 : i32
    %scan3A_35 = scf.for %scan3A_62 = %scan3A_31 to %scan3A_33 step %scan3A_34 iter_args(%scan3A_63 = %scan3A) -> (i32)  : i32 {
      %broadcast_in_dim3A_64 = arith.constant 0.000000e+00 : f32
      %broadcast_in_dim3A_65 = vector.broadcast %broadcast_in_dim3A_64 : f32 to vector<16xf32>
      %mul3A_66 = arith.constant 16 : i32
      %mul3A_67 = arith.muli %scan3A_62, %mul3A_66 : i32
      %swap3A_68 = arith.index_cast %mul3A_67 : i32 to index
      %swap3A_69 = tpu.vector_load %arg9[%swap3A_68] {strides = array<i32>} : memref<640xf32, #tpu.memory_space<vmem>>, vector<16xf32>,
      tpu.vector_store %arg9[%swap3A_68], %broadcast_in_dim3A_65 {strides = array<i32>} : memref<640xf32, #tpu.memory_space<vmem>>, vector<16xf32>,
      %scan3A_70 = arith.constant 0 : i32
      scf.yield %scan3A_70 : i32
    }
    %scan3A_36 = arith.constant 40 : i32
    %mul3A_37 = arith.constant 80 : i32
    %mul3A_38 = arith.muli %add3A, %mul3A_37 : i32
    "tpu.region"() ({
      %run_scoped3A = tpu.sem_alloc : memref<!tpu.dma_semaphore, #tpu.memory_space<semaphore_mem>>
      %dma_start3A = arith.constant 0 : i32
      %dma_start3A_62 = tpu.memref_slice %arg2[%mul3A_38, %dma_start3A] : memref<2560x128xi32, #tpu.memory_space<hbm>> -> memref<80x128xi32, #tpu.memory_space<hbm>>
      %dma_start3A_63 = arith.constant 0 : i32
      %dma_start3A_64 = tpu.memref_slice %arg2[%mul3A_38, %dma_start3A_63] : memref<2560x128xi32, #tpu.memory_space<hbm>> -> memref<80x128xi32, #tpu.memory_space<hbm>>
      tpu.enqueue_dma source(%dma_start3A_64 : memref<80x128xi32, #tpu.memory_space<hbm>>) target(%arg6 : memref<80x128xi32, #tpu.memory_space<vmem>>) target_semaphore(%run_scoped3A : memref<!tpu.dma_semaphore, #tpu.memory_space<semaphore_mem>>)
      %dma_wait3A = arith.constant 0 : i32
      %dma_wait3A_65 = tpu.memref_slice %arg2[%mul3A_38, %dma_wait3A] : memref<2560x128xi32, #tpu.memory_space<hbm>> -> memref<80x128xi32, #tpu.memory_space<hbm>>
      %dma_wait3A_66 = arith.constant 0 : i32
      %dma_wait3A_67 = tpu.memref_slice %arg2[%mul3A_38, %dma_wait3A_66] : memref<2560x128xi32, #tpu.memory_space<hbm>> -> memref<80x128xi32, #tpu.memory_space<hbm>>
      tpu.wait_dma2 semaphore(%run_scoped3A : memref<!tpu.dma_semaphore, #tpu.memory_space<semaphore_mem>>) src(%dma_wait3A_67 : memref<80x128xi32, #tpu.memory_space<hbm>>) dst(%arg6 : memref<80x128xi32, #tpu.memory_space<vmem>>)
      tpu.yield
    }) : () -> ()
    %mul3A_39 = arith.constant 80 : i32
    %mul3A_40 = arith.muli %add3A, %mul3A_39 : i32
    "tpu.region"() ({
      %run_scoped3A = tpu.sem_alloc : memref<!tpu.dma_semaphore, #tpu.memory_space<semaphore_mem>>
      %dma_start3A = arith.constant 0 : i32
      %dma_start3A_62 = tpu.memref_slice %arg3[%mul3A_40, %dma_start3A] : memref<2560x128xi32, #tpu.memory_space<hbm>> -> memref<80x128xi32, #tpu.memory_space<hbm>>
      %dma_start3A_63 = arith.constant 0 : i32
      %dma_start3A_64 = tpu.memref_slice %arg3[%mul3A_40, %dma_start3A_63] : memref<2560x128xi32, #tpu.memory_space<hbm>> -> memref<80x128xi32, #tpu.memory_space<hbm>>
      tpu.enqueue_dma source(%dma_start3A_64 : memref<80x128xi32, #tpu.memory_space<hbm>>) target(%arg7 : memref<80x128xi32, #tpu.memory_space<vmem>>) target_semaphore(%run_scoped3A : memref<!tpu.dma_semaphore, #tpu.memory_space<semaphore_mem>>)
      %dma_wait3A = arith.constant 0 : i32
      %dma_wait3A_65 = tpu.memref_slice %arg3[%mul3A_40, %dma_wait3A] : memref<2560x128xi32, #tpu.memory_space<hbm>> -> memref<80x128xi32, #tpu.memory_space<hbm>>
      %dma_wait3A_66 = arith.constant 0 : i32
      %dma_wait3A_67 = tpu.memref_slice %arg3[%mul3A_40, %dma_wait3A_66] : memref<2560x128xi32, #tpu.memory_space<hbm>> -> memref<80x128xi32, #tpu.memory_space<hbm>>
      tpu.wait_dma2 semaphore(%run_scoped3A : memref<!tpu.dma_semaphore, #tpu.memory_space<semaphore_mem>>) src(%dma_wait3A_67 : memref<80x128xi32, #tpu.memory_space<hbm>>) dst(%arg7 : memref<80x128xi32, #tpu.memory_space<vmem>>)
      tpu.yield
    }) : () -> ()
    %mul3A_41 = arith.constant 640 : i32
    %mul3A_42 = arith.muli %arg1, %mul3A_41 : i32
    "tpu.region"() ({
      %run_scoped3A = tpu.sem_alloc : memref<!tpu.dma_semaphore, #tpu.memory_space<semaphore_mem>>
      %dma_start3A = tpu.memref_slice %arg10[%mul3A_42] : memref<10240xf32, #tpu.memory_space<vmem_shared>> -> memref<640xf32, #tpu.memory_space<vmem_shared>>
      %dma_start3A_62 = tpu.memref_slice %arg10[%mul3A_42] : memref<10240xf32, #tpu.memory_space<vmem_shared>> -> memref<640xf32, #tpu.memory_space<vmem_shared>>
      tpu.enqueue_dma source(%arg9 : memref<640xf32, #tpu.memory_space<vmem>>) target(%dma_start3A_62 : memref<640xf32, #tpu.memory_space<vmem_shared>>) target_semaphore(%run_scoped3A : memref<!tpu.dma_semaphore, #tpu.memory_space<semaphore_mem>>)
      %dma_wait3A = tpu.memref_slice %arg10[%mul3A_42] : memref<10240xf32, #tpu.memory_space<vmem_shared>> -> memref<640xf32, #tpu.memory_space<vmem_shared>>
      %dma_wait3A_63 = tpu.memref_slice %arg10[%mul3A_42] : memref<10240xf32, #tpu.memory_space<vmem_shared>> -> memref<640xf32, #tpu.memory_space<vmem_shared>>
      tpu.wait_dma2 semaphore(%run_scoped3A : memref<!tpu.dma_semaphore, #tpu.memory_space<semaphore_mem>>) src(%arg9 : memref<640xf32, #tpu.memory_space<vmem>>) dst(%dma_wait3A_63 : memref<640xf32, #tpu.memory_space<vmem_shared>>)
      tpu.yield
    }) : () -> ()
    %mul3A_43 = arith.constant 640 : i32
    %mul3A_44 = arith.muli %arg1, %mul3A_43 : i32
    "tpu.region"() ({
      %run_scoped3A = tpu.sem_alloc : memref<!tpu.dma_semaphore, #tpu.memory_space<semaphore_mem>>
      %dma_start3A = tpu.memref_slice %arg11[%mul3A_44] : memref<10240xf32, #tpu.memory_space<vmem_shared>> -> memref<640xf32, #tpu.memory_space<vmem_shared>>
      %dma_start3A_62 = tpu.memref_slice %arg11[%mul3A_44] : memref<10240xf32, #tpu.memory_space<vmem_shared>> -> memref<640xf32, #tpu.memory_space<vmem_shared>>
      tpu.enqueue_dma source(%arg9 : memref<640xf32, #tpu.memory_space<vmem>>) target(%dma_start3A_62 : memref<640xf32, #tpu.memory_space<vmem_shared>>) target_semaphore(%run_scoped3A : memref<!tpu.dma_semaphore, #tpu.memory_space<semaphore_mem>>)
      %dma_wait3A = tpu.memref_slice %arg11[%mul3A_44] : memref<10240xf32, #tpu.memory_space<vmem_shared>> -> memref<640xf32, #tpu.memory_space<vmem_shared>>
      %dma_wait3A_63 = tpu.memref_slice %arg11[%mul3A_44] : memref<10240xf32, #tpu.memory_space<vmem_shared>> -> memref<640xf32, #tpu.memory_space<vmem_shared>>
      tpu.wait_dma2 semaphore(%run_scoped3A : memref<!tpu.dma_semaphore, #tpu.memory_space<semaphore_mem>>) src(%arg9 : memref<640xf32, #tpu.memory_space<vmem>>) dst(%dma_wait3A_63 : memref<640xf32, #tpu.memory_space<vmem_shared>>)
      tpu.yield
    }) : () -> ()
    %barrier3A = arith.constant 0 : index
    tpu.barrier barrier_id(%barrier3A)
    %scan3A_45 = arith.constant 0 : i32
    %scan3A_46 = arith.constant 0 : i32
    %scan3A_47 = arith.constant 80 : i32
    %scan3A_48 = arith.addi %scan3A_46, %scan3A_47 : i32
    %scan3A_49 = arith.constant 1 : i32
    %scan3A_50 = scf.for %scan3A_62 = %scan3A_46 to %scan3A_48 step %scan3A_49 iter_args(%scan3A_63 = %scan3A_45) -> (i32)  : i32 {
      "tpu.region"() ({
        %run_scoped3A = tpu.sem_alloc : memref<!tpu.dma_semaphore, #tpu.memory_space<semaphore_mem>>
        %dma_start3A = arith.constant 0 : i32
        %dma_start3A_65 = tpu.memref_slice %arg6[%scan3A_62, %dma_start3A] : memref<80x128xi32, #tpu.memory_space<vmem>> -> memref<1x128xi32, #tpu.memory_space<vmem>>
        %dma_start3A_66 = tpu.memref_squeeze %dma_start3A_65 : memref<1x128xi32, #tpu.memory_space<vmem>> -> memref<128xi32, #tpu.memory_space<vmem>>
        %dma_start3A_67 = arith.constant 0 : i32
        %dma_start3A_68 = tpu.memref_slice %arg10[%dma_start3A_67] : memref<10240xf32, #tpu.memory_space<vmem_shared>> -> memref<10240xf32, #tpu.memory_space<vmem_shared>>
        tpu.enqueue_indirect_dma source(%arg8 : memref<128xf32, #tpu.memory_space<vmem>>) target(%dma_start3A_68 : memref<10240xf32, #tpu.memory_space<vmem_shared>>) offsets(%dma_start3A_66 : memref<128xi32, #tpu.memory_space<vmem>>) semaphore(%run_scoped3A : memref<!tpu.dma_semaphore, #tpu.memory_space<semaphore_mem>>) {add = true}
        %dma_wait3A = arith.constant 0 : i32
        %dma_wait3A_69 = tpu.memref_slice %arg6[%scan3A_62, %dma_wait3A] : memref<80x128xi32, #tpu.memory_space<vmem>> -> memref<1x128xi32, #tpu.memory_space<vmem>>
        %dma_wait3A_70 = tpu.memref_squeeze %dma_wait3A_69 : memref<1x128xi32, #tpu.memory_space<vmem>> -> memref<128xi32, #tpu.memory_space<vmem>>
        %dma_wait3A_71 = arith.constant 0 : i32
        %dma_wait3A_72 = tpu.memref_slice %arg10[%dma_wait3A_71] : memref<10240xf32, #tpu.memory_space<vmem_shared>> -> memref<10240xf32, #tpu.memory_space<vmem_shared>>
        tpu.wait_indirect_dma semaphore(%run_scoped3A : memref<!tpu.dma_semaphore, #tpu.memory_space<semaphore_mem>>) src(%arg8 : memref<128xf32, #tpu.memory_space<vmem>>) dst(%dma_wait3A_72 : memref<10240xf32, #tpu.memory_space<vmem_shared>>)
        tpu.yield
      }) : () -> ()
      "tpu.region"() ({
        %run_scoped3A = tpu.sem_alloc : memref<!tpu.dma_semaphore, #tpu.memory_space<semaphore_mem>>
        %dma_start3A = arith.constant 0 : i32
        %dma_start3A_65 = tpu.memref_slice %arg7[%scan3A_62, %dma_start3A] : memref<80x128xi32, #tpu.memory_space<vmem>> -> memref<1x128xi32, #tpu.memory_space<vmem>>
        %dma_start3A_66 = tpu.memref_squeeze %dma_start3A_65 : memref<1x128xi32, #tpu.memory_space<vmem>> -> memref<128xi32, #tpu.memory_space<vmem>>
        %dma_start3A_67 = arith.constant 0 : i32
        %dma_start3A_68 = tpu.memref_slice %arg11[%dma_start3A_67] : memref<10240xf32, #tpu.memory_space<vmem_shared>> -> memref<10240xf32, #tpu.memory_space<vmem_shared>>
        tpu.enqueue_indirect_dma source(%arg8 : memref<128xf32, #tpu.memory_space<vmem>>) target(%dma_start3A_68 : memref<10240xf32, #tpu.memory_space<vmem_shared>>) offsets(%dma_start3A_66 : memref<128xi32, #tpu.memory_space<vmem>>) semaphore(%run_scoped3A : memref<!tpu.dma_semaphore, #tpu.memory_space<semaphore_mem>>) {add = true}
        %dma_wait3A = arith.constant 0 : i32
        %dma_wait3A_69 = tpu.memref_slice %arg7[%scan3A_62, %dma_wait3A] : memref<80x128xi32, #tpu.memory_space<vmem>> -> memref<1x128xi32, #tpu.memory_space<vmem>>
        %dma_wait3A_70 = tpu.memref_squeeze %dma_wait3A_69 : memref<1x128xi32, #tpu.memory_space<vmem>> -> memref<128xi32, #tpu.memory_space<vmem>>
        %dma_wait3A_71 = arith.constant 0 : i32
        %dma_wait3A_72 = tpu.memref_slice %arg11[%dma_wait3A_71] : memref<10240xf32, #tpu.memory_space<vmem_shared>> -> memref<10240xf32, #tpu.memory_space<vmem_shared>>
        tpu.wait_indirect_dma semaphore(%run_scoped3A : memref<!tpu.dma_semaphore, #tpu.memory_space<semaphore_mem>>) src(%arg8 : memref<128xf32, #tpu.memory_space<vmem>>) dst(%dma_wait3A_72 : memref<10240xf32, #tpu.memory_space<vmem_shared>>)
        tpu.yield
      }) : () -> ()
      %scan3A_64 = arith.constant 0 : i32
      scf.yield %scan3A_64 : i32
    }
    %scan3A_51 = arith.constant 80 : i32
    %barrier3A_52 = arith.constant 0 : index
    tpu.barrier barrier_id(%barrier3A_52)
    %mul3A_53 = arith.constant 10240 : i32
    %mul3A_54 = arith.muli %arg0, %mul3A_53 : i32
    %mul3A_55 = arith.constant 640 : i32
    %mul3A_56 = arith.muli %arg1, %mul3A_55 : i32
    %add3A_57 = arith.addi %mul3A_54, %mul3A_56 : i32
    %mul3A_58 = arith.constant 640 : i32
    %mul3A_59 = arith.muli %arg1, %mul3A_58 : i32
    "tpu.region"() ({
      %run_scoped3A = tpu.sem_alloc : memref<!tpu.dma_semaphore, #tpu.memory_space<semaphore_mem>>
      %dma_start3A = tpu.memref_slice %arg4[%add3A_57] : memref<20480xf32, #tpu.memory_space<hbm>> -> memref<640xf32, #tpu.memory_space<hbm>>
      %dma_start3A_62 = tpu.memref_slice %arg10[%mul3A_59] : memref<10240xf32, #tpu.memory_space<vmem_shared>> -> memref<640xf32, #tpu.memory_space<vmem_shared>>
      tpu.enqueue_dma source(%dma_start3A_62 : memref<640xf32, #tpu.memory_space<vmem_shared>>) target(%dma_start3A : memref<640xf32, #tpu.memory_space<hbm>>) target_semaphore(%run_scoped3A : memref<!tpu.dma_semaphore, #tpu.memory_space<semaphore_mem>>)
      %dma_wait3A = tpu.memref_slice %arg4[%add3A_57] : memref<20480xf32, #tpu.memory_space<hbm>> -> memref<640xf32, #tpu.memory_space<hbm>>
      %dma_wait3A_63 = tpu.memref_slice %arg10[%mul3A_59] : memref<10240xf32, #tpu.memory_space<vmem_shared>> -> memref<640xf32, #tpu.memory_space<vmem_shared>>
      tpu.wait_dma2 semaphore(%run_scoped3A : memref<!tpu.dma_semaphore, #tpu.memory_space<semaphore_mem>>) src(%dma_wait3A_63 : memref<640xf32, #tpu.memory_space<vmem_shared>>) dst(%dma_wait3A : memref<640xf32, #tpu.memory_space<hbm>>)
      tpu.yield
    }) : () -> ()
    %mul3A_60 = arith.constant 640 : i32
    %mul3A_61 = arith.muli %arg1, %mul3A_60 : i32
    "tpu.region"() ({
      %run_scoped3A = tpu.sem_alloc : memref<!tpu.dma_semaphore, #tpu.memory_space<semaphore_mem>>
      %dma_start3A = tpu.memref_slice %arg5[%add3A_57] : memref<20480xf32, #tpu.memory_space<hbm>> -> memref<640xf32, #tpu.memory_space<hbm>>
      %dma_start3A_62 = tpu.memref_slice %arg11[%mul3A_61] : memref<10240xf32, #tpu.memory_space<vmem_shared>> -> memref<640xf32, #tpu.memory_space<vmem_shared>>
      tpu.enqueue_dma source(%dma_start3A_62 : memref<640xf32, #tpu.memory_space<vmem_shared>>) target(%dma_start3A : memref<640xf32, #tpu.memory_space<hbm>>) target_semaphore(%run_scoped3A : memref<!tpu.dma_semaphore, #tpu.memory_space<semaphore_mem>>)
      %dma_wait3A = tpu.memref_slice %arg5[%add3A_57] : memref<20480xf32, #tpu.memory_space<hbm>> -> memref<640xf32, #tpu.memory_space<hbm>>
      %dma_wait3A_63 = tpu.memref_slice %arg11[%mul3A_61] : memref<10240xf32, #tpu.memory_space<vmem_shared>> -> memref<640xf32, #tpu.memory_space<vmem_shared>>
      tpu.wait_dma2 semaphore(%run_scoped3A : memref<!tpu.dma_semaphore, #tpu.memory_space<semaphore_mem>>) src(%dma_wait3A_63 : memref<640xf32, #tpu.memory_space<vmem_shared>>) dst(%dma_wait3A : memref<640xf32, #tpu.memory_space<hbm>>)
      tpu.yield
    }) : () -> ()
    return
  }
}

#map = affine_map<(d0, d1) -> (0, 0)>
#map1 = affine_map<(d0, d1) -> (0)>
module attributes {stable_mosaic.version = 14 : i64} {
  func.func @body(%arg0: i32, %arg1: i32, %arg2: memref<2560x128xi32, #tpu.memory_space<hbm>>, %arg3: memref<2560x128xi32, #tpu.memory_space<hbm>>, %arg4: memref<2560x128xf32, #tpu.memory_space<hbm>>, %arg5: memref<20480x64xf32, #tpu.memory_space<hbm>>, %arg6: memref<16x327680xf32, #tpu.memory_space<hbm>>, %arg7: memref<20480x64xf32, #tpu.memory_space<hbm>>, %arg8: memref<20480xf32, #tpu.memory_space<hbm>>, %arg9: memref<20480xf32, #tpu.memory_space<hbm>>, %arg10: memref<20480xf32, #tpu.memory_space<hbm>>, %arg11: memref<20480xf32, #tpu.memory_space<hbm>>, %arg12: memref<20480xf32, #tpu.memory_space<hbm>>, %arg13: memref<20480xf32, #tpu.memory_space<hbm>>, %arg14: memref<20480xf32, #tpu.memory_space<hbm>>, %arg15: memref<20480xf32, #tpu.memory_space<hbm>>, %arg16: memref<160x128xi32, #tpu.memory_space<vmem>>, %arg17: memref<160x128xi32, #tpu.memory_space<vmem>>, %arg18: memref<160x128xf32, #tpu.memory_space<vmem>>, %arg19: memref<128x64xf32, #tpu.memory_space<vmem>>, %arg20: memref<8x128xf32, #tpu.memory_space<vmem>>, %arg21: memref<640xf32, #tpu.memory_space<vmem>>, %arg22: memref<10240x64xf32, #tpu.memory_space<vmem_shared>>, %arg23: memref<10240xf32, #tpu.memory_space<vmem_shared>>, %arg24: memref<10240xf32, #tpu.memory_space<vmem_shared>>, %arg25: memref<10240xf32, #tpu.memory_space<vmem_shared>>, %arg26: memref<10240xf32, #tpu.memory_space<vmem_shared>>, %arg27: memref<10240xf32, #tpu.memory_space<vmem_shared>>, %arg28: memref<10240xf32, #tpu.memory_space<vmem_shared>>, %arg29: memref<10240xf32, #tpu.memory_space<vmem_shared>>, %arg30: memref<10240xf32, #tpu.memory_space<vmem_shared>>) attributes {dimension_semantics = [#tpu.dimension_semantics<core_parallel>, #tpu.dimension_semantics<subcore_parallel>], iteration_bounds = array<i64: 2, 16>, scalar_prefetch = 0 : i64, scratch_operands = 15 : i64, tpu.core_type = #tpu.core_type<sc_vector_subcore>, window_params = [{transform_indices = #map}, {transform_indices = #map}, {transform_indices = #map}, {transform_indices = #map}, {transform_indices = #map}, {transform_indices = #map}, {transform_indices = #map1}, {transform_indices = #map1}, {transform_indices = #map1}, {transform_indices = #map1}, {transform_indices = #map1}, {transform_indices = #map1}, {transform_indices = #map1}, {transform_indices = #map1}]} {
    %mul3A = arith.constant 160 : i32
    %mul3A_0 = arith.muli %arg1, %mul3A : i32
    "tpu.region"() ({
      %run_scoped3A = tpu.sem_alloc : memref<!tpu.dma_semaphore, #tpu.memory_space<semaphore_mem>>
      %dma_start3A = arith.constant 0 : i32
      %dma_start3A_95 = tpu.memref_slice %arg2[%mul3A_0, %dma_start3A] : memref<2560x128xi32, #tpu.memory_space<hbm>> -> memref<160x128xi32, #tpu.memory_space<hbm>>
      %dma_start3A_96 = arith.constant 0 : i32
      %dma_start3A_97 = tpu.memref_slice %arg2[%mul3A_0, %dma_start3A_96] : memref<2560x128xi32, #tpu.memory_space<hbm>> -> memref<160x128xi32, #tpu.memory_space<hbm>>
      tpu.enqueue_dma source(%dma_start3A_97 : memref<160x128xi32, #tpu.memory_space<hbm>>) target(%arg16 : memref<160x128xi32, #tpu.memory_space<vmem>>) target_semaphore(%run_scoped3A : memref<!tpu.dma_semaphore, #tpu.memory_space<semaphore_mem>>)
      %dma_wait3A = arith.constant 0 : i32
      %dma_wait3A_98 = tpu.memref_slice %arg2[%mul3A_0, %dma_wait3A] : memref<2560x128xi32, #tpu.memory_space<hbm>> -> memref<160x128xi32, #tpu.memory_space<hbm>>
      %dma_wait3A_99 = arith.constant 0 : i32
      %dma_wait3A_100 = tpu.memref_slice %arg2[%mul3A_0, %dma_wait3A_99] : memref<2560x128xi32, #tpu.memory_space<hbm>> -> memref<160x128xi32, #tpu.memory_space<hbm>>
      tpu.wait_dma2 semaphore(%run_scoped3A : memref<!tpu.dma_semaphore, #tpu.memory_space<semaphore_mem>>) src(%dma_wait3A_100 : memref<160x128xi32, #tpu.memory_space<hbm>>) dst(%arg16 : memref<160x128xi32, #tpu.memory_space<vmem>>)
      tpu.yield
    }) : () -> ()
    %mul3A_1 = arith.constant 160 : i32
    %mul3A_2 = arith.muli %arg1, %mul3A_1 : i32
    "tpu.region"() ({
      %run_scoped3A = tpu.sem_alloc : memref<!tpu.dma_semaphore, #tpu.memory_space<semaphore_mem>>
      %dma_start3A = arith.constant 0 : i32
      %dma_start3A_95 = tpu.memref_slice %arg3[%mul3A_2, %dma_start3A] : memref<2560x128xi32, #tpu.memory_space<hbm>> -> memref<160x128xi32, #tpu.memory_space<hbm>>
      %dma_start3A_96 = arith.constant 0 : i32
      %dma_start3A_97 = tpu.memref_slice %arg3[%mul3A_2, %dma_start3A_96] : memref<2560x128xi32, #tpu.memory_space<hbm>> -> memref<160x128xi32, #tpu.memory_space<hbm>>
      tpu.enqueue_dma source(%dma_start3A_97 : memref<160x128xi32, #tpu.memory_space<hbm>>) target(%arg17 : memref<160x128xi32, #tpu.memory_space<vmem>>) target_semaphore(%run_scoped3A : memref<!tpu.dma_semaphore, #tpu.memory_space<semaphore_mem>>)
      %dma_wait3A = arith.constant 0 : i32
      %dma_wait3A_98 = tpu.memref_slice %arg3[%mul3A_2, %dma_wait3A] : memref<2560x128xi32, #tpu.memory_space<hbm>> -> memref<160x128xi32, #tpu.memory_space<hbm>>
      %dma_wait3A_99 = arith.constant 0 : i32
      %dma_wait3A_100 = tpu.memref_slice %arg3[%mul3A_2, %dma_wait3A_99] : memref<2560x128xi32, #tpu.memory_space<hbm>> -> memref<160x128xi32, #tpu.memory_space<hbm>>
      tpu.wait_dma2 semaphore(%run_scoped3A : memref<!tpu.dma_semaphore, #tpu.memory_space<semaphore_mem>>) src(%dma_wait3A_100 : memref<160x128xi32, #tpu.memory_space<hbm>>) dst(%arg17 : memref<160x128xi32, #tpu.memory_space<vmem>>)
      tpu.yield
    }) : () -> ()
    %mul3A_3 = arith.constant 160 : i32
    %mul3A_4 = arith.muli %arg1, %mul3A_3 : i32
    "tpu.region"() ({
      %run_scoped3A = tpu.sem_alloc : memref<!tpu.dma_semaphore, #tpu.memory_space<semaphore_mem>>
      %dma_start3A = arith.constant 0 : i32
      %dma_start3A_95 = tpu.memref_slice %arg4[%mul3A_4, %dma_start3A] : memref<2560x128xf32, #tpu.memory_space<hbm>> -> memref<160x128xf32, #tpu.memory_space<hbm>>
      %dma_start3A_96 = arith.constant 0 : i32
      %dma_start3A_97 = tpu.memref_slice %arg4[%mul3A_4, %dma_start3A_96] : memref<2560x128xf32, #tpu.memory_space<hbm>> -> memref<160x128xf32, #tpu.memory_space<hbm>>
      tpu.enqueue_dma source(%dma_start3A_97 : memref<160x128xf32, #tpu.memory_space<hbm>>) target(%arg18 : memref<160x128xf32, #tpu.memory_space<vmem>>) target_semaphore(%run_scoped3A : memref<!tpu.dma_semaphore, #tpu.memory_space<semaphore_mem>>)
      %dma_wait3A = arith.constant 0 : i32
      %dma_wait3A_98 = tpu.memref_slice %arg4[%mul3A_4, %dma_wait3A] : memref<2560x128xf32, #tpu.memory_space<hbm>> -> memref<160x128xf32, #tpu.memory_space<hbm>>
      %dma_wait3A_99 = arith.constant 0 : i32
      %dma_wait3A_100 = tpu.memref_slice %arg4[%mul3A_4, %dma_wait3A_99] : memref<2560x128xf32, #tpu.memory_space<hbm>> -> memref<160x128xf32, #tpu.memory_space<hbm>>
      tpu.wait_dma2 semaphore(%run_scoped3A : memref<!tpu.dma_semaphore, #tpu.memory_space<semaphore_mem>>) src(%dma_wait3A_100 : memref<160x128xf32, #tpu.memory_space<hbm>>) dst(%arg18 : memref<160x128xf32, #tpu.memory_space<vmem>>)
      tpu.yield
    }) : () -> ()
    %mul3A_5 = arith.constant 10240 : i32
    %mul3A_6 = arith.muli %arg0, %mul3A_5 : i32
    %broadcast_in_dim3A = vector.broadcast %mul3A_6 : i32 to vector<16xi32>
    %scan3A = arith.constant 0 : i32
    %scan3A_7 = arith.constant 0 : i32
    %scan3A_8 = arith.constant 160 : i32
    %scan3A_9 = arith.addi %scan3A_7, %scan3A_8 : i32
    %scan3A_10 = arith.constant 1 : i32
    %scan3A_11 = scf.for %scan3A_95 = %scan3A_7 to %scan3A_9 step %scan3A_10 iter_args(%scan3A_96 = %scan3A) -> (i32)  : i32 {
      %get3A = arith.index_cast %scan3A_95 : i32 to index
      %get3A_97 = arith.constant 0 : index
      %get3A_98 = tpu.vector_load %arg16[%get3A, %get3A_97] {strides = array<i32>} : memref<160x128xi32, #tpu.memory_space<vmem>>, vector<16xi32>,
      %add3A_99 = arith.addi %get3A_98, %broadcast_in_dim3A : vector<16xi32>
      %swap3A = arith.index_cast %scan3A_95 : i32 to index
      %swap3A_100 = arith.constant 0 : index
      %swap3A_101 = tpu.vector_load %arg16[%swap3A, %swap3A_100] {strides = array<i32>} : memref<160x128xi32, #tpu.memory_space<vmem>>, vector<16xi32>,
      tpu.vector_store %arg16[%swap3A, %swap3A_100], %add3A_99 {strides = array<i32>} : memref<160x128xi32, #tpu.memory_space<vmem>>, vector<16xi32>,
      %get3A_102 = arith.index_cast %scan3A_95 : i32 to index
      %get3A_103 = arith.constant 16 : index
      %get3A_104 = tpu.vector_load %arg16[%get3A_102, %get3A_103] {strides = array<i32>} : memref<160x128xi32, #tpu.memory_space<vmem>>, vector<16xi32>,
      %add3A_105 = arith.addi %get3A_104, %broadcast_in_dim3A : vector<16xi32>
      %swap3A_106 = arith.index_cast %scan3A_95 : i32 to index
      %swap3A_107 = arith.constant 16 : index
      %swap3A_108 = tpu.vector_load %arg16[%swap3A_106, %swap3A_107] {strides = array<i32>} : memref<160x128xi32, #tpu.memory_space<vmem>>, vector<16xi32>,
      tpu.vector_store %arg16[%swap3A_106, %swap3A_107], %add3A_105 {strides = array<i32>} : memref<160x128xi32, #tpu.memory_space<vmem>>, vector<16xi32>,
      %get3A_109 = arith.index_cast %scan3A_95 : i32 to index
      %get3A_110 = arith.constant 32 : index
      %get3A_111 = tpu.vector_load %arg16[%get3A_109, %get3A_110] {strides = array<i32>} : memref<160x128xi32, #tpu.memory_space<vmem>>, vector<16xi32>,
      %add3A_112 = arith.addi %get3A_111, %broadcast_in_dim3A : vector<16xi32>
      %swap3A_113 = arith.index_cast %scan3A_95 : i32 to index
      %swap3A_114 = arith.constant 32 : index
      %swap3A_115 = tpu.vector_load %arg16[%swap3A_113, %swap3A_114] {strides = array<i32>} : memref<160x128xi32, #tpu.memory_space<vmem>>, vector<16xi32>,
      tpu.vector_store %arg16[%swap3A_113, %swap3A_114], %add3A_112 {strides = array<i32>} : memref<160x128xi32, #tpu.memory_space<vmem>>, vector<16xi32>,
      %get3A_116 = arith.index_cast %scan3A_95 : i32 to index
      %get3A_117 = arith.constant 48 : index
      %get3A_118 = tpu.vector_load %arg16[%get3A_116, %get3A_117] {strides = array<i32>} : memref<160x128xi32, #tpu.memory_space<vmem>>, vector<16xi32>,
      %add3A_119 = arith.addi %get3A_118, %broadcast_in_dim3A : vector<16xi32>
      %swap3A_120 = arith.index_cast %scan3A_95 : i32 to index
      %swap3A_121 = arith.constant 48 : index
      %swap3A_122 = tpu.vector_load %arg16[%swap3A_120, %swap3A_121] {strides = array<i32>} : memref<160x128xi32, #tpu.memory_space<vmem>>, vector<16xi32>,
      tpu.vector_store %arg16[%swap3A_120, %swap3A_121], %add3A_119 {strides = array<i32>} : memref<160x128xi32, #tpu.memory_space<vmem>>, vector<16xi32>,
      %get3A_123 = arith.index_cast %scan3A_95 : i32 to index
      %get3A_124 = arith.constant 64 : index
      %get3A_125 = tpu.vector_load %arg16[%get3A_123, %get3A_124] {strides = array<i32>} : memref<160x128xi32, #tpu.memory_space<vmem>>, vector<16xi32>,
      %add3A_126 = arith.addi %get3A_125, %broadcast_in_dim3A : vector<16xi32>
      %swap3A_127 = arith.index_cast %scan3A_95 : i32 to index
      %swap3A_128 = arith.constant 64 : index
      %swap3A_129 = tpu.vector_load %arg16[%swap3A_127, %swap3A_128] {strides = array<i32>} : memref<160x128xi32, #tpu.memory_space<vmem>>, vector<16xi32>,
      tpu.vector_store %arg16[%swap3A_127, %swap3A_128], %add3A_126 {strides = array<i32>} : memref<160x128xi32, #tpu.memory_space<vmem>>, vector<16xi32>,
      %get3A_130 = arith.index_cast %scan3A_95 : i32 to index
      %get3A_131 = arith.constant 80 : index
      %get3A_132 = tpu.vector_load %arg16[%get3A_130, %get3A_131] {strides = array<i32>} : memref<160x128xi32, #tpu.memory_space<vmem>>, vector<16xi32>,
      %add3A_133 = arith.addi %get3A_132, %broadcast_in_dim3A : vector<16xi32>
      %swap3A_134 = arith.index_cast %scan3A_95 : i32 to index
      %swap3A_135 = arith.constant 80 : index
      %swap3A_136 = tpu.vector_load %arg16[%swap3A_134, %swap3A_135] {strides = array<i32>} : memref<160x128xi32, #tpu.memory_space<vmem>>, vector<16xi32>,
      tpu.vector_store %arg16[%swap3A_134, %swap3A_135], %add3A_133 {strides = array<i32>} : memref<160x128xi32, #tpu.memory_space<vmem>>, vector<16xi32>,
      %get3A_137 = arith.index_cast %scan3A_95 : i32 to index
      %get3A_138 = arith.constant 96 : index
      %get3A_139 = tpu.vector_load %arg16[%get3A_137, %get3A_138] {strides = array<i32>} : memref<160x128xi32, #tpu.memory_space<vmem>>, vector<16xi32>,
      %add3A_140 = arith.addi %get3A_139, %broadcast_in_dim3A : vector<16xi32>
      %swap3A_141 = arith.index_cast %scan3A_95 : i32 to index
      %swap3A_142 = arith.constant 96 : index
      %swap3A_143 = tpu.vector_load %arg16[%swap3A_141, %swap3A_142] {strides = array<i32>} : memref<160x128xi32, #tpu.memory_space<vmem>>, vector<16xi32>,
      tpu.vector_store %arg16[%swap3A_141, %swap3A_142], %add3A_140 {strides = array<i32>} : memref<160x128xi32, #tpu.memory_space<vmem>>, vector<16xi32>,
      %get3A_144 = arith.index_cast %scan3A_95 : i32 to index
      %get3A_145 = arith.constant 112 : index
      %get3A_146 = tpu.vector_load %arg16[%get3A_144, %get3A_145] {strides = array<i32>} : memref<160x128xi32, #tpu.memory_space<vmem>>, vector<16xi32>,
      %add3A_147 = arith.addi %get3A_146, %broadcast_in_dim3A : vector<16xi32>
      %swap3A_148 = arith.index_cast %scan3A_95 : i32 to index
      %swap3A_149 = arith.constant 112 : index
      %swap3A_150 = tpu.vector_load %arg16[%swap3A_148, %swap3A_149] {strides = array<i32>} : memref<160x128xi32, #tpu.memory_space<vmem>>, vector<16xi32>,
      tpu.vector_store %arg16[%swap3A_148, %swap3A_149], %add3A_147 {strides = array<i32>} : memref<160x128xi32, #tpu.memory_space<vmem>>, vector<16xi32>,
      %scan3A_151 = arith.constant 0 : i32
      scf.yield %scan3A_151 : i32
    }
    %scan3A_12 = arith.constant 160 : i32
    %scan3A_13 = arith.constant 0 : i32
    %scan3A_14 = arith.constant 0 : i32
    %scan3A_15 = arith.constant 128 : i32
    %scan3A_16 = arith.addi %scan3A_14, %scan3A_15 : i32
    %scan3A_17 = arith.constant 1 : i32
    %scan3A_18 = scf.for %scan3A_95 = %scan3A_14 to %scan3A_16 step %scan3A_17 iter_args(%scan3A_96 = %scan3A_13) -> (i32)  : i32 {
      %broadcast_in_dim3A_97 = arith.constant 0.000000e+00 : f32
      %broadcast_in_dim3A_98 = vector.broadcast %broadcast_in_dim3A_97 : f32 to vector<16xf32>
      %swap3A = arith.index_cast %scan3A_95 : i32 to index
      %swap3A_99 = arith.constant 0 : index
      %swap3A_100 = tpu.vector_load %arg19[%swap3A, %swap3A_99] {strides = array<i32>} : memref<128x64xf32, #tpu.memory_space<vmem>>, vector<16xf32>,
      tpu.vector_store %arg19[%swap3A, %swap3A_99], %broadcast_in_dim3A_98 {strides = array<i32>} : memref<128x64xf32, #tpu.memory_space<vmem>>, vector<16xf32>,
      %broadcast_in_dim3A_101 = arith.constant 0.000000e+00 : f32
      %broadcast_in_dim3A_102 = vector.broadcast %broadcast_in_dim3A_101 : f32 to vector<16xf32>
      %swap3A_103 = arith.index_cast %scan3A_95 : i32 to index
      %swap3A_104 = arith.constant 16 : index
      %swap3A_105 = tpu.vector_load %arg19[%swap3A_103, %swap3A_104] {strides = array<i32>} : memref<128x64xf32, #tpu.memory_space<vmem>>, vector<16xf32>,
      tpu.vector_store %arg19[%swap3A_103, %swap3A_104], %broadcast_in_dim3A_102 {strides = array<i32>} : memref<128x64xf32, #tpu.memory_space<vmem>>, vector<16xf32>,
      %broadcast_in_dim3A_106 = arith.constant 0.000000e+00 : f32
      %broadcast_in_dim3A_107 = vector.broadcast %broadcast_in_dim3A_106 : f32 to vector<16xf32>
      %swap3A_108 = arith.index_cast %scan3A_95 : i32 to index
      %swap3A_109 = arith.constant 32 : index
      %swap3A_110 = tpu.vector_load %arg19[%swap3A_108, %swap3A_109] {strides = array<i32>} : memref<128x64xf32, #tpu.memory_space<vmem>>, vector<16xf32>,
      tpu.vector_store %arg19[%swap3A_108, %swap3A_109], %broadcast_in_dim3A_107 {strides = array<i32>} : memref<128x64xf32, #tpu.memory_space<vmem>>, vector<16xf32>,
      %broadcast_in_dim3A_111 = arith.constant 0.000000e+00 : f32
      %broadcast_in_dim3A_112 = vector.broadcast %broadcast_in_dim3A_111 : f32 to vector<16xf32>
      %swap3A_113 = arith.index_cast %scan3A_95 : i32 to index
      %swap3A_114 = arith.constant 48 : index
      %swap3A_115 = tpu.vector_load %arg19[%swap3A_113, %swap3A_114] {strides = array<i32>} : memref<128x64xf32, #tpu.memory_space<vmem>>, vector<16xf32>,
      tpu.vector_store %arg19[%swap3A_113, %swap3A_114], %broadcast_in_dim3A_112 {strides = array<i32>} : memref<128x64xf32, #tpu.memory_space<vmem>>, vector<16xf32>,
      %scan3A_116 = arith.constant 0 : i32
      scf.yield %scan3A_116 : i32
    }
    %scan3A_19 = arith.constant 128 : i32
    %scan3A_20 = arith.constant 0 : i32
    %scan3A_21 = arith.constant 0 : i32
    %scan3A_22 = arith.constant 40 : i32
    %scan3A_23 = arith.addi %scan3A_21, %scan3A_22 : i32
    %scan3A_24 = arith.constant 1 : i32
    %scan3A_25 = scf.for %scan3A_95 = %scan3A_21 to %scan3A_23 step %scan3A_24 iter_args(%scan3A_96 = %scan3A_20) -> (i32)  : i32 {
      %broadcast_in_dim3A_97 = arith.constant 0.000000e+00 : f32
      %broadcast_in_dim3A_98 = vector.broadcast %broadcast_in_dim3A_97 : f32 to vector<16xf32>
      %mul3A_99 = arith.constant 16 : i32
      %mul3A_100 = arith.muli %scan3A_95, %mul3A_99 : i32
      %swap3A = arith.index_cast %mul3A_100 : i32 to index
      %swap3A_101 = tpu.vector_load %arg21[%swap3A] {strides = array<i32>} : memref<640xf32, #tpu.memory_space<vmem>>, vector<16xf32>,
      tpu.vector_store %arg21[%swap3A], %broadcast_in_dim3A_98 {strides = array<i32>} : memref<640xf32, #tpu.memory_space<vmem>>, vector<16xf32>,
      %scan3A_102 = arith.constant 0 : i32
      scf.yield %scan3A_102 : i32
    }
    %scan3A_26 = arith.constant 40 : i32
    %mul3A_27 = arith.constant 640 : i32
    %mul3A_28 = arith.muli %arg1, %mul3A_27 : i32
    %add3A = arith.constant 0 : i32
    %add3A_29 = arith.addi %mul3A_28, %add3A : i32
    "tpu.region"() ({
      %run_scoped3A = tpu.sem_alloc : memref<!tpu.dma_semaphore, #tpu.memory_space<semaphore_mem>>
      %dma_start3A = arith.constant 0 : i32
      %dma_start3A_95 = tpu.memref_slice %arg22[%add3A_29, %dma_start3A] : memref<10240x64xf32, #tpu.memory_space<vmem_shared>> -> memref<128x64xf32, #tpu.memory_space<vmem_shared>>
      %dma_start3A_96 = arith.constant 0 : i32
      %dma_start3A_97 = tpu.memref_slice %arg22[%add3A_29, %dma_start3A_96] : memref<10240x64xf32, #tpu.memory_space<vmem_shared>> -> memref<128x64xf32, #tpu.memory_space<vmem_shared>>
      tpu.enqueue_dma source(%arg19 : memref<128x64xf32, #tpu.memory_space<vmem>>) target(%dma_start3A_97 : memref<128x64xf32, #tpu.memory_space<vmem_shared>>) target_semaphore(%run_scoped3A : memref<!tpu.dma_semaphore, #tpu.memory_space<semaphore_mem>>)
      %dma_wait3A = arith.constant 0 : i32
      %dma_wait3A_98 = tpu.memref_slice %arg22[%add3A_29, %dma_wait3A] : memref<10240x64xf32, #tpu.memory_space<vmem_shared>> -> memref<128x64xf32, #tpu.memory_space<vmem_shared>>
      %dma_wait3A_99 = arith.constant 0 : i32
      %dma_wait3A_100 = tpu.memref_slice %arg22[%add3A_29, %dma_wait3A_99] : memref<10240x64xf32, #tpu.memory_space<vmem_shared>> -> memref<128x64xf32, #tpu.memory_space<vmem_shared>>
      tpu.wait_dma2 semaphore(%run_scoped3A : memref<!tpu.dma_semaphore, #tpu.memory_space<semaphore_mem>>) src(%arg19 : memref<128x64xf32, #tpu.memory_space<vmem>>) dst(%dma_wait3A_100 : memref<128x64xf32, #tpu.memory_space<vmem_shared>>)
      tpu.yield
    }) : () -> ()
    %mul3A_30 = arith.constant 640 : i32
    %mul3A_31 = arith.muli %arg1, %mul3A_30 : i32
    %add3A_32 = arith.constant 128 : i32
    %add3A_33 = arith.addi %mul3A_31, %add3A_32 : i32
    "tpu.region"() ({
      %run_scoped3A = tpu.sem_alloc : memref<!tpu.dma_semaphore, #tpu.memory_space<semaphore_mem>>
      %dma_start3A = arith.constant 0 : i32
      %dma_start3A_95 = tpu.memref_slice %arg22[%add3A_33, %dma_start3A] : memref<10240x64xf32, #tpu.memory_space<vmem_shared>> -> memref<128x64xf32, #tpu.memory_space<vmem_shared>>
      %dma_start3A_96 = arith.constant 0 : i32
      %dma_start3A_97 = tpu.memref_slice %arg22[%add3A_33, %dma_start3A_96] : memref<10240x64xf32, #tpu.memory_space<vmem_shared>> -> memref<128x64xf32, #tpu.memory_space<vmem_shared>>
      tpu.enqueue_dma source(%arg19 : memref<128x64xf32, #tpu.memory_space<vmem>>) target(%dma_start3A_97 : memref<128x64xf32, #tpu.memory_space<vmem_shared>>) target_semaphore(%run_scoped3A : memref<!tpu.dma_semaphore, #tpu.memory_space<semaphore_mem>>)
      %dma_wait3A = arith.constant 0 : i32
      %dma_wait3A_98 = tpu.memref_slice %arg22[%add3A_33, %dma_wait3A] : memref<10240x64xf32, #tpu.memory_space<vmem_shared>> -> memref<128x64xf32, #tpu.memory_space<vmem_shared>>
      %dma_wait3A_99 = arith.constant 0 : i32
      %dma_wait3A_100 = tpu.memref_slice %arg22[%add3A_33, %dma_wait3A_99] : memref<10240x64xf32, #tpu.memory_space<vmem_shared>> -> memref<128x64xf32, #tpu.memory_space<vmem_shared>>
      tpu.wait_dma2 semaphore(%run_scoped3A : memref<!tpu.dma_semaphore, #tpu.memory_space<semaphore_mem>>) src(%arg19 : memref<128x64xf32, #tpu.memory_space<vmem>>) dst(%dma_wait3A_100 : memref<128x64xf32, #tpu.memory_space<vmem_shared>>)
      tpu.yield
    }) : () -> ()
    %mul3A_34 = arith.constant 640 : i32
    %mul3A_35 = arith.muli %arg1, %mul3A_34 : i32
    %add3A_36 = arith.constant 256 : i32
    %add3A_37 = arith.addi %mul3A_35, %add3A_36 : i32
    "tpu.region"() ({
      %run_scoped3A = tpu.sem_alloc : memref<!tpu.dma_semaphore, #tpu.memory_space<semaphore_mem>>
      %dma_start3A = arith.constant 0 : i32
      %dma_start3A_95 = tpu.memref_slice %arg22[%add3A_37, %dma_start3A] : memref<10240x64xf32, #tpu.memory_space<vmem_shared>> -> memref<128x64xf32, #tpu.memory_space<vmem_shared>>
      %dma_start3A_96 = arith.constant 0 : i32
      %dma_start3A_97 = tpu.memref_slice %arg22[%add3A_37, %dma_start3A_96] : memref<10240x64xf32, #tpu.memory_space<vmem_shared>> -> memref<128x64xf32, #tpu.memory_space<vmem_shared>>
      tpu.enqueue_dma source(%arg19 : memref<128x64xf32, #tpu.memory_space<vmem>>) target(%dma_start3A_97 : memref<128x64xf32, #tpu.memory_space<vmem_shared>>) target_semaphore(%run_scoped3A : memref<!tpu.dma_semaphore, #tpu.memory_space<semaphore_mem>>)
      %dma_wait3A = arith.constant 0 : i32
      %dma_wait3A_98 = tpu.memref_slice %arg22[%add3A_37, %dma_wait3A] : memref<10240x64xf32, #tpu.memory_space<vmem_shared>> -> memref<128x64xf32, #tpu.memory_space<vmem_shared>>
      %dma_wait3A_99 = arith.constant 0 : i32
      %dma_wait3A_100 = tpu.memref_slice %arg22[%add3A_37, %dma_wait3A_99] : memref<10240x64xf32, #tpu.memory_space<vmem_shared>> -> memref<128x64xf32, #tpu.memory_space<vmem_shared>>
      tpu.wait_dma2 semaphore(%run_scoped3A : memref<!tpu.dma_semaphore, #tpu.memory_space<semaphore_mem>>) src(%arg19 : memref<128x64xf32, #tpu.memory_space<vmem>>) dst(%dma_wait3A_100 : memref<128x64xf32, #tpu.memory_space<vmem_shared>>)
      tpu.yield
    }) : () -> ()
    %mul3A_38 = arith.constant 640 : i32
    %mul3A_39 = arith.muli %arg1, %mul3A_38 : i32
    %add3A_40 = arith.constant 384 : i32
    %add3A_41 = arith.addi %mul3A_39, %add3A_40 : i32
    "tpu.region"() ({
      %run_scoped3A = tpu.sem_alloc : memref<!tpu.dma_semaphore, #tpu.memory_space<semaphore_mem>>
      %dma_start3A = arith.constant 0 : i32
      %dma_start3A_95 = tpu.memref_slice %arg22[%add3A_41, %dma_start3A] : memref<10240x64xf32, #tpu.memory_space<vmem_shared>> -> memref<128x64xf32, #tpu.memory_space<vmem_shared>>
      %dma_start3A_96 = arith.constant 0 : i32
      %dma_start3A_97 = tpu.memref_slice %arg22[%add3A_41, %dma_start3A_96] : memref<10240x64xf32, #tpu.memory_space<vmem_shared>> -> memref<128x64xf32, #tpu.memory_space<vmem_shared>>
      tpu.enqueue_dma source(%arg19 : memref<128x64xf32, #tpu.memory_space<vmem>>) target(%dma_start3A_97 : memref<128x64xf32, #tpu.memory_space<vmem_shared>>) target_semaphore(%run_scoped3A : memref<!tpu.dma_semaphore, #tpu.memory_space<semaphore_mem>>)
      %dma_wait3A = arith.constant 0 : i32
      %dma_wait3A_98 = tpu.memref_slice %arg22[%add3A_41, %dma_wait3A] : memref<10240x64xf32, #tpu.memory_space<vmem_shared>> -> memref<128x64xf32, #tpu.memory_space<vmem_shared>>
      %dma_wait3A_99 = arith.constant 0 : i32
      %dma_wait3A_100 = tpu.memref_slice %arg22[%add3A_41, %dma_wait3A_99] : memref<10240x64xf32, #tpu.memory_space<vmem_shared>> -> memref<128x64xf32, #tpu.memory_space<vmem_shared>>
      tpu.wait_dma2 semaphore(%run_scoped3A : memref<!tpu.dma_semaphore, #tpu.memory_space<semaphore_mem>>) src(%arg19 : memref<128x64xf32, #tpu.memory_space<vmem>>) dst(%dma_wait3A_100 : memref<128x64xf32, #tpu.memory_space<vmem_shared>>)
      tpu.yield
    }) : () -> ()
    %mul3A_42 = arith.constant 640 : i32
    %mul3A_43 = arith.muli %arg1, %mul3A_42 : i32
    %add3A_44 = arith.constant 512 : i32
    %add3A_45 = arith.addi %mul3A_43, %add3A_44 : i32
    "tpu.region"() ({
      %run_scoped3A = tpu.sem_alloc : memref<!tpu.dma_semaphore, #tpu.memory_space<semaphore_mem>>
      %dma_start3A = arith.constant 0 : i32
      %dma_start3A_95 = tpu.memref_slice %arg22[%add3A_45, %dma_start3A] : memref<10240x64xf32, #tpu.memory_space<vmem_shared>> -> memref<128x64xf32, #tpu.memory_space<vmem_shared>>
      %dma_start3A_96 = arith.constant 0 : i32
      %dma_start3A_97 = tpu.memref_slice %arg22[%add3A_45, %dma_start3A_96] : memref<10240x64xf32, #tpu.memory_space<vmem_shared>> -> memref<128x64xf32, #tpu.memory_space<vmem_shared>>
      tpu.enqueue_dma source(%arg19 : memref<128x64xf32, #tpu.memory_space<vmem>>) target(%dma_start3A_97 : memref<128x64xf32, #tpu.memory_space<vmem_shared>>) target_semaphore(%run_scoped3A : memref<!tpu.dma_semaphore, #tpu.memory_space<semaphore_mem>>)
      %dma_wait3A = arith.constant 0 : i32
      %dma_wait3A_98 = tpu.memref_slice %arg22[%add3A_45, %dma_wait3A] : memref<10240x64xf32, #tpu.memory_space<vmem_shared>> -> memref<128x64xf32, #tpu.memory_space<vmem_shared>>
      %dma_wait3A_99 = arith.constant 0 : i32
      %dma_wait3A_100 = tpu.memref_slice %arg22[%add3A_45, %dma_wait3A_99] : memref<10240x64xf32, #tpu.memory_space<vmem_shared>> -> memref<128x64xf32, #tpu.memory_space<vmem_shared>>
      tpu.wait_dma2 semaphore(%run_scoped3A : memref<!tpu.dma_semaphore, #tpu.memory_space<semaphore_mem>>) src(%arg19 : memref<128x64xf32, #tpu.memory_space<vmem>>) dst(%dma_wait3A_100 : memref<128x64xf32, #tpu.memory_space<vmem_shared>>)
      tpu.yield
    }) : () -> ()
    %mul3A_46 = arith.constant 640 : i32
    %mul3A_47 = arith.muli %arg1, %mul3A_46 : i32
    "tpu.region"() ({
      %run_scoped3A = tpu.sem_alloc : memref<!tpu.dma_semaphore, #tpu.memory_space<semaphore_mem>>
      %dma_start3A = tpu.memref_slice %arg23[%mul3A_47] : memref<10240xf32, #tpu.memory_space<vmem_shared>> -> memref<640xf32, #tpu.memory_space<vmem_shared>>
      %dma_start3A_95 = tpu.memref_slice %arg23[%mul3A_47] : memref<10240xf32, #tpu.memory_space<vmem_shared>> -> memref<640xf32, #tpu.memory_space<vmem_shared>>
      tpu.enqueue_dma source(%arg21 : memref<640xf32, #tpu.memory_space<vmem>>) target(%dma_start3A_95 : memref<640xf32, #tpu.memory_space<vmem_shared>>) target_semaphore(%run_scoped3A : memref<!tpu.dma_semaphore, #tpu.memory_space<semaphore_mem>>)
      %dma_wait3A = tpu.memref_slice %arg23[%mul3A_47] : memref<10240xf32, #tpu.memory_space<vmem_shared>> -> memref<640xf32, #tpu.memory_space<vmem_shared>>
      %dma_wait3A_96 = tpu.memref_slice %arg23[%mul3A_47] : memref<10240xf32, #tpu.memory_space<vmem_shared>> -> memref<640xf32, #tpu.memory_space<vmem_shared>>
      tpu.wait_dma2 semaphore(%run_scoped3A : memref<!tpu.dma_semaphore, #tpu.memory_space<semaphore_mem>>) src(%arg21 : memref<640xf32, #tpu.memory_space<vmem>>) dst(%dma_wait3A_96 : memref<640xf32, #tpu.memory_space<vmem_shared>>)
      tpu.yield
    }) : () -> ()
    %mul3A_48 = arith.constant 640 : i32
    %mul3A_49 = arith.muli %arg1, %mul3A_48 : i32
    "tpu.region"() ({
      %run_scoped3A = tpu.sem_alloc : memref<!tpu.dma_semaphore, #tpu.memory_space<semaphore_mem>>
      %dma_start3A = tpu.memref_slice %arg24[%mul3A_49] : memref<10240xf32, #tpu.memory_space<vmem_shared>> -> memref<640xf32, #tpu.memory_space<vmem_shared>>
      %dma_start3A_95 = tpu.memref_slice %arg24[%mul3A_49] : memref<10240xf32, #tpu.memory_space<vmem_shared>> -> memref<640xf32, #tpu.memory_space<vmem_shared>>
      tpu.enqueue_dma source(%arg21 : memref<640xf32, #tpu.memory_space<vmem>>) target(%dma_start3A_95 : memref<640xf32, #tpu.memory_space<vmem_shared>>) target_semaphore(%run_scoped3A : memref<!tpu.dma_semaphore, #tpu.memory_space<semaphore_mem>>)
      %dma_wait3A = tpu.memref_slice %arg24[%mul3A_49] : memref<10240xf32, #tpu.memory_space<vmem_shared>> -> memref<640xf32, #tpu.memory_space<vmem_shared>>
      %dma_wait3A_96 = tpu.memref_slice %arg24[%mul3A_49] : memref<10240xf32, #tpu.memory_space<vmem_shared>> -> memref<640xf32, #tpu.memory_space<vmem_shared>>
      tpu.wait_dma2 semaphore(%run_scoped3A : memref<!tpu.dma_semaphore, #tpu.memory_space<semaphore_mem>>) src(%arg21 : memref<640xf32, #tpu.memory_space<vmem>>) dst(%dma_wait3A_96 : memref<640xf32, #tpu.memory_space<vmem_shared>>)
      tpu.yield
    }) : () -> ()
    %mul3A_50 = arith.constant 640 : i32
    %mul3A_51 = arith.muli %arg1, %mul3A_50 : i32
    "tpu.region"() ({
      %run_scoped3A = tpu.sem_alloc : memref<!tpu.dma_semaphore, #tpu.memory_space<semaphore_mem>>
      %dma_start3A = tpu.memref_slice %arg25[%mul3A_51] : memref<10240xf32, #tpu.memory_space<vmem_shared>> -> memref<640xf32, #tpu.memory_space<vmem_shared>>
      %dma_start3A_95 = tpu.memref_slice %arg25[%mul3A_51] : memref<10240xf32, #tpu.memory_space<vmem_shared>> -> memref<640xf32, #tpu.memory_space<vmem_shared>>
      tpu.enqueue_dma source(%arg21 : memref<640xf32, #tpu.memory_space<vmem>>) target(%dma_start3A_95 : memref<640xf32, #tpu.memory_space<vmem_shared>>) target_semaphore(%run_scoped3A : memref<!tpu.dma_semaphore, #tpu.memory_space<semaphore_mem>>)
      %dma_wait3A = tpu.memref_slice %arg25[%mul3A_51] : memref<10240xf32, #tpu.memory_space<vmem_shared>> -> memref<640xf32, #tpu.memory_space<vmem_shared>>
      %dma_wait3A_96 = tpu.memref_slice %arg25[%mul3A_51] : memref<10240xf32, #tpu.memory_space<vmem_shared>> -> memref<640xf32, #tpu.memory_space<vmem_shared>>
      tpu.wait_dma2 semaphore(%run_scoped3A : memref<!tpu.dma_semaphore, #tpu.memory_space<semaphore_mem>>) src(%arg21 : memref<640xf32, #tpu.memory_space<vmem>>) dst(%dma_wait3A_96 : memref<640xf32, #tpu.memory_space<vmem_shared>>)
      tpu.yield
    }) : () -> ()
    %mul3A_52 = arith.constant 640 : i32
    %mul3A_53 = arith.muli %arg1, %mul3A_52 : i32
    "tpu.region"() ({
      %run_scoped3A = tpu.sem_alloc : memref<!tpu.dma_semaphore, #tpu.memory_space<semaphore_mem>>
      %dma_start3A = tpu.memref_slice %arg26[%mul3A_53] : memref<10240xf32, #tpu.memory_space<vmem_shared>> -> memref<640xf32, #tpu.memory_space<vmem_shared>>
      %dma_start3A_95 = tpu.memref_slice %arg26[%mul3A_53] : memref<10240xf32, #tpu.memory_space<vmem_shared>> -> memref<640xf32, #tpu.memory_space<vmem_shared>>
      tpu.enqueue_dma source(%arg21 : memref<640xf32, #tpu.memory_space<vmem>>) target(%dma_start3A_95 : memref<640xf32, #tpu.memory_space<vmem_shared>>) target_semaphore(%run_scoped3A : memref<!tpu.dma_semaphore, #tpu.memory_space<semaphore_mem>>)
      %dma_wait3A = tpu.memref_slice %arg26[%mul3A_53] : memref<10240xf32, #tpu.memory_space<vmem_shared>> -> memref<640xf32, #tpu.memory_space<vmem_shared>>
      %dma_wait3A_96 = tpu.memref_slice %arg26[%mul3A_53] : memref<10240xf32, #tpu.memory_space<vmem_shared>> -> memref<640xf32, #tpu.memory_space<vmem_shared>>
      tpu.wait_dma2 semaphore(%run_scoped3A : memref<!tpu.dma_semaphore, #tpu.memory_space<semaphore_mem>>) src(%arg21 : memref<640xf32, #tpu.memory_space<vmem>>) dst(%dma_wait3A_96 : memref<640xf32, #tpu.memory_space<vmem_shared>>)
      tpu.yield
    }) : () -> ()
    %mul3A_54 = arith.constant 640 : i32
    %mul3A_55 = arith.muli %arg1, %mul3A_54 : i32
    "tpu.region"() ({
      %run_scoped3A = tpu.sem_alloc : memref<!tpu.dma_semaphore, #tpu.memory_space<semaphore_mem>>
      %dma_start3A = tpu.memref_slice %arg27[%mul3A_55] : memref<10240xf32, #tpu.memory_space<vmem_shared>> -> memref<640xf32, #tpu.memory_space<vmem_shared>>
      %dma_start3A_95 = tpu.memref_slice %arg27[%mul3A_55] : memref<10240xf32, #tpu.memory_space<vmem_shared>> -> memref<640xf32, #tpu.memory_space<vmem_shared>>
      tpu.enqueue_dma source(%arg21 : memref<640xf32, #tpu.memory_space<vmem>>) target(%dma_start3A_95 : memref<640xf32, #tpu.memory_space<vmem_shared>>) target_semaphore(%run_scoped3A : memref<!tpu.dma_semaphore, #tpu.memory_space<semaphore_mem>>)
      %dma_wait3A = tpu.memref_slice %arg27[%mul3A_55] : memref<10240xf32, #tpu.memory_space<vmem_shared>> -> memref<640xf32, #tpu.memory_space<vmem_shared>>
      %dma_wait3A_96 = tpu.memref_slice %arg27[%mul3A_55] : memref<10240xf32, #tpu.memory_space<vmem_shared>> -> memref<640xf32, #tpu.memory_space<vmem_shared>>
      tpu.wait_dma2 semaphore(%run_scoped3A : memref<!tpu.dma_semaphore, #tpu.memory_space<semaphore_mem>>) src(%arg21 : memref<640xf32, #tpu.memory_space<vmem>>) dst(%dma_wait3A_96 : memref<640xf32, #tpu.memory_space<vmem_shared>>)
      tpu.yield
    }) : () -> ()
    %mul3A_56 = arith.constant 640 : i32
    %mul3A_57 = arith.muli %arg1, %mul3A_56 : i32
    "tpu.region"() ({
      %run_scoped3A = tpu.sem_alloc : memref<!tpu.dma_semaphore, #tpu.memory_space<semaphore_mem>>
      %dma_start3A = tpu.memref_slice %arg28[%mul3A_57] : memref<10240xf32, #tpu.memory_space<vmem_shared>> -> memref<640xf32, #tpu.memory_space<vmem_shared>>
      %dma_start3A_95 = tpu.memref_slice %arg28[%mul3A_57] : memref<10240xf32, #tpu.memory_space<vmem_shared>> -> memref<640xf32, #tpu.memory_space<vmem_shared>>
      tpu.enqueue_dma source(%arg21 : memref<640xf32, #tpu.memory_space<vmem>>) target(%dma_start3A_95 : memref<640xf32, #tpu.memory_space<vmem_shared>>) target_semaphore(%run_scoped3A : memref<!tpu.dma_semaphore, #tpu.memory_space<semaphore_mem>>)
      %dma_wait3A = tpu.memref_slice %arg28[%mul3A_57] : memref<10240xf32, #tpu.memory_space<vmem_shared>> -> memref<640xf32, #tpu.memory_space<vmem_shared>>
      %dma_wait3A_96 = tpu.memref_slice %arg28[%mul3A_57] : memref<10240xf32, #tpu.memory_space<vmem_shared>> -> memref<640xf32, #tpu.memory_space<vmem_shared>>
      tpu.wait_dma2 semaphore(%run_scoped3A : memref<!tpu.dma_semaphore, #tpu.memory_space<semaphore_mem>>) src(%arg21 : memref<640xf32, #tpu.memory_space<vmem>>) dst(%dma_wait3A_96 : memref<640xf32, #tpu.memory_space<vmem_shared>>)
      tpu.yield
    }) : () -> ()
    %mul3A_58 = arith.constant 640 : i32
    %mul3A_59 = arith.muli %arg1, %mul3A_58 : i32
    "tpu.region"() ({
      %run_scoped3A = tpu.sem_alloc : memref<!tpu.dma_semaphore, #tpu.memory_space<semaphore_mem>>
      %dma_start3A = tpu.memref_slice %arg29[%mul3A_59] : memref<10240xf32, #tpu.memory_space<vmem_shared>> -> memref<640xf32, #tpu.memory_space<vmem_shared>>
      %dma_start3A_95 = tpu.memref_slice %arg29[%mul3A_59] : memref<10240xf32, #tpu.memory_space<vmem_shared>> -> memref<640xf32, #tpu.memory_space<vmem_shared>>
      tpu.enqueue_dma source(%arg21 : memref<640xf32, #tpu.memory_space<vmem>>) target(%dma_start3A_95 : memref<640xf32, #tpu.memory_space<vmem_shared>>) target_semaphore(%run_scoped3A : memref<!tpu.dma_semaphore, #tpu.memory_space<semaphore_mem>>)
      %dma_wait3A = tpu.memref_slice %arg29[%mul3A_59] : memref<10240xf32, #tpu.memory_space<vmem_shared>> -> memref<640xf32, #tpu.memory_space<vmem_shared>>
      %dma_wait3A_96 = tpu.memref_slice %arg29[%mul3A_59] : memref<10240xf32, #tpu.memory_space<vmem_shared>> -> memref<640xf32, #tpu.memory_space<vmem_shared>>
      tpu.wait_dma2 semaphore(%run_scoped3A : memref<!tpu.dma_semaphore, #tpu.memory_space<semaphore_mem>>) src(%arg21 : memref<640xf32, #tpu.memory_space<vmem>>) dst(%dma_wait3A_96 : memref<640xf32, #tpu.memory_space<vmem_shared>>)
      tpu.yield
    }) : () -> ()
    %mul3A_60 = arith.constant 640 : i32
    %mul3A_61 = arith.muli %arg1, %mul3A_60 : i32
    "tpu.region"() ({
      %run_scoped3A = tpu.sem_alloc : memref<!tpu.dma_semaphore, #tpu.memory_space<semaphore_mem>>
      %dma_start3A = tpu.memref_slice %arg30[%mul3A_61] : memref<10240xf32, #tpu.memory_space<vmem_shared>> -> memref<640xf32, #tpu.memory_space<vmem_shared>>
      %dma_start3A_95 = tpu.memref_slice %arg30[%mul3A_61] : memref<10240xf32, #tpu.memory_space<vmem_shared>> -> memref<640xf32, #tpu.memory_space<vmem_shared>>
      tpu.enqueue_dma source(%arg21 : memref<640xf32, #tpu.memory_space<vmem>>) target(%dma_start3A_95 : memref<640xf32, #tpu.memory_space<vmem_shared>>) target_semaphore(%run_scoped3A : memref<!tpu.dma_semaphore, #tpu.memory_space<semaphore_mem>>)
      %dma_wait3A = tpu.memref_slice %arg30[%mul3A_61] : memref<10240xf32, #tpu.memory_space<vmem_shared>> -> memref<640xf32, #tpu.memory_space<vmem_shared>>
      %dma_wait3A_96 = tpu.memref_slice %arg30[%mul3A_61] : memref<10240xf32, #tpu.memory_space<vmem_shared>> -> memref<640xf32, #tpu.memory_space<vmem_shared>>
      tpu.wait_dma2 semaphore(%run_scoped3A : memref<!tpu.dma_semaphore, #tpu.memory_space<semaphore_mem>>) src(%arg21 : memref<640xf32, #tpu.memory_space<vmem>>) dst(%dma_wait3A_96 : memref<640xf32, #tpu.memory_space<vmem_shared>>)
      tpu.yield
    }) : () -> ()
    %barrier3A = arith.constant 0 : index
    tpu.barrier barrier_id(%barrier3A)
    %mul3A_62 = arith.constant 8 : i32
    %mul3A_63 = arith.muli %arg0, %mul3A_62 : i32
    %scan3A_64 = arith.constant 0 : i32
    %scan3A_65 = arith.constant 0 : i32
    %scan3A_66 = arith.constant 160 : i32
    %scan3A_67 = arith.addi %scan3A_65, %scan3A_66 : i32
    %scan3A_68 = arith.constant 1 : i32
    %scan3A_69 = scf.for %scan3A_95 = %scan3A_65 to %scan3A_67 step %scan3A_68 iter_args(%scan3A_96 = %scan3A_64) -> (i32)  : i32 {
      "tpu.region"() ({
        %run_scoped3A_117 = tpu.sem_alloc : memref<!tpu.dma_semaphore, #tpu.memory_space<semaphore_mem>>
        %dma_start3A = arith.constant 0 : i32
        %dma_start3A_118 = tpu.memref_slice %arg16[%scan3A_95, %dma_start3A] : memref<160x128xi32, #tpu.memory_space<vmem>> -> memref<1x128xi32, #tpu.memory_space<vmem>>
        %dma_start3A_119 = tpu.memref_squeeze %dma_start3A_118 : memref<1x128xi32, #tpu.memory_space<vmem>> -> memref<128xi32, #tpu.memory_space<vmem>>
        %dma_start3A_120 = arith.constant 0 : i32
        %dma_start3A_121 = arith.constant 0 : i32
        %dma_start3A_122 = tpu.memref_slice %arg5[%dma_start3A_120, %dma_start3A_121] : memref<20480x64xf32, #tpu.memory_space<hbm>> -> memref<20480x64xf32, #tpu.memory_space<hbm>>
        tpu.enqueue_indirect_dma source(%dma_start3A_122 : memref<20480x64xf32, #tpu.memory_space<hbm>>) target(%arg19 : memref<128x64xf32, #tpu.memory_space<vmem>>) offsets(%dma_start3A_119 : memref<128xi32, #tpu.memory_space<vmem>>) semaphore(%run_scoped3A_117 : memref<!tpu.dma_semaphore, #tpu.memory_space<semaphore_mem>>)
        %dma_wait3A = arith.constant 0 : i32
        %dma_wait3A_123 = tpu.memref_slice %arg16[%scan3A_95, %dma_wait3A] : memref<160x128xi32, #tpu.memory_space<vmem>> -> memref<1x128xi32, #tpu.memory_space<vmem>>
        %dma_wait3A_124 = tpu.memref_squeeze %dma_wait3A_123 : memref<1x128xi32, #tpu.memory_space<vmem>> -> memref<128xi32, #tpu.memory_space<vmem>>
        %dma_wait3A_125 = arith.constant 0 : i32
        %dma_wait3A_126 = arith.constant 0 : i32
        %dma_wait3A_127 = tpu.memref_slice %arg5[%dma_wait3A_125, %dma_wait3A_126] : memref<20480x64xf32, #tpu.memory_space<hbm>> -> memref<20480x64xf32, #tpu.memory_space<hbm>>
        tpu.wait_indirect_dma semaphore(%run_scoped3A_117 : memref<!tpu.dma_semaphore, #tpu.memory_space<semaphore_mem>>) src(%dma_wait3A_127 : memref<20480x64xf32, #tpu.memory_space<hbm>>) dst(%arg19 : memref<128x64xf32, #tpu.memory_space<vmem>>)
        tpu.yield
      }) : () -> ()
      %mul3A_97 = arith.constant 160 : i32
      %mul3A_98 = arith.muli %arg1, %mul3A_97 : i32
      %add3A_99 = arith.addi %mul3A_98, %scan3A_95 : i32
      %mul3A_100 = arith.constant 128 : i32
      %mul3A_101 = arith.muli %add3A_99, %mul3A_100 : i32
      "tpu.region"() ({
        %run_scoped3A_117 = tpu.sem_alloc : memref<!tpu.dma_semaphore, #tpu.memory_space<semaphore_mem>>
        %dma_start3A = tpu.memref_slice %arg6[%mul3A_63, %mul3A_101] : memref<16x327680xf32, #tpu.memory_space<hbm>> -> memref<8x128xf32, #tpu.memory_space<hbm>>
        %dma_start3A_118 = tpu.memref_slice %arg6[%mul3A_63, %mul3A_101] : memref<16x327680xf32, #tpu.memory_space<hbm>> -> memref<8x128xf32, #tpu.memory_space<hbm>>
        tpu.enqueue_dma source(%dma_start3A_118 : memref<8x128xf32, #tpu.memory_space<hbm>>) target(%arg20 : memref<8x128xf32, #tpu.memory_space<vmem>>) target_semaphore(%run_scoped3A_117 : memref<!tpu.dma_semaphore, #tpu.memory_space<semaphore_mem>>)
        %dma_wait3A = tpu.memref_slice %arg6[%mul3A_63, %mul3A_101] : memref<16x327680xf32, #tpu.memory_space<hbm>> -> memref<8x128xf32, #tpu.memory_space<hbm>>
        %dma_wait3A_119 = tpu.memref_slice %arg6[%mul3A_63, %mul3A_101] : memref<16x327680xf32, #tpu.memory_space<hbm>> -> memref<8x128xf32, #tpu.memory_space<hbm>>
        tpu.wait_dma2 semaphore(%run_scoped3A_117 : memref<!tpu.dma_semaphore, #tpu.memory_space<semaphore_mem>>) src(%dma_wait3A_119 : memref<8x128xf32, #tpu.memory_space<hbm>>) dst(%arg20 : memref<8x128xf32, #tpu.memory_space<vmem>>)
        tpu.yield
      }) : () -> ()
      %scan3A_102 = arith.constant 0 : i32
      %scan3A_103 = arith.constant 0 : i32
      %scan3A_104 = arith.constant 8 : i32
      %scan3A_105 = arith.addi %scan3A_103, %scan3A_104 : i32
      %scan3A_106 = arith.constant 1 : i32
      %scan3A_107 = scf.for %scan3A_117 = %scan3A_103 to %scan3A_105 step %scan3A_106 iter_args(%scan3A_118 = %scan3A_102) -> (i32)  : i32 {
        %mul3A_119 = arith.constant 16 : i32
        %mul3A_120 = arith.muli %scan3A_117, %mul3A_119 : i32
        %get3A = arith.index_cast %scan3A_95 : i32 to index
        %get3A_121 = arith.index_cast %mul3A_120 : i32 to index
        %get3A_122 = tpu.vector_load %arg18[%get3A, %get3A_121] {strides = array<i32>} : memref<160x128xf32, #tpu.memory_space<vmem>>, vector<16xf32>,
        %mul3A_123 = arith.constant 16 : i32
        %mul3A_124 = arith.muli %scan3A_117, %mul3A_123 : i32
        %add3A_125 = arith.constant 0 : i32
        %add3A_126 = arith.addi %mul3A_124, %add3A_125 : i32
        %slice3A = vector.extract_strided_slice %get3A_122 {offsets = [0], sizes = [1], strides = [1]} : vector<16xf32> to vector<1xf32>
        %squeeze3A = vector.extract %slice3A[0] : f32 from vector<1xf32>
        %broadcast_in_dim3A_127 = vector.broadcast %squeeze3A : f32 to vector<16xf32>
        %get3A_128 = arith.index_cast %add3A_126 : i32 to index
        %get3A_129 = arith.constant 0 : index
        %get3A_130 = tpu.vector_load %arg19[%get3A_128, %get3A_129] {strides = array<i32>} : memref<128x64xf32, #tpu.memory_space<vmem>>, vector<16xf32>,
        %mul3A_131 = arith.mulf %get3A_130, %broadcast_in_dim3A_127 : vector<16xf32>
        %swap3A = arith.index_cast %add3A_126 : i32 to index
        %swap3A_132 = arith.constant 0 : index
        %swap3A_133 = tpu.vector_load %arg19[%swap3A, %swap3A_132] {strides = array<i32>} : memref<128x64xf32, #tpu.memory_space<vmem>>, vector<16xf32>,
        tpu.vector_store %arg19[%swap3A, %swap3A_132], %mul3A_131 {strides = array<i32>} : memref<128x64xf32, #tpu.memory_space<vmem>>, vector<16xf32>,
        %get3A_134 = arith.index_cast %add3A_126 : i32 to index
        %get3A_135 = arith.constant 16 : index
        %get3A_136 = tpu.vector_load %arg19[%get3A_134, %get3A_135] {strides = array<i32>} : memref<128x64xf32, #tpu.memory_space<vmem>>, vector<16xf32>,
        %mul3A_137 = arith.mulf %get3A_136, %broadcast_in_dim3A_127 : vector<16xf32>
        %swap3A_138 = arith.index_cast %add3A_126 : i32 to index
        %swap3A_139 = arith.constant 16 : index
        %swap3A_140 = tpu.vector_load %arg19[%swap3A_138, %swap3A_139] {strides = array<i32>} : memref<128x64xf32, #tpu.memory_space<vmem>>, vector<16xf32>,
        tpu.vector_store %arg19[%swap3A_138, %swap3A_139], %mul3A_137 {strides = array<i32>} : memref<128x64xf32, #tpu.memory_space<vmem>>, vector<16xf32>,
        %get3A_141 = arith.index_cast %add3A_126 : i32 to index
        %get3A_142 = arith.constant 32 : index
        %get3A_143 = tpu.vector_load %arg19[%get3A_141, %get3A_142] {strides = array<i32>} : memref<128x64xf32, #tpu.memory_space<vmem>>, vector<16xf32>,
        %mul3A_144 = arith.mulf %get3A_143, %broadcast_in_dim3A_127 : vector<16xf32>
        %swap3A_145 = arith.index_cast %add3A_126 : i32 to index
        %swap3A_146 = arith.constant 32 : index
        %swap3A_147 = tpu.vector_load %arg19[%swap3A_145, %swap3A_146] {strides = array<i32>} : memref<128x64xf32, #tpu.memory_space<vmem>>, vector<16xf32>,
        tpu.vector_store %arg19[%swap3A_145, %swap3A_146], %mul3A_144 {strides = array<i32>} : memref<128x64xf32, #tpu.memory_space<vmem>>, vector<16xf32>,
        %get3A_148 = arith.index_cast %add3A_126 : i32 to index
        %get3A_149 = arith.constant 48 : index
        %get3A_150 = tpu.vector_load %arg19[%get3A_148, %get3A_149] {strides = array<i32>} : memref<128x64xf32, #tpu.memory_space<vmem>>, vector<16xf32>,
        %mul3A_151 = arith.mulf %get3A_150, %broadcast_in_dim3A_127 : vector<16xf32>
        %swap3A_152 = arith.index_cast %add3A_126 : i32 to index
        %swap3A_153 = arith.constant 48 : index
        %swap3A_154 = tpu.vector_load %arg19[%swap3A_152, %swap3A_153] {strides = array<i32>} : memref<128x64xf32, #tpu.memory_space<vmem>>, vector<16xf32>,
        tpu.vector_store %arg19[%swap3A_152, %swap3A_153], %mul3A_151 {strides = array<i32>} : memref<128x64xf32, #tpu.memory_space<vmem>>, vector<16xf32>,
        %mul3A_155 = arith.constant 16 : i32
        %mul3A_156 = arith.muli %scan3A_117, %mul3A_155 : i32
        %add3A_157 = arith.constant 1 : i32
        %add3A_158 = arith.addi %mul3A_156, %add3A_157 : i32
        %slice3A_159 = vector.extract_strided_slice %get3A_122 {offsets = [1], sizes = [1], strides = [1]} : vector<16xf32> to vector<1xf32>
        %squeeze3A_160 = vector.extract %slice3A_159[0] : f32 from vector<1xf32>
        %broadcast_in_dim3A_161 = vector.broadcast %squeeze3A_160 : f32 to vector<16xf32>
        %get3A_162 = arith.index_cast %add3A_158 : i32 to index
        %get3A_163 = arith.constant 0 : index
        %get3A_164 = tpu.vector_load %arg19[%get3A_162, %get3A_163] {strides = array<i32>} : memref<128x64xf32, #tpu.memory_space<vmem>>, vector<16xf32>,
        %mul3A_165 = arith.mulf %get3A_164, %broadcast_in_dim3A_161 : vector<16xf32>
        %swap3A_166 = arith.index_cast %add3A_158 : i32 to index
        %swap3A_167 = arith.constant 0 : index
        %swap3A_168 = tpu.vector_load %arg19[%swap3A_166, %swap3A_167] {strides = array<i32>} : memref<128x64xf32, #tpu.memory_space<vmem>>, vector<16xf32>,
        tpu.vector_store %arg19[%swap3A_166, %swap3A_167], %mul3A_165 {strides = array<i32>} : memref<128x64xf32, #tpu.memory_space<vmem>>, vector<16xf32>,
        %get3A_169 = arith.index_cast %add3A_158 : i32 to index
        %get3A_170 = arith.constant 16 : index
        %get3A_171 = tpu.vector_load %arg19[%get3A_169, %get3A_170] {strides = array<i32>} : memref<128x64xf32, #tpu.memory_space<vmem>>, vector<16xf32>,
        %mul3A_172 = arith.mulf %get3A_171, %broadcast_in_dim3A_161 : vector<16xf32>
        %swap3A_173 = arith.index_cast %add3A_158 : i32 to index
        %swap3A_174 = arith.constant 16 : index
        %swap3A_175 = tpu.vector_load %arg19[%swap3A_173, %swap3A_174] {strides = array<i32>} : memref<128x64xf32, #tpu.memory_space<vmem>>, vector<16xf32>,
        tpu.vector_store %arg19[%swap3A_173, %swap3A_174], %mul3A_172 {strides = array<i32>} : memref<128x64xf32, #tpu.memory_space<vmem>>, vector<16xf32>,
        %get3A_176 = arith.index_cast %add3A_158 : i32 to index
        %get3A_177 = arith.constant 32 : index
        %get3A_178 = tpu.vector_load %arg19[%get3A_176, %get3A_177] {strides = array<i32>} : memref<128x64xf32, #tpu.memory_space<vmem>>, vector<16xf32>,
        %mul3A_179 = arith.mulf %get3A_178, %broadcast_in_dim3A_161 : vector<16xf32>
        %swap3A_180 = arith.index_cast %add3A_158 : i32 to index
        %swap3A_181 = arith.constant 32 : index
        %swap3A_182 = tpu.vector_load %arg19[%swap3A_180, %swap3A_181] {strides = array<i32>} : memref<128x64xf32, #tpu.memory_space<vmem>>, vector<16xf32>,
        tpu.vector_store %arg19[%swap3A_180, %swap3A_181], %mul3A_179 {strides = array<i32>} : memref<128x64xf32, #tpu.memory_space<vmem>>, vector<16xf32>,
        %get3A_183 = arith.index_cast %add3A_158 : i32 to index
        %get3A_184 = arith.constant 48 : index
        %get3A_185 = tpu.vector_load %arg19[%get3A_183, %get3A_184] {strides = array<i32>} : memref<128x64xf32, #tpu.memory_space<vmem>>, vector<16xf32>,
        %mul3A_186 = arith.mulf %get3A_185, %broadcast_in_dim3A_161 : vector<16xf32>
        %swap3A_187 = arith.index_cast %add3A_158 : i32 to index
        %swap3A_188 = arith.constant 48 : index
        %swap3A_189 = tpu.vector_load %arg19[%swap3A_187, %swap3A_188] {strides = array<i32>} : memref<128x64xf32, #tpu.memory_space<vmem>>, vector<16xf32>,
        tpu.vector_store %arg19[%swap3A_187, %swap3A_188], %mul3A_186 {strides = array<i32>} : memref<128x64xf32, #tpu.memory_space<vmem>>, vector<16xf32>,
        %mul3A_190 = arith.constant 16 : i32
        %mul3A_191 = arith.muli %scan3A_117, %mul3A_190 : i32
        %add3A_192 = arith.constant 2 : i32
        %add3A_193 = arith.addi %mul3A_191, %add3A_192 : i32
        %slice3A_194 = vector.extract_strided_slice %get3A_122 {offsets = [2], sizes = [1], strides = [1]} : vector<16xf32> to vector<1xf32>
        %squeeze3A_195 = vector.extract %slice3A_194[0] : f32 from vector<1xf32>
        %broadcast_in_dim3A_196 = vector.broadcast %squeeze3A_195 : f32 to vector<16xf32>
        %get3A_197 = arith.index_cast %add3A_193 : i32 to index
        %get3A_198 = arith.constant 0 : index
        %get3A_199 = tpu.vector_load %arg19[%get3A_197, %get3A_198] {strides = array<i32>} : memref<128x64xf32, #tpu.memory_space<vmem>>, vector<16xf32>,
        %mul3A_200 = arith.mulf %get3A_199, %broadcast_in_dim3A_196 : vector<16xf32>
        %swap3A_201 = arith.index_cast %add3A_193 : i32 to index
        %swap3A_202 = arith.constant 0 : index
        %swap3A_203 = tpu.vector_load %arg19[%swap3A_201, %swap3A_202] {strides = array<i32>} : memref<128x64xf32, #tpu.memory_space<vmem>>, vector<16xf32>,
        tpu.vector_store %arg19[%swap3A_201, %swap3A_202], %mul3A_200 {strides = array<i32>} : memref<128x64xf32, #tpu.memory_space<vmem>>, vector<16xf32>,
        %get3A_204 = arith.index_cast %add3A_193 : i32 to index
        %get3A_205 = arith.constant 16 : index
        %get3A_206 = tpu.vector_load %arg19[%get3A_204, %get3A_205] {strides = array<i32>} : memref<128x64xf32, #tpu.memory_space<vmem>>, vector<16xf32>,
        %mul3A_207 = arith.mulf %get3A_206, %broadcast_in_dim3A_196 : vector<16xf32>
        %swap3A_208 = arith.index_cast %add3A_193 : i32 to index
        %swap3A_209 = arith.constant 16 : index
        %swap3A_210 = tpu.vector_load %arg19[%swap3A_208, %swap3A_209] {strides = array<i32>} : memref<128x64xf32, #tpu.memory_space<vmem>>, vector<16xf32>,
        tpu.vector_store %arg19[%swap3A_208, %swap3A_209], %mul3A_207 {strides = array<i32>} : memref<128x64xf32, #tpu.memory_space<vmem>>, vector<16xf32>,
        %get3A_211 = arith.index_cast %add3A_193 : i32 to index
        %get3A_212 = arith.constant 32 : index
        %get3A_213 = tpu.vector_load %arg19[%get3A_211, %get3A_212] {strides = array<i32>} : memref<128x64xf32, #tpu.memory_space<vmem>>, vector<16xf32>,
        %mul3A_214 = arith.mulf %get3A_213, %broadcast_in_dim3A_196 : vector<16xf32>
        %swap3A_215 = arith.index_cast %add3A_193 : i32 to index
        %swap3A_216 = arith.constant 32 : index
        %swap3A_217 = tpu.vector_load %arg19[%swap3A_215, %swap3A_216] {strides = array<i32>} : memref<128x64xf32, #tpu.memory_space<vmem>>, vector<16xf32>,
        tpu.vector_store %arg19[%swap3A_215, %swap3A_216], %mul3A_214 {strides = array<i32>} : memref<128x64xf32, #tpu.memory_space<vmem>>, vector<16xf32>,
        %get3A_218 = arith.index_cast %add3A_193 : i32 to index
        %get3A_219 = arith.constant 48 : index
        %get3A_220 = tpu.vector_load %arg19[%get3A_218, %get3A_219] {strides = array<i32>} : memref<128x64xf32, #tpu.memory_space<vmem>>, vector<16xf32>,
        %mul3A_221 = arith.mulf %get3A_220, %broadcast_in_dim3A_196 : vector<16xf32>
        %swap3A_222 = arith.index_cast %add3A_193 : i32 to index
        %swap3A_223 = arith.constant 48 : index
        %swap3A_224 = tpu.vector_load %arg19[%swap3A_222, %swap3A_223] {strides = array<i32>} : memref<128x64xf32, #tpu.memory_space<vmem>>, vector<16xf32>,
        tpu.vector_store %arg19[%swap3A_222, %swap3A_223], %mul3A_221 {strides = array<i32>} : memref<128x64xf32, #tpu.memory_space<vmem>>, vector<16xf32>,
        %mul3A_225 = arith.constant 16 : i32
        %mul3A_226 = arith.muli %scan3A_117, %mul3A_225 : i32
        %add3A_227 = arith.constant 3 : i32
        %add3A_228 = arith.addi %mul3A_226, %add3A_227 : i32
        %slice3A_229 = vector.extract_strided_slice %get3A_122 {offsets = [3], sizes = [1], strides = [1]} : vector<16xf32> to vector<1xf32>
        %squeeze3A_230 = vector.extract %slice3A_229[0] : f32 from vector<1xf32>
        %broadcast_in_dim3A_231 = vector.broadcast %squeeze3A_230 : f32 to vector<16xf32>
        %get3A_232 = arith.index_cast %add3A_228 : i32 to index
        %get3A_233 = arith.constant 0 : index
        %get3A_234 = tpu.vector_load %arg19[%get3A_232, %get3A_233] {strides = array<i32>} : memref<128x64xf32, #tpu.memory_space<vmem>>, vector<16xf32>,
        %mul3A_235 = arith.mulf %get3A_234, %broadcast_in_dim3A_231 : vector<16xf32>
        %swap3A_236 = arith.index_cast %add3A_228 : i32 to index
        %swap3A_237 = arith.constant 0 : index
        %swap3A_238 = tpu.vector_load %arg19[%swap3A_236, %swap3A_237] {strides = array<i32>} : memref<128x64xf32, #tpu.memory_space<vmem>>, vector<16xf32>,
        tpu.vector_store %arg19[%swap3A_236, %swap3A_237], %mul3A_235 {strides = array<i32>} : memref<128x64xf32, #tpu.memory_space<vmem>>, vector<16xf32>,
        %get3A_239 = arith.index_cast %add3A_228 : i32 to index
        %get3A_240 = arith.constant 16 : index
        %get3A_241 = tpu.vector_load %arg19[%get3A_239, %get3A_240] {strides = array<i32>} : memref<128x64xf32, #tpu.memory_space<vmem>>, vector<16xf32>,
        %mul3A_242 = arith.mulf %get3A_241, %broadcast_in_dim3A_231 : vector<16xf32>
        %swap3A_243 = arith.index_cast %add3A_228 : i32 to index
        %swap3A_244 = arith.constant 16 : index
        %swap3A_245 = tpu.vector_load %arg19[%swap3A_243, %swap3A_244] {strides = array<i32>} : memref<128x64xf32, #tpu.memory_space<vmem>>, vector<16xf32>,
        tpu.vector_store %arg19[%swap3A_243, %swap3A_244], %mul3A_242 {strides = array<i32>} : memref<128x64xf32, #tpu.memory_space<vmem>>, vector<16xf32>,
        %get3A_246 = arith.index_cast %add3A_228 : i32 to index
        %get3A_247 = arith.constant 32 : index
        %get3A_248 = tpu.vector_load %arg19[%get3A_246, %get3A_247] {strides = array<i32>} : memref<128x64xf32, #tpu.memory_space<vmem>>, vector<16xf32>,
        %mul3A_249 = arith.mulf %get3A_248, %broadcast_in_dim3A_231 : vector<16xf32>
        %swap3A_250 = arith.index_cast %add3A_228 : i32 to index
        %swap3A_251 = arith.constant 32 : index
        %swap3A_252 = tpu.vector_load %arg19[%swap3A_250, %swap3A_251] {strides = array<i32>} : memref<128x64xf32, #tpu.memory_space<vmem>>, vector<16xf32>,
        tpu.vector_store %arg19[%swap3A_250, %swap3A_251], %mul3A_249 {strides = array<i32>} : memref<128x64xf32, #tpu.memory_space<vmem>>, vector<16xf32>,
        %get3A_253 = arith.index_cast %add3A_228 : i32 to index
        %get3A_254 = arith.constant 48 : index
        %get3A_255 = tpu.vector_load %arg19[%get3A_253, %get3A_254] {strides = array<i32>} : memref<128x64xf32, #tpu.memory_space<vmem>>, vector<16xf32>,
        %mul3A_256 = arith.mulf %get3A_255, %broadcast_in_dim3A_231 : vector<16xf32>
        %swap3A_257 = arith.index_cast %add3A_228 : i32 to index
        %swap3A_258 = arith.constant 48 : index
        %swap3A_259 = tpu.vector_load %arg19[%swap3A_257, %swap3A_258] {strides = array<i32>} : memref<128x64xf32, #tpu.memory_space<vmem>>, vector<16xf32>,
        tpu.vector_store %arg19[%swap3A_257, %swap3A_258], %mul3A_256 {strides = array<i32>} : memref<128x64xf32, #tpu.memory_space<vmem>>, vector<16xf32>,
        %mul3A_260 = arith.constant 16 : i32
        %mul3A_261 = arith.muli %scan3A_117, %mul3A_260 : i32
        %add3A_262 = arith.constant 4 : i32
        %add3A_263 = arith.addi %mul3A_261, %add3A_262 : i32
        %slice3A_264 = vector.extract_strided_slice %get3A_122 {offsets = [4], sizes = [1], strides = [1]} : vector<16xf32> to vector<1xf32>
        %squeeze3A_265 = vector.extract %slice3A_264[0] : f32 from vector<1xf32>
        %broadcast_in_dim3A_266 = vector.broadcast %squeeze3A_265 : f32 to vector<16xf32>
        %get3A_267 = arith.index_cast %add3A_263 : i32 to index
        %get3A_268 = arith.constant 0 : index
        %get3A_269 = tpu.vector_load %arg19[%get3A_267, %get3A_268] {strides = array<i32>} : memref<128x64xf32, #tpu.memory_space<vmem>>, vector<16xf32>,
        %mul3A_270 = arith.mulf %get3A_269, %broadcast_in_dim3A_266 : vector<16xf32>
        %swap3A_271 = arith.index_cast %add3A_263 : i32 to index
        %swap3A_272 = arith.constant 0 : index
        %swap3A_273 = tpu.vector_load %arg19[%swap3A_271, %swap3A_272] {strides = array<i32>} : memref<128x64xf32, #tpu.memory_space<vmem>>, vector<16xf32>,
        tpu.vector_store %arg19[%swap3A_271, %swap3A_272], %mul3A_270 {strides = array<i32>} : memref<128x64xf32, #tpu.memory_space<vmem>>, vector<16xf32>,
        %get3A_274 = arith.index_cast %add3A_263 : i32 to index
        %get3A_275 = arith.constant 16 : index
        %get3A_276 = tpu.vector_load %arg19[%get3A_274, %get3A_275] {strides = array<i32>} : memref<128x64xf32, #tpu.memory_space<vmem>>, vector<16xf32>,
        %mul3A_277 = arith.mulf %get3A_276, %broadcast_in_dim3A_266 : vector<16xf32>
        %swap3A_278 = arith.index_cast %add3A_263 : i32 to index
        %swap3A_279 = arith.constant 16 : index
        %swap3A_280 = tpu.vector_load %arg19[%swap3A_278, %swap3A_279] {strides = array<i32>} : memref<128x64xf32, #tpu.memory_space<vmem>>, vector<16xf32>,
        tpu.vector_store %arg19[%swap3A_278, %swap3A_279], %mul3A_277 {strides = array<i32>} : memref<128x64xf32, #tpu.memory_space<vmem>>, vector<16xf32>,
        %get3A_281 = arith.index_cast %add3A_263 : i32 to index
        %get3A_282 = arith.constant 32 : index
        %get3A_283 = tpu.vector_load %arg19[%get3A_281, %get3A_282] {strides = array<i32>} : memref<128x64xf32, #tpu.memory_space<vmem>>, vector<16xf32>,
        %mul3A_284 = arith.mulf %get3A_283, %broadcast_in_dim3A_266 : vector<16xf32>
        %swap3A_285 = arith.index_cast %add3A_263 : i32 to index
        %swap3A_286 = arith.constant 32 : index
        %swap3A_287 = tpu.vector_load %arg19[%swap3A_285, %swap3A_286] {strides = array<i32>} : memref<128x64xf32, #tpu.memory_space<vmem>>, vector<16xf32>,
        tpu.vector_store %arg19[%swap3A_285, %swap3A_286], %mul3A_284 {strides = array<i32>} : memref<128x64xf32, #tpu.memory_space<vmem>>, vector<16xf32>,
        %get3A_288 = arith.index_cast %add3A_263 : i32 to index
        %get3A_289 = arith.constant 48 : index
        %get3A_290 = tpu.vector_load %arg19[%get3A_288, %get3A_289] {strides = array<i32>} : memref<128x64xf32, #tpu.memory_space<vmem>>, vector<16xf32>,
        %mul3A_291 = arith.mulf %get3A_290, %broadcast_in_dim3A_266 : vector<16xf32>
        %swap3A_292 = arith.index_cast %add3A_263 : i32 to index
        %swap3A_293 = arith.constant 48 : index
        %swap3A_294 = tpu.vector_load %arg19[%swap3A_292, %swap3A_293] {strides = array<i32>} : memref<128x64xf32, #tpu.memory_space<vmem>>, vector<16xf32>,
        tpu.vector_store %arg19[%swap3A_292, %swap3A_293], %mul3A_291 {strides = array<i32>} : memref<128x64xf32, #tpu.memory_space<vmem>>, vector<16xf32>,
        %mul3A_295 = arith.constant 16 : i32
        %mul3A_296 = arith.muli %scan3A_117, %mul3A_295 : i32
        %add3A_297 = arith.constant 5 : i32
        %add3A_298 = arith.addi %mul3A_296, %add3A_297 : i32
        %slice3A_299 = vector.extract_strided_slice %get3A_122 {offsets = [5], sizes = [1], strides = [1]} : vector<16xf32> to vector<1xf32>
        %squeeze3A_300 = vector.extract %slice3A_299[0] : f32 from vector<1xf32>
        %broadcast_in_dim3A_301 = vector.broadcast %squeeze3A_300 : f32 to vector<16xf32>
        %get3A_302 = arith.index_cast %add3A_298 : i32 to index
        %get3A_303 = arith.constant 0 : index
        %get3A_304 = tpu.vector_load %arg19[%get3A_302, %get3A_303] {strides = array<i32>} : memref<128x64xf32, #tpu.memory_space<vmem>>, vector<16xf32>,
        %mul3A_305 = arith.mulf %get3A_304, %broadcast_in_dim3A_301 : vector<16xf32>
        %swap3A_306 = arith.index_cast %add3A_298 : i32 to index
        %swap3A_307 = arith.constant 0 : index
        %swap3A_308 = tpu.vector_load %arg19[%swap3A_306, %swap3A_307] {strides = array<i32>} : memref<128x64xf32, #tpu.memory_space<vmem>>, vector<16xf32>,
        tpu.vector_store %arg19[%swap3A_306, %swap3A_307], %mul3A_305 {strides = array<i32>} : memref<128x64xf32, #tpu.memory_space<vmem>>, vector<16xf32>,
        %get3A_309 = arith.index_cast %add3A_298 : i32 to index
        %get3A_310 = arith.constant 16 : index
        %get3A_311 = tpu.vector_load %arg19[%get3A_309, %get3A_310] {strides = array<i32>} : memref<128x64xf32, #tpu.memory_space<vmem>>, vector<16xf32>,
        %mul3A_312 = arith.mulf %get3A_311, %broadcast_in_dim3A_301 : vector<16xf32>
        %swap3A_313 = arith.index_cast %add3A_298 : i32 to index
        %swap3A_314 = arith.constant 16 : index
        %swap3A_315 = tpu.vector_load %arg19[%swap3A_313, %swap3A_314] {strides = array<i32>} : memref<128x64xf32, #tpu.memory_space<vmem>>, vector<16xf32>,
        tpu.vector_store %arg19[%swap3A_313, %swap3A_314], %mul3A_312 {strides = array<i32>} : memref<128x64xf32, #tpu.memory_space<vmem>>, vector<16xf32>,
        %get3A_316 = arith.index_cast %add3A_298 : i32 to index
        %get3A_317 = arith.constant 32 : index
        %get3A_318 = tpu.vector_load %arg19[%get3A_316, %get3A_317] {strides = array<i32>} : memref<128x64xf32, #tpu.memory_space<vmem>>, vector<16xf32>,
        %mul3A_319 = arith.mulf %get3A_318, %broadcast_in_dim3A_301 : vector<16xf32>
        %swap3A_320 = arith.index_cast %add3A_298 : i32 to index
        %swap3A_321 = arith.constant 32 : index
        %swap3A_322 = tpu.vector_load %arg19[%swap3A_320, %swap3A_321] {strides = array<i32>} : memref<128x64xf32, #tpu.memory_space<vmem>>, vector<16xf32>,
        tpu.vector_store %arg19[%swap3A_320, %swap3A_321], %mul3A_319 {strides = array<i32>} : memref<128x64xf32, #tpu.memory_space<vmem>>, vector<16xf32>,
        %get3A_323 = arith.index_cast %add3A_298 : i32 to index
        %get3A_324 = arith.constant 48 : index
        %get3A_325 = tpu.vector_load %arg19[%get3A_323, %get3A_324] {strides = array<i32>} : memref<128x64xf32, #tpu.memory_space<vmem>>, vector<16xf32>,
        %mul3A_326 = arith.mulf %get3A_325, %broadcast_in_dim3A_301 : vector<16xf32>
        %swap3A_327 = arith.index_cast %add3A_298 : i32 to index
        %swap3A_328 = arith.constant 48 : index
        %swap3A_329 = tpu.vector_load %arg19[%swap3A_327, %swap3A_328] {strides = array<i32>} : memref<128x64xf32, #tpu.memory_space<vmem>>, vector<16xf32>,
        tpu.vector_store %arg19[%swap3A_327, %swap3A_328], %mul3A_326 {strides = array<i32>} : memref<128x64xf32, #tpu.memory_space<vmem>>, vector<16xf32>,
        %mul3A_330 = arith.constant 16 : i32
        %mul3A_331 = arith.muli %scan3A_117, %mul3A_330 : i32
        %add3A_332 = arith.constant 6 : i32
        %add3A_333 = arith.addi %mul3A_331, %add3A_332 : i32
        %slice3A_334 = vector.extract_strided_slice %get3A_122 {offsets = [6], sizes = [1], strides = [1]} : vector<16xf32> to vector<1xf32>
        %squeeze3A_335 = vector.extract %slice3A_334[0] : f32 from vector<1xf32>
        %broadcast_in_dim3A_336 = vector.broadcast %squeeze3A_335 : f32 to vector<16xf32>
        %get3A_337 = arith.index_cast %add3A_333 : i32 to index
        %get3A_338 = arith.constant 0 : index
        %get3A_339 = tpu.vector_load %arg19[%get3A_337, %get3A_338] {strides = array<i32>} : memref<128x64xf32, #tpu.memory_space<vmem>>, vector<16xf32>,
        %mul3A_340 = arith.mulf %get3A_339, %broadcast_in_dim3A_336 : vector<16xf32>
        %swap3A_341 = arith.index_cast %add3A_333 : i32 to index
        %swap3A_342 = arith.constant 0 : index
        %swap3A_343 = tpu.vector_load %arg19[%swap3A_341, %swap3A_342] {strides = array<i32>} : memref<128x64xf32, #tpu.memory_space<vmem>>, vector<16xf32>,
        tpu.vector_store %arg19[%swap3A_341, %swap3A_342], %mul3A_340 {strides = array<i32>} : memref<128x64xf32, #tpu.memory_space<vmem>>, vector<16xf32>,
        %get3A_344 = arith.index_cast %add3A_333 : i32 to index
        %get3A_345 = arith.constant 16 : index
        %get3A_346 = tpu.vector_load %arg19[%get3A_344, %get3A_345] {strides = array<i32>} : memref<128x64xf32, #tpu.memory_space<vmem>>, vector<16xf32>,
        %mul3A_347 = arith.mulf %get3A_346, %broadcast_in_dim3A_336 : vector<16xf32>
        %swap3A_348 = arith.index_cast %add3A_333 : i32 to index
        %swap3A_349 = arith.constant 16 : index
        %swap3A_350 = tpu.vector_load %arg19[%swap3A_348, %swap3A_349] {strides = array<i32>} : memref<128x64xf32, #tpu.memory_space<vmem>>, vector<16xf32>,
        tpu.vector_store %arg19[%swap3A_348, %swap3A_349], %mul3A_347 {strides = array<i32>} : memref<128x64xf32, #tpu.memory_space<vmem>>, vector<16xf32>,
        %get3A_351 = arith.index_cast %add3A_333 : i32 to index
        %get3A_352 = arith.constant 32 : index
        %get3A_353 = tpu.vector_load %arg19[%get3A_351, %get3A_352] {strides = array<i32>} : memref<128x64xf32, #tpu.memory_space<vmem>>, vector<16xf32>,
        %mul3A_354 = arith.mulf %get3A_353, %broadcast_in_dim3A_336 : vector<16xf32>
        %swap3A_355 = arith.index_cast %add3A_333 : i32 to index
        %swap3A_356 = arith.constant 32 : index
        %swap3A_357 = tpu.vector_load %arg19[%swap3A_355, %swap3A_356] {strides = array<i32>} : memref<128x64xf32, #tpu.memory_space<vmem>>, vector<16xf32>,
        tpu.vector_store %arg19[%swap3A_355, %swap3A_356], %mul3A_354 {strides = array<i32>} : memref<128x64xf32, #tpu.memory_space<vmem>>, vector<16xf32>,
        %get3A_358 = arith.index_cast %add3A_333 : i32 to index
        %get3A_359 = arith.constant 48 : index
        %get3A_360 = tpu.vector_load %arg19[%get3A_358, %get3A_359] {strides = array<i32>} : memref<128x64xf32, #tpu.memory_space<vmem>>, vector<16xf32>,
        %mul3A_361 = arith.mulf %get3A_360, %broadcast_in_dim3A_336 : vector<16xf32>
        %swap3A_362 = arith.index_cast %add3A_333 : i32 to index
        %swap3A_363 = arith.constant 48 : index
        %swap3A_364 = tpu.vector_load %arg19[%swap3A_362, %swap3A_363] {strides = array<i32>} : memref<128x64xf32, #tpu.memory_space<vmem>>, vector<16xf32>,
        tpu.vector_store %arg19[%swap3A_362, %swap3A_363], %mul3A_361 {strides = array<i32>} : memref<128x64xf32, #tpu.memory_space<vmem>>, vector<16xf32>,
        %mul3A_365 = arith.constant 16 : i32
        %mul3A_366 = arith.muli %scan3A_117, %mul3A_365 : i32
        %add3A_367 = arith.constant 7 : i32
        %add3A_368 = arith.addi %mul3A_366, %add3A_367 : i32
        %slice3A_369 = vector.extract_strided_slice %get3A_122 {offsets = [7], sizes = [1], strides = [1]} : vector<16xf32> to vector<1xf32>
        %squeeze3A_370 = vector.extract %slice3A_369[0] : f32 from vector<1xf32>
        %broadcast_in_dim3A_371 = vector.broadcast %squeeze3A_370 : f32 to vector<16xf32>
        %get3A_372 = arith.index_cast %add3A_368 : i32 to index
        %get3A_373 = arith.constant 0 : index
        %get3A_374 = tpu.vector_load %arg19[%get3A_372, %get3A_373] {strides = array<i32>} : memref<128x64xf32, #tpu.memory_space<vmem>>, vector<16xf32>,
        %mul3A_375 = arith.mulf %get3A_374, %broadcast_in_dim3A_371 : vector<16xf32>
        %swap3A_376 = arith.index_cast %add3A_368 : i32 to index
        %swap3A_377 = arith.constant 0 : index
        %swap3A_378 = tpu.vector_load %arg19[%swap3A_376, %swap3A_377] {strides = array<i32>} : memref<128x64xf32, #tpu.memory_space<vmem>>, vector<16xf32>,
        tpu.vector_store %arg19[%swap3A_376, %swap3A_377], %mul3A_375 {strides = array<i32>} : memref<128x64xf32, #tpu.memory_space<vmem>>, vector<16xf32>,
        %get3A_379 = arith.index_cast %add3A_368 : i32 to index
        %get3A_380 = arith.constant 16 : index
        %get3A_381 = tpu.vector_load %arg19[%get3A_379, %get3A_380] {strides = array<i32>} : memref<128x64xf32, #tpu.memory_space<vmem>>, vector<16xf32>,
        %mul3A_382 = arith.mulf %get3A_381, %broadcast_in_dim3A_371 : vector<16xf32>
        %swap3A_383 = arith.index_cast %add3A_368 : i32 to index
        %swap3A_384 = arith.constant 16 : index
        %swap3A_385 = tpu.vector_load %arg19[%swap3A_383, %swap3A_384] {strides = array<i32>} : memref<128x64xf32, #tpu.memory_space<vmem>>, vector<16xf32>,
        tpu.vector_store %arg19[%swap3A_383, %swap3A_384], %mul3A_382 {strides = array<i32>} : memref<128x64xf32, #tpu.memory_space<vmem>>, vector<16xf32>,
        %get3A_386 = arith.index_cast %add3A_368 : i32 to index
        %get3A_387 = arith.constant 32 : index
        %get3A_388 = tpu.vector_load %arg19[%get3A_386, %get3A_387] {strides = array<i32>} : memref<128x64xf32, #tpu.memory_space<vmem>>, vector<16xf32>,
        %mul3A_389 = arith.mulf %get3A_388, %broadcast_in_dim3A_371 : vector<16xf32>
        %swap3A_390 = arith.index_cast %add3A_368 : i32 to index
        %swap3A_391 = arith.constant 32 : index
        %swap3A_392 = tpu.vector_load %arg19[%swap3A_390, %swap3A_391] {strides = array<i32>} : memref<128x64xf32, #tpu.memory_space<vmem>>, vector<16xf32>,
        tpu.vector_store %arg19[%swap3A_390, %swap3A_391], %mul3A_389 {strides = array<i32>} : memref<128x64xf32, #tpu.memory_space<vmem>>, vector<16xf32>,
        %get3A_393 = arith.index_cast %add3A_368 : i32 to index
        %get3A_394 = arith.constant 48 : index
        %get3A_395 = tpu.vector_load %arg19[%get3A_393, %get3A_394] {strides = array<i32>} : memref<128x64xf32, #tpu.memory_space<vmem>>, vector<16xf32>,
        %mul3A_396 = arith.mulf %get3A_395, %broadcast_in_dim3A_371 : vector<16xf32>
        %swap3A_397 = arith.index_cast %add3A_368 : i32 to index
        %swap3A_398 = arith.constant 48 : index
        %swap3A_399 = tpu.vector_load %arg19[%swap3A_397, %swap3A_398] {strides = array<i32>} : memref<128x64xf32, #tpu.memory_space<vmem>>, vector<16xf32>,
        tpu.vector_store %arg19[%swap3A_397, %swap3A_398], %mul3A_396 {strides = array<i32>} : memref<128x64xf32, #tpu.memory_space<vmem>>, vector<16xf32>,
        %mul3A_400 = arith.constant 16 : i32
        %mul3A_401 = arith.muli %scan3A_117, %mul3A_400 : i32
        %add3A_402 = arith.constant 8 : i32
        %add3A_403 = arith.addi %mul3A_401, %add3A_402 : i32
        %slice3A_404 = vector.extract_strided_slice %get3A_122 {offsets = [8], sizes = [1], strides = [1]} : vector<16xf32> to vector<1xf32>
        %squeeze3A_405 = vector.extract %slice3A_404[0] : f32 from vector<1xf32>
        %broadcast_in_dim3A_406 = vector.broadcast %squeeze3A_405 : f32 to vector<16xf32>
        %get3A_407 = arith.index_cast %add3A_403 : i32 to index
        %get3A_408 = arith.constant 0 : index
        %get3A_409 = tpu.vector_load %arg19[%get3A_407, %get3A_408] {strides = array<i32>} : memref<128x64xf32, #tpu.memory_space<vmem>>, vector<16xf32>,
        %mul3A_410 = arith.mulf %get3A_409, %broadcast_in_dim3A_406 : vector<16xf32>
        %swap3A_411 = arith.index_cast %add3A_403 : i32 to index
        %swap3A_412 = arith.constant 0 : index
        %swap3A_413 = tpu.vector_load %arg19[%swap3A_411, %swap3A_412] {strides = array<i32>} : memref<128x64xf32, #tpu.memory_space<vmem>>, vector<16xf32>,
        tpu.vector_store %arg19[%swap3A_411, %swap3A_412], %mul3A_410 {strides = array<i32>} : memref<128x64xf32, #tpu.memory_space<vmem>>, vector<16xf32>,
        %get3A_414 = arith.index_cast %add3A_403 : i32 to index
        %get3A_415 = arith.constant 16 : index
        %get3A_416 = tpu.vector_load %arg19[%get3A_414, %get3A_415] {strides = array<i32>} : memref<128x64xf32, #tpu.memory_space<vmem>>, vector<16xf32>,
        %mul3A_417 = arith.mulf %get3A_416, %broadcast_in_dim3A_406 : vector<16xf32>
        %swap3A_418 = arith.index_cast %add3A_403 : i32 to index
        %swap3A_419 = arith.constant 16 : index
        %swap3A_420 = tpu.vector_load %arg19[%swap3A_418, %swap3A_419] {strides = array<i32>} : memref<128x64xf32, #tpu.memory_space<vmem>>, vector<16xf32>,
        tpu.vector_store %arg19[%swap3A_418, %swap3A_419], %mul3A_417 {strides = array<i32>} : memref<128x64xf32, #tpu.memory_space<vmem>>, vector<16xf32>,
        %get3A_421 = arith.index_cast %add3A_403 : i32 to index
        %get3A_422 = arith.constant 32 : index
        %get3A_423 = tpu.vector_load %arg19[%get3A_421, %get3A_422] {strides = array<i32>} : memref<128x64xf32, #tpu.memory_space<vmem>>, vector<16xf32>,
        %mul3A_424 = arith.mulf %get3A_423, %broadcast_in_dim3A_406 : vector<16xf32>
        %swap3A_425 = arith.index_cast %add3A_403 : i32 to index
        %swap3A_426 = arith.constant 32 : index
        %swap3A_427 = tpu.vector_load %arg19[%swap3A_425, %swap3A_426] {strides = array<i32>} : memref<128x64xf32, #tpu.memory_space<vmem>>, vector<16xf32>,
        tpu.vector_store %arg19[%swap3A_425, %swap3A_426], %mul3A_424 {strides = array<i32>} : memref<128x64xf32, #tpu.memory_space<vmem>>, vector<16xf32>,
        %get3A_428 = arith.index_cast %add3A_403 : i32 to index
        %get3A_429 = arith.constant 48 : index
        %get3A_430 = tpu.vector_load %arg19[%get3A_428, %get3A_429] {strides = array<i32>} : memref<128x64xf32, #tpu.memory_space<vmem>>, vector<16xf32>,
        %mul3A_431 = arith.mulf %get3A_430, %broadcast_in_dim3A_406 : vector<16xf32>
        %swap3A_432 = arith.index_cast %add3A_403 : i32 to index
        %swap3A_433 = arith.constant 48 : index
        %swap3A_434 = tpu.vector_load %arg19[%swap3A_432, %swap3A_433] {strides = array<i32>} : memref<128x64xf32, #tpu.memory_space<vmem>>, vector<16xf32>,
        tpu.vector_store %arg19[%swap3A_432, %swap3A_433], %mul3A_431 {strides = array<i32>} : memref<128x64xf32, #tpu.memory_space<vmem>>, vector<16xf32>,
        %mul3A_435 = arith.constant 16 : i32
        %mul3A_436 = arith.muli %scan3A_117, %mul3A_435 : i32
        %add3A_437 = arith.constant 9 : i32
        %add3A_438 = arith.addi %mul3A_436, %add3A_437 : i32
        %slice3A_439 = vector.extract_strided_slice %get3A_122 {offsets = [9], sizes = [1], strides = [1]} : vector<16xf32> to vector<1xf32>
        %squeeze3A_440 = vector.extract %slice3A_439[0] : f32 from vector<1xf32>
        %broadcast_in_dim3A_441 = vector.broadcast %squeeze3A_440 : f32 to vector<16xf32>
        %get3A_442 = arith.index_cast %add3A_438 : i32 to index
        %get3A_443 = arith.constant 0 : index
        %get3A_444 = tpu.vector_load %arg19[%get3A_442, %get3A_443] {strides = array<i32>} : memref<128x64xf32, #tpu.memory_space<vmem>>, vector<16xf32>,
        %mul3A_445 = arith.mulf %get3A_444, %broadcast_in_dim3A_441 : vector<16xf32>
        %swap3A_446 = arith.index_cast %add3A_438 : i32 to index
        %swap3A_447 = arith.constant 0 : index
        %swap3A_448 = tpu.vector_load %arg19[%swap3A_446, %swap3A_447] {strides = array<i32>} : memref<128x64xf32, #tpu.memory_space<vmem>>, vector<16xf32>,
        tpu.vector_store %arg19[%swap3A_446, %swap3A_447], %mul3A_445 {strides = array<i32>} : memref<128x64xf32, #tpu.memory_space<vmem>>, vector<16xf32>,
        %get3A_449 = arith.index_cast %add3A_438 : i32 to index
        %get3A_450 = arith.constant 16 : index
        %get3A_451 = tpu.vector_load %arg19[%get3A_449, %get3A_450] {strides = array<i32>} : memref<128x64xf32, #tpu.memory_space<vmem>>, vector<16xf32>,
        %mul3A_452 = arith.mulf %get3A_451, %broadcast_in_dim3A_441 : vector<16xf32>
        %swap3A_453 = arith.index_cast %add3A_438 : i32 to index
        %swap3A_454 = arith.constant 16 : index
        %swap3A_455 = tpu.vector_load %arg19[%swap3A_453, %swap3A_454] {strides = array<i32>} : memref<128x64xf32, #tpu.memory_space<vmem>>, vector<16xf32>,
        tpu.vector_store %arg19[%swap3A_453, %swap3A_454], %mul3A_452 {strides = array<i32>} : memref<128x64xf32, #tpu.memory_space<vmem>>, vector<16xf32>,
        %get3A_456 = arith.index_cast %add3A_438 : i32 to index
        %get3A_457 = arith.constant 32 : index
        %get3A_458 = tpu.vector_load %arg19[%get3A_456, %get3A_457] {strides = array<i32>} : memref<128x64xf32, #tpu.memory_space<vmem>>, vector<16xf32>,
        %mul3A_459 = arith.mulf %get3A_458, %broadcast_in_dim3A_441 : vector<16xf32>
        %swap3A_460 = arith.index_cast %add3A_438 : i32 to index
        %swap3A_461 = arith.constant 32 : index
        %swap3A_462 = tpu.vector_load %arg19[%swap3A_460, %swap3A_461] {strides = array<i32>} : memref<128x64xf32, #tpu.memory_space<vmem>>, vector<16xf32>,
        tpu.vector_store %arg19[%swap3A_460, %swap3A_461], %mul3A_459 {strides = array<i32>} : memref<128x64xf32, #tpu.memory_space<vmem>>, vector<16xf32>,
        %get3A_463 = arith.index_cast %add3A_438 : i32 to index
        %get3A_464 = arith.constant 48 : index
        %get3A_465 = tpu.vector_load %arg19[%get3A_463, %get3A_464] {strides = array<i32>} : memref<128x64xf32, #tpu.memory_space<vmem>>, vector<16xf32>,
        %mul3A_466 = arith.mulf %get3A_465, %broadcast_in_dim3A_441 : vector<16xf32>
        %swap3A_467 = arith.index_cast %add3A_438 : i32 to index
        %swap3A_468 = arith.constant 48 : index
        %swap3A_469 = tpu.vector_load %arg19[%swap3A_467, %swap3A_468] {strides = array<i32>} : memref<128x64xf32, #tpu.memory_space<vmem>>, vector<16xf32>,
        tpu.vector_store %arg19[%swap3A_467, %swap3A_468], %mul3A_466 {strides = array<i32>} : memref<128x64xf32, #tpu.memory_space<vmem>>, vector<16xf32>,
        %mul3A_470 = arith.constant 16 : i32
        %mul3A_471 = arith.muli %scan3A_117, %mul3A_470 : i32
        %add3A_472 = arith.constant 10 : i32
        %add3A_473 = arith.addi %mul3A_471, %add3A_472 : i32
        %slice3A_474 = vector.extract_strided_slice %get3A_122 {offsets = [10], sizes = [1], strides = [1]} : vector<16xf32> to vector<1xf32>
        %squeeze3A_475 = vector.extract %slice3A_474[0] : f32 from vector<1xf32>
        %broadcast_in_dim3A_476 = vector.broadcast %squeeze3A_475 : f32 to vector<16xf32>
        %get3A_477 = arith.index_cast %add3A_473 : i32 to index
        %get3A_478 = arith.constant 0 : index
        %get3A_479 = tpu.vector_load %arg19[%get3A_477, %get3A_478] {strides = array<i32>} : memref<128x64xf32, #tpu.memory_space<vmem>>, vector<16xf32>,
        %mul3A_480 = arith.mulf %get3A_479, %broadcast_in_dim3A_476 : vector<16xf32>
        %swap3A_481 = arith.index_cast %add3A_473 : i32 to index
        %swap3A_482 = arith.constant 0 : index
        %swap3A_483 = tpu.vector_load %arg19[%swap3A_481, %swap3A_482] {strides = array<i32>} : memref<128x64xf32, #tpu.memory_space<vmem>>, vector<16xf32>,
        tpu.vector_store %arg19[%swap3A_481, %swap3A_482], %mul3A_480 {strides = array<i32>} : memref<128x64xf32, #tpu.memory_space<vmem>>, vector<16xf32>,
        %get3A_484 = arith.index_cast %add3A_473 : i32 to index
        %get3A_485 = arith.constant 16 : index
        %get3A_486 = tpu.vector_load %arg19[%get3A_484, %get3A_485] {strides = array<i32>} : memref<128x64xf32, #tpu.memory_space<vmem>>, vector<16xf32>,
        %mul3A_487 = arith.mulf %get3A_486, %broadcast_in_dim3A_476 : vector<16xf32>
        %swap3A_488 = arith.index_cast %add3A_473 : i32 to index
        %swap3A_489 = arith.constant 16 : index
        %swap3A_490 = tpu.vector_load %arg19[%swap3A_488, %swap3A_489] {strides = array<i32>} : memref<128x64xf32, #tpu.memory_space<vmem>>, vector<16xf32>,
        tpu.vector_store %arg19[%swap3A_488, %swap3A_489], %mul3A_487 {strides = array<i32>} : memref<128x64xf32, #tpu.memory_space<vmem>>, vector<16xf32>,
        %get3A_491 = arith.index_cast %add3A_473 : i32 to index
        %get3A_492 = arith.constant 32 : index
        %get3A_493 = tpu.vector_load %arg19[%get3A_491, %get3A_492] {strides = array<i32>} : memref<128x64xf32, #tpu.memory_space<vmem>>, vector<16xf32>,
        %mul3A_494 = arith.mulf %get3A_493, %broadcast_in_dim3A_476 : vector<16xf32>
        %swap3A_495 = arith.index_cast %add3A_473 : i32 to index
        %swap3A_496 = arith.constant 32 : index
        %swap3A_497 = tpu.vector_load %arg19[%swap3A_495, %swap3A_496] {strides = array<i32>} : memref<128x64xf32, #tpu.memory_space<vmem>>, vector<16xf32>,
        tpu.vector_store %arg19[%swap3A_495, %swap3A_496], %mul3A_494 {strides = array<i32>} : memref<128x64xf32, #tpu.memory_space<vmem>>, vector<16xf32>,
        %get3A_498 = arith.index_cast %add3A_473 : i32 to index
        %get3A_499 = arith.constant 48 : index
        %get3A_500 = tpu.vector_load %arg19[%get3A_498, %get3A_499] {strides = array<i32>} : memref<128x64xf32, #tpu.memory_space<vmem>>, vector<16xf32>,
        %mul3A_501 = arith.mulf %get3A_500, %broadcast_in_dim3A_476 : vector<16xf32>
        %swap3A_502 = arith.index_cast %add3A_473 : i32 to index
        %swap3A_503 = arith.constant 48 : index
        %swap3A_504 = tpu.vector_load %arg19[%swap3A_502, %swap3A_503] {strides = array<i32>} : memref<128x64xf32, #tpu.memory_space<vmem>>, vector<16xf32>,
        tpu.vector_store %arg19[%swap3A_502, %swap3A_503], %mul3A_501 {strides = array<i32>} : memref<128x64xf32, #tpu.memory_space<vmem>>, vector<16xf32>,
        %mul3A_505 = arith.constant 16 : i32
        %mul3A_506 = arith.muli %scan3A_117, %mul3A_505 : i32
        %add3A_507 = arith.constant 11 : i32
        %add3A_508 = arith.addi %mul3A_506, %add3A_507 : i32
        %slice3A_509 = vector.extract_strided_slice %get3A_122 {offsets = [11], sizes = [1], strides = [1]} : vector<16xf32> to vector<1xf32>
        %squeeze3A_510 = vector.extract %slice3A_509[0] : f32 from vector<1xf32>
        %broadcast_in_dim3A_511 = vector.broadcast %squeeze3A_510 : f32 to vector<16xf32>
        %get3A_512 = arith.index_cast %add3A_508 : i32 to index
        %get3A_513 = arith.constant 0 : index
        %get3A_514 = tpu.vector_load %arg19[%get3A_512, %get3A_513] {strides = array<i32>} : memref<128x64xf32, #tpu.memory_space<vmem>>, vector<16xf32>,
        %mul3A_515 = arith.mulf %get3A_514, %broadcast_in_dim3A_511 : vector<16xf32>
        %swap3A_516 = arith.index_cast %add3A_508 : i32 to index
        %swap3A_517 = arith.constant 0 : index
        %swap3A_518 = tpu.vector_load %arg19[%swap3A_516, %swap3A_517] {strides = array<i32>} : memref<128x64xf32, #tpu.memory_space<vmem>>, vector<16xf32>,
        tpu.vector_store %arg19[%swap3A_516, %swap3A_517], %mul3A_515 {strides = array<i32>} : memref<128x64xf32, #tpu.memory_space<vmem>>, vector<16xf32>,
        %get3A_519 = arith.index_cast %add3A_508 : i32 to index
        %get3A_520 = arith.constant 16 : index
        %get3A_521 = tpu.vector_load %arg19[%get3A_519, %get3A_520] {strides = array<i32>} : memref<128x64xf32, #tpu.memory_space<vmem>>, vector<16xf32>,
        %mul3A_522 = arith.mulf %get3A_521, %broadcast_in_dim3A_511 : vector<16xf32>
        %swap3A_523 = arith.index_cast %add3A_508 : i32 to index
        %swap3A_524 = arith.constant 16 : index
        %swap3A_525 = tpu.vector_load %arg19[%swap3A_523, %swap3A_524] {strides = array<i32>} : memref<128x64xf32, #tpu.memory_space<vmem>>, vector<16xf32>,
        tpu.vector_store %arg19[%swap3A_523, %swap3A_524], %mul3A_522 {strides = array<i32>} : memref<128x64xf32, #tpu.memory_space<vmem>>, vector<16xf32>,
        %get3A_526 = arith.index_cast %add3A_508 : i32 to index
        %get3A_527 = arith.constant 32 : index
        %get3A_528 = tpu.vector_load %arg19[%get3A_526, %get3A_527] {strides = array<i32>} : memref<128x64xf32, #tpu.memory_space<vmem>>, vector<16xf32>,
        %mul3A_529 = arith.mulf %get3A_528, %broadcast_in_dim3A_511 : vector<16xf32>
        %swap3A_530 = arith.index_cast %add3A_508 : i32 to index
        %swap3A_531 = arith.constant 32 : index
        %swap3A_532 = tpu.vector_load %arg19[%swap3A_530, %swap3A_531] {strides = array<i32>} : memref<128x64xf32, #tpu.memory_space<vmem>>, vector<16xf32>,
        tpu.vector_store %arg19[%swap3A_530, %swap3A_531], %mul3A_529 {strides = array<i32>} : memref<128x64xf32, #tpu.memory_space<vmem>>, vector<16xf32>,
        %get3A_533 = arith.index_cast %add3A_508 : i32 to index
        %get3A_534 = arith.constant 48 : index
        %get3A_535 = tpu.vector_load %arg19[%get3A_533, %get3A_534] {strides = array<i32>} : memref<128x64xf32, #tpu.memory_space<vmem>>, vector<16xf32>,
        %mul3A_536 = arith.mulf %get3A_535, %broadcast_in_dim3A_511 : vector<16xf32>
        %swap3A_537 = arith.index_cast %add3A_508 : i32 to index
        %swap3A_538 = arith.constant 48 : index
        %swap3A_539 = tpu.vector_load %arg19[%swap3A_537, %swap3A_538] {strides = array<i32>} : memref<128x64xf32, #tpu.memory_space<vmem>>, vector<16xf32>,
        tpu.vector_store %arg19[%swap3A_537, %swap3A_538], %mul3A_536 {strides = array<i32>} : memref<128x64xf32, #tpu.memory_space<vmem>>, vector<16xf32>,
        %mul3A_540 = arith.constant 16 : i32
        %mul3A_541 = arith.muli %scan3A_117, %mul3A_540 : i32
        %add3A_542 = arith.constant 12 : i32
        %add3A_543 = arith.addi %mul3A_541, %add3A_542 : i32
        %slice3A_544 = vector.extract_strided_slice %get3A_122 {offsets = [12], sizes = [1], strides = [1]} : vector<16xf32> to vector<1xf32>
        %squeeze3A_545 = vector.extract %slice3A_544[0] : f32 from vector<1xf32>
        %broadcast_in_dim3A_546 = vector.broadcast %squeeze3A_545 : f32 to vector<16xf32>
        %get3A_547 = arith.index_cast %add3A_543 : i32 to index
        %get3A_548 = arith.constant 0 : index
        %get3A_549 = tpu.vector_load %arg19[%get3A_547, %get3A_548] {strides = array<i32>} : memref<128x64xf32, #tpu.memory_space<vmem>>, vector<16xf32>,
        %mul3A_550 = arith.mulf %get3A_549, %broadcast_in_dim3A_546 : vector<16xf32>
        %swap3A_551 = arith.index_cast %add3A_543 : i32 to index
        %swap3A_552 = arith.constant 0 : index
        %swap3A_553 = tpu.vector_load %arg19[%swap3A_551, %swap3A_552] {strides = array<i32>} : memref<128x64xf32, #tpu.memory_space<vmem>>, vector<16xf32>,
        tpu.vector_store %arg19[%swap3A_551, %swap3A_552], %mul3A_550 {strides = array<i32>} : memref<128x64xf32, #tpu.memory_space<vmem>>, vector<16xf32>,
        %get3A_554 = arith.index_cast %add3A_543 : i32 to index
        %get3A_555 = arith.constant 16 : index
        %get3A_556 = tpu.vector_load %arg19[%get3A_554, %get3A_555] {strides = array<i32>} : memref<128x64xf32, #tpu.memory_space<vmem>>, vector<16xf32>,
        %mul3A_557 = arith.mulf %get3A_556, %broadcast_in_dim3A_546 : vector<16xf32>
        %swap3A_558 = arith.index_cast %add3A_543 : i32 to index
        %swap3A_559 = arith.constant 16 : index
        %swap3A_560 = tpu.vector_load %arg19[%swap3A_558, %swap3A_559] {strides = array<i32>} : memref<128x64xf32, #tpu.memory_space<vmem>>, vector<16xf32>,
        tpu.vector_store %arg19[%swap3A_558, %swap3A_559], %mul3A_557 {strides = array<i32>} : memref<128x64xf32, #tpu.memory_space<vmem>>, vector<16xf32>,
        %get3A_561 = arith.index_cast %add3A_543 : i32 to index
        %get3A_562 = arith.constant 32 : index
        %get3A_563 = tpu.vector_load %arg19[%get3A_561, %get3A_562] {strides = array<i32>} : memref<128x64xf32, #tpu.memory_space<vmem>>, vector<16xf32>,
        %mul3A_564 = arith.mulf %get3A_563, %broadcast_in_dim3A_546 : vector<16xf32>
        %swap3A_565 = arith.index_cast %add3A_543 : i32 to index
        %swap3A_566 = arith.constant 32 : index
        %swap3A_567 = tpu.vector_load %arg19[%swap3A_565, %swap3A_566] {strides = array<i32>} : memref<128x64xf32, #tpu.memory_space<vmem>>, vector<16xf32>,
        tpu.vector_store %arg19[%swap3A_565, %swap3A_566], %mul3A_564 {strides = array<i32>} : memref<128x64xf32, #tpu.memory_space<vmem>>, vector<16xf32>,
        %get3A_568 = arith.index_cast %add3A_543 : i32 to index
        %get3A_569 = arith.constant 48 : index
        %get3A_570 = tpu.vector_load %arg19[%get3A_568, %get3A_569] {strides = array<i32>} : memref<128x64xf32, #tpu.memory_space<vmem>>, vector<16xf32>,
        %mul3A_571 = arith.mulf %get3A_570, %broadcast_in_dim3A_546 : vector<16xf32>
        %swap3A_572 = arith.index_cast %add3A_543 : i32 to index
        %swap3A_573 = arith.constant 48 : index
        %swap3A_574 = tpu.vector_load %arg19[%swap3A_572, %swap3A_573] {strides = array<i32>} : memref<128x64xf32, #tpu.memory_space<vmem>>, vector<16xf32>,
        tpu.vector_store %arg19[%swap3A_572, %swap3A_573], %mul3A_571 {strides = array<i32>} : memref<128x64xf32, #tpu.memory_space<vmem>>, vector<16xf32>,
        %mul3A_575 = arith.constant 16 : i32
        %mul3A_576 = arith.muli %scan3A_117, %mul3A_575 : i32
        %add3A_577 = arith.constant 13 : i32
        %add3A_578 = arith.addi %mul3A_576, %add3A_577 : i32
        %slice3A_579 = vector.extract_strided_slice %get3A_122 {offsets = [13], sizes = [1], strides = [1]} : vector<16xf32> to vector<1xf32>
        %squeeze3A_580 = vector.extract %slice3A_579[0] : f32 from vector<1xf32>
        %broadcast_in_dim3A_581 = vector.broadcast %squeeze3A_580 : f32 to vector<16xf32>
        %get3A_582 = arith.index_cast %add3A_578 : i32 to index
        %get3A_583 = arith.constant 0 : index
        %get3A_584 = tpu.vector_load %arg19[%get3A_582, %get3A_583] {strides = array<i32>} : memref<128x64xf32, #tpu.memory_space<vmem>>, vector<16xf32>,
        %mul3A_585 = arith.mulf %get3A_584, %broadcast_in_dim3A_581 : vector<16xf32>
        %swap3A_586 = arith.index_cast %add3A_578 : i32 to index
        %swap3A_587 = arith.constant 0 : index
        %swap3A_588 = tpu.vector_load %arg19[%swap3A_586, %swap3A_587] {strides = array<i32>} : memref<128x64xf32, #tpu.memory_space<vmem>>, vector<16xf32>,
        tpu.vector_store %arg19[%swap3A_586, %swap3A_587], %mul3A_585 {strides = array<i32>} : memref<128x64xf32, #tpu.memory_space<vmem>>, vector<16xf32>,
        %get3A_589 = arith.index_cast %add3A_578 : i32 to index
        %get3A_590 = arith.constant 16 : index
        %get3A_591 = tpu.vector_load %arg19[%get3A_589, %get3A_590] {strides = array<i32>} : memref<128x64xf32, #tpu.memory_space<vmem>>, vector<16xf32>,
        %mul3A_592 = arith.mulf %get3A_591, %broadcast_in_dim3A_581 : vector<16xf32>
        %swap3A_593 = arith.index_cast %add3A_578 : i32 to index
        %swap3A_594 = arith.constant 16 : index
        %swap3A_595 = tpu.vector_load %arg19[%swap3A_593, %swap3A_594] {strides = array<i32>} : memref<128x64xf32, #tpu.memory_space<vmem>>, vector<16xf32>,
        tpu.vector_store %arg19[%swap3A_593, %swap3A_594], %mul3A_592 {strides = array<i32>} : memref<128x64xf32, #tpu.memory_space<vmem>>, vector<16xf32>,
        %get3A_596 = arith.index_cast %add3A_578 : i32 to index
        %get3A_597 = arith.constant 32 : index
        %get3A_598 = tpu.vector_load %arg19[%get3A_596, %get3A_597] {strides = array<i32>} : memref<128x64xf32, #tpu.memory_space<vmem>>, vector<16xf32>,
        %mul3A_599 = arith.mulf %get3A_598, %broadcast_in_dim3A_581 : vector<16xf32>
        %swap3A_600 = arith.index_cast %add3A_578 : i32 to index
        %swap3A_601 = arith.constant 32 : index
        %swap3A_602 = tpu.vector_load %arg19[%swap3A_600, %swap3A_601] {strides = array<i32>} : memref<128x64xf32, #tpu.memory_space<vmem>>, vector<16xf32>,
        tpu.vector_store %arg19[%swap3A_600, %swap3A_601], %mul3A_599 {strides = array<i32>} : memref<128x64xf32, #tpu.memory_space<vmem>>, vector<16xf32>,
        %get3A_603 = arith.index_cast %add3A_578 : i32 to index
        %get3A_604 = arith.constant 48 : index
        %get3A_605 = tpu.vector_load %arg19[%get3A_603, %get3A_604] {strides = array<i32>} : memref<128x64xf32, #tpu.memory_space<vmem>>, vector<16xf32>,
        %mul3A_606 = arith.mulf %get3A_605, %broadcast_in_dim3A_581 : vector<16xf32>
        %swap3A_607 = arith.index_cast %add3A_578 : i32 to index
        %swap3A_608 = arith.constant 48 : index
        %swap3A_609 = tpu.vector_load %arg19[%swap3A_607, %swap3A_608] {strides = array<i32>} : memref<128x64xf32, #tpu.memory_space<vmem>>, vector<16xf32>,
        tpu.vector_store %arg19[%swap3A_607, %swap3A_608], %mul3A_606 {strides = array<i32>} : memref<128x64xf32, #tpu.memory_space<vmem>>, vector<16xf32>,
        %mul3A_610 = arith.constant 16 : i32
        %mul3A_611 = arith.muli %scan3A_117, %mul3A_610 : i32
        %add3A_612 = arith.constant 14 : i32
        %add3A_613 = arith.addi %mul3A_611, %add3A_612 : i32
        %slice3A_614 = vector.extract_strided_slice %get3A_122 {offsets = [14], sizes = [1], strides = [1]} : vector<16xf32> to vector<1xf32>
        %squeeze3A_615 = vector.extract %slice3A_614[0] : f32 from vector<1xf32>
        %broadcast_in_dim3A_616 = vector.broadcast %squeeze3A_615 : f32 to vector<16xf32>
        %get3A_617 = arith.index_cast %add3A_613 : i32 to index
        %get3A_618 = arith.constant 0 : index
        %get3A_619 = tpu.vector_load %arg19[%get3A_617, %get3A_618] {strides = array<i32>} : memref<128x64xf32, #tpu.memory_space<vmem>>, vector<16xf32>,
        %mul3A_620 = arith.mulf %get3A_619, %broadcast_in_dim3A_616 : vector<16xf32>
        %swap3A_621 = arith.index_cast %add3A_613 : i32 to index
        %swap3A_622 = arith.constant 0 : index
        %swap3A_623 = tpu.vector_load %arg19[%swap3A_621, %swap3A_622] {strides = array<i32>} : memref<128x64xf32, #tpu.memory_space<vmem>>, vector<16xf32>,
        tpu.vector_store %arg19[%swap3A_621, %swap3A_622], %mul3A_620 {strides = array<i32>} : memref<128x64xf32, #tpu.memory_space<vmem>>, vector<16xf32>,
        %get3A_624 = arith.index_cast %add3A_613 : i32 to index
        %get3A_625 = arith.constant 16 : index
        %get3A_626 = tpu.vector_load %arg19[%get3A_624, %get3A_625] {strides = array<i32>} : memref<128x64xf32, #tpu.memory_space<vmem>>, vector<16xf32>,
        %mul3A_627 = arith.mulf %get3A_626, %broadcast_in_dim3A_616 : vector<16xf32>
        %swap3A_628 = arith.index_cast %add3A_613 : i32 to index
        %swap3A_629 = arith.constant 16 : index
        %swap3A_630 = tpu.vector_load %arg19[%swap3A_628, %swap3A_629] {strides = array<i32>} : memref<128x64xf32, #tpu.memory_space<vmem>>, vector<16xf32>,
        tpu.vector_store %arg19[%swap3A_628, %swap3A_629], %mul3A_627 {strides = array<i32>} : memref<128x64xf32, #tpu.memory_space<vmem>>, vector<16xf32>,
        %get3A_631 = arith.index_cast %add3A_613 : i32 to index
        %get3A_632 = arith.constant 32 : index
        %get3A_633 = tpu.vector_load %arg19[%get3A_631, %get3A_632] {strides = array<i32>} : memref<128x64xf32, #tpu.memory_space<vmem>>, vector<16xf32>,
        %mul3A_634 = arith.mulf %get3A_633, %broadcast_in_dim3A_616 : vector<16xf32>
        %swap3A_635 = arith.index_cast %add3A_613 : i32 to index
        %swap3A_636 = arith.constant 32 : index
        %swap3A_637 = tpu.vector_load %arg19[%swap3A_635, %swap3A_636] {strides = array<i32>} : memref<128x64xf32, #tpu.memory_space<vmem>>, vector<16xf32>,
        tpu.vector_store %arg19[%swap3A_635, %swap3A_636], %mul3A_634 {strides = array<i32>} : memref<128x64xf32, #tpu.memory_space<vmem>>, vector<16xf32>,
        %get3A_638 = arith.index_cast %add3A_613 : i32 to index
        %get3A_639 = arith.constant 48 : index
        %get3A_640 = tpu.vector_load %arg19[%get3A_638, %get3A_639] {strides = array<i32>} : memref<128x64xf32, #tpu.memory_space<vmem>>, vector<16xf32>,
        %mul3A_641 = arith.mulf %get3A_640, %broadcast_in_dim3A_616 : vector<16xf32>
        %swap3A_642 = arith.index_cast %add3A_613 : i32 to index
        %swap3A_643 = arith.constant 48 : index
        %swap3A_644 = tpu.vector_load %arg19[%swap3A_642, %swap3A_643] {strides = array<i32>} : memref<128x64xf32, #tpu.memory_space<vmem>>, vector<16xf32>,
        tpu.vector_store %arg19[%swap3A_642, %swap3A_643], %mul3A_641 {strides = array<i32>} : memref<128x64xf32, #tpu.memory_space<vmem>>, vector<16xf32>,
        %mul3A_645 = arith.constant 16 : i32
        %mul3A_646 = arith.muli %scan3A_117, %mul3A_645 : i32
        %add3A_647 = arith.constant 15 : i32
        %add3A_648 = arith.addi %mul3A_646, %add3A_647 : i32
        %slice3A_649 = vector.extract_strided_slice %get3A_122 {offsets = [15], sizes = [1], strides = [1]} : vector<16xf32> to vector<1xf32>
        %squeeze3A_650 = vector.extract %slice3A_649[0] : f32 from vector<1xf32>
        %broadcast_in_dim3A_651 = vector.broadcast %squeeze3A_650 : f32 to vector<16xf32>
        %get3A_652 = arith.index_cast %add3A_648 : i32 to index
        %get3A_653 = arith.constant 0 : index
        %get3A_654 = tpu.vector_load %arg19[%get3A_652, %get3A_653] {strides = array<i32>} : memref<128x64xf32, #tpu.memory_space<vmem>>, vector<16xf32>,
        %mul3A_655 = arith.mulf %get3A_654, %broadcast_in_dim3A_651 : vector<16xf32>
        %swap3A_656 = arith.index_cast %add3A_648 : i32 to index
        %swap3A_657 = arith.constant 0 : index
        %swap3A_658 = tpu.vector_load %arg19[%swap3A_656, %swap3A_657] {strides = array<i32>} : memref<128x64xf32, #tpu.memory_space<vmem>>, vector<16xf32>,
        tpu.vector_store %arg19[%swap3A_656, %swap3A_657], %mul3A_655 {strides = array<i32>} : memref<128x64xf32, #tpu.memory_space<vmem>>, vector<16xf32>,
        %get3A_659 = arith.index_cast %add3A_648 : i32 to index
        %get3A_660 = arith.constant 16 : index
        %get3A_661 = tpu.vector_load %arg19[%get3A_659, %get3A_660] {strides = array<i32>} : memref<128x64xf32, #tpu.memory_space<vmem>>, vector<16xf32>,
        %mul3A_662 = arith.mulf %get3A_661, %broadcast_in_dim3A_651 : vector<16xf32>
        %swap3A_663 = arith.index_cast %add3A_648 : i32 to index
        %swap3A_664 = arith.constant 16 : index
        %swap3A_665 = tpu.vector_load %arg19[%swap3A_663, %swap3A_664] {strides = array<i32>} : memref<128x64xf32, #tpu.memory_space<vmem>>, vector<16xf32>,
        tpu.vector_store %arg19[%swap3A_663, %swap3A_664], %mul3A_662 {strides = array<i32>} : memref<128x64xf32, #tpu.memory_space<vmem>>, vector<16xf32>,
        %get3A_666 = arith.index_cast %add3A_648 : i32 to index
        %get3A_667 = arith.constant 32 : index
        %get3A_668 = tpu.vector_load %arg19[%get3A_666, %get3A_667] {strides = array<i32>} : memref<128x64xf32, #tpu.memory_space<vmem>>, vector<16xf32>,
        %mul3A_669 = arith.mulf %get3A_668, %broadcast_in_dim3A_651 : vector<16xf32>
        %swap3A_670 = arith.index_cast %add3A_648 : i32 to index
        %swap3A_671 = arith.constant 32 : index
        %swap3A_672 = tpu.vector_load %arg19[%swap3A_670, %swap3A_671] {strides = array<i32>} : memref<128x64xf32, #tpu.memory_space<vmem>>, vector<16xf32>,
        tpu.vector_store %arg19[%swap3A_670, %swap3A_671], %mul3A_669 {strides = array<i32>} : memref<128x64xf32, #tpu.memory_space<vmem>>, vector<16xf32>,
        %get3A_673 = arith.index_cast %add3A_648 : i32 to index
        %get3A_674 = arith.constant 48 : index
        %get3A_675 = tpu.vector_load %arg19[%get3A_673, %get3A_674] {strides = array<i32>} : memref<128x64xf32, #tpu.memory_space<vmem>>, vector<16xf32>,
        %mul3A_676 = arith.mulf %get3A_675, %broadcast_in_dim3A_651 : vector<16xf32>
        %swap3A_677 = arith.index_cast %add3A_648 : i32 to index
        %swap3A_678 = arith.constant 48 : index
        %swap3A_679 = tpu.vector_load %arg19[%swap3A_677, %swap3A_678] {strides = array<i32>} : memref<128x64xf32, #tpu.memory_space<vmem>>, vector<16xf32>,
        tpu.vector_store %arg19[%swap3A_677, %swap3A_678], %mul3A_676 {strides = array<i32>} : memref<128x64xf32, #tpu.memory_space<vmem>>, vector<16xf32>,
        %scan3A_680 = arith.constant 0 : i32
        scf.yield %scan3A_680 : i32
      }
      %scan3A_108 = arith.constant 8 : i32
      "tpu.region"() ({
        %run_scoped3A_117 = tpu.sem_alloc : memref<!tpu.dma_semaphore, #tpu.memory_space<semaphore_mem>>
        %dma_start3A = arith.constant 0 : i32
        %dma_start3A_118 = tpu.memref_slice %arg17[%scan3A_95, %dma_start3A] : memref<160x128xi32, #tpu.memory_space<vmem>> -> memref<1x128xi32, #tpu.memory_space<vmem>>
        %dma_start3A_119 = tpu.memref_squeeze %dma_start3A_118 : memref<1x128xi32, #tpu.memory_space<vmem>> -> memref<128xi32, #tpu.memory_space<vmem>>
        %dma_start3A_120 = arith.constant 0 : i32
        %dma_start3A_121 = arith.constant 0 : i32
        %dma_start3A_122 = tpu.memref_slice %arg22[%dma_start3A_120, %dma_start3A_121] : memref<10240x64xf32, #tpu.memory_space<vmem_shared>> -> memref<10240x64xf32, #tpu.memory_space<vmem_shared>>
        tpu.enqueue_indirect_dma source(%arg19 : memref<128x64xf32, #tpu.memory_space<vmem>>) target(%dma_start3A_122 : memref<10240x64xf32, #tpu.memory_space<vmem_shared>>) offsets(%dma_start3A_119 : memref<128xi32, #tpu.memory_space<vmem>>) semaphore(%run_scoped3A_117 : memref<!tpu.dma_semaphore, #tpu.memory_space<semaphore_mem>>) {add = true}
        %dma_wait3A = arith.constant 0 : i32
        %dma_wait3A_123 = tpu.memref_slice %arg17[%scan3A_95, %dma_wait3A] : memref<160x128xi32, #tpu.memory_space<vmem>> -> memref<1x128xi32, #tpu.memory_space<vmem>>
        %dma_wait3A_124 = tpu.memref_squeeze %dma_wait3A_123 : memref<1x128xi32, #tpu.memory_space<vmem>> -> memref<128xi32, #tpu.memory_space<vmem>>
        %dma_wait3A_125 = arith.constant 0 : i32
        %dma_wait3A_126 = arith.constant 0 : i32
        %dma_wait3A_127 = tpu.memref_slice %arg22[%dma_wait3A_125, %dma_wait3A_126] : memref<10240x64xf32, #tpu.memory_space<vmem_shared>> -> memref<10240x64xf32, #tpu.memory_space<vmem_shared>>
        tpu.wait_indirect_dma semaphore(%run_scoped3A_117 : memref<!tpu.dma_semaphore, #tpu.memory_space<semaphore_mem>>) src(%arg19 : memref<128x64xf32, #tpu.memory_space<vmem>>) dst(%dma_wait3A_127 : memref<10240x64xf32, #tpu.memory_space<vmem_shared>>)
        tpu.yield
      }) : () -> ()
      %run_scoped3A = arith.constant 0 : i32
      "tpu.region"() ({
        %run_scoped3A_117 = tpu.sem_alloc : memref<!tpu.dma_semaphore, #tpu.memory_space<semaphore_mem>>
        %dma_start3A = arith.constant 0 : i32
        %dma_start3A_118 = tpu.memref_slice %arg20[%run_scoped3A, %dma_start3A] : memref<8x128xf32, #tpu.memory_space<vmem>> -> memref<1x128xf32, #tpu.memory_space<vmem>>
        %dma_start3A_119 = tpu.memref_squeeze %dma_start3A_118 : memref<1x128xf32, #tpu.memory_space<vmem>> -> memref<128xf32, #tpu.memory_space<vmem>>
        %dma_start3A_120 = arith.constant 0 : i32
        %dma_start3A_121 = tpu.memref_slice %arg17[%scan3A_95, %dma_start3A_120] : memref<160x128xi32, #tpu.memory_space<vmem>> -> memref<1x128xi32, #tpu.memory_space<vmem>>
        %dma_start3A_122 = tpu.memref_squeeze %dma_start3A_121 : memref<1x128xi32, #tpu.memory_space<vmem>> -> memref<128xi32, #tpu.memory_space<vmem>>
        %dma_start3A_123 = arith.constant 0 : i32
        %dma_start3A_124 = tpu.memref_slice %arg23[%dma_start3A_123] : memref<10240xf32, #tpu.memory_space<vmem_shared>> -> memref<10240xf32, #tpu.memory_space<vmem_shared>>
        tpu.enqueue_indirect_dma source(%dma_start3A_119 : memref<128xf32, #tpu.memory_space<vmem>>) target(%dma_start3A_124 : memref<10240xf32, #tpu.memory_space<vmem_shared>>) offsets(%dma_start3A_122 : memref<128xi32, #tpu.memory_space<vmem>>) semaphore(%run_scoped3A_117 : memref<!tpu.dma_semaphore, #tpu.memory_space<semaphore_mem>>) {add = true}
        %dma_wait3A = arith.constant 0 : i32
        %dma_wait3A_125 = tpu.memref_slice %arg20[%run_scoped3A, %dma_wait3A] : memref<8x128xf32, #tpu.memory_space<vmem>> -> memref<1x128xf32, #tpu.memory_space<vmem>>
        %dma_wait3A_126 = tpu.memref_squeeze %dma_wait3A_125 : memref<1x128xf32, #tpu.memory_space<vmem>> -> memref<128xf32, #tpu.memory_space<vmem>>
        %dma_wait3A_127 = arith.constant 0 : i32
        %dma_wait3A_128 = tpu.memref_slice %arg17[%scan3A_95, %dma_wait3A_127] : memref<160x128xi32, #tpu.memory_space<vmem>> -> memref<1x128xi32, #tpu.memory_space<vmem>>
        %dma_wait3A_129 = tpu.memref_squeeze %dma_wait3A_128 : memref<1x128xi32, #tpu.memory_space<vmem>> -> memref<128xi32, #tpu.memory_space<vmem>>
        %dma_wait3A_130 = arith.constant 0 : i32
        %dma_wait3A_131 = tpu.memref_slice %arg23[%dma_wait3A_130] : memref<10240xf32, #tpu.memory_space<vmem_shared>> -> memref<10240xf32, #tpu.memory_space<vmem_shared>>
        tpu.wait_indirect_dma semaphore(%run_scoped3A_117 : memref<!tpu.dma_semaphore, #tpu.memory_space<semaphore_mem>>) src(%dma_wait3A_126 : memref<128xf32, #tpu.memory_space<vmem>>) dst(%dma_wait3A_131 : memref<10240xf32, #tpu.memory_space<vmem_shared>>)
        tpu.yield
      }) : () -> ()
      %run_scoped3A_109 = arith.constant 1 : i32
      "tpu.region"() ({
        %run_scoped3A_117 = tpu.sem_alloc : memref<!tpu.dma_semaphore, #tpu.memory_space<semaphore_mem>>
        %dma_start3A = arith.constant 0 : i32
        %dma_start3A_118 = tpu.memref_slice %arg20[%run_scoped3A_109, %dma_start3A] : memref<8x128xf32, #tpu.memory_space<vmem>> -> memref<1x128xf32, #tpu.memory_space<vmem>>
        %dma_start3A_119 = tpu.memref_squeeze %dma_start3A_118 : memref<1x128xf32, #tpu.memory_space<vmem>> -> memref<128xf32, #tpu.memory_space<vmem>>
        %dma_start3A_120 = arith.constant 0 : i32
        %dma_start3A_121 = tpu.memref_slice %arg17[%scan3A_95, %dma_start3A_120] : memref<160x128xi32, #tpu.memory_space<vmem>> -> memref<1x128xi32, #tpu.memory_space<vmem>>
        %dma_start3A_122 = tpu.memref_squeeze %dma_start3A_121 : memref<1x128xi32, #tpu.memory_space<vmem>> -> memref<128xi32, #tpu.memory_space<vmem>>
        %dma_start3A_123 = arith.constant 0 : i32
        %dma_start3A_124 = tpu.memref_slice %arg24[%dma_start3A_123] : memref<10240xf32, #tpu.memory_space<vmem_shared>> -> memref<10240xf32, #tpu.memory_space<vmem_shared>>
        tpu.enqueue_indirect_dma source(%dma_start3A_119 : memref<128xf32, #tpu.memory_space<vmem>>) target(%dma_start3A_124 : memref<10240xf32, #tpu.memory_space<vmem_shared>>) offsets(%dma_start3A_122 : memref<128xi32, #tpu.memory_space<vmem>>) semaphore(%run_scoped3A_117 : memref<!tpu.dma_semaphore, #tpu.memory_space<semaphore_mem>>) {add = true}
        %dma_wait3A = arith.constant 0 : i32
        %dma_wait3A_125 = tpu.memref_slice %arg20[%run_scoped3A_109, %dma_wait3A] : memref<8x128xf32, #tpu.memory_space<vmem>> -> memref<1x128xf32, #tpu.memory_space<vmem>>
        %dma_wait3A_126 = tpu.memref_squeeze %dma_wait3A_125 : memref<1x128xf32, #tpu.memory_space<vmem>> -> memref<128xf32, #tpu.memory_space<vmem>>
        %dma_wait3A_127 = arith.constant 0 : i32
        %dma_wait3A_128 = tpu.memref_slice %arg17[%scan3A_95, %dma_wait3A_127] : memref<160x128xi32, #tpu.memory_space<vmem>> -> memref<1x128xi32, #tpu.memory_space<vmem>>
        %dma_wait3A_129 = tpu.memref_squeeze %dma_wait3A_128 : memref<1x128xi32, #tpu.memory_space<vmem>> -> memref<128xi32, #tpu.memory_space<vmem>>
        %dma_wait3A_130 = arith.constant 0 : i32
        %dma_wait3A_131 = tpu.memref_slice %arg24[%dma_wait3A_130] : memref<10240xf32, #tpu.memory_space<vmem_shared>> -> memref<10240xf32, #tpu.memory_space<vmem_shared>>
        tpu.wait_indirect_dma semaphore(%run_scoped3A_117 : memref<!tpu.dma_semaphore, #tpu.memory_space<semaphore_mem>>) src(%dma_wait3A_126 : memref<128xf32, #tpu.memory_space<vmem>>) dst(%dma_wait3A_131 : memref<10240xf32, #tpu.memory_space<vmem_shared>>)
        tpu.yield
      }) : () -> ()
      %run_scoped3A_110 = arith.constant 2 : i32
      "tpu.region"() ({
        %run_scoped3A_117 = tpu.sem_alloc : memref<!tpu.dma_semaphore, #tpu.memory_space<semaphore_mem>>
        %dma_start3A = arith.constant 0 : i32
        %dma_start3A_118 = tpu.memref_slice %arg20[%run_scoped3A_110, %dma_start3A] : memref<8x128xf32, #tpu.memory_space<vmem>> -> memref<1x128xf32, #tpu.memory_space<vmem>>
        %dma_start3A_119 = tpu.memref_squeeze %dma_start3A_118 : memref<1x128xf32, #tpu.memory_space<vmem>> -> memref<128xf32, #tpu.memory_space<vmem>>
        %dma_start3A_120 = arith.constant 0 : i32
        %dma_start3A_121 = tpu.memref_slice %arg17[%scan3A_95, %dma_start3A_120] : memref<160x128xi32, #tpu.memory_space<vmem>> -> memref<1x128xi32, #tpu.memory_space<vmem>>
        %dma_start3A_122 = tpu.memref_squeeze %dma_start3A_121 : memref<1x128xi32, #tpu.memory_space<vmem>> -> memref<128xi32, #tpu.memory_space<vmem>>
        %dma_start3A_123 = arith.constant 0 : i32
        %dma_start3A_124 = tpu.memref_slice %arg25[%dma_start3A_123] : memref<10240xf32, #tpu.memory_space<vmem_shared>> -> memref<10240xf32, #tpu.memory_space<vmem_shared>>
        tpu.enqueue_indirect_dma source(%dma_start3A_119 : memref<128xf32, #tpu.memory_space<vmem>>) target(%dma_start3A_124 : memref<10240xf32, #tpu.memory_space<vmem_shared>>) offsets(%dma_start3A_122 : memref<128xi32, #tpu.memory_space<vmem>>) semaphore(%run_scoped3A_117 : memref<!tpu.dma_semaphore, #tpu.memory_space<semaphore_mem>>) {add = true}
        %dma_wait3A = arith.constant 0 : i32
        %dma_wait3A_125 = tpu.memref_slice %arg20[%run_scoped3A_110, %dma_wait3A] : memref<8x128xf32, #tpu.memory_space<vmem>> -> memref<1x128xf32, #tpu.memory_space<vmem>>
        %dma_wait3A_126 = tpu.memref_squeeze %dma_wait3A_125 : memref<1x128xf32, #tpu.memory_space<vmem>> -> memref<128xf32, #tpu.memory_space<vmem>>
        %dma_wait3A_127 = arith.constant 0 : i32
        %dma_wait3A_128 = tpu.memref_slice %arg17[%scan3A_95, %dma_wait3A_127] : memref<160x128xi32, #tpu.memory_space<vmem>> -> memref<1x128xi32, #tpu.memory_space<vmem>>
        %dma_wait3A_129 = tpu.memref_squeeze %dma_wait3A_128 : memref<1x128xi32, #tpu.memory_space<vmem>> -> memref<128xi32, #tpu.memory_space<vmem>>
        %dma_wait3A_130 = arith.constant 0 : i32
        %dma_wait3A_131 = tpu.memref_slice %arg25[%dma_wait3A_130] : memref<10240xf32, #tpu.memory_space<vmem_shared>> -> memref<10240xf32, #tpu.memory_space<vmem_shared>>
        tpu.wait_indirect_dma semaphore(%run_scoped3A_117 : memref<!tpu.dma_semaphore, #tpu.memory_space<semaphore_mem>>) src(%dma_wait3A_126 : memref<128xf32, #tpu.memory_space<vmem>>) dst(%dma_wait3A_131 : memref<10240xf32, #tpu.memory_space<vmem_shared>>)
        tpu.yield
      }) : () -> ()
      %run_scoped3A_111 = arith.constant 3 : i32
      "tpu.region"() ({
        %run_scoped3A_117 = tpu.sem_alloc : memref<!tpu.dma_semaphore, #tpu.memory_space<semaphore_mem>>
        %dma_start3A = arith.constant 0 : i32
        %dma_start3A_118 = tpu.memref_slice %arg20[%run_scoped3A_111, %dma_start3A] : memref<8x128xf32, #tpu.memory_space<vmem>> -> memref<1x128xf32, #tpu.memory_space<vmem>>
        %dma_start3A_119 = tpu.memref_squeeze %dma_start3A_118 : memref<1x128xf32, #tpu.memory_space<vmem>> -> memref<128xf32, #tpu.memory_space<vmem>>
        %dma_start3A_120 = arith.constant 0 : i32
        %dma_start3A_121 = tpu.memref_slice %arg17[%scan3A_95, %dma_start3A_120] : memref<160x128xi32, #tpu.memory_space<vmem>> -> memref<1x128xi32, #tpu.memory_space<vmem>>
        %dma_start3A_122 = tpu.memref_squeeze %dma_start3A_121 : memref<1x128xi32, #tpu.memory_space<vmem>> -> memref<128xi32, #tpu.memory_space<vmem>>
        %dma_start3A_123 = arith.constant 0 : i32
        %dma_start3A_124 = tpu.memref_slice %arg26[%dma_start3A_123] : memref<10240xf32, #tpu.memory_space<vmem_shared>> -> memref<10240xf32, #tpu.memory_space<vmem_shared>>
        tpu.enqueue_indirect_dma source(%dma_start3A_119 : memref<128xf32, #tpu.memory_space<vmem>>) target(%dma_start3A_124 : memref<10240xf32, #tpu.memory_space<vmem_shared>>) offsets(%dma_start3A_122 : memref<128xi32, #tpu.memory_space<vmem>>) semaphore(%run_scoped3A_117 : memref<!tpu.dma_semaphore, #tpu.memory_space<semaphore_mem>>) {add = true}
        %dma_wait3A = arith.constant 0 : i32
        %dma_wait3A_125 = tpu.memref_slice %arg20[%run_scoped3A_111, %dma_wait3A] : memref<8x128xf32, #tpu.memory_space<vmem>> -> memref<1x128xf32, #tpu.memory_space<vmem>>
        %dma_wait3A_126 = tpu.memref_squeeze %dma_wait3A_125 : memref<1x128xf32, #tpu.memory_space<vmem>> -> memref<128xf32, #tpu.memory_space<vmem>>
        %dma_wait3A_127 = arith.constant 0 : i32
        %dma_wait3A_128 = tpu.memref_slice %arg17[%scan3A_95, %dma_wait3A_127] : memref<160x128xi32, #tpu.memory_space<vmem>> -> memref<1x128xi32, #tpu.memory_space<vmem>>
        %dma_wait3A_129 = tpu.memref_squeeze %dma_wait3A_128 : memref<1x128xi32, #tpu.memory_space<vmem>> -> memref<128xi32, #tpu.memory_space<vmem>>
        %dma_wait3A_130 = arith.constant 0 : i32
        %dma_wait3A_131 = tpu.memref_slice %arg26[%dma_wait3A_130] : memref<10240xf32, #tpu.memory_space<vmem_shared>> -> memref<10240xf32, #tpu.memory_space<vmem_shared>>
        tpu.wait_indirect_dma semaphore(%run_scoped3A_117 : memref<!tpu.dma_semaphore, #tpu.memory_space<semaphore_mem>>) src(%dma_wait3A_126 : memref<128xf32, #tpu.memory_space<vmem>>) dst(%dma_wait3A_131 : memref<10240xf32, #tpu.memory_space<vmem_shared>>)
        tpu.yield
      }) : () -> ()
      %run_scoped3A_112 = arith.constant 4 : i32
      "tpu.region"() ({
        %run_scoped3A_117 = tpu.sem_alloc : memref<!tpu.dma_semaphore, #tpu.memory_space<semaphore_mem>>
        %dma_start3A = arith.constant 0 : i32
        %dma_start3A_118 = tpu.memref_slice %arg20[%run_scoped3A_112, %dma_start3A] : memref<8x128xf32, #tpu.memory_space<vmem>> -> memref<1x128xf32, #tpu.memory_space<vmem>>
        %dma_start3A_119 = tpu.memref_squeeze %dma_start3A_118 : memref<1x128xf32, #tpu.memory_space<vmem>> -> memref<128xf32, #tpu.memory_space<vmem>>
        %dma_start3A_120 = arith.constant 0 : i32
        %dma_start3A_121 = tpu.memref_slice %arg17[%scan3A_95, %dma_start3A_120] : memref<160x128xi32, #tpu.memory_space<vmem>> -> memref<1x128xi32, #tpu.memory_space<vmem>>
        %dma_start3A_122 = tpu.memref_squeeze %dma_start3A_121 : memref<1x128xi32, #tpu.memory_space<vmem>> -> memref<128xi32, #tpu.memory_space<vmem>>
        %dma_start3A_123 = arith.constant 0 : i32
        %dma_start3A_124 = tpu.memref_slice %arg27[%dma_start3A_123] : memref<10240xf32, #tpu.memory_space<vmem_shared>> -> memref<10240xf32, #tpu.memory_space<vmem_shared>>
        tpu.enqueue_indirect_dma source(%dma_start3A_119 : memref<128xf32, #tpu.memory_space<vmem>>) target(%dma_start3A_124 : memref<10240xf32, #tpu.memory_space<vmem_shared>>) offsets(%dma_start3A_122 : memref<128xi32, #tpu.memory_space<vmem>>) semaphore(%run_scoped3A_117 : memref<!tpu.dma_semaphore, #tpu.memory_space<semaphore_mem>>) {add = true}
        %dma_wait3A = arith.constant 0 : i32
        %dma_wait3A_125 = tpu.memref_slice %arg20[%run_scoped3A_112, %dma_wait3A] : memref<8x128xf32, #tpu.memory_space<vmem>> -> memref<1x128xf32, #tpu.memory_space<vmem>>
        %dma_wait3A_126 = tpu.memref_squeeze %dma_wait3A_125 : memref<1x128xf32, #tpu.memory_space<vmem>> -> memref<128xf32, #tpu.memory_space<vmem>>
        %dma_wait3A_127 = arith.constant 0 : i32
        %dma_wait3A_128 = tpu.memref_slice %arg17[%scan3A_95, %dma_wait3A_127] : memref<160x128xi32, #tpu.memory_space<vmem>> -> memref<1x128xi32, #tpu.memory_space<vmem>>
        %dma_wait3A_129 = tpu.memref_squeeze %dma_wait3A_128 : memref<1x128xi32, #tpu.memory_space<vmem>> -> memref<128xi32, #tpu.memory_space<vmem>>
        %dma_wait3A_130 = arith.constant 0 : i32
        %dma_wait3A_131 = tpu.memref_slice %arg27[%dma_wait3A_130] : memref<10240xf32, #tpu.memory_space<vmem_shared>> -> memref<10240xf32, #tpu.memory_space<vmem_shared>>
        tpu.wait_indirect_dma semaphore(%run_scoped3A_117 : memref<!tpu.dma_semaphore, #tpu.memory_space<semaphore_mem>>) src(%dma_wait3A_126 : memref<128xf32, #tpu.memory_space<vmem>>) dst(%dma_wait3A_131 : memref<10240xf32, #tpu.memory_space<vmem_shared>>)
        tpu.yield
      }) : () -> ()
      %run_scoped3A_113 = arith.constant 5 : i32
      "tpu.region"() ({
        %run_scoped3A_117 = tpu.sem_alloc : memref<!tpu.dma_semaphore, #tpu.memory_space<semaphore_mem>>
        %dma_start3A = arith.constant 0 : i32
        %dma_start3A_118 = tpu.memref_slice %arg20[%run_scoped3A_113, %dma_start3A] : memref<8x128xf32, #tpu.memory_space<vmem>> -> memref<1x128xf32, #tpu.memory_space<vmem>>
        %dma_start3A_119 = tpu.memref_squeeze %dma_start3A_118 : memref<1x128xf32, #tpu.memory_space<vmem>> -> memref<128xf32, #tpu.memory_space<vmem>>
        %dma_start3A_120 = arith.constant 0 : i32
        %dma_start3A_121 = tpu.memref_slice %arg17[%scan3A_95, %dma_start3A_120] : memref<160x128xi32, #tpu.memory_space<vmem>> -> memref<1x128xi32, #tpu.memory_space<vmem>>
        %dma_start3A_122 = tpu.memref_squeeze %dma_start3A_121 : memref<1x128xi32, #tpu.memory_space<vmem>> -> memref<128xi32, #tpu.memory_space<vmem>>
        %dma_start3A_123 = arith.constant 0 : i32
        %dma_start3A_124 = tpu.memref_slice %arg28[%dma_start3A_123] : memref<10240xf32, #tpu.memory_space<vmem_shared>> -> memref<10240xf32, #tpu.memory_space<vmem_shared>>
        tpu.enqueue_indirect_dma source(%dma_start3A_119 : memref<128xf32, #tpu.memory_space<vmem>>) target(%dma_start3A_124 : memref<10240xf32, #tpu.memory_space<vmem_shared>>) offsets(%dma_start3A_122 : memref<128xi32, #tpu.memory_space<vmem>>) semaphore(%run_scoped3A_117 : memref<!tpu.dma_semaphore, #tpu.memory_space<semaphore_mem>>) {add = true}
        %dma_wait3A = arith.constant 0 : i32
        %dma_wait3A_125 = tpu.memref_slice %arg20[%run_scoped3A_113, %dma_wait3A] : memref<8x128xf32, #tpu.memory_space<vmem>> -> memref<1x128xf32, #tpu.memory_space<vmem>>
        %dma_wait3A_126 = tpu.memref_squeeze %dma_wait3A_125 : memref<1x128xf32, #tpu.memory_space<vmem>> -> memref<128xf32, #tpu.memory_space<vmem>>
        %dma_wait3A_127 = arith.constant 0 : i32
        %dma_wait3A_128 = tpu.memref_slice %arg17[%scan3A_95, %dma_wait3A_127] : memref<160x128xi32, #tpu.memory_space<vmem>> -> memref<1x128xi32, #tpu.memory_space<vmem>>
        %dma_wait3A_129 = tpu.memref_squeeze %dma_wait3A_128 : memref<1x128xi32, #tpu.memory_space<vmem>> -> memref<128xi32, #tpu.memory_space<vmem>>
        %dma_wait3A_130 = arith.constant 0 : i32
        %dma_wait3A_131 = tpu.memref_slice %arg28[%dma_wait3A_130] : memref<10240xf32, #tpu.memory_space<vmem_shared>> -> memref<10240xf32, #tpu.memory_space<vmem_shared>>
        tpu.wait_indirect_dma semaphore(%run_scoped3A_117 : memref<!tpu.dma_semaphore, #tpu.memory_space<semaphore_mem>>) src(%dma_wait3A_126 : memref<128xf32, #tpu.memory_space<vmem>>) dst(%dma_wait3A_131 : memref<10240xf32, #tpu.memory_space<vmem_shared>>)
        tpu.yield
      }) : () -> ()
      %run_scoped3A_114 = arith.constant 6 : i32
      "tpu.region"() ({
        %run_scoped3A_117 = tpu.sem_alloc : memref<!tpu.dma_semaphore, #tpu.memory_space<semaphore_mem>>
        %dma_start3A = arith.constant 0 : i32
        %dma_start3A_118 = tpu.memref_slice %arg20[%run_scoped3A_114, %dma_start3A] : memref<8x128xf32, #tpu.memory_space<vmem>> -> memref<1x128xf32, #tpu.memory_space<vmem>>
        %dma_start3A_119 = tpu.memref_squeeze %dma_start3A_118 : memref<1x128xf32, #tpu.memory_space<vmem>> -> memref<128xf32, #tpu.memory_space<vmem>>
        %dma_start3A_120 = arith.constant 0 : i32
        %dma_start3A_121 = tpu.memref_slice %arg17[%scan3A_95, %dma_start3A_120] : memref<160x128xi32, #tpu.memory_space<vmem>> -> memref<1x128xi32, #tpu.memory_space<vmem>>
        %dma_start3A_122 = tpu.memref_squeeze %dma_start3A_121 : memref<1x128xi32, #tpu.memory_space<vmem>> -> memref<128xi32, #tpu.memory_space<vmem>>
        %dma_start3A_123 = arith.constant 0 : i32
        %dma_start3A_124 = tpu.memref_slice %arg29[%dma_start3A_123] : memref<10240xf32, #tpu.memory_space<vmem_shared>> -> memref<10240xf32, #tpu.memory_space<vmem_shared>>
        tpu.enqueue_indirect_dma source(%dma_start3A_119 : memref<128xf32, #tpu.memory_space<vmem>>) target(%dma_start3A_124 : memref<10240xf32, #tpu.memory_space<vmem_shared>>) offsets(%dma_start3A_122 : memref<128xi32, #tpu.memory_space<vmem>>) semaphore(%run_scoped3A_117 : memref<!tpu.dma_semaphore, #tpu.memory_space<semaphore_mem>>) {add = true}
        %dma_wait3A = arith.constant 0 : i32
        %dma_wait3A_125 = tpu.memref_slice %arg20[%run_scoped3A_114, %dma_wait3A] : memref<8x128xf32, #tpu.memory_space<vmem>> -> memref<1x128xf32, #tpu.memory_space<vmem>>
        %dma_wait3A_126 = tpu.memref_squeeze %dma_wait3A_125 : memref<1x128xf32, #tpu.memory_space<vmem>> -> memref<128xf32, #tpu.memory_space<vmem>>
        %dma_wait3A_127 = arith.constant 0 : i32
        %dma_wait3A_128 = tpu.memref_slice %arg17[%scan3A_95, %dma_wait3A_127] : memref<160x128xi32, #tpu.memory_space<vmem>> -> memref<1x128xi32, #tpu.memory_space<vmem>>
        %dma_wait3A_129 = tpu.memref_squeeze %dma_wait3A_128 : memref<1x128xi32, #tpu.memory_space<vmem>> -> memref<128xi32, #tpu.memory_space<vmem>>
        %dma_wait3A_130 = arith.constant 0 : i32
        %dma_wait3A_131 = tpu.memref_slice %arg29[%dma_wait3A_130] : memref<10240xf32, #tpu.memory_space<vmem_shared>> -> memref<10240xf32, #tpu.memory_space<vmem_shared>>
        tpu.wait_indirect_dma semaphore(%run_scoped3A_117 : memref<!tpu.dma_semaphore, #tpu.memory_space<semaphore_mem>>) src(%dma_wait3A_126 : memref<128xf32, #tpu.memory_space<vmem>>) dst(%dma_wait3A_131 : memref<10240xf32, #tpu.memory_space<vmem_shared>>)
        tpu.yield
      }) : () -> ()
      %run_scoped3A_115 = arith.constant 7 : i32
      "tpu.region"() ({
        %run_scoped3A_117 = tpu.sem_alloc : memref<!tpu.dma_semaphore, #tpu.memory_space<semaphore_mem>>
        %dma_start3A = arith.constant 0 : i32
        %dma_start3A_118 = tpu.memref_slice %arg20[%run_scoped3A_115, %dma_start3A] : memref<8x128xf32, #tpu.memory_space<vmem>> -> memref<1x128xf32, #tpu.memory_space<vmem>>
        %dma_start3A_119 = tpu.memref_squeeze %dma_start3A_118 : memref<1x128xf32, #tpu.memory_space<vmem>> -> memref<128xf32, #tpu.memory_space<vmem>>
        %dma_start3A_120 = arith.constant 0 : i32
        %dma_start3A_121 = tpu.memref_slice %arg17[%scan3A_95, %dma_start3A_120] : memref<160x128xi32, #tpu.memory_space<vmem>> -> memref<1x128xi32, #tpu.memory_space<vmem>>
        %dma_start3A_122 = tpu.memref_squeeze %dma_start3A_121 : memref<1x128xi32, #tpu.memory_space<vmem>> -> memref<128xi32, #tpu.memory_space<vmem>>
        %dma_start3A_123 = arith.constant 0 : i32
        %dma_start3A_124 = tpu.memref_slice %arg30[%dma_start3A_123] : memref<10240xf32, #tpu.memory_space<vmem_shared>> -> memref<10240xf32, #tpu.memory_space<vmem_shared>>
        tpu.enqueue_indirect_dma source(%dma_start3A_119 : memref<128xf32, #tpu.memory_space<vmem>>) target(%dma_start3A_124 : memref<10240xf32, #tpu.memory_space<vmem_shared>>) offsets(%dma_start3A_122 : memref<128xi32, #tpu.memory_space<vmem>>) semaphore(%run_scoped3A_117 : memref<!tpu.dma_semaphore, #tpu.memory_space<semaphore_mem>>) {add = true}
        %dma_wait3A = arith.constant 0 : i32
        %dma_wait3A_125 = tpu.memref_slice %arg20[%run_scoped3A_115, %dma_wait3A] : memref<8x128xf32, #tpu.memory_space<vmem>> -> memref<1x128xf32, #tpu.memory_space<vmem>>
        %dma_wait3A_126 = tpu.memref_squeeze %dma_wait3A_125 : memref<1x128xf32, #tpu.memory_space<vmem>> -> memref<128xf32, #tpu.memory_space<vmem>>
        %dma_wait3A_127 = arith.constant 0 : i32
        %dma_wait3A_128 = tpu.memref_slice %arg17[%scan3A_95, %dma_wait3A_127] : memref<160x128xi32, #tpu.memory_space<vmem>> -> memref<1x128xi32, #tpu.memory_space<vmem>>
        %dma_wait3A_129 = tpu.memref_squeeze %dma_wait3A_128 : memref<1x128xi32, #tpu.memory_space<vmem>> -> memref<128xi32, #tpu.memory_space<vmem>>
        %dma_wait3A_130 = arith.constant 0 : i32
        %dma_wait3A_131 = tpu.memref_slice %arg30[%dma_wait3A_130] : memref<10240xf32, #tpu.memory_space<vmem_shared>> -> memref<10240xf32, #tpu.memory_space<vmem_shared>>
        tpu.wait_indirect_dma semaphore(%run_scoped3A_117 : memref<!tpu.dma_semaphore, #tpu.memory_space<semaphore_mem>>) src(%dma_wait3A_126 : memref<128xf32, #tpu.memory_space<vmem>>) dst(%dma_wait3A_131 : memref<10240xf32, #tpu.memory_space<vmem_shared>>)
        tpu.yield
      }) : () -> ()
      %scan3A_116 = arith.constant 0 : i32
      scf.yield %scan3A_116 : i32
    }
    %scan3A_70 = arith.constant 160 : i32
    %barrier3A_71 = arith.constant 0 : index
    tpu.barrier barrier_id(%barrier3A_71)
    %mul3A_72 = arith.constant 10240 : i32
    %mul3A_73 = arith.muli %arg0, %mul3A_72 : i32
    %mul3A_74 = arith.constant 640 : i32
    %mul3A_75 = arith.muli %arg1, %mul3A_74 : i32
    %add3A_76 = arith.addi %mul3A_73, %mul3A_75 : i32
    %mul3A_77 = arith.constant 640 : i32
    %mul3A_78 = arith.muli %arg1, %mul3A_77 : i32
    "tpu.region"() ({
      %run_scoped3A = tpu.sem_alloc : memref<!tpu.dma_semaphore, #tpu.memory_space<semaphore_mem>>
      %dma_start3A = arith.constant 0 : i32
      %dma_start3A_95 = tpu.memref_slice %arg7[%add3A_76, %dma_start3A] : memref<20480x64xf32, #tpu.memory_space<hbm>> -> memref<640x64xf32, #tpu.memory_space<hbm>>
      %dma_start3A_96 = arith.constant 0 : i32
      %dma_start3A_97 = tpu.memref_slice %arg22[%mul3A_78, %dma_start3A_96] : memref<10240x64xf32, #tpu.memory_space<vmem_shared>> -> memref<640x64xf32, #tpu.memory_space<vmem_shared>>
      tpu.enqueue_dma source(%dma_start3A_97 : memref<640x64xf32, #tpu.memory_space<vmem_shared>>) target(%dma_start3A_95 : memref<640x64xf32, #tpu.memory_space<hbm>>) target_semaphore(%run_scoped3A : memref<!tpu.dma_semaphore, #tpu.memory_space<semaphore_mem>>)
      %dma_wait3A = arith.constant 0 : i32
      %dma_wait3A_98 = tpu.memref_slice %arg7[%add3A_76, %dma_wait3A] : memref<20480x64xf32, #tpu.memory_space<hbm>> -> memref<640x64xf32, #tpu.memory_space<hbm>>
      %dma_wait3A_99 = arith.constant 0 : i32
      %dma_wait3A_100 = tpu.memref_slice %arg22[%mul3A_78, %dma_wait3A_99] : memref<10240x64xf32, #tpu.memory_space<vmem_shared>> -> memref<640x64xf32, #tpu.memory_space<vmem_shared>>
      tpu.wait_dma2 semaphore(%run_scoped3A : memref<!tpu.dma_semaphore, #tpu.memory_space<semaphore_mem>>) src(%dma_wait3A_100 : memref<640x64xf32, #tpu.memory_space<vmem_shared>>) dst(%dma_wait3A_98 : memref<640x64xf32, #tpu.memory_space<hbm>>)
      tpu.yield
    }) : () -> ()
    %mul3A_79 = arith.constant 640 : i32
    %mul3A_80 = arith.muli %arg1, %mul3A_79 : i32
    "tpu.region"() ({
      %run_scoped3A = tpu.sem_alloc : memref<!tpu.dma_semaphore, #tpu.memory_space<semaphore_mem>>
      %dma_start3A = tpu.memref_slice %arg8[%add3A_76] : memref<20480xf32, #tpu.memory_space<hbm>> -> memref<640xf32, #tpu.memory_space<hbm>>
      %dma_start3A_95 = tpu.memref_slice %arg23[%mul3A_80] : memref<10240xf32, #tpu.memory_space<vmem_shared>> -> memref<640xf32, #tpu.memory_space<vmem_shared>>
      tpu.enqueue_dma source(%dma_start3A_95 : memref<640xf32, #tpu.memory_space<vmem_shared>>) target(%dma_start3A : memref<640xf32, #tpu.memory_space<hbm>>) target_semaphore(%run_scoped3A : memref<!tpu.dma_semaphore, #tpu.memory_space<semaphore_mem>>)
      %dma_wait3A = tpu.memref_slice %arg8[%add3A_76] : memref<20480xf32, #tpu.memory_space<hbm>> -> memref<640xf32, #tpu.memory_space<hbm>>
      %dma_wait3A_96 = tpu.memref_slice %arg23[%mul3A_80] : memref<10240xf32, #tpu.memory_space<vmem_shared>> -> memref<640xf32, #tpu.memory_space<vmem_shared>>
      tpu.wait_dma2 semaphore(%run_scoped3A : memref<!tpu.dma_semaphore, #tpu.memory_space<semaphore_mem>>) src(%dma_wait3A_96 : memref<640xf32, #tpu.memory_space<vmem_shared>>) dst(%dma_wait3A : memref<640xf32, #tpu.memory_space<hbm>>)
      tpu.yield
    }) : () -> ()
    %mul3A_81 = arith.constant 640 : i32
    %mul3A_82 = arith.muli %arg1, %mul3A_81 : i32
    "tpu.region"() ({
      %run_scoped3A = tpu.sem_alloc : memref<!tpu.dma_semaphore, #tpu.memory_space<semaphore_mem>>
      %dma_start3A = tpu.memref_slice %arg9[%add3A_76] : memref<20480xf32, #tpu.memory_space<hbm>> -> memref<640xf32, #tpu.memory_space<hbm>>
      %dma_start3A_95 = tpu.memref_slice %arg24[%mul3A_82] : memref<10240xf32, #tpu.memory_space<vmem_shared>> -> memref<640xf32, #tpu.memory_space<vmem_shared>>
      tpu.enqueue_dma source(%dma_start3A_95 : memref<640xf32, #tpu.memory_space<vmem_shared>>) target(%dma_start3A : memref<640xf32, #tpu.memory_space<hbm>>) target_semaphore(%run_scoped3A : memref<!tpu.dma_semaphore, #tpu.memory_space<semaphore_mem>>)
      %dma_wait3A = tpu.memref_slice %arg9[%add3A_76] : memref<20480xf32, #tpu.memory_space<hbm>> -> memref<640xf32, #tpu.memory_space<hbm>>
      %dma_wait3A_96 = tpu.memref_slice %arg24[%mul3A_82] : memref<10240xf32, #tpu.memory_space<vmem_shared>> -> memref<640xf32, #tpu.memory_space<vmem_shared>>
      tpu.wait_dma2 semaphore(%run_scoped3A : memref<!tpu.dma_semaphore, #tpu.memory_space<semaphore_mem>>) src(%dma_wait3A_96 : memref<640xf32, #tpu.memory_space<vmem_shared>>) dst(%dma_wait3A : memref<640xf32, #tpu.memory_space<hbm>>)
      tpu.yield
    }) : () -> ()
    %mul3A_83 = arith.constant 640 : i32
    %mul3A_84 = arith.muli %arg1, %mul3A_83 : i32
    "tpu.region"() ({
      %run_scoped3A = tpu.sem_alloc : memref<!tpu.dma_semaphore, #tpu.memory_space<semaphore_mem>>
      %dma_start3A = tpu.memref_slice %arg10[%add3A_76] : memref<20480xf32, #tpu.memory_space<hbm>> -> memref<640xf32, #tpu.memory_space<hbm>>
      %dma_start3A_95 = tpu.memref_slice %arg25[%mul3A_84] : memref<10240xf32, #tpu.memory_space<vmem_shared>> -> memref<640xf32, #tpu.memory_space<vmem_shared>>
      tpu.enqueue_dma source(%dma_start3A_95 : memref<640xf32, #tpu.memory_space<vmem_shared>>) target(%dma_start3A : memref<640xf32, #tpu.memory_space<hbm>>) target_semaphore(%run_scoped3A : memref<!tpu.dma_semaphore, #tpu.memory_space<semaphore_mem>>)
      %dma_wait3A = tpu.memref_slice %arg10[%add3A_76] : memref<20480xf32, #tpu.memory_space<hbm>> -> memref<640xf32, #tpu.memory_space<hbm>>
      %dma_wait3A_96 = tpu.memref_slice %arg25[%mul3A_84] : memref<10240xf32, #tpu.memory_space<vmem_shared>> -> memref<640xf32, #tpu.memory_space<vmem_shared>>
      tpu.wait_dma2 semaphore(%run_scoped3A : memref<!tpu.dma_semaphore, #tpu.memory_space<semaphore_mem>>) src(%dma_wait3A_96 : memref<640xf32, #tpu.memory_space<vmem_shared>>) dst(%dma_wait3A : memref<640xf32, #tpu.memory_space<hbm>>)
      tpu.yield
    }) : () -> ()
    %mul3A_85 = arith.constant 640 : i32
    %mul3A_86 = arith.muli %arg1, %mul3A_85 : i32
    "tpu.region"() ({
      %run_scoped3A = tpu.sem_alloc : memref<!tpu.dma_semaphore, #tpu.memory_space<semaphore_mem>>
      %dma_start3A = tpu.memref_slice %arg11[%add3A_76] : memref<20480xf32, #tpu.memory_space<hbm>> -> memref<640xf32, #tpu.memory_space<hbm>>
      %dma_start3A_95 = tpu.memref_slice %arg26[%mul3A_86] : memref<10240xf32, #tpu.memory_space<vmem_shared>> -> memref<640xf32, #tpu.memory_space<vmem_shared>>
      tpu.enqueue_dma source(%dma_start3A_95 : memref<640xf32, #tpu.memory_space<vmem_shared>>) target(%dma_start3A : memref<640xf32, #tpu.memory_space<hbm>>) target_semaphore(%run_scoped3A : memref<!tpu.dma_semaphore, #tpu.memory_space<semaphore_mem>>)
      %dma_wait3A = tpu.memref_slice %arg11[%add3A_76] : memref<20480xf32, #tpu.memory_space<hbm>> -> memref<640xf32, #tpu.memory_space<hbm>>
      %dma_wait3A_96 = tpu.memref_slice %arg26[%mul3A_86] : memref<10240xf32, #tpu.memory_space<vmem_shared>> -> memref<640xf32, #tpu.memory_space<vmem_shared>>
      tpu.wait_dma2 semaphore(%run_scoped3A : memref<!tpu.dma_semaphore, #tpu.memory_space<semaphore_mem>>) src(%dma_wait3A_96 : memref<640xf32, #tpu.memory_space<vmem_shared>>) dst(%dma_wait3A : memref<640xf32, #tpu.memory_space<hbm>>)
      tpu.yield
    }) : () -> ()
    %mul3A_87 = arith.constant 640 : i32
    %mul3A_88 = arith.muli %arg1, %mul3A_87 : i32
    "tpu.region"() ({
      %run_scoped3A = tpu.sem_alloc : memref<!tpu.dma_semaphore, #tpu.memory_space<semaphore_mem>>
      %dma_start3A = tpu.memref_slice %arg12[%add3A_76] : memref<20480xf32, #tpu.memory_space<hbm>> -> memref<640xf32, #tpu.memory_space<hbm>>
      %dma_start3A_95 = tpu.memref_slice %arg27[%mul3A_88] : memref<10240xf32, #tpu.memory_space<vmem_shared>> -> memref<640xf32, #tpu.memory_space<vmem_shared>>
      tpu.enqueue_dma source(%dma_start3A_95 : memref<640xf32, #tpu.memory_space<vmem_shared>>) target(%dma_start3A : memref<640xf32, #tpu.memory_space<hbm>>) target_semaphore(%run_scoped3A : memref<!tpu.dma_semaphore, #tpu.memory_space<semaphore_mem>>)
      %dma_wait3A = tpu.memref_slice %arg12[%add3A_76] : memref<20480xf32, #tpu.memory_space<hbm>> -> memref<640xf32, #tpu.memory_space<hbm>>
      %dma_wait3A_96 = tpu.memref_slice %arg27[%mul3A_88] : memref<10240xf32, #tpu.memory_space<vmem_shared>> -> memref<640xf32, #tpu.memory_space<vmem_shared>>
      tpu.wait_dma2 semaphore(%run_scoped3A : memref<!tpu.dma_semaphore, #tpu.memory_space<semaphore_mem>>) src(%dma_wait3A_96 : memref<640xf32, #tpu.memory_space<vmem_shared>>) dst(%dma_wait3A : memref<640xf32, #tpu.memory_space<hbm>>)
      tpu.yield
    }) : () -> ()
    %mul3A_89 = arith.constant 640 : i32
    %mul3A_90 = arith.muli %arg1, %mul3A_89 : i32
    "tpu.region"() ({
      %run_scoped3A = tpu.sem_alloc : memref<!tpu.dma_semaphore, #tpu.memory_space<semaphore_mem>>
      %dma_start3A = tpu.memref_slice %arg13[%add3A_76] : memref<20480xf32, #tpu.memory_space<hbm>> -> memref<640xf32, #tpu.memory_space<hbm>>
      %dma_start3A_95 = tpu.memref_slice %arg28[%mul3A_90] : memref<10240xf32, #tpu.memory_space<vmem_shared>> -> memref<640xf32, #tpu.memory_space<vmem_shared>>
      tpu.enqueue_dma source(%dma_start3A_95 : memref<640xf32, #tpu.memory_space<vmem_shared>>) target(%dma_start3A : memref<640xf32, #tpu.memory_space<hbm>>) target_semaphore(%run_scoped3A : memref<!tpu.dma_semaphore, #tpu.memory_space<semaphore_mem>>)
      %dma_wait3A = tpu.memref_slice %arg13[%add3A_76] : memref<20480xf32, #tpu.memory_space<hbm>> -> memref<640xf32, #tpu.memory_space<hbm>>
      %dma_wait3A_96 = tpu.memref_slice %arg28[%mul3A_90] : memref<10240xf32, #tpu.memory_space<vmem_shared>> -> memref<640xf32, #tpu.memory_space<vmem_shared>>
      tpu.wait_dma2 semaphore(%run_scoped3A : memref<!tpu.dma_semaphore, #tpu.memory_space<semaphore_mem>>) src(%dma_wait3A_96 : memref<640xf32, #tpu.memory_space<vmem_shared>>) dst(%dma_wait3A : memref<640xf32, #tpu.memory_space<hbm>>)
      tpu.yield
    }) : () -> ()
    %mul3A_91 = arith.constant 640 : i32
    %mul3A_92 = arith.muli %arg1, %mul3A_91 : i32
    "tpu.region"() ({
      %run_scoped3A = tpu.sem_alloc : memref<!tpu.dma_semaphore, #tpu.memory_space<semaphore_mem>>
      %dma_start3A = tpu.memref_slice %arg14[%add3A_76] : memref<20480xf32, #tpu.memory_space<hbm>> -> memref<640xf32, #tpu.memory_space<hbm>>
      %dma_start3A_95 = tpu.memref_slice %arg29[%mul3A_92] : memref<10240xf32, #tpu.memory_space<vmem_shared>> -> memref<640xf32, #tpu.memory_space<vmem_shared>>
      tpu.enqueue_dma source(%dma_start3A_95 : memref<640xf32, #tpu.memory_space<vmem_shared>>) target(%dma_start3A : memref<640xf32, #tpu.memory_space<hbm>>) target_semaphore(%run_scoped3A : memref<!tpu.dma_semaphore, #tpu.memory_space<semaphore_mem>>)
      %dma_wait3A = tpu.memref_slice %arg14[%add3A_76] : memref<20480xf32, #tpu.memory_space<hbm>> -> memref<640xf32, #tpu.memory_space<hbm>>
      %dma_wait3A_96 = tpu.memref_slice %arg29[%mul3A_92] : memref<10240xf32, #tpu.memory_space<vmem_shared>> -> memref<640xf32, #tpu.memory_space<vmem_shared>>
      tpu.wait_dma2 semaphore(%run_scoped3A : memref<!tpu.dma_semaphore, #tpu.memory_space<semaphore_mem>>) src(%dma_wait3A_96 : memref<640xf32, #tpu.memory_space<vmem_shared>>) dst(%dma_wait3A : memref<640xf32, #tpu.memory_space<hbm>>)
      tpu.yield
    }) : () -> ()
    %mul3A_93 = arith.constant 640 : i32
    %mul3A_94 = arith.muli %arg1, %mul3A_93 : i32
    "tpu.region"() ({
      %run_scoped3A = tpu.sem_alloc : memref<!tpu.dma_semaphore, #tpu.memory_space<semaphore_mem>>
      %dma_start3A = tpu.memref_slice %arg15[%add3A_76] : memref<20480xf32, #tpu.memory_space<hbm>> -> memref<640xf32, #tpu.memory_space<hbm>>
      %dma_start3A_95 = tpu.memref_slice %arg30[%mul3A_94] : memref<10240xf32, #tpu.memory_space<vmem_shared>> -> memref<640xf32, #tpu.memory_space<vmem_shared>>
      tpu.enqueue_dma source(%dma_start3A_95 : memref<640xf32, #tpu.memory_space<vmem_shared>>) target(%dma_start3A : memref<640xf32, #tpu.memory_space<hbm>>) target_semaphore(%run_scoped3A : memref<!tpu.dma_semaphore, #tpu.memory_space<semaphore_mem>>)
      %dma_wait3A = tpu.memref_slice %arg15[%add3A_76] : memref<20480xf32, #tpu.memory_space<hbm>> -> memref<640xf32, #tpu.memory_space<hbm>>
      %dma_wait3A_96 = tpu.memref_slice %arg30[%mul3A_94] : memref<10240xf32, #tpu.memory_space<vmem_shared>> -> memref<640xf32, #tpu.memory_space<vmem_shared>>
      tpu.wait_dma2 semaphore(%run_scoped3A : memref<!tpu.dma_semaphore, #tpu.memory_space<semaphore_mem>>) src(%dma_wait3A_96 : memref<640xf32, #tpu.memory_space<vmem_shared>>) dst(%dma_wait3A : memref<640xf32, #tpu.memory_space<hbm>>)
      tpu.yield
    }) : () -> ()
    return
  }
}

module attributes {stable_mosaic.version = 14 : i64} {
  func.func @body(%arg0: i32, %arg1: memref<2048x16xf32, #tpu.memory_space<vmem>>, %arg2: memref<16x16xf32, #tpu.memory_space<vmem>>, %arg3: memref<1x16xf32, #tpu.memory_space<vmem>>, %arg4: memref<1x2048xf32, #tpu.memory_space<vmem>>) attributes {dimension_semantics = [#tpu.dimension_semantics<arbitrary>], iteration_bounds = array<i64: 160>, scalar_prefetch = 0 : i64, scratch_operands = 0 : i64, tpu.core_type = #tpu.core_type<tc>, window_params = [{transform_indices = @transform_0, window_bounds = array<i64: 2048, 16>}, {pipeline_mode = #tpu.pipeline_mode<synchronous>, transform_indices = @transform_1, window_bounds = array<i64: 16, 16>}, {pipeline_mode = #tpu.pipeline_mode<synchronous>, transform_indices = @transform_2, window_bounds = array<i64: 1, 16>}, {transform_indices = @transform_3, window_bounds = array<i64: 1, 2048>}]} {
    %get3A = arith.constant 0 : index
    %get3A_0 = arith.constant 0 : index
    %get3A_1 = vector.load %arg3[%get3A, %get3A_0] : memref<1x16xf32, #tpu.memory_space<vmem>>, vector<1x16xf32>
    %get3A_2 = arith.constant 0 : index
    %get3A_3 = arith.constant 0 : index
    %get3A_4 = vector.load %arg2[%get3A_2, %get3A_3] : memref<16x16xf32, #tpu.memory_space<vmem>>, vector<16x16xf32>
    %dot_general3A = arith.constant dense<0.000000e+00> : vector<1x16xf32>
    %dot_general3A_5 = tpu.matmul %get3A_1, %get3A_4, %dot_general3A {dimension_numbers = #tpu.dot_dimension_numbers<[1], [0], [0], [1], [0, 0, 1, 1], [], []>, transpose_lhs_hint = false} : vector<1x16xf32>, vector<16x16xf32>, vector<1x16xf32> -> vector<1x16xf32>
    %get3A_6 = arith.constant 0 : index
    %get3A_7 = arith.constant 0 : index
    %get3A_8 = vector.load %arg1[%get3A_6, %get3A_7] : memref<2048x16xf32, #tpu.memory_space<vmem>>, vector<2048x16xf32>
    %dot_general3A_9 = arith.constant dense<0.000000e+00> : vector<1x2048xf32>
    %dot_general3A_10 = tpu.matmul %dot_general3A_5, %get3A_8, %dot_general3A_9 {dimension_numbers = #tpu.dot_dimension_numbers<[1], [1], [0], [0], [0, 0, 1, 0], [], []>, transpose_lhs_hint = false} : vector<1x16xf32>, vector<2048x16xf32>, vector<1x2048xf32> -> vector<1x2048xf32>
    %swap3A = arith.constant 0 : index
    %swap3A_11 = arith.constant 0 : index
    %swap3A_12 = vector.load %arg4[%swap3A, %swap3A_11] : memref<1x2048xf32, #tpu.memory_space<vmem>>, vector<1x2048xf32>
    tpu.vector_store %arg4[%swap3A, %swap3A_11], %dot_general3A_10 {strides = array<i32>} : memref<1x2048xf32, #tpu.memory_space<vmem>>, vector<1x2048xf32>,
    return
  }
  func.func @transform_0(%arg0: i32) -> (i32, i32) {
    %c0_i32 = arith.constant 0 : i32
    %c0_i32_0 = arith.constant 0 : i32
    return %arg0, %c0_i32 : i32, i32
  }
  func.func @transform_1(%arg0: i32) -> (i32, i32) {
    %c0_i32 = arith.constant 0 : i32
    %c0_i32_0 = arith.constant 0 : i32
    %c0_i32_1 = arith.constant 0 : i32
    return %c0_i32, %c0_i32_0 : i32, i32
  }
  func.func @transform_2(%arg0: i32) -> (i32, i32) {
    %c0_i32 = arith.constant 0 : i32
    %c0_i32_0 = arith.constant 0 : i32
    %c0_i32_1 = arith.constant 0 : i32
    return %c0_i32, %c0_i32_0 : i32, i32
  }
  func.func @transform_3(%arg0: i32) -> (i32, i32) {
    %c0_i32 = arith.constant 0 : i32
    %c0_i32_0 = arith.constant 0 : i32
    return %c0_i32, %arg0 : i32, i32
  }
}

module attributes {stable_mosaic.version = 14 : i64} {
  func.func @body(%arg0: i32, %arg1: memref<1024x128xf32, #tpu.memory_space<vmem>>, %arg2: memref<128x128xf32, #tpu.memory_space<vmem>>, %arg3: memref<2x128xf32, #tpu.memory_space<vmem>>, %arg4: memref<2x1024xf32, #tpu.memory_space<vmem>>, %arg5: memref<1024x128xf32, #tpu.memory_space<vmem>>, %arg6: memref<2x1024xf32, #tpu.memory_space<vmem>>, %arg7: memref<8x128xf32, #tpu.memory_space<vmem>>) attributes {dimension_semantics = [#tpu.dimension_semantics<arbitrary>], iteration_bounds = array<i64: 10>, scalar_prefetch = 0 : i64, scratch_operands = 0 : i64, tpu.core_type = #tpu.core_type<tc>, window_params = [{transform_indices = @transform_0, window_bounds = array<i64: 1024, 128>}, {pipeline_mode = #tpu.pipeline_mode<synchronous>, transform_indices = @transform_1, window_bounds = array<i64: 128, 128>}, {pipeline_mode = #tpu.pipeline_mode<synchronous>, transform_indices = @transform_2, window_bounds = array<i64: 2, 128>}, {transform_indices = @transform_3, window_bounds = array<i64: 2, 1024>}, {transform_indices = @transform_4, window_bounds = array<i64: 1024, 128>}, {transform_indices = @transform_5, window_bounds = array<i64: 2, 1024>}, {pipeline_mode = #tpu.pipeline_mode<synchronous>, transform_indices = @transform_6, window_bounds = array<i64: 8, 128>}]} {
    %get3A = arith.constant 0 : index
    %get3A_0 = arith.constant 0 : index
    %get3A_1 = vector.load %arg1[%get3A, %get3A_0] : memref<1024x128xf32, #tpu.memory_space<vmem>>, vector<1024x128xf32>
    %get3A_2 = arith.constant 0 : index
    %get3A_3 = arith.constant 0 : index
    %get3A_4 = vector.load %arg2[%get3A_2, %get3A_3] : memref<128x128xf32, #tpu.memory_space<vmem>>, vector<128x128xf32>
    %dot_general3A = arith.constant dense<0.000000e+00> : vector<1024x128xf32>
    %dot_general3A_5 = tpu.matmul %get3A_1, %get3A_4, %dot_general3A {dimension_numbers = #tpu.dot_dimension_numbers<[1], [1], [0], [0], [0, 0, 1, 0], [], []>, transpose_lhs_hint = false} : vector<1024x128xf32>, vector<128x128xf32>, vector<1024x128xf32> -> vector<1024x128xf32>
    %swap3A = arith.constant 0 : index
    %swap3A_6 = arith.constant 0 : index
    %swap3A_7 = vector.load %arg5[%swap3A, %swap3A_6] : memref<1024x128xf32, #tpu.memory_space<vmem>>, vector<1024x128xf32>
    tpu.vector_store %arg5[%swap3A, %swap3A_6], %dot_general3A_5 {strides = array<i32>} : memref<1024x128xf32, #tpu.memory_space<vmem>>, vector<1024x128xf32>,
    %get3A_8 = arith.constant 0 : index
    %get3A_9 = arith.constant 0 : index
    %get3A_10 = vector.load %arg3[%get3A_8, %get3A_9] : memref<2x128xf32, #tpu.memory_space<vmem>>, vector<2x128xf32>
    %dot_general3A_11 = arith.constant dense<0.000000e+00> : vector<2x1024xf32>
    %dot_general3A_12 = tpu.matmul %get3A_10, %dot_general3A_5, %dot_general3A_11 {dimension_numbers = #tpu.dot_dimension_numbers<[1], [1], [0], [0], [0, 0, 1, 0], [], []>, transpose_lhs_hint = false} : vector<2x128xf32>, vector<1024x128xf32>, vector<2x1024xf32> -> vector<2x1024xf32>
    %swap3A_13 = arith.constant 0 : index
    %swap3A_14 = arith.constant 0 : index
    %swap3A_15 = vector.load %arg6[%swap3A_13, %swap3A_14] : memref<2x1024xf32, #tpu.memory_space<vmem>>, vector<2x1024xf32>
    tpu.vector_store %arg6[%swap3A_13, %swap3A_14], %dot_general3A_12 {strides = array<i32>} : memref<2x1024xf32, #tpu.memory_space<vmem>>, vector<2x1024xf32>,
    %get3A_16 = arith.constant 0 : index
    %get3A_17 = arith.constant 0 : index
    %get3A_18 = vector.load %arg4[%get3A_16, %get3A_17] : memref<2x1024xf32, #tpu.memory_space<vmem>>, vector<2x1024xf32>
    %mul3A = arith.mulf %dot_general3A_5, %dot_general3A_5 : vector<1024x128xf32>
    %mul3A_19 = arith.mulf %mul3A, %dot_general3A_5 : vector<1024x128xf32>
    %dot_general3A_20 = arith.constant dense<0.000000e+00> : vector<2x128xf32>
    %dot_general3A_21 = tpu.matmul %get3A_18, %dot_general3A_5, %dot_general3A_20 {dimension_numbers = #tpu.dot_dimension_numbers<[1], [0], [0], [1], [0, 0, 1, 1], [], []>, transpose_lhs_hint = false} : vector<2x1024xf32>, vector<1024x128xf32>, vector<2x128xf32> -> vector<2x128xf32>
    %dot_general3A_22 = arith.constant dense<0.000000e+00> : vector<2x128xf32>
    %dot_general3A_23 = tpu.matmul %get3A_18, %mul3A, %dot_general3A_22 {dimension_numbers = #tpu.dot_dimension_numbers<[1], [0], [0], [1], [0, 0, 1, 1], [], []>, transpose_lhs_hint = false} : vector<2x1024xf32>, vector<1024x128xf32>, vector<2x128xf32> -> vector<2x128xf32>
    %dot_general3A_24 = arith.constant dense<0.000000e+00> : vector<2x128xf32>
    %dot_general3A_25 = tpu.matmul %get3A_18, %mul3A_19, %dot_general3A_24 {dimension_numbers = #tpu.dot_dimension_numbers<[1], [0], [0], [1], [0, 0, 1, 1], [], []>, transpose_lhs_hint = false} : vector<2x1024xf32>, vector<1024x128xf32>, vector<2x128xf32> -> vector<2x128xf32>
    %broadcast_in_dim3A = arith.constant 0.000000e+00 : f32
    %broadcast_in_dim3A_26 = vector.broadcast %broadcast_in_dim3A : f32 to vector<2x128xf32>
    %concatenate3A = tpu.concatenate %dot_general3A_21, %dot_general3A_23, %dot_general3A_25, %broadcast_in_dim3A_26 in 0 : vector<2x128xf32>, vector<2x128xf32>, vector<2x128xf32>, vector<2x128xf32> -> vector<8x128xf32>
    %eq3A = arith.constant 0 : i32
    %eq3A_27 = arith.cmpi eq, %arg0, %eq3A : i32
    %convert_element_type3A = arith.extui %eq3A_27 : i1 to i32
    %cond3A = arith.constant 0 : i32
    %cond3A_28 = arith.cmpi ne, %convert_element_type3A, %cond3A : i32
    scf.if %cond3A_28 {
      %swap3A_33 = arith.constant 0 : index
      %swap3A_34 = arith.constant 0 : index
      %swap3A_35 = vector.load %arg7[%swap3A_33, %swap3A_34] : memref<8x128xf32, #tpu.memory_space<vmem>>, vector<8x128xf32>
      tpu.vector_store %arg7[%swap3A_33, %swap3A_34], %concatenate3A {strides = array<i32>} : memref<8x128xf32, #tpu.memory_space<vmem>>, vector<8x128xf32>,
    } else {
    }
    %ne3A = arith.constant 0 : i32
    %ne3A_29 = arith.cmpi ne, %arg0, %ne3A : i32
    %convert_element_type3A_30 = arith.extui %ne3A_29 : i1 to i32
    %cond3A_31 = arith.constant 0 : i32
    %cond3A_32 = arith.cmpi ne, %convert_element_type3A_30, %cond3A_31 : i32
    scf.if %cond3A_32 {
      %get3A_33 = arith.constant 0 : index
      %get3A_34 = arith.constant 0 : index
      %get3A_35 = vector.load %arg7[%get3A_33, %get3A_34] : memref<8x128xf32, #tpu.memory_space<vmem>>, vector<8x128xf32>
      %add3A = arith.addf %get3A_35, %concatenate3A : vector<8x128xf32>
      %swap3A_36 = arith.constant 0 : index
      %swap3A_37 = arith.constant 0 : index
      %swap3A_38 = vector.load %arg7[%swap3A_36, %swap3A_37] : memref<8x128xf32, #tpu.memory_space<vmem>>, vector<8x128xf32>
      tpu.vector_store %arg7[%swap3A_36, %swap3A_37], %add3A {strides = array<i32>} : memref<8x128xf32, #tpu.memory_space<vmem>>, vector<8x128xf32>,
    } else {
    }
    return
  }
  func.func @transform_0(%arg0: i32) -> (i32, i32) {
    %c0_i32 = arith.constant 0 : i32
    %c0_i32_0 = arith.constant 0 : i32
    return %arg0, %c0_i32 : i32, i32
  }
  func.func @transform_1(%arg0: i32) -> (i32, i32) {
    %c0_i32 = arith.constant 0 : i32
    %c0_i32_0 = arith.constant 0 : i32
    %c0_i32_1 = arith.constant 0 : i32
    return %c0_i32, %c0_i32_0 : i32, i32
  }
  func.func @transform_2(%arg0: i32) -> (i32, i32) {
    %c0_i32 = arith.constant 0 : i32
    %c0_i32_0 = arith.constant 0 : i32
    %c0_i32_1 = arith.constant 0 : i32
    return %c0_i32, %c0_i32_0 : i32, i32
  }
  func.func @transform_3(%arg0: i32) -> (i32, i32) {
    %c0_i32 = arith.constant 0 : i32
    %c0_i32_0 = arith.constant 0 : i32
    return %c0_i32, %arg0 : i32, i32
  }
  func.func @transform_4(%arg0: i32) -> (i32, i32) {
    %c0_i32 = arith.constant 0 : i32
    %c0_i32_0 = arith.constant 0 : i32
    return %arg0, %c0_i32 : i32, i32
  }
  func.func @transform_5(%arg0: i32) -> (i32, i32) {
    %c0_i32 = arith.constant 0 : i32
    %c0_i32_0 = arith.constant 0 : i32
    return %c0_i32, %arg0 : i32, i32
  }
  func.func @transform_6(%arg0: i32) -> (i32, i32) {
    %c0_i32 = arith.constant 0 : i32
    %c0_i32_0 = arith.constant 0 : i32
    %c0_i32_1 = arith.constant 0 : i32
    return %c0_i32, %c0_i32_0 : i32, i32
  }
}

module attributes {stable_mosaic.version = 14 : i64} {
  func.func @body(%arg0: memref<2x10240xf32, #tpu.memory_space<vmem>>, %arg1: memref<8x128xf32, #tpu.memory_space<vmem>>, %arg2: memref<4x128xf32, #tpu.memory_space<vmem>>, %arg3: memref<128x128xf32, #tpu.memory_space<vmem>>, %arg4: memref<128x128xf32, #tpu.memory_space<vmem>>, %arg5: memref<2x10240xf32, #tpu.memory_space<vmem>>) attributes {dimension_semantics = [], scalar_prefetch = 0 : i64, scratch_operands = 0 : i64, tpu.core_type = #tpu.core_type<tc>} {
    %get3A = arith.constant 0 : index
    %get3A_0 = arith.constant 0 : index
    %get3A_1 = vector.load %arg1[%get3A, %get3A_0] : memref<8x128xf32, #tpu.memory_space<vmem>>, vector<8x128xf32>
    %get3A_2 = arith.constant 0 : index
    %get3A_3 = arith.constant 0 : index
    %get3A_4 = vector.load %arg2[%get3A_2, %get3A_3] : memref<4x128xf32, #tpu.memory_space<vmem>>, vector<4x128xf32>
    %get3A_5 = arith.constant 0 : index
    %get3A_6 = arith.constant 0 : index
    %get3A_7 = vector.load %arg3[%get3A_5, %get3A_6] : memref<128x128xf32, #tpu.memory_space<vmem>>, vector<128x128xf32>
    %get3A_8 = arith.constant 0 : index
    %get3A_9 = arith.constant 0 : index
    %get3A_10 = vector.load %arg4[%get3A_8, %get3A_9] : memref<128x128xf32, #tpu.memory_space<vmem>>, vector<128x128xf32>
    %slice3A = vector.extract_strided_slice %get3A_1 {offsets = [0, 0], sizes = [1, 128], strides = [1, 1]} : vector<8x128xf32> to vector<1x128xf32>
    %slice3A_11 = vector.extract_strided_slice %get3A_1 {offsets = [2, 0], sizes = [1, 128], strides = [1, 1]} : vector<8x128xf32> to vector<1x128xf32>
    %slice3A_12 = vector.extract_strided_slice %get3A_1 {offsets = [4, 0], sizes = [1, 128], strides = [1, 1]} : vector<8x128xf32> to vector<1x128xf32>
    %slice3A_13 = vector.extract_strided_slice %get3A_4 {offsets = [0, 0], sizes = [1, 128], strides = [1, 1]} : vector<4x128xf32> to vector<1x128xf32>
    %slice3A_14 = vector.extract_strided_slice %get3A_4 {offsets = [1, 0], sizes = [1, 128], strides = [1, 1]} : vector<4x128xf32> to vector<1x128xf32>
    %div3A = arith.constant 3.200000e+05 : f32
    %div3A_15 = vector.broadcast %div3A : f32 to vector<1x128xf32>
    %div3A_16 = arith.divf %slice3A, %div3A_15 : vector<1x128xf32>
    %div3A_17 = arith.constant 3.200000e+05 : f32
    %div3A_18 = vector.broadcast %div3A_17 : f32 to vector<1x128xf32>
    %div3A_19 = arith.divf %slice3A_11, %div3A_18 : vector<1x128xf32>
    %mul3A = arith.mulf %div3A_16, %div3A_16 : vector<1x128xf32>
    %sub3A = arith.subf %div3A_19, %mul3A : vector<1x128xf32>
    %div3A_20 = arith.constant 3.200000e+05 : f32
    %div3A_21 = vector.broadcast %div3A_20 : f32 to vector<1x128xf32>
    %div3A_22 = arith.divf %slice3A_12, %div3A_21 : vector<1x128xf32>
    %mul3A_23 = arith.constant 3.000000e+00 : f32
    %mul3A_24 = vector.broadcast %mul3A_23 : f32 to vector<1x128xf32>
    %mul3A_25 = arith.mulf %mul3A_24, %div3A_16 : vector<1x128xf32>
    %div3A_26 = arith.constant 3.200000e+05 : f32
    %div3A_27 = vector.broadcast %div3A_26 : f32 to vector<1x128xf32>
    %div3A_28 = arith.divf %slice3A_11, %div3A_27 : vector<1x128xf32>
    %mul3A_29 = arith.mulf %mul3A_25, %div3A_28 : vector<1x128xf32>
    %sub3A_30 = arith.subf %div3A_22, %mul3A_29 : vector<1x128xf32>
    %mul3A_31 = arith.constant 2.000000e+00 : f32
    %mul3A_32 = vector.broadcast %mul3A_31 : f32 to vector<1x128xf32>
    %mul3A_33 = arith.mulf %mul3A_32, %div3A_16 : vector<1x128xf32>
    %mul3A_34 = arith.mulf %mul3A_33, %div3A_16 : vector<1x128xf32>
    %mul3A_35 = arith.mulf %mul3A_34, %div3A_16 : vector<1x128xf32>
    %add3A = arith.addf %sub3A_30, %mul3A_35 : vector<1x128xf32>
    %sign3A = tpu.bitcast %sub3A : vector<1x128xf32> -> vector<1x128xi32>
    %sign3A_36 = arith.constant -2147483648 : i32
    %sign3A_37 = vector.broadcast %sign3A_36 : i32 to vector<1x128xi32>
    %sign3A_38 = arith.andi %sign3A, %sign3A_37 : vector<1x128xi32>
    %sign3A_39 = arith.constant 1065353216 : i32
    %sign3A_40 = vector.broadcast %sign3A_39 : i32 to vector<1x128xi32>
    %sign3A_41 = arith.ori %sign3A_40, %sign3A_38 : vector<1x128xi32>
    %sign3A_42 = tpu.bitcast %sign3A_41 : vector<1x128xi32> -> vector<1x128xf32>
    %sign3A_43 = math.absf %sub3A : vector<1x128xf32>
    %sign3A_44 = arith.constant 0.000000e+00 : f32
    %sign3A_45 = vector.broadcast %sign3A_44 : f32 to vector<1x128xf32>
    %sign3A_46 = arith.cmpf ogt, %sign3A_43, %sign3A_45 : vector<1x128xf32>
    %sign3A_47 = arith.select %sign3A_46, %sign3A_42, %sub3A : vector<1x128xi1>, vector<1x128xf32>
    %abs3A = math.absf %sub3A : vector<1x128xf32>
    %sqrt3A = math.sqrt %abs3A : vector<1x128xf32>
    %mul3A_48 = arith.mulf %sign3A_47, %sqrt3A : vector<1x128xf32>
    %sign3A_49 = tpu.bitcast %add3A : vector<1x128xf32> -> vector<1x128xi32>
    %sign3A_50 = arith.constant -2147483648 : i32
    %sign3A_51 = vector.broadcast %sign3A_50 : i32 to vector<1x128xi32>
    %sign3A_52 = arith.andi %sign3A_49, %sign3A_51 : vector<1x128xi32>
    %sign3A_53 = arith.constant 1065353216 : i32
    %sign3A_54 = vector.broadcast %sign3A_53 : i32 to vector<1x128xi32>
    %sign3A_55 = arith.ori %sign3A_54, %sign3A_52 : vector<1x128xi32>
    %sign3A_56 = tpu.bitcast %sign3A_55 : vector<1x128xi32> -> vector<1x128xf32>
    %sign3A_57 = math.absf %add3A : vector<1x128xf32>
    %sign3A_58 = arith.constant 0.000000e+00 : f32
    %sign3A_59 = vector.broadcast %sign3A_58 : f32 to vector<1x128xf32>
    %sign3A_60 = arith.cmpf ogt, %sign3A_57, %sign3A_59 : vector<1x128xf32>
    %sign3A_61 = arith.select %sign3A_60, %sign3A_56, %add3A : vector<1x128xi1>, vector<1x128xf32>
    %abs3A_62 = math.absf %add3A : vector<1x128xf32>
    %log3A = math.log %abs3A_62 : vector<1x128xf32>
    %mul3A_63 = arith.constant 0.333333343 : f32
    %mul3A_64 = vector.broadcast %mul3A_63 : f32 to vector<1x128xf32>
    %mul3A_65 = arith.mulf %log3A, %mul3A_64 : vector<1x128xf32>
    %exp3A = math.exp %mul3A_65 : vector<1x128xf32>
    %mul3A_66 = arith.mulf %sign3A_61, %exp3A : vector<1x128xf32>
    %dot_general3A = arith.constant dense<0.000000e+00> : vector<1x128xf32>
    %dot_general3A_67 = tpu.matmul %mul3A_48, %get3A_7, %dot_general3A {dimension_numbers = #tpu.dot_dimension_numbers<[1], [1], [0], [0], [0, 0, 1, 0], [], []>, transpose_lhs_hint = false} : vector<1x128xf32>, vector<128x128xf32>, vector<1x128xf32> -> vector<1x128xf32>
    %dot_general3A_68 = arith.constant dense<0.000000e+00> : vector<1x128xf32>
    %dot_general3A_69 = tpu.matmul %mul3A_66, %get3A_10, %dot_general3A_68 {dimension_numbers = #tpu.dot_dimension_numbers<[1], [1], [0], [0], [0, 0, 1, 0], [], []>, transpose_lhs_hint = false} : vector<1x128xf32>, vector<128x128xf32>, vector<1x128xf32> -> vector<1x128xf32>
    %mul3A_70 = arith.mulf %dot_general3A_67, %slice3A_13 : vector<1x128xf32>
    %reduce_sum3A = vector.shape_cast %mul3A_70 : vector<1x128xf32> to vector<1x1x128xf32>
    %reduce_sum3A_71 = arith.constant dense<0.000000e+00> : vector<1xf32>
    %reduce_sum3A_72 = vector.multi_reduction <add>, %reduce_sum3A, %reduce_sum3A_71 [1, 2] : vector<1x1x128xf32> to vector<1xf32>
    %reduce_sum3A_73 = vector.shape_cast %reduce_sum3A_72 : vector<1xf32> to vector<1x1x1xf32>
    %reduce_sum3A_74 = vector.extract %reduce_sum3A_73[0, 0, 0] : f32 from vector<1x1x1xf32>
    %mul3A_75 = arith.mulf %dot_general3A_69, %slice3A_14 : vector<1x128xf32>
    %reduce_sum3A_76 = vector.shape_cast %mul3A_75 : vector<1x128xf32> to vector<1x1x128xf32>
    %reduce_sum3A_77 = arith.constant dense<0.000000e+00> : vector<1xf32>
    %reduce_sum3A_78 = vector.multi_reduction <add>, %reduce_sum3A_76, %reduce_sum3A_77 [1, 2] : vector<1x1x128xf32> to vector<1xf32>
    %reduce_sum3A_79 = vector.shape_cast %reduce_sum3A_78 : vector<1xf32> to vector<1x1x1xf32>
    %reduce_sum3A_80 = vector.extract %reduce_sum3A_79[0, 0, 0] : f32 from vector<1x1x1xf32>
    %add3A_81 = arith.addf %reduce_sum3A_74, %reduce_sum3A_80 : f32
    %slice3A_82 = vector.extract_strided_slice %get3A_1 {offsets = [1, 0], sizes = [1, 128], strides = [1, 1]} : vector<8x128xf32> to vector<1x128xf32>
    %slice3A_83 = vector.extract_strided_slice %get3A_1 {offsets = [3, 0], sizes = [1, 128], strides = [1, 1]} : vector<8x128xf32> to vector<1x128xf32>
    %slice3A_84 = vector.extract_strided_slice %get3A_1 {offsets = [5, 0], sizes = [1, 128], strides = [1, 1]} : vector<8x128xf32> to vector<1x128xf32>
    %slice3A_85 = vector.extract_strided_slice %get3A_4 {offsets = [2, 0], sizes = [1, 128], strides = [1, 1]} : vector<4x128xf32> to vector<1x128xf32>
    %slice3A_86 = vector.extract_strided_slice %get3A_4 {offsets = [3, 0], sizes = [1, 128], strides = [1, 1]} : vector<4x128xf32> to vector<1x128xf32>
    %div3A_87 = arith.constant 3.200000e+05 : f32
    %div3A_88 = vector.broadcast %div3A_87 : f32 to vector<1x128xf32>
    %div3A_89 = arith.divf %slice3A_82, %div3A_88 : vector<1x128xf32>
    %div3A_90 = arith.constant 3.200000e+05 : f32
    %div3A_91 = vector.broadcast %div3A_90 : f32 to vector<1x128xf32>
    %div3A_92 = arith.divf %slice3A_83, %div3A_91 : vector<1x128xf32>
    %mul3A_93 = arith.mulf %div3A_89, %div3A_89 : vector<1x128xf32>
    %sub3A_94 = arith.subf %div3A_92, %mul3A_93 : vector<1x128xf32>
    %div3A_95 = arith.constant 3.200000e+05 : f32
    %div3A_96 = vector.broadcast %div3A_95 : f32 to vector<1x128xf32>
    %div3A_97 = arith.divf %slice3A_84, %div3A_96 : vector<1x128xf32>
    %mul3A_98 = arith.constant 3.000000e+00 : f32
    %mul3A_99 = vector.broadcast %mul3A_98 : f32 to vector<1x128xf32>
    %mul3A_100 = arith.mulf %mul3A_99, %div3A_89 : vector<1x128xf32>
    %div3A_101 = arith.constant 3.200000e+05 : f32
    %div3A_102 = vector.broadcast %div3A_101 : f32 to vector<1x128xf32>
    %div3A_103 = arith.divf %slice3A_83, %div3A_102 : vector<1x128xf32>
    %mul3A_104 = arith.mulf %mul3A_100, %div3A_103 : vector<1x128xf32>
    %sub3A_105 = arith.subf %div3A_97, %mul3A_104 : vector<1x128xf32>
    %mul3A_106 = arith.constant 2.000000e+00 : f32
    %mul3A_107 = vector.broadcast %mul3A_106 : f32 to vector<1x128xf32>
    %mul3A_108 = arith.mulf %mul3A_107, %div3A_89 : vector<1x128xf32>
    %mul3A_109 = arith.mulf %mul3A_108, %div3A_89 : vector<1x128xf32>
    %mul3A_110 = arith.mulf %mul3A_109, %div3A_89 : vector<1x128xf32>
    %add3A_111 = arith.addf %sub3A_105, %mul3A_110 : vector<1x128xf32>
    %sign3A_112 = tpu.bitcast %sub3A_94 : vector<1x128xf32> -> vector<1x128xi32>
    %sign3A_113 = arith.constant -2147483648 : i32
    %sign3A_114 = vector.broadcast %sign3A_113 : i32 to vector<1x128xi32>
    %sign3A_115 = arith.andi %sign3A_112, %sign3A_114 : vector<1x128xi32>
    %sign3A_116 = arith.constant 1065353216 : i32
    %sign3A_117 = vector.broadcast %sign3A_116 : i32 to vector<1x128xi32>
    %sign3A_118 = arith.ori %sign3A_117, %sign3A_115 : vector<1x128xi32>
    %sign3A_119 = tpu.bitcast %sign3A_118 : vector<1x128xi32> -> vector<1x128xf32>
    %sign3A_120 = math.absf %sub3A_94 : vector<1x128xf32>
    %sign3A_121 = arith.constant 0.000000e+00 : f32
    %sign3A_122 = vector.broadcast %sign3A_121 : f32 to vector<1x128xf32>
    %sign3A_123 = arith.cmpf ogt, %sign3A_120, %sign3A_122 : vector<1x128xf32>
    %sign3A_124 = arith.select %sign3A_123, %sign3A_119, %sub3A_94 : vector<1x128xi1>, vector<1x128xf32>
    %abs3A_125 = math.absf %sub3A_94 : vector<1x128xf32>
    %sqrt3A_126 = math.sqrt %abs3A_125 : vector<1x128xf32>
    %mul3A_127 = arith.mulf %sign3A_124, %sqrt3A_126 : vector<1x128xf32>
    %sign3A_128 = tpu.bitcast %add3A_111 : vector<1x128xf32> -> vector<1x128xi32>
    %sign3A_129 = arith.constant -2147483648 : i32
    %sign3A_130 = vector.broadcast %sign3A_129 : i32 to vector<1x128xi32>
    %sign3A_131 = arith.andi %sign3A_128, %sign3A_130 : vector<1x128xi32>
    %sign3A_132 = arith.constant 1065353216 : i32
    %sign3A_133 = vector.broadcast %sign3A_132 : i32 to vector<1x128xi32>
    %sign3A_134 = arith.ori %sign3A_133, %sign3A_131 : vector<1x128xi32>
    %sign3A_135 = tpu.bitcast %sign3A_134 : vector<1x128xi32> -> vector<1x128xf32>
    %sign3A_136 = math.absf %add3A_111 : vector<1x128xf32>
    %sign3A_137 = arith.constant 0.000000e+00 : f32
    %sign3A_138 = vector.broadcast %sign3A_137 : f32 to vector<1x128xf32>
    %sign3A_139 = arith.cmpf ogt, %sign3A_136, %sign3A_138 : vector<1x128xf32>
    %sign3A_140 = arith.select %sign3A_139, %sign3A_135, %add3A_111 : vector<1x128xi1>, vector<1x128xf32>
    %abs3A_141 = math.absf %add3A_111 : vector<1x128xf32>
    %log3A_142 = math.log %abs3A_141 : vector<1x128xf32>
    %mul3A_143 = arith.constant 0.333333343 : f32
    %mul3A_144 = vector.broadcast %mul3A_143 : f32 to vector<1x128xf32>
    %mul3A_145 = arith.mulf %log3A_142, %mul3A_144 : vector<1x128xf32>
    %exp3A_146 = math.exp %mul3A_145 : vector<1x128xf32>
    %mul3A_147 = arith.mulf %sign3A_140, %exp3A_146 : vector<1x128xf32>
    %dot_general3A_148 = arith.constant dense<0.000000e+00> : vector<1x128xf32>
    %dot_general3A_149 = tpu.matmul %mul3A_127, %get3A_7, %dot_general3A_148 {dimension_numbers = #tpu.dot_dimension_numbers<[1], [1], [0], [0], [0, 0, 1, 0], [], []>, transpose_lhs_hint = false} : vector<1x128xf32>, vector<128x128xf32>, vector<1x128xf32> -> vector<1x128xf32>
    %dot_general3A_150 = arith.constant dense<0.000000e+00> : vector<1x128xf32>
    %dot_general3A_151 = tpu.matmul %mul3A_147, %get3A_10, %dot_general3A_150 {dimension_numbers = #tpu.dot_dimension_numbers<[1], [1], [0], [0], [0, 0, 1, 0], [], []>, transpose_lhs_hint = false} : vector<1x128xf32>, vector<128x128xf32>, vector<1x128xf32> -> vector<1x128xf32>
    %mul3A_152 = arith.mulf %dot_general3A_149, %slice3A_85 : vector<1x128xf32>
    %reduce_sum3A_153 = vector.shape_cast %mul3A_152 : vector<1x128xf32> to vector<1x1x128xf32>
    %reduce_sum3A_154 = arith.constant dense<0.000000e+00> : vector<1xf32>
    %reduce_sum3A_155 = vector.multi_reduction <add>, %reduce_sum3A_153, %reduce_sum3A_154 [1, 2] : vector<1x1x128xf32> to vector<1xf32>
    %reduce_sum3A_156 = vector.shape_cast %reduce_sum3A_155 : vector<1xf32> to vector<1x1x1xf32>
    %reduce_sum3A_157 = vector.extract %reduce_sum3A_156[0, 0, 0] : f32 from vector<1x1x1xf32>
    %mul3A_158 = arith.mulf %dot_general3A_151, %slice3A_86 : vector<1x128xf32>
    %reduce_sum3A_159 = vector.shape_cast %mul3A_158 : vector<1x128xf32> to vector<1x1x128xf32>
    %reduce_sum3A_160 = arith.constant dense<0.000000e+00> : vector<1xf32>
    %reduce_sum3A_161 = vector.multi_reduction <add>, %reduce_sum3A_159, %reduce_sum3A_160 [1, 2] : vector<1x1x128xf32> to vector<1xf32>
    %reduce_sum3A_162 = vector.shape_cast %reduce_sum3A_161 : vector<1xf32> to vector<1x1x1xf32>
    %reduce_sum3A_163 = vector.extract %reduce_sum3A_162[0, 0, 0] : f32 from vector<1x1x1xf32>
    %add3A_164 = arith.addf %reduce_sum3A_157, %reduce_sum3A_163 : f32
    %add3A_165 = arith.addf %add3A_81, %add3A_164 : f32
    %get3A_166 = arith.constant 0 : index
    %get3A_167 = arith.constant 0 : index
    %get3A_168 = vector.load %arg0[%get3A_166, %get3A_167] : memref<2x10240xf32, #tpu.memory_space<vmem>>, vector<2x10240xf32>
    %slice3A_169 = vector.extract_strided_slice %get3A_168 {offsets = [0, 0], sizes = [1, 10240], strides = [1, 1]} : vector<2x10240xf32> to vector<1x10240xf32>
    %add3A_170 = vector.broadcast %add3A_165 : f32 to vector<1x10240xf32>
    %add3A_171 = arith.addf %slice3A_169, %add3A_170 : vector<1x10240xf32>
    %slice3A_172 = vector.extract_strided_slice %get3A_168 {offsets = [1, 0], sizes = [1, 10240], strides = [1, 1]} : vector<2x10240xf32> to vector<1x10240xf32>
    %concatenate3A = tpu.concatenate %add3A_171, %slice3A_172 in 0 : vector<1x10240xf32>, vector<1x10240xf32> -> vector<2x10240xf32>
    %swap3A = arith.constant 0 : index
    %swap3A_173 = arith.constant 0 : index
    %swap3A_174 = vector.load %arg5[%swap3A, %swap3A_173] : memref<2x10240xf32, #tpu.memory_space<vmem>>, vector<2x10240xf32>
    tpu.vector_store %arg5[%swap3A, %swap3A_173], %concatenate3A {strides = array<i32>} : memref<2x10240xf32, #tpu.memory_space<vmem>>, vector<2x10240xf32>,
    return
  }
}

module attributes {stable_mosaic.version = 14 : i64} {
  func.func @body(%arg0: i32, %arg1: memref<2048x16xf32, #tpu.memory_space<vmem>>, %arg2: memref<1x2048xf32, #tpu.memory_space<vmem>>, %arg3: memref<16x2048xf32, #tpu.memory_space<vmem>>) attributes {dimension_semantics = [#tpu.dimension_semantics<arbitrary>], iteration_bounds = array<i64: 160>, scalar_prefetch = 0 : i64, scratch_operands = 0 : i64, tpu.core_type = #tpu.core_type<tc>, window_params = [{transform_indices = @transform_0, window_bounds = array<i64: 2048, 16>}, {transform_indices = @transform_1, window_bounds = array<i64: 1, 2048>}, {transform_indices = @transform_2, window_bounds = array<i64: 16, 2048>}]} {
    %iota3A = tpu.iota {dimensions = array<i32: 0>} : vector<16x16xi32>
    %iota3A_0 = tpu.iota {dimensions = array<i32: 1>} : vector<16x16xi32>
    %add3A = arith.constant 0 : i32
    %add3A_1 = vector.broadcast %add3A : i32 to vector<16x16xi32>
    %add3A_2 = arith.addi %iota3A, %add3A_1 : vector<16x16xi32>
    %eq3A = arith.cmpi eq, %add3A_2, %iota3A_0 : vector<16x16xi32>
    %convert_element_type3A = arith.extui %eq3A : vector<16x16xi1> to vector<16x16xi32>
    %convert_element_type3A_3 = arith.sitofp %convert_element_type3A : vector<16x16xi32> to vector<16x16xf32>
    %get3A = arith.constant 0 : index
    %get3A_4 = arith.constant 0 : index
    %get3A_5 = vector.load %arg1[%get3A, %get3A_4] : memref<2048x16xf32, #tpu.memory_space<vmem>>, vector<2048x16xf32>
    %dot_general3A = arith.constant dense<0.000000e+00> : vector<16x2048xf32>
    %dot_general3A_6 = tpu.matmul %convert_element_type3A_3, %get3A_5, %dot_general3A {dimension_numbers = #tpu.dot_dimension_numbers<[1], [1], [0], [0], [0, 0, 1, 0], [], []>, transpose_lhs_hint = false} : vector<16x16xf32>, vector<2048x16xf32>, vector<16x2048xf32> -> vector<16x2048xf32>
    %get3A_7 = arith.constant 0 : index
    %get3A_8 = arith.constant 0 : index
    %get3A_9 = vector.load %arg2[%get3A_7, %get3A_8] : memref<1x2048xf32, #tpu.memory_space<vmem>>, vector<1x2048xf32>
    %mul3A = vector.broadcast %get3A_9 : vector<1x2048xf32> to vector<16x2048xf32>
    %mul3A_10 = arith.mulf %dot_general3A_6, %mul3A : vector<16x2048xf32>
    %swap3A = arith.constant 0 : index
    %swap3A_11 = arith.constant 0 : index
    %swap3A_12 = vector.load %arg3[%swap3A, %swap3A_11] : memref<16x2048xf32, #tpu.memory_space<vmem>>, vector<16x2048xf32>
    tpu.vector_store %arg3[%swap3A, %swap3A_11], %mul3A_10 {strides = array<i32>} : memref<16x2048xf32, #tpu.memory_space<vmem>>, vector<16x2048xf32>,
    return
  }
  func.func @transform_0(%arg0: i32) -> (i32, i32) {
    %c0_i32 = arith.constant 0 : i32
    %c0_i32_0 = arith.constant 0 : i32
    return %arg0, %c0_i32 : i32, i32
  }
  func.func @transform_1(%arg0: i32) -> (i32, i32) {
    %c0_i32 = arith.constant 0 : i32
    %c0_i32_0 = arith.constant 0 : i32
    return %c0_i32, %arg0 : i32, i32
  }
  func.func @transform_2(%arg0: i32) -> (i32, i32) {
    %c0_i32 = arith.constant 0 : i32
    %c0_i32_0 = arith.constant 0 : i32
    return %c0_i32, %arg0 : i32, i32
  }
}

module attributes {stable_mosaic.version = 14 : i64} {
  func.func @body(%arg0: i32, %arg1: memref<1024x128xf32, #tpu.memory_space<vmem>>, %arg2: memref<1024x16xf32, #tpu.memory_space<vmem>>, %arg3: memref<1024x1xf32, #tpu.memory_space<vmem>>, %arg4: memref<128x16xf32, #tpu.memory_space<vmem>>, %arg5: memref<16x16xf32, #tpu.memory_space<vmem>>, %arg6: memref<1024x128xf32, #tpu.memory_space<vmem>>) attributes {dimension_semantics = [#tpu.dimension_semantics<arbitrary>], iteration_bounds = array<i64: 10>, scalar_prefetch = 0 : i64, scratch_operands = 0 : i64, tpu.core_type = #tpu.core_type<tc>, window_params = [{transform_indices = @transform_0, window_bounds = array<i64: 1024, 128>}, {transform_indices = @transform_1, window_bounds = array<i64: 1024, 16>}, {transform_indices = @transform_2, window_bounds = array<i64: 1024, 1>}, {pipeline_mode = #tpu.pipeline_mode<synchronous>, transform_indices = @transform_3, window_bounds = array<i64: 128, 16>}, {pipeline_mode = #tpu.pipeline_mode<synchronous>, transform_indices = @transform_4, window_bounds = array<i64: 16, 16>}, {transform_indices = @transform_5, window_bounds = array<i64: 1024, 128>}]} {
    %get3A = arith.constant 0 : index
    %get3A_0 = arith.constant 0 : index
    %get3A_1 = vector.load %arg1[%get3A, %get3A_0] : memref<1024x128xf32, #tpu.memory_space<vmem>>, vector<1024x128xf32>
    %get3A_2 = arith.constant 0 : index
    %get3A_3 = arith.constant 0 : index
    %get3A_4 = vector.load %arg2[%get3A_2, %get3A_3] : memref<1024x16xf32, #tpu.memory_space<vmem>>, vector<1024x16xf32>
    %get3A_5 = arith.constant 0 : index
    %get3A_6 = arith.constant 0 : index
    %get3A_7 = vector.load %arg4[%get3A_5, %get3A_6] : memref<128x16xf32, #tpu.memory_space<vmem>>, vector<128x16xf32>
    %get3A_8 = arith.constant 0 : index
    %get3A_9 = arith.constant 0 : index
    %get3A_10 = vector.load %arg5[%get3A_8, %get3A_9] : memref<16x16xf32, #tpu.memory_space<vmem>>, vector<16x16xf32>
    %dot_general3A = arith.constant dense<0.000000e+00> : vector<128x16xf32>
    %dot_general3A_11 = tpu.matmul %get3A_7, %get3A_10, %dot_general3A {dimension_numbers = #tpu.dot_dimension_numbers<[1], [0], [0], [1], [0, 0, 1, 1], [], []>, transpose_lhs_hint = false} : vector<128x16xf32>, vector<16x16xf32>, vector<128x16xf32> -> vector<128x16xf32>
    %dot_general3A_12 = arith.constant dense<0.000000e+00> : vector<1024x128xf32>
    %dot_general3A_13 = tpu.matmul %get3A_4, %dot_general3A_11, %dot_general3A_12 {dimension_numbers = #tpu.dot_dimension_numbers<[1], [1], [0], [0], [0, 0, 1, 0], [], []>, transpose_lhs_hint = false} : vector<1024x16xf32>, vector<128x16xf32>, vector<1024x128xf32> -> vector<1024x128xf32>
    %get3A_14 = arith.constant 0 : index
    %get3A_15 = arith.constant 0 : index
    %get3A_16 = vector.load %arg3[%get3A_14, %get3A_15] : memref<1024x1xf32, #tpu.memory_space<vmem>>, vector<1024x1xf32>
    %gt3A = arith.constant 0.000000e+00 : f32
    %gt3A_17 = vector.broadcast %gt3A : f32 to vector<1024x1xf32>
    %gt3A_18 = arith.cmpf ogt, %get3A_16, %gt3A_17 : vector<1024x1xf32>
    %jit3A = arith.constant 1.000000e+00 : f32
    %broadcast_in_dim3A = vector.broadcast %jit3A : f32 to vector<1024x1xf32>
    %select_n3A = arith.select %gt3A_18, %get3A_16, %broadcast_in_dim3A : vector<1024x1xi1>, vector<1024x1xf32>
    %add3A = arith.addf %get3A_1, %dot_general3A_13 : vector<1024x128xf32>
    %div3A = vector.broadcast %select_n3A : vector<1024x1xf32> to vector<1024x128xf32>
    %div3A_19 = arith.divf %add3A, %div3A : vector<1024x128xf32>
    %swap3A = arith.constant 0 : index
    %swap3A_20 = arith.constant 0 : index
    %swap3A_21 = vector.load %arg6[%swap3A, %swap3A_20] : memref<1024x128xf32, #tpu.memory_space<vmem>>, vector<1024x128xf32>
    tpu.vector_store %arg6[%swap3A, %swap3A_20], %div3A_19 {strides = array<i32>} : memref<1024x128xf32, #tpu.memory_space<vmem>>, vector<1024x128xf32>,
    return
  }
  func.func @transform_0(%arg0: i32) -> (i32, i32) {
    %c0_i32 = arith.constant 0 : i32
    %c0_i32_0 = arith.constant 0 : i32
    return %arg0, %c0_i32 : i32, i32
  }
  func.func @transform_1(%arg0: i32) -> (i32, i32) {
    %c0_i32 = arith.constant 0 : i32
    %c0_i32_0 = arith.constant 0 : i32
    return %arg0, %c0_i32 : i32, i32
  }
  func.func @transform_2(%arg0: i32) -> (i32, i32) {
    %c0_i32 = arith.constant 0 : i32
    %c0_i32_0 = arith.constant 0 : i32
    return %arg0, %c0_i32 : i32, i32
  }
  func.func @transform_3(%arg0: i32) -> (i32, i32) {
    %c0_i32 = arith.constant 0 : i32
    %c0_i32_0 = arith.constant 0 : i32
    %c0_i32_1 = arith.constant 0 : i32
    return %c0_i32, %c0_i32_0 : i32, i32
  }
  func.func @transform_4(%arg0: i32) -> (i32, i32) {
    %c0_i32 = arith.constant 0 : i32
    %c0_i32_0 = arith.constant 0 : i32
    %c0_i32_1 = arith.constant 0 : i32
    return %c0_i32, %c0_i32_0 : i32, i32
  }
  func.func @transform_5(%arg0: i32) -> (i32, i32) {
    %c0_i32 = arith.constant 0 : i32
    %c0_i32_0 = arith.constant 0 : i32
    return %arg0, %c0_i32 : i32, i32
  }
}

</mosaic_0001>

<sc_bundles>
// kernel: kernel.10.cloned.1.call-start
scs
__scs_entry_jumppad:
0x0: {  	(pc) =	sbr.rel $0x88, $3  }
0x1: {  	(tag) =	ssettag $0x0;
	lr =	simm.s32 $0x1  }
0x2: {  	[smem:$0x3F98] =	sst lr;
	_ =	strace $0xD0000000  }
0x3: {  	_ = 	snop  }
0x4: {  	_ = 	snop  }
0x5: {  	_ = 	snop  }
0x6: {  	_ = 	snop  }
0x7: {  	_ = 	snop  }
__scs_overlays_trampoline_lowered:
0x8: {  	[smem:$0x3FA7] =	sst s0  }
0x9: {  	[smem:$0x3FA8] =	sst s1  }
0xa: {  	[smem:$0x3FA9] =	sst s2  }
0xb: {  	[smem:$0x3FAA] =	sst s3  }
0xc: {  	[smem:$0x3FAB] =	sst s4  }
0xd: {  	[smem:$0x3FAC] =	sst s5  }
0xe: {  	[smem:$0x3FAD] =	sst s6  }
0xf: {  	[smem:$0x3FAE] =	sst s7  }
0x10: {  	[smem:$0x3FAF] =	sst s8  }
0x11: {  	[smem:$0x3FB0] =	sst s9;
	s0 =	simm.s32 @!p0 $0x0  }
0x12: {  	s1 =	sld [smem:$0x3F96];
	s0 =	simm.s32 @p0 $0x1  }
0x13: {  	[smem:$0x3FB1] =	sst s0;
	s0 =	simm.s32 @!p1 $0x0  }
0x14: {  	s2 =	sld [smem:$0x3F95];
	s0 =	simm.s32 @p1 $0x1  }
0x15: {  	[smem:$0x3FB2] =	sst s0;
	s0 =	simm.s32 @!p2 $0x0  }
0x16: {  	s3 =	sld [smem:$0x3FDB];
	s0 =	simm.s32 @p2 $0x1  }
0x17: {  	s4 =	simm.s32 $0x1BF5;
	[smem:$0x3FB4] =	sst s0  }
0x18: {  	s0 =	sld [smem:$0x3F97];
	_ =	swait.ge [sflag:s4], $0x0  }
0x19: {  	s7 =	sld [smem:$0x3F98]  }
0x1a: {  	s8 =	sadd.s32 $0xFFFFE003, lr  }
0x1b: {  	s9 =	sadd.s32 $0xFFFFFEF7, lr;
	s5 =	simm.s32 $0xFFFFFFFF;
	p2 =	slt.u32 s8, $0xFFFFF086  }
0x1c: {  	p1 =	slt.u32 s9, $0xF7A;
	s5 =	simm.s32 @!p2 $0x0  }
0x1d: {  	s5 =	simm.s32 @p1 $0x1;
	p0 =	seq.s32 s7, s2  }
0x1e: {  	s7 =	smul.u32 @!p0 $0xF7A, s2;
	p2 =	seq.s32 @!p0 s5, $0x0  }
0x1f: {  	s9 =	smul.u32 $0xF7A, s1;
	s8 =	simm.s32 @!p0 $0x1BF5;
	p2 =	por !p2, p0  }
0x20: {  	[sflag:s8] =	ssyncset.s32 @!p0 $0xFFFFF086;
	s6 =	sadd.s32 @!p0 s3, s7;
	s7 =	simm.s32 @!p0 $0x108  }
0x21: {  	s3 =	sadd.s32 s3, s9;
	s6 =	sadd.s32 @!p0 $0x88, s6;
	s7 =	simm.s32 @p2 $0x1082  }
0x22: {  	[simem:s7], [sflag:s8] =	dma.local @!p0 [hbm:s6], $0xF7A  }
0x23: {  	s9 =	sor.u32 $0xD0000000, s2;
	s6 =	simm.s32 $0x108;
	_ =	swait.ge @!p0 [sflag:s8], $0x0  }
0x24: {  	s3 =	sadd.s32 $0x88, s3;
	s6 =	simm.s32 @!p1 $0x1082;
	[sflag:s4] =	ssyncset.s32 $0xFFFFF086  }
0x25: {  	[simem:s6], [sflag:s4] =	dma.local [hbm:s3], $0xF7A  }
0x26: {  	[smem:$0x3F98] =	sst s1;
	(tag) =	ssettag s2;
	_ =	strace s9  }
0x27: {  	s1 =	sld [smem:$0x3FA8]  }
0x28: {  	s2 =	sld [smem:$0x3FA9]  }
0x29: {  	s4 =	sld [smem:$0x3FAB]  }
0x2a: {  	p0 =	seq.s32 s5, $0x0;
	s5 =	sld [smem:$0x3FAC]  }
0x2b: {  	s6 =	sld [smem:$0x3FAD]  }
0x2c: {  	s7 =	sld [smem:$0x3FAE]  }
0x2d: {  	s3 =	simm.s32 $0x108;
	s8 =	sld [smem:$0x3FAF]  }
0x2e: {  	s3 =	simm.s32 @!p0 $0x1082;
	s9 =	sld [smem:$0x3FB0]  }
0x2f: {  	lr =	sadd.s32 s0, s3;
	s0 =	sld [smem:$0x3FA7]  }
0x30: {  	s3 =	sld [smem:$0x3FAA]  }
0x31: {  	[smem:$0x3FB3] =	sst s10  }
0x32: {  	s10 =	sld [smem:$0x3FB1];
	_ =	sdelay $0x3  }
0x33: {  	p0 =	seq.s32 s10, $0x1;
	s10 =	sld [smem:$0x3FB3];
	_ =	sdelay $0x3  }
0x34: {  	[smem:$0x3FB3] =	sst s10  }
0x35: {  	s10 =	sld [smem:$0x3FB2];
	_ =	sdelay $0x3  }
0x36: {  	p1 =	seq.s32 s10, $0x1;
	s10 =	sld [smem:$0x3FB3];
	_ =	sdelay $0x3  }
0x37: {  	[smem:$0x3FB3] =	sst s10  }
0x38: {  	s10 =	sld [smem:$0x3FB4]  }
0x39: {  	_ = 	snop;
	(pc) =	sbr.ind lr, $3  }
0x3a: {  	_ = 	snop  }
0x3b: {  	_ = 	snop  }
0x3c: {  	p2 =	seq.s32 s10, $0x1;
	s10 =	sld [smem:$0x3FB3]  }
0x3d: {  	_ =	shalt  }
0x3e: {  	_ =	shalt  }
0x3f: {  	_ =	shalt  }
0x40: {  	_ =	shalt  }
0x41: {  	_ =	shalt  }
0x42: {  	_ =	shalt  }
0x43: {  	_ =	shalt  }
0x44: {  	_ =	shalt  }
0x45: {  	_ =	shalt  }
0x46: {  	_ =	shalt  }
0x47: {  	_ =	shalt  }
0x48: {  	_ =	shalt  }
0x49: {  	_ =	shalt  }
0x4a: {  	_ =	shalt  }
0x4b: {  	_ =	shalt  }
0x4c: {  	_ =	shalt  }
0x4d: {  	_ =	shalt  }
0x4e: {  	_ =	shalt  }
0x4f: {  	_ =	shalt  }
0x50: {  	_ =	shalt  }
0x51: {  	_ =	shalt  }
0x52: {  	_ =	shalt  }
0x53: {  	_ =	shalt  }
0x54: {  	_ =	shalt  }
0x55: {  	_ =	shalt  }
0x56: {  	_ =	shalt  }
0x57: {  	_ =	shalt  }
0x58: {  	_ =	shalt  }
0x59: {  	_ =	shalt  }
0x5a: {  	_ =	shalt  }
0x5b: {  	_ =	shalt  }
0x5c: {  	_ =	shalt  }
0x5d: {  	_ =	shalt  }
0x5e: {  	_ =	shalt  }
0x5f: {  	_ =	shalt  }
0x60: {  	_ =	shalt  }
0x61: {  	_ =	shalt  }
0x62: {  	_ =	shalt  }
0x63: {  	_ =	shalt  }
0x64: {  	_ =	shalt  }
0x65: {  	_ =	shalt  }
0x66: {  	_ =	shalt  }
0x67: {  	_ =	shalt  }
0x68: {  	_ =	shalt  }
0x69: {  	_ =	shalt  }
0x6a: {  	_ =	shalt  }
0x6b: {  	_ =	shalt  }
0x6c: {  	_ =	shalt  }
0x6d: {  	_ =	shalt  }
0x6e: {  	_ =	shalt  }
0x6f: {  	_ =	shalt  }
0x70: {  	_ =	shalt  }
0x71: {  	_ =	shalt  }
0x72: {  	_ =	shalt  }
0x73: {  	_ =	shalt  }
0x74: {  	_ =	shalt  }
0x75: {  	_ =	shalt  }
0x76: {  	_ =	shalt  }
0x77: {  	_ =	shalt  }
0x78: {  	_ =	shalt  }
0x79: {  	_ =	shalt  }
0x7a: {  	_ =	shalt  }
0x7b: {  	_ =	shalt  }
0x7c: {  	_ =	shalt  }
0x7d: {  	_ =	shalt  }
0x7e: {  	_ =	shalt  }
0x7f: {  	_ =	shalt  }
0x80: {  	_ =	shalt  }
0x81: {  	_ =	shalt  }
0x82: {  	_ =	shalt  }
0x83: {  	_ =	shalt  }
0x84: {  	_ =	shalt  }
0x85: {  	_ =	shalt  }
0x86: {  	_ =	shalt  }
0x87: {  	_ =	shalt  }
.Lfunc_end0:
.L_simem_size_0:
called_computation_lowered:
.L_overlay_start_0:
0x88: {  	s2 =	sld [smem:$0x3FD9]  }
0x89: {  	s3 =	sld [smem:$0x3FFE];
	_ =	sdelay $0x1  }
0x8a: {  	s1 =	srdreg.scid  }
0x8b: {  	s0 =	sand.u32 $0x1, s1  }
0x8c: {  	s17 =	sshll.u32 s0, $0xA;
	s2 =	sadd.s32 s3, s2  }
0x8d: {  	s2 =	sadd.s32 s2, s17  }
0x8e: {  	[smem:$0x3FBF] =	sst s2  }
0x8f: {  	_ = 	snop  }
0x90: {  	s2 =	sld [smem:$0x3FD0];
	(tm) =	ssettm $0x1  }
0x91: {  	s18 =	sld [smem:$0x3FFB];
	_ =	sdelay $0x3  }
0x92: {  	_ =	strace s18  }
0x93: {  	s3 =	sld [smem:$0x3FFC];
	_ =	sdelay $0x3  }
0x94: {  	_ =	strace s3  }
0x95: {  	s3 =	sld [smem:$0x3FFD];
	_ =	sdelay $0x3  }
0x96: {  	_ =	strace s3  }
0x97: {  	_ =	strace $0x8FFFFFFF  }
0x98: {  	s19 =	sld [smem:$0x3FDB];
	_ =	sdelay $0x1  }
0x99: {  	s4 =	simm.s32 $_scs_section_size  }
0x9a: {  	s5 =	simm.s32 $_size__tile_overlayer_lowered;
	s6 =	simm.s32 $_tile_overlayer_lowered  }
0x9b: {  	s22 =	simm.s32 $0x1BFF;
	s21 =	sshll.u32 s6, $0x1;
	s3 =	sadd.s32 s4, s19  }
0x9c: {  	s7 =	simm.s32 $0x0;
	s20 =	sshll.u32 s5, $0x1;
	s5 =	sadd.s32 s21, s3  }
0x9d: {  	[timem:s7], [sflag:s22] =	dma.local [hbm:s5], s20  }
0x9e: {  	_ =	swait.ge [sflag:s22], s20  }
0x9f: {  	s4 =	ssub.s32 $0x0, s20;
	[sflag:s22] =	ssyncset.done $0x0  }
0xa0: {  	[sflag:s22] =	ssyncadd.s32 s4;
	_ =	sdelay $0x1  }
0xa1: {  	s23 =	simm.s32 $0x1B8B  }
0xa2: {  	_ =	swait.ge [sflag:s23], $0x1  }
0xa3: {  	[sflag:s23] =	ssyncset.done $0x0  }
0xa4: {  	s25 =	simm.s32 $0x1B8E;
	s24 =	sld [smem:$0x3FFE];
	[sflag:s23] =	ssyncadd.s32 $0xFFFFFFFF  }
0xa5: {  	s26 =	simm.s32 $execute0_lowered;
	[smem:$0x3FD2] =	sst s25  }
0xa6: {  	s5 =	sshll.u32 s26, $0x1;
	_ =	strace $0x80000046;
	[dreg:$0x1] =	wrdreg $0xFFFFFFFF  }
0xa7: {  	s28 =	simm.s32 $_size_execute0_lowered;
	s3 =	sadd.s32 s3, s5;
	[dreg:$0x0] =	wrdreg $0x0  }
0xa8: {  	s5 =	sshll.u32 s28, $0x1;
	[dreg:$0x2] =	wrdreg s3  }
0xa9: {  	[dreg:$0x3] =	wrdreg s5  }
0xaa: {  	[dreg:$0x4] =	wrdreg $0xC0  }
0xab: {  	_ =	task [dreg:s7], $0x5FFFF  }
0xac: {  	[dreg:$0x1] =	wrdreg $0xFFFFFFFF  }
0xad: {  	[dreg:$0x0] =	wrdreg $0x60  }
0xae: {  	[dreg:$0x2] =	wrdreg s2  }
0xaf: {  	[dreg:$0x3] =	wrdreg s24  }
0xb0: {  	[dreg:$0x4] =	wrdreg $0x53000  }
0xb1: {  	[dreg:$0x5] =	wrdreg $0x55800  }
0xb2: {  	[dreg:$0x6] =	wrdreg $0x9  }
0xb3: {  	_ =	task.clear_ibuf [dreg:s7], $0x7FFFF;
	_ =	strace $0x90000046  }
0xb4: {  	s29 =	simm.s32 $0x9;
	_ =	strace $0x80000048  }
0xb5: {  	_ =	swait.ge [sflag:s29], $0x1  }
0xb6: {  	[sflag:s29] =	ssyncadd.s32 $0xFFFFFFFF  }
0xb7: {  	_ =	strace $0x90000048  }
0xb8: {  	_ =	sfence  }
0xb9: {  	s30 =	sld [smem:$0x0];
	_ =	sdelay $0x2  }
0xba: {  	s31 =	sshll.u32 s1, $0xD;
	s1 =	sshrl.u32 s1, $0x2  }
0xbb: {  	s3 =	sand.u32 $0x4000, s31;
	s1 =	sadd.s32 s1, s30  }
0xbc: {  	s0 =	sor.u32 s3, s0;
	s1 =	sshll.u32 s1, $0x11  }
0xbd: {  	s0 =	sor.u32 s1, s0  }
0xbe: {  	s0 =	sadd.s32 $0x8F2B, s0  }
0xbf: {  	[sflag:s0] =	ssyncadd.remote.s32 $0x1  }
0xc0: {  	_ =	sfence.sel $0xFFFF  }
0xc1: {  	[dreg:$0x0] =	wrdreg $0xFFFFFFFF;
	(pc) =	sbr.abs _section_cstart, $3  }
0xc2: {  	[dreg:$0x1] =	wrdreg $0xFFFFFFFF  }
0xc3: {  	_ =	task.clear_ibuf [dreg:s7], $0x2FFFF;
	_ =	strace $0x9FFFFFFF  }
0xc4: {  	(tm) =	ssettm $0x7FFFFFFF  }
0xc5: {  	_ =	shalt  }
tec
execute0_lowered:
.L_overlay_start_1:
0x0: {  	(tag) =	ssettag $0x1  }
0x1: {  	s5 =	rddreg [dreg:$0x0]  }
0x2: {  	s6 =	rddreg [dreg:$0x1]  }
0x3: {  	s1 =	srdreg.scid;
	s2 =	rddreg [dreg:$0x2]  }
0x4: {  	s0 =	stileid.u32;
	s3 =	rddreg [dreg:$0x3];
	s4 =	simm.s32 $0x0  }
0x5: {  	s13 =	simm.s32 $0x2800;
	s14 =	simm.s32 $0x5080;
	s15 =	simm.s32 $0x80  }
0x6: {  	s16 =	simm.s32 $0x5000;
	s7 =	sand.u32 $0x1, s1;
	s1 =	rddreg [dreg:$0x4]  }
0x7: {  	s20 =	simm.s32 $0x0;
	s8 =	smul.u32 $0x280, s0;
	[smem:$0x7FF] =	sst s4  }
0x8: {  	s17 =	sshll.u32 s0, $0x6;
	s9 =	sshll.u32 s7, $0x4;
	s10 =	smul.u32 $0x2800, s7  }
0x9: {  	_ =	strace $0x80000047;
	s7 =	ssub.s32 $0x2, s7;
	s9 =	sor.u32 s0, s9  }
0xa: {  	s17 =	sor.u32 $0x1C01, s17;
	s31 =	sshrl.u32 s7, $0x1;
	s9 =	smul.u32 $0x500, s9  }
0xb: {  	s10 =	sadd.s32 s8, s10;
	s12 =	ssub.s32 s7, s31;
	s7 =	sadd.s32 s8, s2  }
0xc: {  	s8 =	sadd.s32 s8, s3;
	s10 =	sshrl.u32 s10, $0x3;
	s18 =	sshrl.u32 s7, $0x3  }
0xd: {  	s19 =	sshrl.u32 s8, $0x3;
	s11 =	sadd.s32 s9, s6;
	s10 =	sadd.s32 s10, s6  }
0xe: {  	s5 =	sadd.s32 s5, s9;
	s6 =	sadd.s32 $0x5000, s11;
	s9 =	sadd.s32 $0xFA00, s10  }
0xf: {  	v0 =	vimm.f32 $1.000000000e+00;
	v1 =	vimm.f32 $0.0e+00;
	s10 =	sadd.s32 $0xF000, s10;
	s11 =	smax.u32 s12, $0x1;
	s12 =	simm.s32 $0x1  }
.LBB2_1:
0x10: {  	[tilespmem:$0x5000] =	vst v0  }
0x11: {  	[tilespmem:$0x5010] =	vst v0  }
0x12: {  	[tilespmem:$0x5020] =	vst v0  }
0x13: {  	[tilespmem:$0x5030] =	vst v0  }
0x14: {  	[tilespmem:$0x5040] =	vst v0  }
0x15: {  	[tilespmem:$0x5050] =	vst v0  }
0x16: {  	[tilespmem:$0x5060] =	vst v0  }
0x17: {  	[tilespmem:$0x5070] =	vst v0  }
0x18: {  	[tilespmem:$0x5080] =	vst v1  }
0x19: {  	[tilespmem:$0x5090] =	vst v1  }
0x1a: {  	[tilespmem:$0x50A0] =	vst v1  }
0x1b: {  	[tilespmem:$0x50B0] =	vst v1  }
0x1c: {  	[tilespmem:$0x50C0] =	vst v1  }
0x1d: {  	[tilespmem:$0x50D0] =	vst v1  }
0x1e: {  	[tilespmem:$0x50E0] =	vst v1  }
0x1f: {  	[tilespmem:$0x50F0] =	vst v1  }
0x20: {  	[tilespmem:$0x5100] =	vst v1  }
0x21: {  	[tilespmem:$0x5110] =	vst v1  }
0x22: {  	[tilespmem:$0x5120] =	vst v1  }
0x23: {  	[tilespmem:$0x5130] =	vst v1  }
0x24: {  	[tilespmem:$0x5140] =	vst v1  }
0x25: {  	[tilespmem:$0x5150] =	vst v1  }
0x26: {  	[tilespmem:$0x5160] =	vst v1  }
0x27: {  	[tilespmem:$0x5170] =	vst v1  }
0x28: {  	[tilespmem:$0x5180] =	vst v1  }
0x29: {  	[tilespmem:$0x5190] =	vst v1  }
0x2a: {  	[tilespmem:$0x51A0] =	vst v1  }
0x2b: {  	[tilespmem:$0x51B0] =	vst v1  }
0x2c: {  	[tilespmem:$0x51C0] =	vst v1  }
0x2d: {  	[tilespmem:$0x51D0] =	vst v1  }
0x2e: {  	[tilespmem:$0x51E0] =	vst v1  }
0x2f: {  	[tilespmem:$0x51F0] =	vst v1  }
0x30: {  	[tilespmem:$0x5200] =	vst v1  }
0x31: {  	[tilespmem:$0x5210] =	vst v1  }
0x32: {  	[tilespmem:$0x5220] =	vst v1  }
0x33: {  	[tilespmem:$0x5230] =	vst v1  }
0x34: {  	[tilespmem:$0x5240] =	vst v1  }
0x35: {  	[tilespmem:$0x5250] =	vst v1  }
0x36: {  	[tilespmem:$0x5260] =	vst v1  }
0x37: {  	[tilespmem:$0x5270] =	vst v1  }
0x38: {  	[tilespmem:$0x5280] =	vst v1  }
0x39: {  	[tilespmem:$0x5290] =	vst v1  }
0x3a: {  	[tilespmem:$0x52A0] =	vst v1  }
0x3b: {  	[tilespmem:$0x52B0] =	vst v1  }
0x3c: {  	[tilespmem:$0x52C0] =	vst v1  }
0x3d: {  	[tilespmem:$0x52D0] =	vst v1  }
0x3e: {  	[tilespmem:$0x52E0] =	vst v1  }
0x3f: {  	[tilespmem:$0x52F0] =	vst v1  }
0x40: {  	[tilespmem:s4], [sflag:$0x1] =	stream.linear.gather [hbm4b:s5+s4], $0x2800, $0x38;
	[tilespmem:$0x5800] =	vst v63  }
0x41: {  	_ =	swait.ge [sflag:s12], $0x2800  }
0x42: {  	[sflag:s12] =	ssyncset.done $0x0  }
0x43: {  	[sflag:s12] =	ssyncadd.s32 $0xFFFFD800  }
0x44: {  	[tilespmem:s13], [sflag:$0x1] =	stream.linear.gather [hbm4b:s6+s4], $0x2800, $0x38;
	[tilespmem:$0x5800] =	vst v63  }
0x45: {  	_ =	swait.ge [sflag:s12], $0x2800  }
0x46: {  	[sflag:s12] =	ssyncset.done $0x0  }
0x47: {  	[sflag:s12] =	ssyncadd.s32 $0xFFFFD800  }
0x48: {  	[spmem:s7] =	stream.linear.scatter [tilespmem:s14], [sflag:$0x1], $0x280, $0x38;
	[tilespmem:$0x5800] =	vst v63  }
0x49: {  	_ =	swait.ge [sflag:s12], $0x280  }
0x4a: {  	[sflag:s12] =	ssyncset.done $0x0  }
0x4b: {  	[sflag:s12] =	ssyncadd.s32 $0xFFFFFD80  }
0x4c: {  	[spmem:s8] =	stream.linear.scatter [tilespmem:s14], [sflag:$0x1], $0x280, $0x38;
	[tilespmem:$0x5800] =	vst v63  }
0x4d: {  	_ =	swait.ge [sflag:s12], $0x280  }
0x4e: {  	[sflag:s12] =	ssyncset.done $0x0  }
0x4f: {  	[sflag:s12] =	ssyncadd.s32 $0xFFFFFD80  }
0x50: {  	s21 =	simm.s32 $0x0;
	[bflag:$0x0] =	sbarrier.arrive $0xFFFF  }
0x51: {  	[spmem:s2] =	stream.indirect.scatter.add.f32 [tilespmem:s16], [sflag:$0x1], $0x1, s21, s15, $0xb8;
	[tilespmem:$0x5800] =	vst v63  }
0x52: {  	_ =	swait.ge [sflag:s12], $0x80  }
0x53: {  	[sflag:s12] =	ssyncset.done $0x0  }
0x54: {  	s31 =	simm.s32 $0x2800;
	[sflag:s12] =	ssyncadd.s32 $0xFFFFFF80  }
0x55: {  	[spmem:s3] =	stream.indirect.scatter.add.f32 [tilespmem:s16], [sflag:$0x1], $0x1, s31, s15, $0xb8;
	[tilespmem:$0x5800] =	vst v63  }
0x56: {  	_ =	swait.ge [sflag:s12], $0x80  }
0x57: {  	s22 =	simm.s32 $0x400;
	s21 =	simm.s32 $0x200;
	[sflag:s12] =	ssyncset.done $0x0  }
.LBB2_2:
0x58: {  	s23 =	sshra.s32 s21, $0x2  }
0x59: {  	[sflag:s12] =	ssyncadd.s32 $0xFFFFFF80;
	s21 =	smov.u32 s22;
	s24 =	sadd.s32 $0x200, s22  }
0x5a: {  	[spmem:s2] =	stream.indirect.scatter.add.f32 [tilespmem:s16], [sflag:$0x1], $0x1, s23, s15, $0xb8;
	[tilespmem:$0x5800] =	vst v63  }
0x5b: {  	p0 =	sne.s32 s22, $0x9E00;
	_ =	swait.ge [sflag:s12], $0x80  }
.Ltmp0:
0x5c: {  	[sflag:s12] =	ssyncset.done $0x0;
	(pc) =	sbr.rel @p0 .LBB2_2-.Ltmp0, $4  }
0x5d: {  	s22 =	sadd.s32 $0x2800, s23;
	[sflag:s12] =	ssyncadd.s32 $0xFFFFFF80  }
0x5e: {  	[spmem:s3] =	stream.indirect.scatter.add.f32 [tilespmem:s16], [sflag:$0x1], $0x1, s22, s15, $0xb8;
	[tilespmem:$0x5800] =	vst v63  }
0x5f: {  	_ =	swait.ge [sflag:s12], $0x80  }
0x60: {  	s22 =	smov.u32 s24;
	[sflag:s12] =	ssyncset.done $0x0  }
0x61: {  	s21 =	sshra.s32 s21, $0x2;
	[sflag:s12] =	ssyncadd.s32 $0xFFFFFF80  }
0x62: {  	[spmem:s2] =	stream.indirect.scatter.add.f32 [tilespmem:s16], [sflag:$0x1], $0x1, s21, s15, $0xb8;
	[tilespmem:$0x5800] =	vst v63  }
0x63: {  	_ =	swait.ge [sflag:s12], $0x80  }
0x64: {  	[sflag:s12] =	ssyncset.done $0x0  }
0x65: {  	s21 =	sadd.s32 $0x2800, s21;
	[sflag:s12] =	ssyncadd.s32 $0xFFFFFF80  }
0x66: {  	[spmem:s3] =	stream.indirect.scatter.add.f32 [tilespmem:s16], [sflag:$0x1], $0x1, s21, s15, $0xb8;
	[tilespmem:$0x5800] =	vst v63  }
0x67: {  	_ =	swait.ge [sflag:s12], $0x80  }
0x68: {  	[sflag:s12] =	ssyncset.done $0x0  }
0x69: {  	[sflag:s12] =	ssyncadd.s32 $0xFFFFFF80  }
0x6a: {  	[bflag:$0x0] =	sbarrier.arrive $0xFFFF  }
0x6b: {  	[hbm:s9], [sflag:s17] =	dma.local [spmem:s18], $0x50  }
0x6c: {  	s20 =	sadd.s32 $0x1, s20;
	_ =	swait.ge [sflag:s12], $0x50  }
0x6d: {  	p0 =	sne.s32 s20, s11;
	[sflag:s12] =	ssyncset.done $0x0  }
.Ltmp1:
0x6e: {  	[sflag:s12] =	ssyncadd.s32 $0xFFFFFFB0;
	(pc) =	sbr.rel @p0 .LBB2_1-.Ltmp1, $4  }
0x6f: {  	[hbm:s10], [sflag:s17] =	dma.local [spmem:s19], $0x50  }
0x70: {  	_ =	swait.ge [sflag:s12], $0x50  }
0x71: {  	[sflag:s12] =	ssyncset.done $0x0  }
0x72: {  	[sflag:s12] =	ssyncadd.s32 $0xFFFFFFB0  }
0x73: {  	_ =	sfence.sel $0x180000  }
0x74: {  	[bflag:$0x0] =	sbarrier.arrive $0xFFFF  }
0x75: {  	p0 =	sne.s32 s0, $0x0;
	_ =	strace $0x90000047  }
0x76: {  	s0 =	sadd.s32 @!p0 $0x100000, s1;
	[bflag:$0x2] =	sbarrier.arrive $0xFFFF  }
0x77: {  	[sflag:s0] =	ssyncadd.tile.s32 @!p0 $0x1;
	_ =	shalt  }
.Lfunc_end2:
_tile_overlayer_lowered:
.L_overlay_start_2:
0x78: {  	(tag) =	ssettag $0x2  }
0x79: {  	s0 =	rddreg [dreg:$0x0];
	s2 =	stileid.u32  }
0x7a: {  	s1 =	rddreg [dreg:$0x1];
	p0 =	sne.s32 s2, $0x0  }
0x7b: {  	s3 =	rddreg [dreg:$0x2];
	[bflag:$0x3] =	sbarrier.arrive $0xFFFF;
	s2 =	simm.s32 @!p0 $0x1C01  }
0x7c: {  	[timem:s3], [sflag:s2] =	dma.local @!p0 [hbm:s0], s1  }
0x7d: {  	s0 =	simm.s32 @!p0 $0x1  }
0x7e: {  	_ =	swait.ge @!p0 [sflag:s0], s1  }
0x7f: {  	s1 =	ssub.s32 @!p0 $0x0, s1;
	[sflag:s0] =	ssyncset.done @!p0 $0x0  }
0x80: {  	[sflag:s0] =	ssyncadd.s32 @!p0 s1  }
0x81: {  	[bflag:$0x3] =	sbarrier.arrive $0xFFFF  }
0x82: {  	_ =	shalt  }

// kernel: kernel.13.cloned.1.call-start
scs
__scs_entry_jumppad:
0x0: {  	(pc) =	sbr.rel $0x88, $3  }
0x1: {  	(tag) =	ssettag $0x0;
	lr =	simm.s32 $0x1  }
0x2: {  	[smem:$0x3F98] =	sst lr;
	_ =	strace $0xD0000000  }
0x3: {  	_ = 	snop  }
0x4: {  	_ = 	snop  }
0x5: {  	_ = 	snop  }
0x6: {  	_ = 	snop  }
0x7: {  	_ = 	snop  }
__scs_overlays_trampoline_lowered:
0x8: {  	[smem:$0x3FA7] =	sst s0  }
0x9: {  	[smem:$0x3FA8] =	sst s1  }
0xa: {  	[smem:$0x3FA9] =	sst s2  }
0xb: {  	[smem:$0x3FAA] =	sst s3  }
0xc: {  	[smem:$0x3FAB] =	sst s4  }
0xd: {  	[smem:$0x3FAC] =	sst s5  }
0xe: {  	[smem:$0x3FAD] =	sst s6  }
0xf: {  	[smem:$0x3FAE] =	sst s7  }
0x10: {  	[smem:$0x3FAF] =	sst s8  }
0x11: {  	[smem:$0x3FB0] =	sst s9;
	s0 =	simm.s32 @!p0 $0x0  }
0x12: {  	s1 =	sld [smem:$0x3F96];
	s0 =	simm.s32 @p0 $0x1  }
0x13: {  	[smem:$0x3FB1] =	sst s0;
	s0 =	simm.s32 @!p1 $0x0  }
0x14: {  	s2 =	sld [smem:$0x3F95];
	s0 =	simm.s32 @p1 $0x1  }
0x15: {  	[smem:$0x3FB2] =	sst s0;
	s0 =	simm.s32 @!p2 $0x0  }
0x16: {  	s3 =	sld [smem:$0x3FDB];
	s0 =	simm.s32 @p2 $0x1  }
0x17: {  	s4 =	simm.s32 $0x1BF5;
	[smem:$0x3FB4] =	sst s0  }
0x18: {  	s0 =	sld [smem:$0x3F97];
	_ =	swait.ge [sflag:s4], $0x0  }
0x19: {  	s7 =	sld [smem:$0x3F98]  }
0x1a: {  	s8 =	sadd.s32 $0xFFFFE003, lr  }
0x1b: {  	s9 =	sadd.s32 $0xFFFFFEF7, lr;
	s5 =	simm.s32 $0xFFFFFFFF;
	p2 =	slt.u32 s8, $0xFFFFF086  }
0x1c: {  	p1 =	slt.u32 s9, $0xF7A;
	s5 =	simm.s32 @!p2 $0x0  }
0x1d: {  	s5 =	simm.s32 @p1 $0x1;
	p0 =	seq.s32 s7, s2  }
0x1e: {  	s7 =	smul.u32 @!p0 $0xF7A, s2;
	p2 =	seq.s32 @!p0 s5, $0x0  }
0x1f: {  	s9 =	smul.u32 $0xF7A, s1;
	s8 =	simm.s32 @!p0 $0x1BF5;
	p2 =	por !p2, p0  }
0x20: {  	[sflag:s8] =	ssyncset.s32 @!p0 $0xFFFFF086;
	s6 =	sadd.s32 @!p0 s3, s7;
	s7 =	simm.s32 @!p0 $0x108  }
0x21: {  	s3 =	sadd.s32 s3, s9;
	s6 =	sadd.s32 @!p0 $0x88, s6;
	s7 =	simm.s32 @p2 $0x1082  }
0x22: {  	[simem:s7], [sflag:s8] =	dma.local @!p0 [hbm:s6], $0xF7A  }
0x23: {  	s9 =	sor.u32 $0xD0000000, s2;
	s6 =	simm.s32 $0x108;
	_ =	swait.ge @!p0 [sflag:s8], $0x0  }
0x24: {  	s3 =	sadd.s32 $0x88, s3;
	s6 =	simm.s32 @!p1 $0x1082;
	[sflag:s4] =	ssyncset.s32 $0xFFFFF086  }
0x25: {  	[simem:s6], [sflag:s4] =	dma.local [hbm:s3], $0xF7A  }
0x26: {  	[smem:$0x3F98] =	sst s1;
	(tag) =	ssettag s2;
	_ =	strace s9  }
0x27: {  	s1 =	sld [smem:$0x3FA8]  }
0x28: {  	s2 =	sld [smem:$0x3FA9]  }
0x29: {  	s4 =	sld [smem:$0x3FAB]  }
0x2a: {  	p0 =	seq.s32 s5, $0x0;
	s5 =	sld [smem:$0x3FAC]  }
0x2b: {  	s6 =	sld [smem:$0x3FAD]  }
0x2c: {  	s7 =	sld [smem:$0x3FAE]  }
0x2d: {  	s3 =	simm.s32 $0x108;
	s8 =	sld [smem:$0x3FAF]  }
0x2e: {  	s3 =	simm.s32 @!p0 $0x1082;
	s9 =	sld [smem:$0x3FB0]  }
0x2f: {  	lr =	sadd.s32 s0, s3;
	s0 =	sld [smem:$0x3FA7]  }
0x30: {  	s3 =	sld [smem:$0x3FAA]  }
0x31: {  	[smem:$0x3FB3] =	sst s10  }
0x32: {  	s10 =	sld [smem:$0x3FB1];
	_ =	sdelay $0x3  }
0x33: {  	p0 =	seq.s32 s10, $0x1;
	s10 =	sld [smem:$0x3FB3];
	_ =	sdelay $0x3  }
0x34: {  	[smem:$0x3FB3] =	sst s10  }
0x35: {  	s10 =	sld [smem:$0x3FB2];
	_ =	sdelay $0x3  }
0x36: {  	p1 =	seq.s32 s10, $0x1;
	s10 =	sld [smem:$0x3FB3];
	_ =	sdelay $0x3  }
0x37: {  	[smem:$0x3FB3] =	sst s10  }
0x38: {  	s10 =	sld [smem:$0x3FB4]  }
0x39: {  	_ = 	snop;
	(pc) =	sbr.ind lr, $3  }
0x3a: {  	_ = 	snop  }
0x3b: {  	_ = 	snop  }
0x3c: {  	p2 =	seq.s32 s10, $0x1;
	s10 =	sld [smem:$0x3FB3]  }
0x3d: {  	_ =	shalt  }
0x3e: {  	_ =	shalt  }
0x3f: {  	_ =	shalt  }
0x40: {  	_ =	shalt  }
0x41: {  	_ =	shalt  }
0x42: {  	_ =	shalt  }
0x43: {  	_ =	shalt  }
0x44: {  	_ =	shalt  }
0x45: {  	_ =	shalt  }
0x46: {  	_ =	shalt  }
0x47: {  	_ =	shalt  }
0x48: {  	_ =	shalt  }
0x49: {  	_ =	shalt  }
0x4a: {  	_ =	shalt  }
0x4b: {  	_ =	shalt  }
0x4c: {  	_ =	shalt  }
0x4d: {  	_ =	shalt  }
0x4e: {  	_ =	shalt  }
0x4f: {  	_ =	shalt  }
0x50: {  	_ =	shalt  }
0x51: {  	_ =	shalt  }
0x52: {  	_ =	shalt  }
0x53: {  	_ =	shalt  }
0x54: {  	_ =	shalt  }
0x55: {  	_ =	shalt  }
0x56: {  	_ =	shalt  }
0x57: {  	_ =	shalt  }
0x58: {  	_ =	shalt  }
0x59: {  	_ =	shalt  }
0x5a: {  	_ =	shalt  }
0x5b: {  	_ =	shalt  }
0x5c: {  	_ =	shalt  }
0x5d: {  	_ =	shalt  }
0x5e: {  	_ =	shalt  }
0x5f: {  	_ =	shalt  }
0x60: {  	_ =	shalt  }
0x61: {  	_ =	shalt  }
0x62: {  	_ =	shalt  }
0x63: {  	_ =	shalt  }
0x64: {  	_ =	shalt  }
0x65: {  	_ =	shalt  }
0x66: {  	_ =	shalt  }
0x67: {  	_ =	shalt  }
0x68: {  	_ =	shalt  }
0x69: {  	_ =	shalt  }
0x6a: {  	_ =	shalt  }
0x6b: {  	_ =	shalt  }
0x6c: {  	_ =	shalt  }
0x6d: {  	_ =	shalt  }
0x6e: {  	_ =	shalt  }
0x6f: {  	_ =	shalt  }
0x70: {  	_ =	shalt  }
0x71: {  	_ =	shalt  }
0x72: {  	_ =	shalt  }
0x73: {  	_ =	shalt  }
0x74: {  	_ =	shalt  }
0x75: {  	_ =	shalt  }
0x76: {  	_ =	shalt  }
0x77: {  	_ =	shalt  }
0x78: {  	_ =	shalt  }
0x79: {  	_ =	shalt  }
0x7a: {  	_ =	shalt  }
0x7b: {  	_ =	shalt  }
0x7c: {  	_ =	shalt  }
0x7d: {  	_ =	shalt  }
0x7e: {  	_ =	shalt  }
0x7f: {  	_ =	shalt  }
0x80: {  	_ =	shalt  }
0x81: {  	_ =	shalt  }
0x82: {  	_ =	shalt  }
0x83: {  	_ =	shalt  }
0x84: {  	_ =	shalt  }
0x85: {  	_ =	shalt  }
0x86: {  	_ =	shalt  }
0x87: {  	_ =	shalt  }
.Lfunc_end0:
.L_simem_size_0:
called_computation.1_lowered:
.L_overlay_start_0:
0x88: {  	s2 =	sld [smem:$0x3FD9]  }
0x89: {  	s3 =	sld [smem:$0x3FFE];
	_ =	sdelay $0x1  }
0x8a: {  	s1 =	srdreg.scid  }
0x8b: {  	s0 =	sand.u32 $0x1, s1  }
0x8c: {  	s17 =	sshll.u32 s0, $0xA;
	s2 =	sadd.s32 s3, s2  }
0x8d: {  	s2 =	sadd.s32 s2, s17  }
0x8e: {  	[smem:$0x3FBF] =	sst s2  }
0x8f: {  	_ = 	snop  }
0x90: {  	s2 =	sld [smem:$0x3FD0];
	(tm) =	ssettm $0x1  }
0x91: {  	s18 =	sld [smem:$0x3FFB];
	_ =	sdelay $0x3  }
0x92: {  	_ =	strace s18  }
0x93: {  	s3 =	sld [smem:$0x3FFC];
	_ =	sdelay $0x3  }
0x94: {  	_ =	strace s3  }
0x95: {  	s3 =	sld [smem:$0x3FFD];
	_ =	sdelay $0x3  }
0x96: {  	_ =	strace s3  }
0x97: {  	_ =	strace $0x8FFFFFFF  }
0x98: {  	s19 =	sld [smem:$0x3FDB];
	_ =	sdelay $0x1  }
0x99: {  	s4 =	simm.s32 $_scs_section_size  }
0x9a: {  	s5 =	simm.s32 $_size__tile_overlayer_lowered;
	s6 =	simm.s32 $_tile_overlayer_lowered  }
0x9b: {  	s22 =	simm.s32 $0x1BFF;
	s21 =	sshll.u32 s6, $0x1;
	s3 =	sadd.s32 s4, s19  }
0x9c: {  	s7 =	simm.s32 $0x0;
	s20 =	sshll.u32 s5, $0x1;
	s5 =	sadd.s32 s21, s3  }
0x9d: {  	[timem:s7], [sflag:s22] =	dma.local [hbm:s5], s20  }
0x9e: {  	_ =	swait.ge [sflag:s22], s20  }
0x9f: {  	s4 =	ssub.s32 $0x0, s20;
	[sflag:s22] =	ssyncset.done $0x0  }
0xa0: {  	[sflag:s22] =	ssyncadd.s32 s4;
	_ =	sdelay $0x1  }
0xa1: {  	s23 =	simm.s32 $0x1B8B  }
0xa2: {  	_ =	swait.ge [sflag:s23], $0x1  }
0xa3: {  	[sflag:s23] =	ssyncset.done $0x0  }
0xa4: {  	s25 =	simm.s32 $0x1B8E;
	s24 =	sld [smem:$0x3FFE];
	[sflag:s23] =	ssyncadd.s32 $0xFFFFFFFF  }
0xa5: {  	s26 =	simm.s32 $execute0_lowered;
	[smem:$0x3FD2] =	sst s25  }
0xa6: {  	s5 =	sshll.u32 s26, $0x1;
	_ =	strace $0x80000049;
	[dreg:$0x1] =	wrdreg $0xFFFFFFFF  }
0xa7: {  	s28 =	simm.s32 $_size_execute0_lowered;
	s3 =	sadd.s32 s3, s5;
	[dreg:$0x0] =	wrdreg $0x0  }
0xa8: {  	s5 =	sshll.u32 s28, $0x1;
	[dreg:$0x2] =	wrdreg s3  }
0xa9: {  	[dreg:$0x3] =	wrdreg s5  }
0xaa: {  	[dreg:$0x4] =	wrdreg $0xC0  }
0xab: {  	_ =	task [dreg:s7], $0x5FFFF  }
0xac: {  	[dreg:$0x1] =	wrdreg $0xFFFFFFFF  }
0xad: {  	[dreg:$0x0] =	wrdreg $0x60  }
0xae: {  	[dreg:$0x2] =	wrdreg s2  }
0xaf: {  	[dreg:$0x3] =	wrdreg s24  }
0xb0: {  	[dreg:$0x4] =	wrdreg $0xF2800  }
0xb1: {  	[dreg:$0x5] =	wrdreg $0x9  }
0xb2: {  	_ =	task.clear_ibuf [dreg:s7], $0x6FFFF;
	_ =	strace $0x90000049  }
0xb3: {  	s29 =	simm.s32 $0x9;
	_ =	strace $0x8000004B  }
0xb4: {  	_ =	swait.ge [sflag:s29], $0x1  }
0xb5: {  	[sflag:s29] =	ssyncadd.s32 $0xFFFFFFFF  }
0xb6: {  	_ =	strace $0x9000004B  }
0xb7: {  	_ =	sfence  }
0xb8: {  	s30 =	sld [smem:$0x0];
	_ =	sdelay $0x2  }
0xb9: {  	s31 =	sshll.u32 s1, $0xD;
	s1 =	sshrl.u32 s1, $0x2  }
0xba: {  	s3 =	sand.u32 $0x4000, s31;
	s1 =	sadd.s32 s1, s30  }
0xbb: {  	s0 =	sor.u32 s3, s0;
	s1 =	sshll.u32 s1, $0x11  }
0xbc: {  	s0 =	sor.u32 s1, s0  }
0xbd: {  	s0 =	sadd.s32 $0x8F2B, s0  }
0xbe: {  	[sflag:s0] =	ssyncadd.remote.s32 $0x1  }
0xbf: {  	_ =	sfence.sel $0xFFFF  }
0xc0: {  	[dreg:$0x0] =	wrdreg $0xFFFFFFFF;
	(pc) =	sbr.abs _section_cstart, $3  }
0xc1: {  	[dreg:$0x1] =	wrdreg $0xFFFFFFFF  }
0xc2: {  	_ =	task.clear_ibuf [dreg:s7], $0x2FFFF;
	_ =	strace $0x9FFFFFFF  }
0xc3: {  	(tm) =	ssettm $0x7FFFFFFF  }
tec
execute0_lowered:
.L_overlay_start_1:
0x0: {  	(tag) =	ssettag $0x1  }
0x1: {  	s6 =	rddreg [dreg:$0x0]  }
0x2: {  	s5 =	rddreg [dreg:$0x1]  }
0x3: {  	s2 =	rddreg [dreg:$0x2];
	s3 =	srdreg.scid  }
0x4: {  	s1 =	stileid.u32;
	s0 =	rddreg [dreg:$0x3];
	s14 =	simm.s32 $0x2800  }
0x5: {  	s15 =	simm.s32 $0x5000;
	s16 =	simm.s32 $0x7800;
	s17 =	simm.s32 $0xA000  }
0x6: {  	s18 =	simm.s32 $0xF000;
	s19 =	simm.s32 $0x80;
	s20 =	simm.s32 $0xC800  }
0x7: {  	s23 =	simm.s32 $0x0;
	s7 =	sand.u32 $0x1, s3;
	s9 =	smul.u32 $0x280, s1  }
0x8: {  	s3 =	simm.s32 $0x0;
	s21 =	sshll.u32 s1, $0x6;
	s4 =	sshll.u32 s7, $0x4  }
0x9: {  	s8 =	smul.u32 $0x2800, s7;
	[smem:$0x7FF] =	sst s3;
	s7 =	ssub.s32 $0x2, s7  }
0xa: {  	s21 =	sor.u32 $0x1C01, s21;
	s4 =	sor.u32 s1, s4;
	_ =	strace $0x8000004A  }
0xb: {  	s31 =	sshrl.u32 s7, $0x1;
	s10 =	smul.u32 $0x500, s4;
	s8 =	sadd.s32 s9, s8  }
0xc: {  	s4 =	sadd.s32 $0xF000, s5;
	s13 =	ssub.s32 s7, s31;
	s9 =	sadd.s32 s9, s2  }
0xd: {  	s8 =	sshrl.u32 s8, $0x3;
	s22 =	sshrl.u32 s9, $0x3;
	s11 =	sadd.s32 s10, s5  }
0xe: {  	s12 =	sadd.s32 s8, s5;
	s5 =	sadd.s32 $0xF500, s5;
	s6 =	sadd.s32 s6, s10  }
0xf: {  	s7 =	sadd.s32 $0x5000, s11;
	s8 =	sadd.s32 $0x10400, s11;
	s10 =	sadd.s32 $0x1A400, s11  }
0x10: {  	v0 =	vimm.f32 $0.0e+00;
	s11 =	sadd.s32 $0xFA00, s12;
	s12 =	smax.u32 s13, $0x1;
	s13 =	simm.s32 $0x1  }
.LBB2_1:
0x11: {  	[tilespmem:s3], [sflag:$0x1] =	stream.linear.gather [hbm4b:s4+s3], $0x2800, $0x38;
	[tilespmem:$0xF500] =	vst v63  }
0x12: {  	_ =	swait.ge [sflag:s13], $0x2800  }
0x13: {  	[sflag:s13] =	ssyncset.done $0x0  }
0x14: {  	[sflag:s13] =	ssyncadd.s32 $0xFFFFD800  }
0x15: {  	[tilespmem:s14], [sflag:$0x1] =	stream.linear.gather [hbm4b:s5+s3], $0x2800, $0x38;
	[tilespmem:$0xF500] =	vst v63  }
0x16: {  	_ =	swait.ge [sflag:s13], $0x2800  }
0x17: {  	[sflag:s13] =	ssyncset.done $0x0  }
0x18: {  	[sflag:s13] =	ssyncadd.s32 $0xFFFFD800  }
0x19: {  	[tilespmem:s15], [sflag:$0x1] =	stream.linear.gather [hbm4b:s6+s3], $0x2800, $0x38;
	[tilespmem:$0xF500] =	vst v63  }
0x1a: {  	_ =	swait.ge [sflag:s13], $0x2800  }
0x1b: {  	[sflag:s13] =	ssyncset.done $0x0  }
0x1c: {  	[sflag:s13] =	ssyncadd.s32 $0xFFFFD800  }
0x1d: {  	[tilespmem:s16], [sflag:$0x1] =	stream.linear.gather [hbm4b:s7+s3], $0x2800, $0x38;
	[tilespmem:$0xF500] =	vst v63  }
0x1e: {  	_ =	swait.ge [sflag:s13], $0x2800  }
0x1f: {  	[sflag:s13] =	ssyncset.done $0x0  }
0x20: {  	[sflag:s13] =	ssyncadd.s32 $0xFFFFD800  }
0x21: {  	[tilespmem:s17], [sflag:$0x1] =	stream.linear.gather [hbm4b:s8+s3], $0x2800, $0x38;
	[tilespmem:$0xF500] =	vst v63  }
0x22: {  	_ =	swait.ge [sflag:s13], $0x2800  }
0x23: {  	[sflag:s13] =	ssyncset.done $0x0  }
0x24: {  	[sflag:s13] =	ssyncadd.s32 $0xFFFFD800  }
0x25: {  	[tilespmem:$0xF000] =	vst v0  }
0x26: {  	[tilespmem:$0xF010] =	vst v0  }
0x27: {  	[tilespmem:$0xF020] =	vst v0  }
0x28: {  	[tilespmem:$0xF030] =	vst v0  }
0x29: {  	[tilespmem:$0xF040] =	vst v0  }
0x2a: {  	[tilespmem:$0xF050] =	vst v0  }
0x2b: {  	[tilespmem:$0xF060] =	vst v0  }
0x2c: {  	[tilespmem:$0xF070] =	vst v0  }
0x2d: {  	[tilespmem:$0xF080] =	vst v0  }
0x2e: {  	[tilespmem:$0xF090] =	vst v0  }
0x2f: {  	[tilespmem:$0xF0A0] =	vst v0  }
0x30: {  	[tilespmem:$0xF0B0] =	vst v0  }
0x31: {  	[tilespmem:$0xF0C0] =	vst v0  }
0x32: {  	[tilespmem:$0xF0D0] =	vst v0  }
0x33: {  	[tilespmem:$0xF0E0] =	vst v0  }
0x34: {  	[tilespmem:$0xF0F0] =	vst v0  }
0x35: {  	[tilespmem:$0xF100] =	vst v0  }
0x36: {  	[tilespmem:$0xF110] =	vst v0  }
0x37: {  	[tilespmem:$0xF120] =	vst v0  }
0x38: {  	[tilespmem:$0xF130] =	vst v0  }
0x39: {  	[tilespmem:$0xF140] =	vst v0  }
0x3a: {  	[tilespmem:$0xF150] =	vst v0  }
0x3b: {  	[tilespmem:$0xF160] =	vst v0  }
0x3c: {  	[tilespmem:$0xF170] =	vst v0  }
0x3d: {  	[tilespmem:$0xF180] =	vst v0  }
0x3e: {  	[tilespmem:$0xF190] =	vst v0  }
0x3f: {  	[tilespmem:$0xF1A0] =	vst v0  }
0x40: {  	[tilespmem:$0xF1B0] =	vst v0  }
0x41: {  	[tilespmem:$0xF1C0] =	vst v0  }
0x42: {  	[tilespmem:$0xF1D0] =	vst v0  }
0x43: {  	[tilespmem:$0xF1E0] =	vst v0  }
0x44: {  	[tilespmem:$0xF1F0] =	vst v0  }
0x45: {  	[tilespmem:$0xF200] =	vst v0  }
0x46: {  	[tilespmem:$0xF210] =	vst v0  }
0x47: {  	[tilespmem:$0xF220] =	vst v0  }
0x48: {  	[tilespmem:$0xF230] =	vst v0  }
0x49: {  	[tilespmem:$0xF240] =	vst v0  }
0x4a: {  	[tilespmem:$0xF250] =	vst v0  }
0x4b: {  	[tilespmem:$0xF260] =	vst v0  }
0x4c: {  	[tilespmem:$0xF270] =	vst v0  }
0x4d: {  	[spmem:s9] =	stream.linear.scatter [tilespmem:s18], [sflag:$0x1], $0x280, $0x38;
	[tilespmem:$0xF500] =	vst v63  }
0x4e: {  	_ =	swait.ge [sflag:s13], $0x280  }
0x4f: {  	[sflag:s13] =	ssyncset.done $0x0  }
0x50: {  	[sflag:s13] =	ssyncadd.s32 $0xFFFFFD80  }
0x51: {  	s24 =	simm.s32 $0x0;
	[bflag:$0x0] =	sbarrier.arrive $0xFFFF  }
0x52: {  	v1 =	vld [tilespmem:s24+$0x5000]  }
0x53: {  	v2 =	vld [tilespmem:s24+$0x7800];
	_ =	sdelay $0x6  }
0x54: {  	v1 =	vld.idx.msk [tilespmem:v1+s3+$0x0], $0xffff  }
0x55: {  	v2 =	vld.idx.msk [tilespmem:v2+s14+$0x0], $0xffff;
	_ =	sdelay $0x1  }
0x56: {  	v3 =	vld [tilespmem:s24+$0xA000];
	_ =	sdelay $0x2  }
0x57: {  	v1 =	vadd.f32 v2, v1;
	_ =	sdelay $0x1  }
0x58: {  	v1 =	vadd.f32 v3, v1;
	_ =	sdelay $0x1  }
0x59: {  	v2 =	vmul.f32 $9.999999770e-03, v1  }
0x5a: {  	vm0 =	vge.f32 v1, $0.0e+00  }
0x5b: {  	v1 =	vsel vm0, v1, v2  }
0x5c: {  	v1 =	vmul.f32 $1.442695020e+00, v1;
	_ =	sdelay $0x1  }
0x5d: {  	(erf) = vpow2.f32 v1;
	_ =	sdelay $0x2  }
0x5e: {  	v1 =	vld [tilespmem:s24+$0x5010]  }
0x5f: {  	v2 =	vld [tilespmem:s24+$0x7810];
	_ =	sdelay $0x4  }
0x60: {  	v3 =	vpop (erf)  }
0x61: {  	[tilespmem:s24+$0xC800] =	vst v3  }
0x62: {  	v1 =	vld.idx.msk [tilespmem:v1+s3+$0x0], $0xffff  }
0x63: {  	v2 =	vld.idx.msk [tilespmem:v2+s14+$0x0], $0xffff;
	_ =	sdelay $0x1  }
0x64: {  	v3 =	vld [tilespmem:s24+$0xA010];
	_ =	sdelay $0x2  }
0x65: {  	v1 =	vadd.f32 v2, v1;
	_ =	sdelay $0x1  }
0x66: {  	v1 =	vadd.f32 v3, v1;
	_ =	sdelay $0x1  }
0x67: {  	v2 =	vmul.f32 $9.999999770e-03, v1  }
0x68: {  	vm9 =	vge.f32 v1, $0.0e+00  }
0x69: {  	v1 =	vsel vm9, v1, v2  }
0x6a: {  	v1 =	vmul.f32 $1.442695020e+00, v1;
	_ =	sdelay $0x1  }
0x6b: {  	(erf) = vpow2.f32 v1;
	_ =	sdelay $0x2  }
0x6c: {  	v1 =	vld [tilespmem:s24+$0x5020]  }
0x6d: {  	v2 =	vld [tilespmem:s24+$0x7820];
	_ =	sdelay $0x4  }
0x6e: {  	v3 =	vpop (erf)  }
0x6f: {  	[tilespmem:s24+$0xC810] =	vst v3  }
0x70: {  	v1 =	vld.idx.msk [tilespmem:v1+s3+$0x0], $0xffff  }
0x71: {  	v2 =	vld.idx.msk [tilespmem:v2+s14+$0x0], $0xffff;
	_ =	sdelay $0x1  }
0x72: {  	v3 =	vld [tilespmem:s24+$0xA020];
	_ =	sdelay $0x2  }
0x73: {  	v1 =	vadd.f32 v2, v1;
	_ =	sdelay $0x1  }
0x74: {  	v1 =	vadd.f32 v3, v1;
	_ =	sdelay $0x1  }
0x75: {  	v2 =	vmul.f32 $9.999999770e-03, v1  }
0x76: {  	vm10 =	vge.f32 v1, $0.0e+00  }
0x77: {  	v1 =	vsel vm10, v1, v2  }
0x78: {  	v1 =	vmul.f32 $1.442695020e+00, v1;
	_ =	sdelay $0x1  }
0x79: {  	(erf) = vpow2.f32 v1;
	_ =	sdelay $0x2  }
0x7a: {  	v1 =	vld [tilespmem:s24+$0x5030]  }
0x7b: {  	v2 =	vld [tilespmem:s24+$0x7830];
	_ =	sdelay $0x4  }
0x7c: {  	v3 =	vpop (erf)  }
0x7d: {  	[tilespmem:s24+$0xC820] =	vst v3  }
0x7e: {  	v1 =	vld.idx.msk [tilespmem:v1+s3+$0x0], $0xffff  }
0x7f: {  	v2 =	vld.idx.msk [tilespmem:v2+s14+$0x0], $0xffff;
	_ =	sdelay $0x1  }
0x80: {  	v3 =	vld [tilespmem:s24+$0xA030];
	_ =	sdelay $0x2  }
0x81: {  	v1 =	vadd.f32 v2, v1;
	_ =	sdelay $0x1  }
0x82: {  	v1 =	vadd.f32 v3, v1;
	_ =	sdelay $0x1  }
0x83: {  	v2 =	vmul.f32 $9.999999770e-03, v1  }
0x84: {  	vm11 =	vge.f32 v1, $0.0e+00  }
0x85: {  	v1 =	vsel vm11, v1, v2  }
0x86: {  	v1 =	vmul.f32 $1.442695020e+00, v1;
	_ =	sdelay $0x1  }
0x87: {  	(erf) = vpow2.f32 v1;
	_ =	sdelay $0x2  }
0x88: {  	v1 =	vld [tilespmem:s24+$0x5040]  }
0x89: {  	v2 =	vld [tilespmem:s24+$0x7840];
	_ =	sdelay $0x4  }
0x8a: {  	v3 =	vpop (erf)  }
0x8b: {  	[tilespmem:s24+$0xC830] =	vst v3  }
0x8c: {  	v1 =	vld.idx.msk [tilespmem:v1+s3+$0x0], $0xffff  }
0x8d: {  	v2 =	vld.idx.msk [tilespmem:v2+s14+$0x0], $0xffff;
	_ =	sdelay $0x1  }
0x8e: {  	v3 =	vld [tilespmem:s24+$0xA040];
	_ =	sdelay $0x2  }
0x8f: {  	v1 =	vadd.f32 v2, v1;
	_ =	sdelay $0x1  }
0x90: {  	v1 =	vadd.f32 v3, v1;
	_ =	sdelay $0x1  }
0x91: {  	v2 =	vmul.f32 $9.999999770e-03, v1  }
0x92: {  	vm12 =	vge.f32 v1, $0.0e+00  }
0x93: {  	v1 =	vsel vm12, v1, v2  }
0x94: {  	v1 =	vmul.f32 $1.442695020e+00, v1;
	_ =	sdelay $0x1  }
0x95: {  	(erf) = vpow2.f32 v1;
	_ =	sdelay $0x2  }
0x96: {  	v1 =	vld [tilespmem:s24+$0x5050]  }
0x97: {  	v2 =	vld [tilespmem:s24+$0x7850];
	_ =	sdelay $0x4  }
0x98: {  	v4 =	vpop (erf)  }
0x99: {  	[tilespmem:s24+$0xC840] =	vst v4  }
0x9a: {  	v1 =	vld.idx.msk [tilespmem:v1+s3+$0x0], $0xffff  }
0x9b: {  	v2 =	vld.idx.msk [tilespmem:v2+s14+$0x0], $0xffff;
	_ =	sdelay $0x1  }
0x9c: {  	v3 =	vld [tilespmem:s24+$0xA050];
	_ =	sdelay $0x2  }
0x9d: {  	v1 =	vadd.f32 v2, v1;
	_ =	sdelay $0x1  }
0x9e: {  	v1 =	vadd.f32 v3, v1;
	_ =	sdelay $0x1  }
0x9f: {  	v2 =	vmul.f32 $9.999999770e-03, v1  }
0xa0: {  	vm13 =	vge.f32 v1, $0.0e+00  }
0xa1: {  	v1 =	vsel vm13, v1, v2  }
0xa2: {  	v1 =	vmul.f32 $1.442695020e+00, v1;
	_ =	sdelay $0x1  }
0xa3: {  	(erf) = vpow2.f32 v1;
	_ =	sdelay $0x2  }
0xa4: {  	v1 =	vld [tilespmem:s24+$0x5060]  }
0xa5: {  	v2 =	vld [tilespmem:s24+$0x7860];
	_ =	sdelay $0x4  }
0xa6: {  	v62 =	vpop (erf)  }
0xa7: {  	[tilespmem:s24+$0xC850] =	vst v62  }
0xa8: {  	v1 =	vld.idx.msk [tilespmem:v1+s3+$0x0], $0xffff  }
0xa9: {  	v2 =	vld.idx.msk [tilespmem:v2+s14+$0x0], $0xffff;
	_ =	sdelay $0x1  }
0xaa: {  	v3 =	vld [tilespmem:s24+$0xA060];
	_ =	sdelay $0x2  }
0xab: {  	v1 =	vadd.f32 v2, v1;
	_ =	sdelay $0x1  }
0xac: {  	v1 =	vadd.f32 v3, v1;
	_ =	sdelay $0x1  }
0xad: {  	v2 =	vmul.f32 $9.999999770e-03, v1  }
0xae: {  	vm14 =	vge.f32 v1, $0.0e+00  }
0xaf: {  	v1 =	vsel vm14, v1, v2  }
0xb0: {  	v1 =	vmul.f32 $1.442695020e+00, v1;
	_ =	sdelay $0x1  }
0xb1: {  	(erf) = vpow2.f32 v1;
	_ =	sdelay $0x2  }
0xb2: {  	v1 =	vld [tilespmem:s24+$0x5070]  }
0xb3: {  	v2 =	vld [tilespmem:s24+$0x7870];
	_ =	sdelay $0x4  }
0xb4: {  	v63 =	vpop (erf)  }
0xb5: {  	[tilespmem:s24+$0xC860] =	vst v63  }
0xb6: {  	v1 =	vld.idx.msk [tilespmem:v1+s3+$0x0], $0xffff  }
0xb7: {  	v2 =	vld.idx.msk [tilespmem:v2+s14+$0x0], $0xffff;
	_ =	sdelay $0x1  }
0xb8: {  	v3 =	vld [tilespmem:s24+$0xA070];
	_ =	sdelay $0x2  }
0xb9: {  	v1 =	vadd.f32 v2, v1;
	_ =	sdelay $0x1  }
0xba: {  	v1 =	vadd.f32 v3, v1;
	_ =	sdelay $0x1  }
0xbb: {  	v2 =	vmul.f32 $9.999999770e-03, v1  }
0xbc: {  	vm15 =	vge.f32 v1, $0.0e+00  }
0xbd: {  	v1 =	vsel vm15, v1, v2  }
0xbe: {  	v1 =	vmul.f32 $1.442695020e+00, v1;
	_ =	sdelay $0x1  }
0xbf: {  	s26 =	simm.s32 $0x200;
	s28 =	simm.s32 $0x400;
	(erf) = vpow2.f32 v1  }
.LBB2_2:
0xc0: {  	p0 =	sne.s32 s28, $0x9E00  }
0xc1: {  	s29 =	sshra.s32 s26, $0x2;
	s26 =	smov.u32 s28;
	s28 =	sadd.s32 $0x200, s28  }
0xc2: {  	v1 =	vld [tilespmem:s29+$0x5000]  }
0xc3: {  	v2 =	vld [tilespmem:s29+$0x7800];
	_ =	sdelay $0x4  }
0xc4: {  	v3 =	vpop (erf)  }
0xc5: {  	s25 =	simm.s32 $0x0;
	[tilespmem:s24+$0xC870] =	vst v3;
	s24 =	smov.u32 s29  }
0xc6: {  	v1 =	vld.idx.msk [tilespmem:v1+s25+$0x0], $0xffff  }
0xc7: {  	v2 =	vld.idx.msk [tilespmem:v2+s14+$0x0], $0xffff;
	_ =	sdelay $0x1  }
0xc8: {  	v3 =	vld [tilespmem:s24+$0xA000];
	_ =	sdelay $0x3  }
0xc9: {  	v1 =	vadd.f32 v2, v1;
	_ =	sdelay $0x1  }
0xca: {  	v1 =	vadd.f32 v3, v1;
	_ =	sdelay $0x1  }
0xcb: {  	vm0 =	vge.f32 v1, $0.0e+00;
	v2 =	vmul.f32 $9.999999770e-03, v1;
	_ =	sdelay $0x1  }
0xcc: {  	v1 =	vsel vm0, v1, v2  }
0xcd: {  	v1 =	vmul.f32 $1.442695020e+00, v1;
	_ =	sdelay $0x1  }
0xce: {  	(erf) = vpow2.f32 v1;
	_ =	sdelay $0x1  }
0xcf: {  	v1 =	vld [tilespmem:s24+$0x7810]  }
0xd0: {  	v2 =	vld [tilespmem:s24+$0x5010];
	_ =	sdelay $0x5  }
0xd1: {  	v3 =	vpop (erf)  }
0xd2: {  	[tilespmem:s24+$0xC800] =	vst v3  }
0xd3: {  	v2 =	vld.idx.msk [tilespmem:v2+s25+$0x0], $0xffff  }
0xd4: {  	v1 =	vld.idx.msk [tilespmem:v1+s14+$0x0], $0xffff  }
0xd5: {  	v3 =	vld [tilespmem:s24+$0xA010];
	_ =	sdelay $0x4  }
0xd6: {  	v1 =	vadd.f32 v1, v2;
	_ =	sdelay $0x1  }
0xd7: {  	v1 =	vadd.f32 v3, v1;
	_ =	sdelay $0x1  }
0xd8: {  	vm0 =	vge.f32 v1, $0.0e+00;
	v2 =	vmul.f32 $9.999999770e-03, v1;
	_ =	sdelay $0x1  }
0xd9: {  	v1 =	vsel vm0, v1, v2  }
0xda: {  	v1 =	vmul.f32 $1.442695020e+00, v1;
	_ =	sdelay $0x1  }
0xdb: {  	(erf) = vpow2.f32 v1;
	_ =	sdelay $0x1  }
0xdc: {  	v1 =	vld [tilespmem:s24+$0x7820]  }
0xdd: {  	v2 =	vld [tilespmem:s24+$0x5020];
	_ =	sdelay $0x5  }
0xde: {  	v3 =	vpop (erf)  }
0xdf: {  	[tilespmem:s24+$0xC810] =	vst v3;
	v3 =	vld [tilespmem:s24+$0xA020]  }
0xe0: {  	v2 =	vld.idx.msk [tilespmem:v2+s25+$0x0], $0xffff  }
0xe1: {  	v1 =	vld.idx.msk [tilespmem:v1+s14+$0x0], $0xffff;
	_ =	sdelay $0x5  }
0xe2: {  	v1 =	vadd.f32 v1, v2;
	_ =	sdelay $0x1  }
0xe3: {  	v1 =	vadd.f32 v3, v1;
	_ =	sdelay $0x1  }
0xe4: {  	vm0 =	vge.f32 v1, $0.0e+00;
	v2 =	vmul.f32 $9.999999770e-03, v1;
	_ =	sdelay $0x1  }
0xe5: {  	v1 =	vsel vm0, v1, v2  }
0xe6: {  	v1 =	vmul.f32 $1.442695020e+00, v1;
	_ =	sdelay $0x1  }
0xe7: {  	(erf) = vpow2.f32 v1;
	_ =	sdelay $0x1  }
0xe8: {  	v1 =	vld [tilespmem:s24+$0x7830]  }
0xe9: {  	v2 =	vld [tilespmem:s24+$0x5030];
	_ =	sdelay $0x5  }
0xea: {  	v3 =	vpop (erf)  }
0xeb: {  	[tilespmem:s24+$0xC820] =	vst v3;
	v3 =	vld [tilespmem:s24+$0xA030]  }
0xec: {  	v2 =	vld.idx.msk [tilespmem:v2+s25+$0x0], $0xffff  }
0xed: {  	v1 =	vld.idx.msk [tilespmem:v1+s14+$0x0], $0xffff;
	_ =	sdelay $0x5  }
0xee: {  	v1 =	vadd.f32 v1, v2;
	_ =	sdelay $0x1  }
0xef: {  	v1 =	vadd.f32 v3, v1;
	_ =	sdelay $0x1  }
0xf0: {  	vm0 =	vge.f32 v1, $0.0e+00;
	v2 =	vmul.f32 $9.999999770e-03, v1;
	_ =	sdelay $0x1  }
0xf1: {  	v1 =	vsel vm0, v1, v2  }
0xf2: {  	v1 =	vmul.f32 $1.442695020e+00, v1;
	_ =	sdelay $0x1  }
0xf3: {  	(erf) = vpow2.f32 v1;
	_ =	sdelay $0x1  }
0xf4: {  	v1 =	vld [tilespmem:s24+$0x7840]  }
0xf5: {  	v2 =	vld [tilespmem:s24+$0x5040];
	_ =	sdelay $0x5  }
0xf6: {  	v3 =	vpop (erf)  }
0xf7: {  	[tilespmem:s24+$0xC830] =	vst v3;
	v3 =	vld [tilespmem:s24+$0xA040]  }
0xf8: {  	v2 =	vld.idx.msk [tilespmem:v2+s25+$0x0], $0xffff  }
0xf9: {  	v1 =	vld.idx.msk [tilespmem:v1+s14+$0x0], $0xffff;
	_ =	sdelay $0x5  }
0xfa: {  	v1 =	vadd.f32 v1, v2;
	_ =	sdelay $0x1  }
0xfb: {  	v1 =	vadd.f32 v3, v1;
	_ =	sdelay $0x1  }
0xfc: {  	vm0 =	vge.f32 v1, $0.0e+00;
	v2 =	vmul.f32 $9.999999770e-03, v1;
	_ =	sdelay $0x1  }
0xfd: {  	v1 =	vsel vm0, v1, v2  }
0xfe: {  	v1 =	vmul.f32 $1.442695020e+00, v1;
	_ =	sdelay $0x1  }
0xff: {  	(erf) = vpow2.f32 v1;
	_ =	sdelay $0x1  }
0x100: {  	v1 =	vld [tilespmem:s24+$0x7850]  }
0x101: {  	v2 =	vld [tilespmem:s24+$0x5050];
	_ =	sdelay $0x5  }
0x102: {  	v3 =	vld [tilespmem:s24+$0xA050];
	v4 =	vpop (erf)  }
0x103: {  	[tilespmem:s24+$0xC840] =	vst v4  }
0x104: {  	v2 =	vld.idx.msk [tilespmem:v2+s25+$0x0], $0xffff  }
0x105: {  	v1 =	vld.idx.msk [tilespmem:v1+s14+$0x0], $0xffff;
	_ =	sdelay $0x5  }
0x106: {  	v1 =	vadd.f32 v1, v2;
	_ =	sdelay $0x1  }
0x107: {  	v1 =	vadd.f32 v3, v1;
	_ =	sdelay $0x1  }
0x108: {  	vm0 =	vge.f32 v1, $0.0e+00;
	v2 =	vmul.f32 $9.999999770e-03, v1;
	_ =	sdelay $0x1  }
0x109: {  	v1 =	vsel vm0, v1, v2  }
0x10a: {  	v1 =	vmul.f32 $1.442695020e+00, v1;
	_ =	sdelay $0x1  }
0x10b: {  	(erf) = vpow2.f32 v1;
	_ =	sdelay $0x1  }
0x10c: {  	v1 =	vld [tilespmem:s24+$0x7860]  }
0x10d: {  	v2 =	vld [tilespmem:s24+$0x5060];
	_ =	sdelay $0x4  }
0x10e: {  	v3 =	vld [tilespmem:s24+$0xA060]  }
0x10f: {  	v4 =	vpop (erf)  }
0x110: {  	[tilespmem:s24+$0xC850] =	vst v4  }
0x111: {  	v2 =	vld.idx.msk [tilespmem:v2+s25+$0x0], $0xffff  }
0x112: {  	v1 =	vld.idx.msk [tilespmem:v1+s14+$0x0], $0xffff;
	_ =	sdelay $0x5  }
0x113: {  	v1 =	vadd.f32 v1, v2;
	_ =	sdelay $0x1  }
0x114: {  	v1 =	vadd.f32 v3, v1;
	_ =	sdelay $0x1  }
0x115: {  	vm0 =	vge.f32 v1, $0.0e+00;
	v2 =	vmul.f32 $9.999999770e-03, v1;
	_ =	sdelay $0x1  }
0x116: {  	v1 =	vsel vm0, v1, v2  }
0x117: {  	v1 =	vmul.f32 $1.442695020e+00, v1;
	_ =	sdelay $0x1  }
0x118: {  	(erf) = vpow2.f32 v1;
	_ =	sdelay $0x1  }
0x119: {  	v1 =	vld [tilespmem:s24+$0x7870]  }
0x11a: {  	v2 =	vld [tilespmem:s24+$0x5070];
	_ =	sdelay $0x3  }
0x11b: {  	v3 =	vld [tilespmem:s24+$0xA070];
	_ =	sdelay $0x1  }
0x11c: {  	v4 =	vpop (erf)  }
0x11d: {  	[tilespmem:s24+$0xC860] =	vst v4  }
0x11e: {  	v2 =	vld.idx.msk [tilespmem:v2+s25+$0x0], $0xffff  }
0x11f: {  	v1 =	vld.idx.msk [tilespmem:v1+s14+$0x0], $0xffff;
	_ =	sdelay $0x5  }
0x120: {  	v1 =	vadd.f32 v1, v2;
	_ =	sdelay $0x1  }
0x121: {  	v1 =	vadd.f32 v3, v1;
	_ =	sdelay $0x1  }
0x122: {  	vm0 =	vge.f32 v1, $0.0e+00;
	v2 =	vmul.f32 $9.999999770e-03, v1  }
.Ltmp0:
0x123: {  	(pc) =	sbr.rel @p0 .LBB2_2-.Ltmp0, $3  }
0x124: {  	v1 =	vsel vm0, v1, v2  }
0x125: {  	v1 =	vmul.f32 $1.442695020e+00, v1;
	_ =	sdelay $0x1  }
0x126: {  	(erf) = vpow2.f32 v1  }
0x127: {  	_ = 	snop  }
0x128: {  	s26 =	sshra.s32 s26, $0x2  }
0x129: {  	v1 =	vld [tilespmem:s26+$0x5000]  }
0x12a: {  	v2 =	vld [tilespmem:s26+$0x7800];
	_ =	sdelay $0x4  }
0x12b: {  	v3 =	vpop (erf)  }
0x12c: {  	[tilespmem:s24+$0xC870] =	vst v3  }
0x12d: {  	v1 =	vld.idx.msk [tilespmem:v1+s25+$0x0], $0xffff  }
0x12e: {  	v2 =	vld.idx.msk [tilespmem:v2+s14+$0x0], $0xffff;
	_ =	sdelay $0x1  }
0x12f: {  	v3 =	vld [tilespmem:s26+$0xA000];
	_ =	sdelay $0x2  }
0x130: {  	v1 =	vadd.f32 v2, v1;
	_ =	sdelay $0x1  }
0x131: {  	v1 =	vadd.f32 v3, v1;
	_ =	sdelay $0x1  }
0x132: {  	v2 =	vmul.f32 $9.999999770e-03, v1  }
0x133: {  	vm0 =	vge.f32 v1, $0.0e+00  }
0x134: {  	v1 =	vsel vm0, v1, v2  }
0x135: {  	v1 =	vmul.f32 $1.442695020e+00, v1;
	_ =	sdelay $0x1  }
0x136: {  	(erf) = vpow2.f32 v1;
	_ =	sdelay $0x2  }
0x137: {  	v1 =	vld [tilespmem:s26+$0x5010]  }
0x138: {  	v2 =	vld [tilespmem:s26+$0x7810];
	_ =	sdelay $0x4  }
0x139: {  	v3 =	vpop (erf)  }
0x13a: {  	[tilespmem:s26+$0xC800] =	vst v3  }
0x13b: {  	v1 =	vld.idx.msk [tilespmem:v1+s25+$0x0], $0xffff  }
0x13c: {  	v2 =	vld.idx.msk [tilespmem:v2+s14+$0x0], $0xffff;
	_ =	sdelay $0x1  }
0x13d: {  	v3 =	vld [tilespmem:s26+$0xA010];
	_ =	sdelay $0x2  }
0x13e: {  	v1 =	vadd.f32 v2, v1;
	_ =	sdelay $0x1  }
0x13f: {  	v1 =	vadd.f32 v3, v1;
	_ =	sdelay $0x1  }
0x140: {  	v2 =	vmul.f32 $9.999999770e-03, v1  }
0x141: {  	vm9 =	vge.f32 v1, $0.0e+00  }
0x142: {  	v1 =	vsel vm9, v1, v2  }
0x143: {  	v1 =	vmul.f32 $1.442695020e+00, v1;
	_ =	sdelay $0x1  }
0x144: {  	(erf) = vpow2.f32 v1;
	_ =	sdelay $0x2  }
0x145: {  	v1 =	vld [tilespmem:s26+$0x5020]  }
0x146: {  	v2 =	vld [tilespmem:s26+$0x7820];
	_ =	sdelay $0x4  }
0x147: {  	v3 =	vpop (erf)  }
0x148: {  	[tilespmem:s26+$0xC810] =	vst v3  }
0x149: {  	v1 =	vld.idx.msk [tilespmem:v1+s25+$0x0], $0xffff  }
0x14a: {  	v2 =	vld.idx.msk [tilespmem:v2+s14+$0x0], $0xffff;
	_ =	sdelay $0x1  }
0x14b: {  	v3 =	vld [tilespmem:s26+$0xA020];
	_ =	sdelay $0x2  }
0x14c: {  	v1 =	vadd.f32 v2, v1;
	_ =	sdelay $0x1  }
0x14d: {  	v1 =	vadd.f32 v3, v1;
	_ =	sdelay $0x1  }
0x14e: {  	v2 =	vmul.f32 $9.999999770e-03, v1  }
0x14f: {  	vm10 =	vge.f32 v1, $0.0e+00  }
0x150: {  	v1 =	vsel vm10, v1, v2  }
0x151: {  	v1 =	vmul.f32 $1.442695020e+00, v1;
	_ =	sdelay $0x1  }
0x152: {  	(erf) = vpow2.f32 v1;
	_ =	sdelay $0x2  }
0x153: {  	v1 =	vld [tilespmem:s26+$0x5030]  }
0x154: {  	v2 =	vld [tilespmem:s26+$0x7830];
	_ =	sdelay $0x4  }
0x155: {  	v3 =	vpop (erf)  }
0x156: {  	[tilespmem:s26+$0xC820] =	vst v3  }
0x157: {  	v1 =	vld.idx.msk [tilespmem:v1+s25+$0x0], $0xffff  }
0x158: {  	v2 =	vld.idx.msk [tilespmem:v2+s14+$0x0], $0xffff;
	_ =	sdelay $0x1  }
0x159: {  	v3 =	vld [tilespmem:s26+$0xA030];
	_ =	sdelay $0x2  }
0x15a: {  	v1 =	vadd.f32 v2, v1;
	_ =	sdelay $0x1  }
0x15b: {  	v1 =	vadd.f32 v3, v1;
	_ =	sdelay $0x1  }
0x15c: {  	v2 =	vmul.f32 $9.999999770e-03, v1  }
0x15d: {  	vm11 =	vge.f32 v1, $0.0e+00  }
0x15e: {  	v1 =	vsel vm11, v1, v2  }
0x15f: {  	v1 =	vmul.f32 $1.442695020e+00, v1;
	_ =	sdelay $0x1  }
0x160: {  	(erf) = vpow2.f32 v1;
	_ =	sdelay $0x2  }
0x161: {  	v1 =	vld [tilespmem:s26+$0x5040]  }
0x162: {  	v2 =	vld [tilespmem:s26+$0x7840];
	_ =	sdelay $0x4  }
0x163: {  	v3 =	vpop (erf)  }
0x164: {  	[tilespmem:s26+$0xC830] =	vst v3  }
0x165: {  	v1 =	vld.idx.msk [tilespmem:v1+s25+$0x0], $0xffff  }
0x166: {  	v2 =	vld.idx.msk [tilespmem:v2+s14+$0x0], $0xffff;
	_ =	sdelay $0x1  }
0x167: {  	v3 =	vld [tilespmem:s26+$0xA040];
	_ =	sdelay $0x2  }
0x168: {  	v1 =	vadd.f32 v2, v1;
	_ =	sdelay $0x1  }
0x169: {  	v1 =	vadd.f32 v3, v1;
	_ =	sdelay $0x1  }
0x16a: {  	v2 =	vmul.f32 $9.999999770e-03, v1  }
0x16b: {  	vm12 =	vge.f32 v1, $0.0e+00  }
0x16c: {  	v1 =	vsel vm12, v1, v2  }
0x16d: {  	v1 =	vmul.f32 $1.442695020e+00, v1;
	_ =	sdelay $0x1  }
0x16e: {  	(erf) = vpow2.f32 v1;
	_ =	sdelay $0x2  }
0x16f: {  	v1 =	vld [tilespmem:s26+$0x5050]  }
0x170: {  	v2 =	vld [tilespmem:s26+$0x7850];
	_ =	sdelay $0x4  }
0x171: {  	v3 =	vpop (erf)  }
0x172: {  	[tilespmem:s26+$0xC840] =	vst v3  }
0x173: {  	v1 =	vld.idx.msk [tilespmem:v1+s25+$0x0], $0xffff  }
0x174: {  	v2 =	vld.idx.msk [tilespmem:v2+s14+$0x0], $0xffff;
	_ =	sdelay $0x1  }
0x175: {  	v3 =	vld [tilespmem:s26+$0xA050];
	_ =	sdelay $0x2  }
0x176: {  	v1 =	vadd.f32 v2, v1;
	_ =	sdelay $0x1  }
0x177: {  	v1 =	vadd.f32 v3, v1;
	_ =	sdelay $0x1  }
0x178: {  	v2 =	vmul.f32 $9.999999770e-03, v1  }
0x179: {  	vm13 =	vge.f32 v1, $0.0e+00  }
0x17a: {  	v1 =	vsel vm13, v1, v2  }
0x17b: {  	v1 =	vmul.f32 $1.442695020e+00, v1;
	_ =	sdelay $0x1  }
0x17c: {  	(erf) = vpow2.f32 v1;
	_ =	sdelay $0x2  }
0x17d: {  	v1 =	vld [tilespmem:s26+$0x5060]  }
0x17e: {  	v2 =	vld [tilespmem:s26+$0x7860];
	_ =	sdelay $0x4  }
0x17f: {  	v3 =	vpop (erf)  }
0x180: {  	[tilespmem:s26+$0xC850] =	vst v3  }
0x181: {  	v1 =	vld.idx.msk [tilespmem:v1+s25+$0x0], $0xffff  }
0x182: {  	v2 =	vld.idx.msk [tilespmem:v2+s14+$0x0], $0xffff;
	_ =	sdelay $0x1  }
0x183: {  	v3 =	vld [tilespmem:s26+$0xA060];
	_ =	sdelay $0x2  }
0x184: {  	v1 =	vadd.f32 v2, v1;
	_ =	sdelay $0x1  }
0x185: {  	v1 =	vadd.f32 v3, v1;
	_ =	sdelay $0x1  }
0x186: {  	v2 =	vmul.f32 $9.999999770e-03, v1  }
0x187: {  	vm14 =	vge.f32 v1, $0.0e+00  }
0x188: {  	v1 =	vsel vm14, v1, v2  }
0x189: {  	v1 =	vmul.f32 $1.442695020e+00, v1;
	_ =	sdelay $0x1  }
0x18a: {  	(erf) = vpow2.f32 v1;
	_ =	sdelay $0x2  }
0x18b: {  	v1 =	vld [tilespmem:s26+$0x5070]  }
0x18c: {  	v2 =	vld [tilespmem:s26+$0x7870];
	_ =	sdelay $0x4  }
0x18d: {  	v3 =	vpop (erf)  }
0x18e: {  	[tilespmem:s26+$0xC860] =	vst v3  }
0x18f: {  	v1 =	vld.idx.msk [tilespmem:v1+s25+$0x0], $0xffff  }
0x190: {  	v2 =	vld.idx.msk [tilespmem:v2+s14+$0x0], $0xffff;
	_ =	sdelay $0x1  }
0x191: {  	v3 =	vld [tilespmem:s26+$0xA070];
	_ =	sdelay $0x2  }
0x192: {  	v1 =	vadd.f32 v2, v1;
	_ =	sdelay $0x1  }
0x193: {  	v1 =	vadd.f32 v3, v1;
	_ =	sdelay $0x1  }
0x194: {  	v2 =	vmul.f32 $9.999999770e-03, v1  }
0x195: {  	vm15 =	vge.f32 v1, $0.0e+00  }
0x196: {  	v1 =	vsel vm15, v1, v2  }
0x197: {  	v1 =	vmul.f32 $1.442695020e+00, v1;
	_ =	sdelay $0x1  }
0x198: {  	(erf) = vpow2.f32 v1;
	_ =	sdelay $0x6  }
0x199: {  	p0 =	por $0x1, $0x1  }
.Ltmp1:
0x19a: {  	_ = 	snop;
	(pc) =	sbr.rel @!p0 .LBB2_5-.Ltmp1, $4  }
0x19b: {  	v1 =	vpop (erf)  }
0x19c: {  	s30 =	simm.s32 $0xC800;
	s31 =	simm.s32 $0x7800;
	[tilespmem:s26+$0xC870] =	vst v1  }
0x19d: {  	[spmem:s2] =	stream.indirect.scatter.add.f32 [tilespmem:s30], [sflag:$0x1], $0x1, s31, s19, $0xb8;
	[tilespmem:$0xF500] =	vst v63  }
0x19e: {  	s24 =	simm.s32 $0x200;
	_ =	swait.ge [sflag:s13], $0x80  }
.LBB2_4:
0x19f: {  	s25 =	sshra.s32 s24, $0x2  }
0x1a0: {  	[sflag:s13] =	ssyncset.done $0x0;
	p0 =	sne.s32 s24, $0x9E00;
	s26 =	sadd.s32 $0xC800, s25  }
.Ltmp2:
0x1a1: {  	s25 =	sadd.s32 $0x7800, s25;
	[sflag:s13] =	ssyncadd.s32 $0xFFFFFF80;
	(pc) =	sbr.rel @p0 .LBB2_4-.Ltmp2, $3  }
0x1a2: {  	[spmem:s2] =	stream.indirect.scatter.add.f32 [tilespmem:s26], [sflag:$0x1], $0x1, s25, s19, $0xb8;
	[tilespmem:$0xF500] =	vst v63  }
0x1a3: {  	s24 =	sadd.s32 $0x200, s24;
	_ =	sdelay $0x1  }
0x1a4: {  	_ =	swait.ge [sflag:s13], $0x80  }
.LBB2_5:
0x1a5: {  	[sflag:s13] =	ssyncset.done $0x0  }
0x1a6: {  	[sflag:s13] =	ssyncadd.s32 $0xFFFFFF80  }
0x1a7: {  	[hbm4b:s10+s3] =	stream.linear.scatter [tilespmem:s20], [sflag:$0x1], $0x2800, $0x38;
	[tilespmem:$0xF500] =	vst v63  }
0x1a8: {  	_ =	swait.ge [sflag:s13], $0x2800  }
0x1a9: {  	s23 =	sadd.s32 $0x1, s23;
	[sflag:s13] =	ssyncset.done $0x0  }
0x1aa: {  	p0 =	sne.s32 s23, s12;
	[sflag:s13] =	ssyncadd.s32 $0xFFFFD800  }
.Ltmp3:
0x1ab: {  	[bflag:$0x0] =	sbarrier.arrive $0xFFFF;
	(pc) =	sbr.rel @p0 .LBB2_1-.Ltmp3, $4  }
0x1ac: {  	[hbm:s11], [sflag:s21] =	dma.local [spmem:s22], $0x50  }
0x1ad: {  	_ =	swait.ge [sflag:s13], $0x50  }
0x1ae: {  	[sflag:s13] =	ssyncset.done $0x0  }
0x1af: {  	[sflag:s13] =	ssyncadd.s32 $0xFFFFFFB0  }
0x1b0: {  	_ =	sfence.sel $0x180000  }
0x1b1: {  	[bflag:$0x0] =	sbarrier.arrive $0xFFFF  }
0x1b2: {  	p0 =	sne.s32 s1, $0x0;
	_ =	strace $0x9000004A  }
0x1b3: {  	s0 =	sadd.s32 @!p0 $0x100000, s0;
	[bflag:$0x2] =	sbarrier.arrive $0xFFFF  }
0x1b4: {  	[sflag:s0] =	ssyncadd.tile.s32 @!p0 $0x1;
	_ =	shalt  }
.Lfunc_end2:
_tile_overlayer_lowered:
.L_overlay_start_2:
0x1b5: {  	(tag) =	ssettag $0x2  }
0x1b6: {  	s0 =	rddreg [dreg:$0x0];
	s2 =	stileid.u32  }
0x1b7: {  	s1 =	rddreg [dreg:$0x1];
	p0 =	sne.s32 s2, $0x0  }
0x1b8: {  	s3 =	rddreg [dreg:$0x2];
	[bflag:$0x3] =	sbarrier.arrive $0xFFFF;
	s2 =	simm.s32 @!p0 $0x1C01  }
0x1b9: {  	[timem:s3], [sflag:s2] =	dma.local @!p0 [hbm:s0], s1  }
0x1ba: {  	s0 =	simm.s32 @!p0 $0x1  }
0x1bb: {  	_ =	swait.ge @!p0 [sflag:s0], s1  }
0x1bc: {  	s1 =	ssub.s32 @!p0 $0x0, s1;
	[sflag:s0] =	ssyncset.done @!p0 $0x0  }
0x1bd: {  	[sflag:s0] =	ssyncadd.s32 @!p0 s1  }
0x1be: {  	[bflag:$0x3] =	sbarrier.arrive $0xFFFF  }
0x1bf: {  	_ =	shalt  }

// kernel: kernel.16.cloned.1.call-start
scs
__scs_entry_jumppad:
0x0: {  	(pc) =	sbr.rel $0x88, $3  }
0x1: {  	(tag) =	ssettag $0x0;
	lr =	simm.s32 $0x1  }
0x2: {  	[smem:$0x3F98] =	sst lr;
	_ =	strace $0xD0000000  }
0x3: {  	_ = 	snop  }
0x4: {  	_ = 	snop  }
0x5: {  	_ = 	snop  }
0x6: {  	_ = 	snop  }
0x7: {  	_ = 	snop  }
__scs_overlays_trampoline_lowered:
0x8: {  	[smem:$0x3FA7] =	sst s0  }
0x9: {  	[smem:$0x3FA8] =	sst s1  }
0xa: {  	[smem:$0x3FA9] =	sst s2  }
0xb: {  	[smem:$0x3FAA] =	sst s3  }
0xc: {  	[smem:$0x3FAB] =	sst s4  }
0xd: {  	[smem:$0x3FAC] =	sst s5  }
0xe: {  	[smem:$0x3FAD] =	sst s6  }
0xf: {  	[smem:$0x3FAE] =	sst s7  }
0x10: {  	[smem:$0x3FAF] =	sst s8  }
0x11: {  	[smem:$0x3FB0] =	sst s9;
	s0 =	simm.s32 @!p0 $0x0  }
0x12: {  	s1 =	sld [smem:$0x3F96];
	s0 =	simm.s32 @p0 $0x1  }
0x13: {  	[smem:$0x3FB1] =	sst s0;
	s0 =	simm.s32 @!p1 $0x0  }
0x14: {  	s2 =	sld [smem:$0x3F95];
	s0 =	simm.s32 @p1 $0x1  }
0x15: {  	[smem:$0x3FB2] =	sst s0;
	s0 =	simm.s32 @!p2 $0x0  }
0x16: {  	s3 =	sld [smem:$0x3FDB];
	s0 =	simm.s32 @p2 $0x1  }
0x17: {  	s4 =	simm.s32 $0x1BF5;
	[smem:$0x3FB4] =	sst s0  }
0x18: {  	s0 =	sld [smem:$0x3F97];
	_ =	swait.ge [sflag:s4], $0x0  }
0x19: {  	s7 =	sld [smem:$0x3F98]  }
0x1a: {  	s8 =	sadd.s32 $0xFFFFE003, lr  }
0x1b: {  	s9 =	sadd.s32 $0xFFFFFEF7, lr;
	s5 =	simm.s32 $0xFFFFFFFF;
	p2 =	slt.u32 s8, $0xFFFFF086  }
0x1c: {  	p1 =	slt.u32 s9, $0xF7A;
	s5 =	simm.s32 @!p2 $0x0  }
0x1d: {  	s5 =	simm.s32 @p1 $0x1;
	p0 =	seq.s32 s7, s2  }
0x1e: {  	s7 =	smul.u32 @!p0 $0xF7A, s2;
	p2 =	seq.s32 @!p0 s5, $0x0  }
0x1f: {  	s9 =	smul.u32 $0xF7A, s1;
	s8 =	simm.s32 @!p0 $0x1BF5;
	p2 =	por !p2, p0  }
0x20: {  	[sflag:s8] =	ssyncset.s32 @!p0 $0xFFFFF086;
	s6 =	sadd.s32 @!p0 s3, s7;
	s7 =	simm.s32 @!p0 $0x108  }
0x21: {  	s3 =	sadd.s32 s3, s9;
	s6 =	sadd.s32 @!p0 $0x88, s6;
	s7 =	simm.s32 @p2 $0x1082  }
0x22: {  	[simem:s7], [sflag:s8] =	dma.local @!p0 [hbm:s6], $0xF7A  }
0x23: {  	s9 =	sor.u32 $0xD0000000, s2;
	s6 =	simm.s32 $0x108;
	_ =	swait.ge @!p0 [sflag:s8], $0x0  }
0x24: {  	s3 =	sadd.s32 $0x88, s3;
	s6 =	simm.s32 @!p1 $0x1082;
	[sflag:s4] =	ssyncset.s32 $0xFFFFF086  }
0x25: {  	[simem:s6], [sflag:s4] =	dma.local [hbm:s3], $0xF7A  }
0x26: {  	[smem:$0x3F98] =	sst s1;
	(tag) =	ssettag s2;
	_ =	strace s9  }
0x27: {  	s1 =	sld [smem:$0x3FA8]  }
0x28: {  	s2 =	sld [smem:$0x3FA9]  }
0x29: {  	s4 =	sld [smem:$0x3FAB]  }
0x2a: {  	p0 =	seq.s32 s5, $0x0;
	s5 =	sld [smem:$0x3FAC]  }
0x2b: {  	s6 =	sld [smem:$0x3FAD]  }
0x2c: {  	s7 =	sld [smem:$0x3FAE]  }
0x2d: {  	s3 =	simm.s32 $0x108;
	s8 =	sld [smem:$0x3FAF]  }
0x2e: {  	s3 =	simm.s32 @!p0 $0x1082;
	s9 =	sld [smem:$0x3FB0]  }
0x2f: {  	lr =	sadd.s32 s0, s3;
	s0 =	sld [smem:$0x3FA7]  }
0x30: {  	s3 =	sld [smem:$0x3FAA]  }
0x31: {  	[smem:$0x3FB3] =	sst s10  }
0x32: {  	s10 =	sld [smem:$0x3FB1];
	_ =	sdelay $0x3  }
0x33: {  	p0 =	seq.s32 s10, $0x1;
	s10 =	sld [smem:$0x3FB3];
	_ =	sdelay $0x3  }
0x34: {  	[smem:$0x3FB3] =	sst s10  }
0x35: {  	s10 =	sld [smem:$0x3FB2];
	_ =	sdelay $0x3  }
0x36: {  	p1 =	seq.s32 s10, $0x1;
	s10 =	sld [smem:$0x3FB3];
	_ =	sdelay $0x3  }
0x37: {  	[smem:$0x3FB3] =	sst s10  }
0x38: {  	s10 =	sld [smem:$0x3FB4]  }
0x39: {  	_ = 	snop;
	(pc) =	sbr.ind lr, $3  }
0x3a: {  	_ = 	snop  }
0x3b: {  	_ = 	snop  }
0x3c: {  	p2 =	seq.s32 s10, $0x1;
	s10 =	sld [smem:$0x3FB3]  }
0x3d: {  	_ =	shalt  }
0x3e: {  	_ =	shalt  }
0x3f: {  	_ =	shalt  }
0x40: {  	_ =	shalt  }
0x41: {  	_ =	shalt  }
0x42: {  	_ =	shalt  }
0x43: {  	_ =	shalt  }
0x44: {  	_ =	shalt  }
0x45: {  	_ =	shalt  }
0x46: {  	_ =	shalt  }
0x47: {  	_ =	shalt  }
0x48: {  	_ =	shalt  }
0x49: {  	_ =	shalt  }
0x4a: {  	_ =	shalt  }
0x4b: {  	_ =	shalt  }
0x4c: {  	_ =	shalt  }
0x4d: {  	_ =	shalt  }
0x4e: {  	_ =	shalt  }
0x4f: {  	_ =	shalt  }
0x50: {  	_ =	shalt  }
0x51: {  	_ =	shalt  }
0x52: {  	_ =	shalt  }
0x53: {  	_ =	shalt  }
0x54: {  	_ =	shalt  }
0x55: {  	_ =	shalt  }
0x56: {  	_ =	shalt  }
0x57: {  	_ =	shalt  }
0x58: {  	_ =	shalt  }
0x59: {  	_ =	shalt  }
0x5a: {  	_ =	shalt  }
0x5b: {  	_ =	shalt  }
0x5c: {  	_ =	shalt  }
0x5d: {  	_ =	shalt  }
0x5e: {  	_ =	shalt  }
0x5f: {  	_ =	shalt  }
0x60: {  	_ =	shalt  }
0x61: {  	_ =	shalt  }
0x62: {  	_ =	shalt  }
0x63: {  	_ =	shalt  }
0x64: {  	_ =	shalt  }
0x65: {  	_ =	shalt  }
0x66: {  	_ =	shalt  }
0x67: {  	_ =	shalt  }
0x68: {  	_ =	shalt  }
0x69: {  	_ =	shalt  }
0x6a: {  	_ =	shalt  }
0x6b: {  	_ =	shalt  }
0x6c: {  	_ =	shalt  }
0x6d: {  	_ =	shalt  }
0x6e: {  	_ =	shalt  }
0x6f: {  	_ =	shalt  }
0x70: {  	_ =	shalt  }
0x71: {  	_ =	shalt  }
0x72: {  	_ =	shalt  }
0x73: {  	_ =	shalt  }
0x74: {  	_ =	shalt  }
0x75: {  	_ =	shalt  }
0x76: {  	_ =	shalt  }
0x77: {  	_ =	shalt  }
0x78: {  	_ =	shalt  }
0x79: {  	_ =	shalt  }
0x7a: {  	_ =	shalt  }
0x7b: {  	_ =	shalt  }
0x7c: {  	_ =	shalt  }
0x7d: {  	_ =	shalt  }
0x7e: {  	_ =	shalt  }
0x7f: {  	_ =	shalt  }
0x80: {  	_ =	shalt  }
0x81: {  	_ =	shalt  }
0x82: {  	_ =	shalt  }
0x83: {  	_ =	shalt  }
0x84: {  	_ =	shalt  }
0x85: {  	_ =	shalt  }
0x86: {  	_ =	shalt  }
0x87: {  	_ =	shalt  }
.Lfunc_end0:
.L_simem_size_0:
called_computation.2_lowered:
.L_overlay_start_0:
0x88: {  	s2 =	sld [smem:$0x3FD9]  }
0x89: {  	s3 =	sld [smem:$0x3FFE];
	_ =	sdelay $0x1  }
0x8a: {  	s1 =	srdreg.scid  }
0x8b: {  	s0 =	sand.u32 $0x1, s1  }
0x8c: {  	s17 =	sshll.u32 s0, $0xA;
	s2 =	sadd.s32 s3, s2  }
0x8d: {  	s2 =	sadd.s32 s2, s17  }
0x8e: {  	[smem:$0x3FBF] =	sst s2  }
0x8f: {  	_ = 	snop  }
0x90: {  	s2 =	sld [smem:$0x3FD0];
	(tm) =	ssettm $0x1  }
0x91: {  	s18 =	sld [smem:$0x3FFB];
	_ =	sdelay $0x3  }
0x92: {  	_ =	strace s18  }
0x93: {  	s3 =	sld [smem:$0x3FFC];
	_ =	sdelay $0x3  }
0x94: {  	_ =	strace s3  }
0x95: {  	s3 =	sld [smem:$0x3FFD];
	_ =	sdelay $0x3  }
0x96: {  	_ =	strace s3  }
0x97: {  	_ =	strace $0x8FFFFFFF  }
0x98: {  	s19 =	sld [smem:$0x3FDB];
	_ =	sdelay $0x1  }
0x99: {  	s4 =	simm.s32 $_scs_section_size  }
0x9a: {  	s5 =	simm.s32 $_size__tile_overlayer_lowered;
	s6 =	simm.s32 $_tile_overlayer_lowered  }
0x9b: {  	s22 =	simm.s32 $0x1BFF;
	s21 =	sshll.u32 s6, $0x1;
	s3 =	sadd.s32 s4, s19  }
0x9c: {  	s7 =	simm.s32 $0x0;
	s20 =	sshll.u32 s5, $0x1;
	s5 =	sadd.s32 s21, s3  }
0x9d: {  	[timem:s7], [sflag:s22] =	dma.local [hbm:s5], s20  }
0x9e: {  	_ =	swait.ge [sflag:s22], s20  }
0x9f: {  	s4 =	ssub.s32 $0x0, s20;
	[sflag:s22] =	ssyncset.done $0x0  }
0xa0: {  	[sflag:s22] =	ssyncadd.s32 s4;
	_ =	sdelay $0x1  }
0xa1: {  	s23 =	simm.s32 $0x1B8B  }
0xa2: {  	_ =	swait.ge [sflag:s23], $0x1  }
0xa3: {  	[sflag:s23] =	ssyncset.done $0x0  }
0xa4: {  	s25 =	simm.s32 $0x1B8E;
	s24 =	sld [smem:$0x3FFE];
	[sflag:s23] =	ssyncadd.s32 $0xFFFFFFFF  }
0xa5: {  	s26 =	simm.s32 $execute0_lowered;
	[smem:$0x3FD2] =	sst s25  }
0xa6: {  	s5 =	sshll.u32 s26, $0x1;
	_ =	strace $0x8000004C;
	[dreg:$0x1] =	wrdreg $0xFFFFFFFF  }
0xa7: {  	s28 =	simm.s32 $_size_execute0_lowered;
	s3 =	sadd.s32 s3, s5;
	[dreg:$0x0] =	wrdreg $0x0  }
0xa8: {  	s5 =	sshll.u32 s28, $0x1;
	[dreg:$0x2] =	wrdreg s3  }
0xa9: {  	[dreg:$0x3] =	wrdreg s5  }
0xaa: {  	[dreg:$0x4] =	wrdreg $0xC0  }
0xab: {  	_ =	task [dreg:s7], $0x5FFFF  }
0xac: {  	[dreg:$0x1] =	wrdreg $0xFFFFFFFF  }
0xad: {  	[dreg:$0x0] =	wrdreg $0x60  }
0xae: {  	[dreg:$0x2] =	wrdreg s2  }
0xaf: {  	[dreg:$0x3] =	wrdreg s24  }
0xb0: {  	[dreg:$0x4] =	wrdreg $0x116800  }
0xb1: {  	[dreg:$0x5] =	wrdreg $0x1B6800  }
0xb2: {  	[dreg:$0x6] =	wrdreg $0x1B9000  }
0xb3: {  	[dreg:$0x7] =	wrdreg $0x1BB800  }
0xb4: {  	[dreg:$0x8] =	wrdreg $0x1BE000  }
0xb5: {  	[dreg:$0x9] =	wrdreg $0x1C0800  }
0xb6: {  	[dreg:$0xa] =	wrdreg $0x1C3000  }
0xb7: {  	[dreg:$0xb] =	wrdreg $0x1C5800  }
0xb8: {  	[dreg:$0xc] =	wrdreg $0x1C8000  }
0xb9: {  	[dreg:$0xd] =	wrdreg $0x9  }
0xba: {  	_ =	task.clear_ibuf [dreg:s7], $0xEFFFF;
	_ =	strace $0x9000004C  }
0xbb: {  	s29 =	simm.s32 $0x9;
	_ =	strace $0x8000004E  }
0xbc: {  	_ =	swait.ge [sflag:s29], $0x1  }
0xbd: {  	[sflag:s29] =	ssyncadd.s32 $0xFFFFFFFF  }
0xbe: {  	_ =	strace $0x9000004E  }
0xbf: {  	_ =	sfence  }
0xc0: {  	s30 =	sld [smem:$0x0];
	_ =	sdelay $0x2  }
0xc1: {  	s31 =	sshll.u32 s1, $0xD;
	s1 =	sshrl.u32 s1, $0x2  }
0xc2: {  	s3 =	sand.u32 $0x4000, s31;
	s1 =	sadd.s32 s1, s30  }
0xc3: {  	s0 =	sor.u32 s3, s0;
	s1 =	sshll.u32 s1, $0x11  }
0xc4: {  	s0 =	sor.u32 s1, s0  }
0xc5: {  	s0 =	sadd.s32 $0x8F2B, s0  }
0xc6: {  	[sflag:s0] =	ssyncadd.remote.s32 $0x1  }
0xc7: {  	_ =	sfence.sel $0xFFFF  }
0xc8: {  	[dreg:$0x0] =	wrdreg $0xFFFFFFFF;
	(pc) =	sbr.abs _section_cstart, $3  }
0xc9: {  	[dreg:$0x1] =	wrdreg $0xFFFFFFFF  }
0xca: {  	_ =	task.clear_ibuf [dreg:s7], $0x2FFFF;
	_ =	strace $0x9FFFFFFF  }
0xcb: {  	(tm) =	ssettm $0x7FFFFFFF  }
tec
execute0_lowered:
.L_overlay_start_1:
0x0: {  	(tag) =	ssettag $0x1  }
0x1: {  	s4 =	rddreg [dreg:$0x0]  }
0x2: {  	s8 =	rddreg [dreg:$0x1]  }
0x3: {  	s0 =	rddreg [dreg:$0x2]  }
0x4: {  	s1 =	rddreg [dreg:$0x3]  }
0x5: {  	s2 =	rddreg [dreg:$0x4]  }
0x6: {  	s3 =	rddreg [dreg:$0x5]  }
0x7: {  	s5 =	rddreg [dreg:$0x6]  }
0x8: {  	s6 =	rddreg [dreg:$0x7]  }
0x9: {  	s7 =	rddreg [dreg:$0x8]  }
0xa: {  	s9 =	rddreg [dreg:$0x9]  }
0xb: {  	s23 =	stileid.u32;
	s11 =	srdreg.scid  }
0xc: {  	s10 =	rddreg [dreg:$0xa];
	s12 =	simm.s32 $0x0;
	s14 =	smul.u32 $0xA00, s23  }
0xd: {  	s11 =	sand.u32 $0x1, s11;
	[smem:$0x7FF] =	sst s12;
	s15 =	smul.u32 $0x280, s23  }
0xe: {  	s12 =	sadd.s32 $0x24400, s8;
	s13 =	sadd.s32 $0x4C400, s8;
	s22 =	smul.u32 $0x28000, s23  }
0xf: {  	s29 =	smul.u32 $0xA0, s23;
	_ =	strace $0x8000004D;
	s4 =	sadd.s32 s4, s14  }
0x10: {  	s17 =	sadd.s32 s14, s8;
	s14 =	sadd.s32 s15, s3;
	[dreg:$0xc] =	wrdreg s4  }
0x11: {  	s16 =	smul.u32 $0x2800, s11;
	s24 =	sadd.s32 $0x5000, s17;
	[dreg:$0x12] =	wrdreg s14  }
0x12: {  	s20 =	ssub.s32 $0x2, s11;
	s26 =	sadd.s32 $0x1A400, s17;
	[dreg:$0xd] =	wrdreg s24  }
0x13: {  	s21 =	sshrl.u32 s20, $0x1;
	s17 =	sadd.s32 s15, s5;
	[dreg:$0xe] =	wrdreg s26  }
0x14: {  	s25 =	sshrl.u32 s22, $0x2;
	s14 =	sadd.s32 s15, s10;
	[dreg:$0x13] =	wrdreg s17  }
0x15: {  	s18 =	sadd.s32 s15, s16;
	s22 =	sadd.s32 s25, s0;
	[dreg:$0x17] =	wrdreg s14  }
0x16: {  	s25 =	sadd.s32 s15, s2;
	s19 =	sshll.u32 s18, $0x3;
	[dreg:$0xf] =	wrdreg s22  }
0x17: {  	s18 =	sshrl.u32 s18, $0x3;
	s26 =	sadd.s32 s15, s9;
	[dreg:$0x11] =	wrdreg s25  }
0x18: {  	s24 =	sadd.s32 s15, s1;
	s23 =	sadd.s32 $0x8000, s22;
	[dreg:$0x16] =	wrdreg s26  }
0x19: {  	s19 =	sadd.s32 s19, s8;
	s8 =	sadd.s32 s18, s8;
	[smem:$0x7FD] =	sst s23  }
0x1a: {  	s18 =	ssub.s32 s20, s21;
	s20 =	sadd.s32 s15, s6;
	[dreg:$0x10] =	wrdreg s24  }
0x1b: {  	s21 =	sadd.s32 s15, s7;
	[dreg:$0x14] =	wrdreg s20  }
0x1c: {  	[dreg:$0x15] =	wrdreg s21;
	s15 =	sadd.s32 $0xEC400, s19  }
0x1d: {  	s17 =	sadd.s32 $0xF000, s8;
	[dreg:$0x18] =	wrdreg s15  }
0x1e: {  	s19 =	sadd.s32 $0x10400, s8;
	[dreg:$0x19] =	wrdreg s17  }
0x1f: {  	s20 =	sadd.s32 $0x10E00, s8;
	[dreg:$0x1a] =	wrdreg s19  }
0x20: {  	s28 =	simm.s32 $0x80;
	s21 =	sadd.s32 $0x11800, s8;
	[dreg:$0x1b] =	wrdreg s20  }
0x21: {  	s26 =	smul.u32 $0x280000, s11;
	s11 =	sadd.s32 $0x12200, s8;
	[dreg:$0x1c] =	wrdreg s21  }
0x22: {  	s30 =	simm.s32 $0x50000;
	s14 =	sadd.s32 $0x12C00, s8;
	[dreg:$0x1d] =	wrdreg s11  }
0x23: {  	s31 =	simm.s32 $0x11000;
	s18 =	smax.u32 s18, $0x1;
	[dreg:$0x1e] =	wrdreg s14  }
0x24: {  	s4 =	simm.s32 $0x11100;
	s15 =	sadd.s32 $0x13600, s8;
	[smem:$0x7F9] =	sst s18  }
0x25: {  	s17 =	sadd.s32 $0x14000, s8;
	s19 =	sadd.s32 $0x2000, s22;
	[dreg:$0x1f] =	wrdreg s15  }
0x26: {  	s20 =	sadd.s32 $0x4000, s22;
	s21 =	sadd.s32 $0x6000, s22;
	[smem:$0x7F8] =	sst s17  }
0x27: {  	s14 =	simm.s32 $0x1;
	s8 =	simm.s32 $0x11080;
	[smem:$0x7FA] =	sst s19  }
0x28: {  	s11 =	simm.s32 $0x11180;
	s18 =	simm.s32 $0x11200;
	[smem:$0x7FB] =	sst s20  }
0x29: {  	[smem:$0x7FC] =	sst s21;
	s15 =	simm.s32 $0xF000;
	s19 =	simm.s32 $0x11280  }
0x2a: {  	v1 =	vimm.f32 $0.0e+00;
	v0 =	vmov s16;
	s20 =	simm.s32 $0x11300;
	s21 =	simm.s32 $0x11380;
	s17 =	simm.s32 $0x0  }
.LBB2_1:
0x2b: {  	[smem:$0x7F7] =	sst s17  }
0x2c: {  	s16 =	simm.s32 $0x0;
	s23 =	rddreg [dreg:$0xc]  }
0x2d: {  	[tilespmem:s16], [sflag:$0x1] =	stream.linear.gather [hbm4b:s23+s16], $0x5000, $0x38;
	[tilespmem:$0x1CA80] =	vst v63  }
0x2e: {  	_ =	swait.ge [sflag:s14], $0x5000  }
0x2f: {  	[sflag:s14] =	ssyncset.done $0x0  }
0x30: {  	s23 =	simm.s32 $0x5000;
	s17 =	rddreg [dreg:$0xd];
	[sflag:s14] =	ssyncadd.s32 $0xFFFFB000  }
0x31: {  	[tilespmem:s23], [sflag:$0x1] =	stream.linear.gather [hbm4b:s17+s16], $0x5000, $0x38;
	[tilespmem:$0x1CA80] =	vst v63  }
0x32: {  	_ =	swait.ge [sflag:s14], $0x5000  }
0x33: {  	[sflag:s14] =	ssyncset.done $0x0  }
0x34: {  	s23 =	simm.s32 $0xA000;
	s17 =	rddreg [dreg:$0xe];
	[sflag:s14] =	ssyncadd.s32 $0xFFFFB000  }
0x35: {  	[tilespmem:s23], [sflag:$0x1] =	stream.linear.gather [hbm4b:s17+s16], $0x5000, $0x38;
	[tilespmem:$0x1CA80] =	vst v63  }
0x36: {  	_ =	swait.ge [sflag:s14], $0x5000  }
0x37: {  	[sflag:s14] =	ssyncset.done $0x0  }
0x38: {  	s16 =	simm.s32 $0x0;
	[sflag:s14] =	ssyncadd.s32 $0xFFFFB000  }
0x39: {  	v4 =	vld [tilespmem:s16+$0x0]  }
0x3a: {  	v6 =	vld [tilespmem:s16+$0x10]  }
0x3b: {  	v5 =	vld [tilespmem:s16+$0x20]  }
0x3c: {  	v3 =	vld [tilespmem:s16+$0x30]  }
0x3d: {  	v2 =	vld [tilespmem:s16+$0x40]  }
0x3e: {  	v7 =	vadd.s32 v0, v4;
	v4 =	vld [tilespmem:s16+$0x50]  }
0x3f: {  	s17 =	simm.s32 $0x200;
	[tilespmem:s16+$0x0] =	vst v7;
	v7 =	vadd.s32 v0, v6;
	v6 =	vld [tilespmem:s16+$0x60]  }
.LBB2_2:
0x40: {  	s23 =	sshra.s32 s17, $0x2;
	p0 =	sne.s32 s17, $0x13E00;
	[tilespmem:s16+$0x10] =	vst v7;
	v5 =	vadd.s32 v0, v5;
	v7 =	vld [tilespmem:s16+$0x70]  }
0x41: {  	v8 =	vld [tilespmem:s23+$0x0];
	[tilespmem:s16+$0x20] =	vst v5;
	v3 =	vadd.s32 v0, v3  }
0x42: {  	v9 =	vld [tilespmem:s23+$0x10];
	[tilespmem:s16+$0x30] =	vst v3;
	v2 =	vadd.s32 v0, v2  }
.Ltmp0:
0x43: {  	v5 =	vld [tilespmem:s23+$0x20];
	[tilespmem:s16+$0x40] =	vst v2;
	v2 =	vadd.s32 v0, v4;
	(pc) =	sbr.rel @p0 .LBB2_2-.Ltmp0, $4  }
0x44: {  	v3 =	vld [tilespmem:s23+$0x30];
	[tilespmem:s16+$0x50] =	vst v2;
	v4 =	vadd.s32 v0, v6  }
0x45: {  	v2 =	vld [tilespmem:s23+$0x40];
	[tilespmem:s16+$0x60] =	vst v4;
	v6 =	vadd.s32 v0, v7  }
0x46: {  	v7 =	vadd.s32 v0, v8;
	v4 =	vld [tilespmem:s23+$0x50];
	[tilespmem:s16+$0x70] =	vst v6;
	s16 =	smov.u32 s23  }
0x47: {  	s17 =	sadd.s32 $0x200, s17;
	[tilespmem:s16+$0x0] =	vst v7;
	v7 =	vadd.s32 v0, v9;
	v6 =	vld [tilespmem:s16+$0x60]  }
0x48: {  	[tilespmem:s16+$0x10] =	vst v7;
	v5 =	vadd.s32 v0, v5;
	v63 =	vld [tilespmem:s16+$0x70]  }
0x49: {  	[tilespmem:s16+$0x20] =	vst v5;
	v3 =	vadd.s32 v0, v3  }
0x4a: {  	[tilespmem:s16+$0x30] =	vst v3;
	v2 =	vadd.s32 v0, v2  }
0x4b: {  	[tilespmem:s16+$0x40] =	vst v2;
	v2 =	vadd.s32 v0, v4  }
0x4c: {  	[tilespmem:s16+$0x50] =	vst v2;
	v2 =	vadd.s32 v0, v6  }
0x4d: {  	[tilespmem:s16+$0x60] =	vst v2;
	v2 =	vadd.s32 v0, v63  }
0x4e: {  	s17 =	simm.s32 $0x100;
	[tilespmem:s16+$0x70] =	vst v2;
	s16 =	simm.s32 $0x0  }
.LBB2_4:
0x4f: {  	p0 =	sne.s32 s17, $0x7F00;
	[tilespmem:s16+$0xF030] =	vst v1;
	s23 =	smov.u32 s17;
	s17 =	sadd.s32 $0x100, s17  }
.Ltmp1:
0x50: {  	[tilespmem:s16+$0xF020] =	vst v1;
	(pc) =	sbr.rel @p0 .LBB2_4-.Ltmp1, $3  }
0x51: {  	[tilespmem:s16+$0xF000] =	vst v1  }
0x52: {  	[tilespmem:s16+$0xF010] =	vst v1;
	_ =	sdelay $0x1  }
0x53: {  	s16 =	sshra.s32 s23, $0x2  }
0x54: {  	[tilespmem:s16+$0xF030] =	vst v1  }
0x55: {  	[tilespmem:s16+$0xF020] =	vst v1  }
0x56: {  	[tilespmem:s16+$0xF000] =	vst v1  }
0x57: {  	[tilespmem:s16+$0xF010] =	vst v1  }
0x58: {  	[tilespmem:$0x11400] =	vst v1  }
0x59: {  	[tilespmem:$0x11410] =	vst v1  }
0x5a: {  	[tilespmem:$0x11420] =	vst v1  }
0x5b: {  	[tilespmem:$0x11430] =	vst v1  }
0x5c: {  	[tilespmem:$0x11440] =	vst v1  }
0x5d: {  	[tilespmem:$0x11450] =	vst v1  }
0x5e: {  	[tilespmem:$0x11460] =	vst v1  }
0x5f: {  	[tilespmem:$0x11470] =	vst v1  }
0x60: {  	[tilespmem:$0x11480] =	vst v1  }
0x61: {  	[tilespmem:$0x11490] =	vst v1  }
0x62: {  	[tilespmem:$0x114A0] =	vst v1  }
0x63: {  	[tilespmem:$0x114B0] =	vst v1  }
0x64: {  	[tilespmem:$0x114C0] =	vst v1  }
0x65: {  	[tilespmem:$0x114D0] =	vst v1  }
0x66: {  	[tilespmem:$0x114E0] =	vst v1  }
0x67: {  	[tilespmem:$0x114F0] =	vst v1  }
0x68: {  	[tilespmem:$0x11500] =	vst v1  }
0x69: {  	[tilespmem:$0x11510] =	vst v1  }
0x6a: {  	[tilespmem:$0x11520] =	vst v1  }
0x6b: {  	[tilespmem:$0x11530] =	vst v1  }
0x6c: {  	[tilespmem:$0x11540] =	vst v1  }
0x6d: {  	[tilespmem:$0x11550] =	vst v1  }
0x6e: {  	[tilespmem:$0x11560] =	vst v1  }
0x6f: {  	[tilespmem:$0x11570] =	vst v1  }
0x70: {  	[tilespmem:$0x11580] =	vst v1  }
0x71: {  	[tilespmem:$0x11590] =	vst v1  }
0x72: {  	[tilespmem:$0x115A0] =	vst v1  }
0x73: {  	[tilespmem:$0x115B0] =	vst v1  }
0x74: {  	[tilespmem:$0x115C0] =	vst v1  }
0x75: {  	[tilespmem:$0x115D0] =	vst v1  }
0x76: {  	[tilespmem:$0x115E0] =	vst v1  }
0x77: {  	[tilespmem:$0x115F0] =	vst v1  }
0x78: {  	[tilespmem:$0x11600] =	vst v1  }
0x79: {  	[tilespmem:$0x11610] =	vst v1  }
0x7a: {  	[tilespmem:$0x11620] =	vst v1  }
0x7b: {  	[tilespmem:$0x11630] =	vst v1  }
0x7c: {  	[tilespmem:$0x11640] =	vst v1  }
0x7d: {  	[tilespmem:$0x11650] =	vst v1  }
0x7e: {  	[tilespmem:$0x11660] =	vst v1  }
0x7f: {  	[tilespmem:$0x11670] =	vst v1  }
0x80: {  	[spmem:s22] =	stream.linear.scatter [tilespmem:s15], [sflag:$0x1], $0x2000, $0x38;
	[tilespmem:$0x1CA80] =	vst v63  }
0x81: {  	_ =	swait.ge [sflag:s14], $0x2000  }
0x82: {  	s23 =	sld [smem:$0x7FA]  }
0x83: {  	[sflag:s14] =	ssyncset.done $0x0  }
0x84: {  	[sflag:s14] =	ssyncadd.s32 $0xFFFFE000  }
0x85: {  	[spmem:s23] =	stream.linear.scatter [tilespmem:s15], [sflag:$0x1], $0x2000, $0x38;
	[tilespmem:$0x1CA80] =	vst v63  }
0x86: {  	_ =	swait.ge [sflag:s14], $0x2000  }
0x87: {  	s17 =	sld [smem:$0x7FB]  }
0x88: {  	[sflag:s14] =	ssyncset.done $0x0  }
0x89: {  	[sflag:s14] =	ssyncadd.s32 $0xFFFFE000  }
0x8a: {  	[spmem:s17] =	stream.linear.scatter [tilespmem:s15], [sflag:$0x1], $0x2000, $0x38;
	[tilespmem:$0x1CA80] =	vst v63  }
0x8b: {  	_ =	swait.ge [sflag:s14], $0x2000  }
0x8c: {  	s22 =	sld [smem:$0x7FC]  }
0x8d: {  	[sflag:s14] =	ssyncset.done $0x0  }
0x8e: {  	[sflag:s14] =	ssyncadd.s32 $0xFFFFE000  }
0x8f: {  	[spmem:s22] =	stream.linear.scatter [tilespmem:s15], [sflag:$0x1], $0x2000, $0x38;
	[tilespmem:$0x1CA80] =	vst v63  }
0x90: {  	_ =	swait.ge [sflag:s14], $0x2000  }
0x91: {  	s23 =	sld [smem:$0x7FD]  }
0x92: {  	[sflag:s14] =	ssyncset.done $0x0  }
0x93: {  	[sflag:s14] =	ssyncadd.s32 $0xFFFFE000  }
0x94: {  	[spmem:s23] =	stream.linear.scatter [tilespmem:s15], [sflag:$0x1], $0x2000, $0x38;
	[tilespmem:$0x1CA80] =	vst v63  }
0x95: {  	_ =	swait.ge [sflag:s14], $0x2000  }
0x96: {  	[sflag:s14] =	ssyncset.done $0x0  }
0x97: {  	s17 =	simm.s32 $0x11400;
	[sflag:s14] =	ssyncadd.s32 $0xFFFFE000  }
0x98: {  	[spmem:s24] =	stream.linear.scatter [tilespmem:s17], [sflag:$0x1], $0x280, $0x38;
	[tilespmem:$0x1CA80] =	vst v63  }
0x99: {  	_ =	swait.ge [sflag:s14], $0x280  }
0x9a: {  	[sflag:s14] =	ssyncset.done $0x0  }
0x9b: {  	[sflag:s14] =	ssyncadd.s32 $0xFFFFFD80  }
0x9c: {  	[spmem:s25] =	stream.linear.scatter [tilespmem:s17], [sflag:$0x1], $0x280, $0x38;
	[tilespmem:$0x1CA80] =	vst v63  }
0x9d: {  	_ =	swait.ge [sflag:s14], $0x280  }
0x9e: {  	[sflag:s14] =	ssyncset.done $0x0  }
0x9f: {  	s24 =	rddreg [dreg:$0x12];
	[sflag:s14] =	ssyncadd.s32 $0xFFFFFD80  }
0xa0: {  	[spmem:s24] =	stream.linear.scatter [tilespmem:s17], [sflag:$0x1], $0x280, $0x38;
	[tilespmem:$0x1CA80] =	vst v63  }
0xa1: {  	_ =	swait.ge [sflag:s14], $0x280  }
0xa2: {  	[sflag:s14] =	ssyncset.done $0x0  }
0xa3: {  	s25 =	rddreg [dreg:$0x13];
	[sflag:s14] =	ssyncadd.s32 $0xFFFFFD80  }
0xa4: {  	[spmem:s25] =	stream.linear.scatter [tilespmem:s17], [sflag:$0x1], $0x280, $0x38;
	[tilespmem:$0x1CA80] =	vst v63  }
0xa5: {  	_ =	swait.ge [sflag:s14], $0x280  }
0xa6: {  	[sflag:s14] =	ssyncset.done $0x0  }
0xa7: {  	s22 =	rddreg [dreg:$0x14];
	[sflag:s14] =	ssyncadd.s32 $0xFFFFFD80  }
0xa8: {  	[spmem:s22] =	stream.linear.scatter [tilespmem:s17], [sflag:$0x1], $0x280, $0x38;
	[tilespmem:$0x1CA80] =	vst v63  }
0xa9: {  	_ =	swait.ge [sflag:s14], $0x280  }
0xaa: {  	[sflag:s14] =	ssyncset.done $0x0  }
0xab: {  	s23 =	rddreg [dreg:$0x15];
	[sflag:s14] =	ssyncadd.s32 $0xFFFFFD80  }
0xac: {  	[spmem:s23] =	stream.linear.scatter [tilespmem:s17], [sflag:$0x1], $0x280, $0x38;
	[tilespmem:$0x1CA80] =	vst v63  }
0xad: {  	_ =	swait.ge [sflag:s14], $0x280  }
0xae: {  	[sflag:s14] =	ssyncset.done $0x0  }
0xaf: {  	s24 =	rddreg [dreg:$0x16];
	[sflag:s14] =	ssyncadd.s32 $0xFFFFFD80  }
0xb0: {  	[spmem:s24] =	stream.linear.scatter [tilespmem:s17], [sflag:$0x1], $0x280, $0x38;
	[tilespmem:$0x1CA80] =	vst v63  }
0xb1: {  	_ =	swait.ge [sflag:s14], $0x280  }
0xb2: {  	[sflag:s14] =	ssyncset.done $0x0  }
0xb3: {  	s25 =	rddreg [dreg:$0x17];
	[sflag:s14] =	ssyncadd.s32 $0xFFFFFD80  }
0xb4: {  	[spmem:s25] =	stream.linear.scatter [tilespmem:s17], [sflag:$0x1], $0x280, $0x38;
	[tilespmem:$0x1CA80] =	vst v63  }
0xb5: {  	_ =	swait.ge [sflag:s14], $0x280  }
0xb6: {  	[sflag:s14] =	ssyncset.done $0x0  }
0xb7: {  	[sflag:s14] =	ssyncadd.s32 $0xFFFFFD80  }
0xb8: {  	s23 =	simm.s32 $0x0;
	s24 =	simm.s32 $0xA000;
	[bflag:$0x0] =	sbarrier.arrive $0xFFFF  }
.LBB2_6:
0xb9: {  	s25 =	sshll.u32 s23, $0x7;
	s16 =	sadd.s32 s29, s23  }
0xba: {  	[tilespmem:s15], [sflag:$0x1] =	stream.indirect.gather [hbm4b:s12+s28], $0x40, s25, s28, $0xb8;
	[tilespmem:$0x1CA80] =	vst v63  }
0xbb: {  	s16 =	sshll.u32 s16, $0x7  }
0xbc: {  	_ =	swait.ge [sflag:s14], $0x2000;
	s16 =	sadd.s32 s26, s16  }
0xbd: {  	[sflag:s14] =	ssyncset.done $0x0;
	s16 =	sshrl.u32 s16, $0x3  }
0xbe: {  	[sflag:s14] =	ssyncadd.s32 $0xFFFFE000;
	s16 =	sadd.s32 s13, s16  }
0xbf: {  	v2 =	vmov s24;
	[tilespmem:s31], [sflag:$0x1] =	stream.strided.gather [hbm4b:s16+s28], $0x400, s30, s28, $0x38;
	[tilespmem:$0x1CA80] =	vst v63  }
0xc0: {  	_ =	swait.ge [sflag:s14], $0x400  }
0xc1: {  	[sflag:s14] =	ssyncset.done $0x0  }
0xc2: {  	s17 =	simm.s32 $0xF200;
	s16 =	simm.s32 $0x0;
	[sflag:s14] =	ssyncadd.s32 $0xFFFFFC00  }
.LBB2_7:
0xc3: {  	s22 =	sshra.s32 s16, $0x2  }
0xc4: {  	v3 =	vld.idx.msk [tilespmem:v2+s22+$0x0 ss:$0x1], $0xffff;
	_ =	sdelay $0x1  }
0xc5: {  	v4 =	vld [tilespmem:s17+$0xFFFFFE00];
	_ =	sdelay $0x1  }
0xc6: {  	v43 =	vld [tilespmem:s17+$0xFFFFFE10]  }
0xc7: {  	v5 =	vbroadcast v3, $0x0  }
0xc8: {  	v44 =	vld [tilespmem:s17+$0xFFFFFE20]  }
0xc9: {  	v4 =	vmul.f32 v5, v4  }
0xca: {  	v45 =	vld [tilespmem:s17+$0xFFFFFE30]  }
0xcb: {  	[tilespmem:s17+$0xFFFFFE00] =	vst v4;
	v4 =	vmul.f32 v43, v5  }
0xcc: {  	v46 =	vld [tilespmem:s17+$0xFFFFFE40]  }
0xcd: {  	[tilespmem:s17+$0xFFFFFE10] =	vst v4;
	v4 =	vmul.f32 v44, v5  }
0xce: {  	v48 =	vld [tilespmem:s17+$0xFFFFFE50]  }
0xcf: {  	v47 =	vbroadcast v3, $0x1;
	[tilespmem:s17+$0xFFFFFE20] =	vst v4;
	v4 =	vmul.f32 v45, v5  }
0xd0: {  	v49 =	vld [tilespmem:s17+$0xFFFFFE60]  }
0xd1: {  	[tilespmem:s17+$0xFFFFFE30] =	vst v4;
	v4 =	vmul.f32 v46, v47  }
0xd2: {  	v50 =	vld [tilespmem:s17+$0xFFFFFE70]  }
0xd3: {  	[tilespmem:s17+$0xFFFFFE40] =	vst v4;
	v4 =	vmul.f32 v48, v47  }
0xd4: {  	v51 =	vld [tilespmem:s17+$0xFFFFFE80]  }
0xd5: {  	[tilespmem:s17+$0xFFFFFE50] =	vst v4;
	v4 =	vmul.f32 v49, v47  }
0xd6: {  	v53 =	vld [tilespmem:s17+$0xFFFFFE90]  }
0xd7: {  	v52 =	vbroadcast v3, $0x2;
	[tilespmem:s17+$0xFFFFFE60] =	vst v4;
	v4 =	vmul.f32 v50, v47  }
0xd8: {  	v54 =	vld [tilespmem:s17+$0xFFFFFEA0]  }
0xd9: {  	[tilespmem:s17+$0xFFFFFE70] =	vst v4;
	v4 =	vmul.f32 v51, v52  }
0xda: {  	v55 =	vld [tilespmem:s17+$0xFFFFFEB0]  }
0xdb: {  	[tilespmem:s17+$0xFFFFFE80] =	vst v4;
	v4 =	vmul.f32 v53, v52  }
0xdc: {  	v56 =	vld [tilespmem:s17+$0xFFFFFEC0]  }
0xdd: {  	[tilespmem:s17+$0xFFFFFE90] =	vst v4;
	v4 =	vmul.f32 v54, v52  }
0xde: {  	v58 =	vld [tilespmem:s17+$0xFFFFFED0]  }
0xdf: {  	v57 =	vbroadcast v3, $0x3;
	[tilespmem:s17+$0xFFFFFEA0] =	vst v4;
	v4 =	vmul.f32 v55, v52  }
0xe0: {  	v59 =	vld [tilespmem:s17+$0xFFFFFEE0]  }
0xe1: {  	[tilespmem:s17+$0xFFFFFEB0] =	vst v4;
	v4 =	vmul.f32 v56, v57  }
0xe2: {  	v60 =	vld [tilespmem:s17+$0xFFFFFEF0]  }
0xe3: {  	[tilespmem:s17+$0xFFFFFEC0] =	vst v4;
	v4 =	vmul.f32 v58, v57  }
0xe4: {  	v61 =	vld [tilespmem:s17+$0xFFFFFF00]  }
0xe5: {  	[tilespmem:s17+$0xFFFFFED0] =	vst v4;
	v4 =	vmul.f32 v59, v57  }
0xe6: {  	v63 =	vld [tilespmem:s17+$0xFFFFFF10]  }
0xe7: {  	v62 =	vbroadcast v3, $0x4;
	[tilespmem:s17+$0xFFFFFEE0] =	vst v4;
	v4 =	vmul.f32 v60, v57  }
0xe8: {  	v8 =	vld [tilespmem:s17+$0xFFFFFF20]  }
0xe9: {  	[tilespmem:s17+$0xFFFFFEF0] =	vst v4;
	v4 =	vmul.f32 v61, v62  }
0xea: {  	v9 =	vld [tilespmem:s17+$0xFFFFFF30]  }
0xeb: {  	[tilespmem:s17+$0xFFFFFF00] =	vst v4;
	v4 =	vmul.f32 v63, v62  }
0xec: {  	v10 =	vld [tilespmem:s17+$0xFFFFFF40]  }
0xed: {  	[tilespmem:s17+$0xFFFFFF10] =	vst v4;
	v4 =	vmul.f32 v8, v62  }
0xee: {  	v12 =	vld [tilespmem:s17+$0xFFFFFF50]  }
0xef: {  	v11 =	vbroadcast v3, $0x5;
	[tilespmem:s17+$0xFFFFFF20] =	vst v4;
	v4 =	vmul.f32 v9, v62  }
0xf0: {  	v13 =	vld [tilespmem:s17+$0xFFFFFF60]  }
0xf1: {  	[tilespmem:s17+$0xFFFFFF30] =	vst v4;
	v4 =	vmul.f32 v10, v11  }
0xf2: {  	v14 =	vld [tilespmem:s17+$0xFFFFFF70]  }
0xf3: {  	[tilespmem:s17+$0xFFFFFF40] =	vst v4;
	v4 =	vmul.f32 v12, v11  }
0xf4: {  	v15 =	vld [tilespmem:s17+$0xFFFFFF80]  }
0xf5: {  	[tilespmem:s17+$0xFFFFFF50] =	vst v4;
	v4 =	vmul.f32 v13, v11  }
0xf6: {  	v17 =	vld [tilespmem:s17+$0xFFFFFF90]  }
0xf7: {  	v16 =	vbroadcast v3, $0x6;
	[tilespmem:s17+$0xFFFFFF60] =	vst v4;
	v4 =	vmul.f32 v14, v11  }
0xf8: {  	v18 =	vld [tilespmem:s17+$0xFFFFFFA0]  }
0xf9: {  	[tilespmem:s17+$0xFFFFFF70] =	vst v4;
	v4 =	vmul.f32 v15, v16  }
0xfa: {  	v19 =	vld [tilespmem:s17+$0xFFFFFFB0]  }
0xfb: {  	[tilespmem:s17+$0xFFFFFF80] =	vst v4;
	v4 =	vmul.f32 v17, v16  }
0xfc: {  	v20 =	vld [tilespmem:s17+$0xFFFFFFC0]  }
0xfd: {  	[tilespmem:s17+$0xFFFFFF90] =	vst v4;
	v4 =	vmul.f32 v18, v16  }
0xfe: {  	v22 =	vld [tilespmem:s17+$0xFFFFFFD0]  }
0xff: {  	v21 =	vbroadcast v3, $0x7;
	[tilespmem:s17+$0xFFFFFFA0] =	vst v4;
	v4 =	vmul.f32 v19, v16  }
0x100: {  	v23 =	vld [tilespmem:s17+$0xFFFFFFE0]  }
0x101: {  	[tilespmem:s17+$0xFFFFFFB0] =	vst v4;
	v4 =	vmul.f32 v20, v21  }
0x102: {  	v24 =	vld [tilespmem:s17+$0xFFFFFFF0]  }
0x103: {  	[tilespmem:s17+$0xFFFFFFC0] =	vst v4;
	v4 =	vmul.f32 v22, v21  }
0x104: {  	v25 =	vld [tilespmem:s17+$0x0]  }
0x105: {  	[tilespmem:s17+$0xFFFFFFD0] =	vst v4;
	v4 =	vmul.f32 v23, v21  }
0x106: {  	v27 =	vld [tilespmem:s17+$0x10]  }
0x107: {  	v26 =	vbroadcast v3, $0x8;
	[tilespmem:s17+$0xFFFFFFE0] =	vst v4;
	v4 =	vmul.f32 v24, v21  }
0x108: {  	v28 =	vld [tilespmem:s17+$0x20]  }
0x109: {  	[tilespmem:s17+$0xFFFFFFF0] =	vst v4;
	v4 =	vmul.f32 v25, v26  }
0x10a: {  	v29 =	vld [tilespmem:s17+$0x30]  }
0x10b: {  	[tilespmem:s17+$0x0] =	vst v4;
	v4 =	vmul.f32 v27, v26  }
0x10c: {  	v30 =	vld [tilespmem:s17+$0x40]  }
0x10d: {  	[tilespmem:s17+$0x10] =	vst v4;
	v4 =	vmul.f32 v28, v26  }
0x10e: {  	v32 =	vld [tilespmem:s17+$0x50]  }
0x10f: {  	v31 =	vbroadcast v3, $0x9;
	[tilespmem:s17+$0x20] =	vst v4;
	v4 =	vmul.f32 v29, v26  }
0x110: {  	v33 =	vld [tilespmem:s17+$0x60]  }
0x111: {  	[tilespmem:s17+$0x30] =	vst v4;
	v4 =	vmul.f32 v30, v31  }
0x112: {  	v34 =	vld [tilespmem:s17+$0x70]  }
0x113: {  	[tilespmem:s17+$0x40] =	vst v4;
	v4 =	vmul.f32 v32, v31  }
0x114: {  	v35 =	vld [tilespmem:s17+$0x80]  }
0x115: {  	[tilespmem:s17+$0x50] =	vst v4;
	v4 =	vmul.f32 v33, v31  }
0x116: {  	v37 =	vld [tilespmem:s17+$0x90]  }
0x117: {  	v36 =	vbroadcast v3, $0xA;
	[tilespmem:s17+$0x60] =	vst v4;
	v4 =	vmul.f32 v34, v31  }
0x118: {  	v38 =	vld [tilespmem:s17+$0xA0]  }
0x119: {  	[tilespmem:s17+$0x70] =	vst v4;
	v4 =	vmul.f32 v35, v36  }
0x11a: {  	v39 =	vld [tilespmem:s17+$0xB0]  }
0x11b: {  	[tilespmem:s17+$0x80] =	vst v4;
	v4 =	vmul.f32 v37, v36  }
0x11c: {  	v40 =	vld [tilespmem:s17+$0xC0]  }
0x11d: {  	[tilespmem:s17+$0x90] =	vst v4;
	v4 =	vmul.f32 v38, v36  }
0x11e: {  	v42 =	vld [tilespmem:s17+$0xD0]  }
0x11f: {  	v41 =	vbroadcast v3, $0xB;
	[tilespmem:s17+$0xA0] =	vst v4;
	v4 =	vmul.f32 v39, v36  }
0x120: {  	v43 =	vld [tilespmem:s17+$0xE0]  }
0x121: {  	[tilespmem:s17+$0xB0] =	vst v4;
	v4 =	vmul.f32 v40, v41  }
0x122: {  	v44 =	vld [tilespmem:s17+$0xF0]  }
0x123: {  	[tilespmem:s17+$0xC0] =	vst v4;
	v4 =	vmul.f32 v42, v41  }
0x124: {  	v45 =	vld [tilespmem:s17+$0x100]  }
0x125: {  	[tilespmem:s17+$0xD0] =	vst v4;
	v4 =	vmul.f32 v43, v41  }
0x126: {  	v47 =	vld [tilespmem:s17+$0x110]  }
0x127: {  	v46 =	vbroadcast v3, $0xC;
	[tilespmem:s17+$0xE0] =	vst v4;
	v4 =	vmul.f32 v44, v41  }
0x128: {  	v48 =	vld [tilespmem:s17+$0x120]  }
0x129: {  	[tilespmem:s17+$0xF0] =	vst v4;
	v4 =	vmul.f32 v45, v46  }
0x12a: {  	v49 =	vld [tilespmem:s17+$0x130]  }
0x12b: {  	[tilespmem:s17+$0x100] =	vst v4;
	v4 =	vmul.f32 v47, v46  }
0x12c: {  	v50 =	vld [tilespmem:s17+$0x140]  }
0x12d: {  	[tilespmem:s17+$0x110] =	vst v4;
	v4 =	vmul.f32 v48, v46  }
0x12e: {  	v52 =	vld [tilespmem:s17+$0x150]  }
0x12f: {  	v51 =	vbroadcast v3, $0xD;
	[tilespmem:s17+$0x120] =	vst v4;
	v4 =	vmul.f32 v49, v46  }
0x130: {  	v53 =	vld [tilespmem:s17+$0x160]  }
0x131: {  	[tilespmem:s17+$0x130] =	vst v4;
	v4 =	vmul.f32 v50, v51  }
0x132: {  	v54 =	vld [tilespmem:s17+$0x170]  }
0x133: {  	[tilespmem:s17+$0x140] =	vst v4;
	v4 =	vmul.f32 v52, v51  }
0x134: {  	v55 =	vld [tilespmem:s17+$0x180]  }
0x135: {  	[tilespmem:s17+$0x150] =	vst v4;
	v4 =	vmul.f32 v53, v51  }
0x136: {  	v57 =	vld [tilespmem:s17+$0x190]  }
0x137: {  	v56 =	vbroadcast v3, $0xE;
	[tilespmem:s17+$0x160] =	vst v4;
	v4 =	vmul.f32 v54, v51  }
0x138: {  	v58 =	vld [tilespmem:s17+$0x1A0]  }
0x139: {  	[tilespmem:s17+$0x170] =	vst v4;
	v4 =	vmul.f32 v55, v56  }
0x13a: {  	v59 =	vld [tilespmem:s17+$0x1B0]  }
0x13b: {  	[tilespmem:s17+$0x180] =	vst v4;
	v4 =	vmul.f32 v57, v56  }
0x13c: {  	v60 =	vld [tilespmem:s17+$0x1C0]  }
0x13d: {  	[tilespmem:s17+$0x190] =	vst v4;
	v4 =	vmul.f32 v58, v56  }
0x13e: {  	v61 =	vld [tilespmem:s17+$0x1D0]  }
0x13f: {  	v3 =	vbroadcast v3, $0xF;
	[tilespmem:s17+$0x1A0] =	vst v4;
	v4 =	vmul.f32 v59, v56  }
0x140: {  	v62 =	vld [tilespmem:s17+$0x1E0]  }
0x141: {  	v63 =	vld [tilespmem:s17+$0x1F0];
	[tilespmem:s17+$0x1B0] =	vst v4;
	v4 =	vmul.f32 v60, v3;
	_ =	sdelay $0x1  }
0x142: {  	p0 =	sne.s32 s16, $0x1C0;
	[tilespmem:s17+$0x1C0] =	vst v4;
	v4 =	vmul.f32 v61, v3  }
.Ltmp2:
0x143: {  	_ = 	snop;
	(pc) =	sbr.rel @p0 .LBB2_7-.Ltmp2, $4  }
0x144: {  	[tilespmem:s17+$0x1D0] =	vst v4;
	v4 =	vmul.f32 v62, v3  }
0x145: {  	v3 =	vmul.f32 v63, v3  }
0x146: {  	[tilespmem:s17+$0x1E0] =	vst v4  }
0x147: {  	s16 =	sadd.s32 $0x40, s16;
	[tilespmem:s17+$0x1F0] =	vst v3;
	s17 =	sadd.s32 $0x400, s17  }
0x148: {  	s16 =	sadd.s32 $0x5000, s25  }
0x149: {  	[spmem:s0] =	stream.indirect.scatter.add.f32 [tilespmem:s15], [sflag:$0x1], $0x40, s16, s28, $0xb8;
	[tilespmem:$0x1CA80] =	vst v63  }
0x14a: {  	_ =	swait.ge [sflag:s14], $0x2000  }
0x14b: {  	[sflag:s14] =	ssyncset.done $0x0  }
0x14c: {  	[sflag:s14] =	ssyncadd.s32 $0xFFFFE000  }
0x14d: {  	[spmem:s1] =	stream.indirect.scatter.add.f32 [tilespmem:s31], [sflag:$0x1], $0x1, s16, s28, $0xb8;
	[tilespmem:$0x1CA80] =	vst v63  }
0x14e: {  	_ =	swait.ge [sflag:s14], $0x80  }
0x14f: {  	[sflag:s14] =	ssyncset.done $0x0  }
0x150: {  	[sflag:s14] =	ssyncadd.s32 $0xFFFFFF80  }
0x151: {  	[spmem:s2] =	stream.indirect.scatter.add.f32 [tilespmem:s8], [sflag:$0x1], $0x1, s16, s28, $0xb8;
	[tilespmem:$0x1CA80] =	vst v63  }
0x152: {  	_ =	swait.ge [sflag:s14], $0x80  }
0x153: {  	[sflag:s14] =	ssyncset.done $0x0  }
0x154: {  	[sflag:s14] =	ssyncadd.s32 $0xFFFFFF80  }
0x155: {  	[spmem:s3] =	stream.indirect.scatter.add.f32 [tilespmem:s4], [sflag:$0x1], $0x1, s16, s28, $0xb8;
	[tilespmem:$0x1CA80] =	vst v63  }
0x156: {  	_ =	swait.ge [sflag:s14], $0x80  }
0x157: {  	[sflag:s14] =	ssyncset.done $0x0  }
0x158: {  	[sflag:s14] =	ssyncadd.s32 $0xFFFFFF80  }
0x159: {  	[spmem:s5] =	stream.indirect.scatter.add.f32 [tilespmem:s11], [sflag:$0x1], $0x1, s16, s28, $0xb8;
	[tilespmem:$0x1CA80] =	vst v63  }
0x15a: {  	_ =	swait.ge [sflag:s14], $0x80  }
0x15b: {  	[sflag:s14] =	ssyncset.done $0x0  }
0x15c: {  	[sflag:s14] =	ssyncadd.s32 $0xFFFFFF80  }
0x15d: {  	[spmem:s6] =	stream.indirect.scatter.add.f32 [tilespmem:s18], [sflag:$0x1], $0x1, s16, s28, $0xb8;
	[tilespmem:$0x1CA80] =	vst v63  }
0x15e: {  	_ =	swait.ge [sflag:s14], $0x80  }
0x15f: {  	[sflag:s14] =	ssyncset.done $0x0  }
0x160: {  	[sflag:s14] =	ssyncadd.s32 $0xFFFFFF80  }
0x161: {  	[spmem:s7] =	stream.indirect.scatter.add.f32 [tilespmem:s19], [sflag:$0x1], $0x1, s16, s28, $0xb8;
	[tilespmem:$0x1CA80] =	vst v63  }
0x162: {  	_ =	swait.ge [sflag:s14], $0x80  }
0x163: {  	[sflag:s14] =	ssyncset.done $0x0  }
0x164: {  	[sflag:s14] =	ssyncadd.s32 $0xFFFFFF80  }
0x165: {  	[spmem:s9] =	stream.indirect.scatter.add.f32 [tilespmem:s20], [sflag:$0x1], $0x1, s16, s28, $0xb8;
	[tilespmem:$0x1CA80] =	vst v63  }
0x166: {  	s23 =	sadd.s32 $0x1, s23;
	_ =	swait.ge [sflag:s14], $0x80  }
0x167: {  	p0 =	sne.s32 s23, $0xA0;
	[sflag:s14] =	ssyncset.done $0x0  }
.Ltmp3:
0x168: {  	[sflag:s14] =	ssyncadd.s32 $0xFFFFFF80;
	(pc) =	sbr.rel @p0 .LBB2_6-.Ltmp3, $4  }
0x169: {  	[spmem:s10] =	stream.indirect.scatter.add.f32 [tilespmem:s21], [sflag:$0x1], $0x1, s16, s28, $0xb8;
	[tilespmem:$0x1CA80] =	vst v63  }
0x16a: {  	_ =	swait.ge [sflag:s14], $0x80  }
0x16b: {  	[sflag:s14] =	ssyncset.done $0x0  }
0x16c: {  	s24 =	sadd.s32 $0x80, s24;
	[sflag:s14] =	ssyncadd.s32 $0xFFFFFF80  }
0x16d: {  	s16 =	stileid.u32;
	[bflag:$0x0] =	sbarrier.arrive $0xFFFF  }
0x16e: {  	s16 =	sshll.u32 s16, $0x6;
	s22 =	rddreg [dreg:$0xf]  }
0x16f: {  	s23 =	rddreg [dreg:$0x18];
	s16 =	sor.u32 $0x1C01, s16;
	s17 =	sshrl.u32 s22, $0x3  }
0x170: {  	[hbm:s23], [sflag:s16] =	dma.local [spmem:s17], $0x1400  }
0x171: {  	_ =	swait.ge [sflag:s14], $0x1400  }
0x172: {  	[sflag:s14] =	ssyncset.done $0x0;
	s24 =	rddreg [dreg:$0x10]  }
0x173: {  	s25 =	rddreg [dreg:$0x19];
	[sflag:s14] =	ssyncadd.s32 $0xFFFFEC00;
	s23 =	sshrl.u32 s24, $0x3  }
0x174: {  	[hbm:s25], [sflag:s16] =	dma.local [spmem:s23], $0x50  }
0x175: {  	_ =	swait.ge [sflag:s14], $0x50  }
0x176: {  	[sflag:s14] =	ssyncset.done $0x0;
	s25 =	rddreg [dreg:$0x11]  }
0x177: {  	s23 =	rddreg [dreg:$0x1a];
	[sflag:s14] =	ssyncadd.s32 $0xFFFFFFB0;
	s17 =	sshrl.u32 s25, $0x3  }
0x178: {  	[hbm:s23], [sflag:s16] =	dma.local [spmem:s17], $0x50  }
0x179: {  	_ =	swait.ge [sflag:s14], $0x50  }
0x17a: {  	[sflag:s14] =	ssyncset.done $0x0;
	s23 =	rddreg [dreg:$0x12]  }
0x17b: {  	[sflag:s14] =	ssyncadd.s32 $0xFFFFFFB0;
	s17 =	sshrl.u32 s23, $0x3;
	s23 =	rddreg [dreg:$0x1b]  }
0x17c: {  	[hbm:s23], [sflag:s16] =	dma.local [spmem:s17], $0x50  }
0x17d: {  	_ =	swait.ge [sflag:s14], $0x50  }
0x17e: {  	[sflag:s14] =	ssyncset.done $0x0;
	s23 =	rddreg [dreg:$0x13]  }
0x17f: {  	[sflag:s14] =	ssyncadd.s32 $0xFFFFFFB0;
	s17 =	sshrl.u32 s23, $0x3;
	s23 =	rddreg [dreg:$0x1c]  }
0x180: {  	[hbm:s23], [sflag:s16] =	dma.local [spmem:s17], $0x50  }
0x181: {  	_ =	swait.ge [sflag:s14], $0x50  }
0x182: {  	[sflag:s14] =	ssyncset.done $0x0;
	s23 =	rddreg [dreg:$0x14]  }
0x183: {  	[sflag:s14] =	ssyncadd.s32 $0xFFFFFFB0;
	s17 =	sshrl.u32 s23, $0x3;
	s23 =	rddreg [dreg:$0x1d]  }
0x184: {  	[hbm:s23], [sflag:s16] =	dma.local [spmem:s17], $0x50  }
0x185: {  	_ =	swait.ge [sflag:s14], $0x50  }
0x186: {  	[sflag:s14] =	ssyncset.done $0x0;
	s23 =	rddreg [dreg:$0x15]  }
0x187: {  	[sflag:s14] =	ssyncadd.s32 $0xFFFFFFB0;
	s17 =	sshrl.u32 s23, $0x3;
	s23 =	rddreg [dreg:$0x1e]  }
0x188: {  	[hbm:s23], [sflag:s16] =	dma.local [spmem:s17], $0x50  }
0x189: {  	_ =	swait.ge [sflag:s14], $0x50  }
0x18a: {  	[sflag:s14] =	ssyncset.done $0x0;
	s23 =	rddreg [dreg:$0x16]  }
0x18b: {  	[sflag:s14] =	ssyncadd.s32 $0xFFFFFFB0;
	s17 =	sshrl.u32 s23, $0x3;
	s23 =	rddreg [dreg:$0x1f]  }
0x18c: {  	[hbm:s23], [sflag:s16] =	dma.local [spmem:s17], $0x50  }
0x18d: {  	_ =	swait.ge [sflag:s14], $0x50  }
0x18e: {  	s23 =	rddreg [dreg:$0x17]  }
0x18f: {  	s17 =	sshrl.u32 s23, $0x3;
	s23 =	sld [smem:$0x7F8]  }
0x190: {  	[sflag:s14] =	ssyncset.done $0x0  }
0x191: {  	[sflag:s14] =	ssyncadd.s32 $0xFFFFFFB0  }
0x192: {  	[hbm:s23], [sflag:s16] =	dma.local [spmem:s17], $0x50  }
0x193: {  	_ =	swait.ge [sflag:s14], $0x50  }
0x194: {  	s16 =	sld [smem:$0x7F7]  }
0x195: {  	s23 =	sld [smem:$0x7F9];
	_ =	sdelay $0x1  }
0x196: {  	s17 =	sadd.s32 $0x1, s16  }
0x197: {  	p0 =	sne.s32 s17, s23  }
.Ltmp4:
0x198: {  	_ = 	snop;
	(pc) =	sbr.rel @p0 .LBB2_1-.Ltmp4, $3  }
0x199: {  	_ =	sdelay $0x1  }
0x19a: {  	[sflag:s14] =	ssyncset.done $0x0  }
0x19b: {  	[sflag:s14] =	ssyncadd.s32 $0xFFFFFFB0  }
0x19c: {  	_ =	sfence.sel $0x180000  }
0x19d: {  	[bflag:$0x0] =	sbarrier.arrive $0xFFFF  }
0x19e: {  	_ =	strace $0x9000004D  }
0x19f: {  	s0 =	stileid.u32;
	[bflag:$0x2] =	sbarrier.arrive $0xFFFF  }
0x1a0: {  	p0 =	sne.s32 s0, $0x0;
	s0 =	rddreg [dreg:$0xb]  }
0x1a1: {  	s0 =	sadd.s32 @!p0 $0x100000, s0  }
0x1a2: {  	[sflag:s0] =	ssyncadd.tile.s32 @!p0 $0x1;
	_ =	shalt  }
.Lfunc_end2:
_tile_overlayer_lowered:
.L_overlay_start_2:
0x1a3: {  	(tag) =	ssettag $0x2  }
0x1a4: {  	s0 =	rddreg [dreg:$0x0];
	s2 =	stileid.u32  }
0x1a5: {  	s1 =	rddreg [dreg:$0x1];
	p0 =	sne.s32 s2, $0x0  }
0x1a6: {  	s3 =	rddreg [dreg:$0x2];
	[bflag:$0x3] =	sbarrier.arrive $0xFFFF;
	s2 =	simm.s32 @!p0 $0x1C01  }
0x1a7: {  	[timem:s3], [sflag:s2] =	dma.local @!p0 [hbm:s0], s1  }
0x1a8: {  	s0 =	simm.s32 @!p0 $0x1  }
0x1a9: {  	_ =	swait.ge @!p0 [sflag:s0], s1  }
0x1aa: {  	s1 =	ssub.s32 @!p0 $0x0, s1;
	[sflag:s0] =	ssyncset.done @!p0 $0x0  }
0x1ab: {  	[sflag:s0] =	ssyncadd.s32 @!p0 s1  }
0x1ac: {  	[bflag:$0x3] =	sbarrier.arrive $0xFFFF  }
0x1ad: {  	_ =	shalt  }

</sc_bundles>
